<compile_context>
chip_gen: v7x
topology: tpu7x:2x2x1
jax: 0.10.2.dev20260603
libtpu: 0.0.44.dev20260713+nightly
codegen_flags: <defaults>
</compile_context>

<pallas_src>
import functools

import jax
import jax.numpy as jnp
from jax import lax
from jax.experimental import pallas as pl
from jax.experimental.pallas import tpu as pltpu
from jax.experimental.pallas import tpu_sc as plsc

N_NODES = 10000
N_EDGES = 320000
D_IN = 128
H1 = 32
H2 = 16
N_SUB = 1024

NC = 2
NS = 16
NW = NC * NS
L = 16

NPAD = 10240
EPAD = NW * 10240
EPT = EPAD // NW
ECHUNK = 128
NCHUNK = EPT // ECHUNK
RPT = NPAD // NS
ZPC = N_SUB // NS
DW = 16
KPIPE = 8
NSUPER = NCHUNK // KPIPE

_MESH = dict(mesh=plsc.VectorSubcoreMesh(core_axis_name="c",
                                         subcore_axis_name="s"),
             compiler_params=pltpu.CompilerParams(use_tc_tiling_on_sc=False))


def _edge_loop(tab_sh, acc_sh, src_v, dst_v, rows_v, gsem, ssem,
               deg_sh=None, ones_v=None):

    def superchunk(s, carry):
        c0 = s * KPIPE
        for j in range(KPIPE):
            pltpu.async_copy(tab_sh.at[src_v.at[c0 + j]], rows_v.at[j], gsem)
        for j in range(KPIPE):
            pltpu.make_async_copy(tab_sh.at[src_v.at[c0 + j]], rows_v.at[j],
                                  gsem).wait()
        for j in range(KPIPE):
            pltpu.async_copy(rows_v.at[j], acc_sh.at[dst_v.at[c0 + j]],
                             ssem, add=True)
            if deg_sh is not None:
                pltpu.async_copy(ones_v, deg_sh.at[dst_v.at[c0 + j]],
                                 ssem, add=True)
        for j in range(KPIPE):
            pltpu.make_async_copy(rows_v.at[j], acc_sh.at[dst_v.at[c0 + j]],
                                  ssem).wait()
            if deg_sh is not None:
                pltpu.make_async_copy(ones_v, deg_sh.at[dst_v.at[c0 + j]],
                                      ssem).wait()
        return carry

    lax.fori_loop(0, NSUPER, superchunk, 0)


@functools.partial(
    pl.kernel,
    out_type=(jax.ShapeDtypeStruct((NC, NPAD, H1), jnp.float32),
              jax.ShapeDtypeStruct((NC, NPAD, DW), jnp.float32)),
    scratch_types=[
        pltpu.VMEM_SHARED((NPAD, H1), jnp.float32),
        pltpu.VMEM_SHARED((NPAD, H1), jnp.float32),
        pltpu.VMEM_SHARED((NPAD, DW), jnp.float32),
        pltpu.VMEM((NCHUNK, ECHUNK), jnp.int32),
        pltpu.VMEM((NCHUNK, ECHUNK), jnp.int32),
        pltpu.VMEM((KPIPE, ECHUNK, H1), jnp.float32),
        pltpu.VMEM((ECHUNK, DW), jnp.float32),
        pltpu.SemaphoreType.DMA,
        pltpu.SemaphoreType.DMA,
    ],
    **_MESH)
def _sc_pass1(table_hbm, src_hbm, dst_hbm,
              out_hbm, degp_hbm,
              acc_sh, tab_sh, deg_sh, src_v, dst_v, rows_v, ones_v,
              gsem, ssem):
    cid = lax.axis_index("c")
    sid = lax.axis_index("s")
    rbase = sid * RPT
    tbase = (cid * NS + sid) * NCHUNK
    pltpu.sync_copy(src_hbm.at[pl.ds(tbase, NCHUNK)], src_v)
    pltpu.sync_copy(dst_hbm.at[pl.ds(tbase, NCHUNK)], dst_v)
    pltpu.sync_copy(table_hbm.at[pl.ds(rbase, RPT)],
                    acc_sh.at[pl.ds(rbase, RPT)])
    pltpu.sync_copy(table_hbm.at[pl.ds(rbase, RPT)],
                    tab_sh.at[pl.ds(rbase, RPT)])
    zeros16 = jnp.zeros((L,), jnp.float32)
    ones16 = jnp.full((L,), 1.0, jnp.float32)

    def zloop(i, c):
        ones_v[i, :] = zeros16
        return c

    lax.fori_loop(0, ECHUNK, zloop, 0)
    for k in range(RPT // ECHUNK):
        pltpu.sync_copy(ones_v, deg_sh.at[pl.ds(rbase + k * ECHUNK, ECHUNK)])

    def floop(i, c):
        ones_v[i, :] = ones16
        return c

    lax.fori_loop(0, ECHUNK, floop, 0)
    plsc.subcore_barrier()

    _edge_loop(tab_sh, acc_sh, src_v, dst_v, rows_v, gsem, ssem,
               deg_sh=deg_sh, ones_v=ones_v)
    plsc.subcore_barrier()

    pltpu.sync_copy(acc_sh.at[pl.ds(rbase, RPT)],
                    out_hbm.at[cid].at[pl.ds(rbase, RPT)])
    pltpu.sync_copy(deg_sh.at[pl.ds(rbase, RPT)],
                    degp_hbm.at[cid].at[pl.ds(rbase, RPT)])


@functools.partial(
    pl.kernel,
    out_type=(jax.ShapeDtypeStruct((NC, NPAD, H1), jnp.float32),
              jax.ShapeDtypeStruct((NPAD, H1), jnp.float32)),
    scratch_types=[
        pltpu.VMEM_SHARED((NPAD, H1), jnp.float32),
        pltpu.VMEM_SHARED((NPAD, H1), jnp.float32),
        pltpu.VMEM((NCHUNK, ECHUNK), jnp.int32),
        pltpu.VMEM((NCHUNK, ECHUNK), jnp.int32),
        pltpu.VMEM((KPIPE, ECHUNK, H1), jnp.float32),
        pltpu.VMEM((ECHUNK, H1), jnp.float32),
        pltpu.VMEM((ECHUNK, H1), jnp.float32),
        pltpu.VMEM((ECHUNK, H1), jnp.float32),
        pltpu.VMEM((ECHUNK, DW), jnp.float32),
        pltpu.VMEM((ECHUNK, DW), jnp.float32),
        pltpu.VMEM((H1,), jnp.float32),
        pltpu.SemaphoreType.DMA,
        pltpu.SemaphoreType.DMA,
    ],
    **_MESH)
def _sc_pass2(p_hbm, degp_hbm, y_hbm, b1_hbm, src_hbm, dst_hbm,
              out_hbm, h1_hbm,
              acc_sh, tab_sh, src_v, dst_v, rows_v,
              pa_v, pb_v, yc_v, da_v, db_v, b1_v,
              gsem, ssem):
    cid = lax.axis_index("c")
    sid = lax.axis_index("s")
    rbase = sid * RPT
    tbase = (cid * NS + sid) * NCHUNK
    pltpu.sync_copy(src_hbm.at[pl.ds(tbase, NCHUNK)], src_v)
    pltpu.sync_copy(dst_hbm.at[pl.ds(tbase, NCHUNK)], dst_v)
    pltpu.sync_copy(b1_hbm, b1_v)

    for k in range(RPT // ECHUNK):
        r0 = rbase + k * ECHUNK
        pltpu.sync_copy(p_hbm.at[0].at[pl.ds(r0, ECHUNK)], pa_v)
        pltpu.sync_copy(p_hbm.at[1].at[pl.ds(r0, ECHUNK)], pb_v)
        pltpu.sync_copy(y_hbm.at[pl.ds(r0, ECHUNK)], yc_v)
        pltpu.sync_copy(degp_hbm.at[0].at[pl.ds(r0, ECHUNK)], da_v)
        pltpu.sync_copy(degp_hbm.at[1].at[pl.ds(r0, ECHUNK)], db_v)

        def rowloop(r, c):
            inv16 = 1.0 / (da_v[r, :] + db_v[r, :] + 1.0)
            for half in range(H1 // L):
                sl = pl.ds(half * L, L)
                h16 = jnp.maximum(
                    (pa_v[r, sl] + pb_v[r, sl] - yc_v[r, sl]) * inv16
                    + b1_v[sl], 0.0)
                pa_v[r, sl] = h16
            return c

        lax.fori_loop(0, ECHUNK, rowloop, 0)
        pltpu.sync_copy(pa_v, tab_sh.at[pl.ds(r0, ECHUNK)])
        pltpu.sync_copy(pa_v, acc_sh.at[pl.ds(r0, ECHUNK)])

        @pl.when(cid == 0)
        def _():
            pltpu.sync_copy(pa_v, h1_hbm.at[pl.ds(r0, ECHUNK)])

    plsc.subcore_barrier()

    _edge_loop(tab_sh, acc_sh, src_v, dst_v, rows_v, gsem, ssem)
    plsc.subcore_barrier()

    pltpu.sync_copy(acc_sh.at[pl.ds(rbase, RPT)],
                    out_hbm.at[cid].at[pl.ds(rbase, RPT)])


ZPT = N_SUB // NW


@functools.partial(
    pl.kernel,
    out_type=jax.ShapeDtypeStruct((N_SUB, H2), jnp.float32),
    scratch_types=[
        pltpu.VMEM((ZPT,), jnp.int32),
        pltpu.VMEM((ZPT, H2), jnp.float32),
        pltpu.SemaphoreType.DMA,
    ],
    **_MESH)
def _sc_zgather(mu_hbm, rel_hbm, out_hbm, idx_v, rows_v, sem):
    base = (lax.axis_index("c") * NS + lax.axis_index("s")) * ZPT
    pltpu.sync_copy(rel_hbm.at[pl.ds(base, ZPT)], idx_v)
    pltpu.async_copy(mu_hbm.at[idx_v], rows_v, sem).wait()
    pltpu.sync_copy(rows_v, out_hbm.at[pl.ds(base, ZPT)])


_BLK = 1024


def _mm1(xp, W1):
    def body(x_ref, w_ref, o_ref):
        o_ref[...] = jnp.dot(x_ref[...], w_ref[...],
                             preferred_element_type=jnp.float32)

    return pl.pallas_call(
        body,
        grid=(NPAD // _BLK,),
        in_specs=[pl.BlockSpec((_BLK, D_IN), lambda i: (i, 0)),
                  pl.BlockSpec((D_IN, H1), lambda i: (0, 0))],
        out_specs=pl.BlockSpec((_BLK, H1), lambda i: (i, 0)),
        out_shape=jax.ShapeDtypeStruct((NPAD, H1), jnp.float32),
    )(xp, W1)


def _heads(q0, q1, h1, d0, d1, W2, b2_2d, W3, b3_2d):
    def body(q0_ref, q1_ref, h_ref, d0_ref, d1_ref, w2_ref, b2_ref, w3_ref,
             b3_ref, mu_ref, lv_ref):
        inv = 1.0 / (d0_ref[:, 0:1] + d1_ref[:, 0:1] + 1.0)
        nbar = (q0_ref[...] + q1_ref[...] - h_ref[...]) * inv
        mu_ref[...] = jnp.dot(nbar, w2_ref[...],
                              preferred_element_type=jnp.float32) + b2_ref[0:1, :]
        lv_ref[...] = jnp.dot(nbar, w3_ref[...],
                              preferred_element_type=jnp.float32) + b3_ref[0:1, :]

    return pl.pallas_call(
        body,
        grid=(NPAD // _BLK,),
        in_specs=[pl.BlockSpec((_BLK, H1), lambda i: (i, 0)),
                  pl.BlockSpec((_BLK, H1), lambda i: (i, 0)),
                  pl.BlockSpec((_BLK, H1), lambda i: (i, 0)),
                  pl.BlockSpec((_BLK, DW), lambda i: (i, 0)),
                  pl.BlockSpec((_BLK, DW), lambda i: (i, 0)),
                  pl.BlockSpec((H1, H2), lambda i: (0, 0)),
                  pl.BlockSpec((8, H2), lambda i: (0, 0)),
                  pl.BlockSpec((H1, H2), lambda i: (0, 0)),
                  pl.BlockSpec((8, H2), lambda i: (0, 0))],
        out_specs=[pl.BlockSpec((_BLK, H2), lambda i: (i, 0)),
                   pl.BlockSpec((_BLK, H2), lambda i: (i, 0))],
        out_shape=[jax.ShapeDtypeStruct((NPAD, H2), jnp.float32),
                   jax.ShapeDtypeStruct((NPAD, H2), jnp.float32)],
    )(q0, q1, h1, d0, d1, W2, b2_2d, W3, b3_2d)


def _decode(z):
    def body(z_ref, o_ref):
        zz = z_ref[...]
        o_ref[...] = lax.dot_general(zz, zz, (((1,), (1,)), ((), ())),
                                     preferred_element_type=jnp.float32)

    return pl.pallas_call(
        body,
        out_shape=jax.ShapeDtypeStruct((N_SUB, N_SUB), jnp.float32),
    )(z)


def kernel(features, edge_index, relative_node_idx, W1, b1, W2, b2, W3, b3):
    src = edge_index[0]
    dst = edge_index[1]
    epad = EPAD - N_EDGES
    src_p = jnp.concatenate([src, jnp.zeros((epad,), jnp.int32)]
                            ).reshape(EPAD // ECHUNK, ECHUNK)
    pad_dst = N_NODES + jnp.arange(epad, dtype=jnp.int32) % (NPAD - N_NODES)
    dst_p = jnp.concatenate([dst, pad_dst]).reshape(EPAD // ECHUNK, ECHUNK)
    xp = jnp.pad(features, ((0, NPAD - N_NODES), (0, 0)))
    b2_2d = jnp.broadcast_to(b2, (8, H2))
    b3_2d = jnp.broadcast_to(b3, (8, H2))

    yt = _mm1(xp, W1)
    p, degp = _sc_pass1(yt, src_p, dst_p)
    q, h1 = _sc_pass2(p, degp, yt, b1, src_p, dst_p)
    mu_full, lv_full = _heads(q[0], q[1], h1, degp[0], degp[1],
                              W2, b2_2d, W3, b3_2d)
    z = _sc_zgather(mu_full, relative_node_idx)
    recovered = _decode(z)
    return recovered, mu_full[:N_NODES], lv_full[:N_NODES]

# --- scband reference (transcript-rebuilt; emitter-appended) ---
"""Pipeline reference for scband-vgae-5944234737775 (READ-ONLY COPY).

The authoritative reference and input builder live on the scoring server;
editing this copy changes nothing except your own understanding.
"""

import jax, jax.numpy as jnp
import numpy as np

N_NODES = 10000
N_EDGES = 320000
D_IN = 128
H1 = 32
H2 = 16
N_SUB = 1024


def _sage_gcn(x, src, dst, W, b, n_nodes):
    # DGL SAGEConv aggregator_type='gcn':
    # h_neigh = (sum_{u in N(v)} x_u + x_v) / (deg(v) + 1); out = h_neigh @ W + b
    msgs = jnp.take(x, src, axis=0)
    agg = jax.ops.segment_sum(msgs, dst, num_segments=n_nodes)
    deg = jax.ops.segment_sum(jnp.ones((src.shape[0],), dtype=x.dtype), dst, num_segments=n_nodes)
    h = (agg + x) / (deg + 1.0)[:, None]
    return h @ W + b


def setup_inputs(seed: int = 0) -> dict:
    key = jax.random.key(seed)
    ks = jax.random.split(key, 10)
    features = jax.random.normal(ks[0], (N_NODES, D_IN), dtype=jnp.float32)
    edge_index = jax.random.randint(ks[1], (2, N_EDGES), 0, N_NODES, dtype=jnp.int64 if jax.config.jax_enable_x64 else jnp.int32).astype(jnp.int32)
    relative_node_idx = jax.random.randint(ks[2], (N_SUB,), 0, N_NODES).astype(jnp.int32)
    # learned parameters (glorot-ish init)
    W1 = jax.random.normal(ks[3], (D_IN, H1), dtype=jnp.float32) * (1.0 / np.sqrt(D_IN))
    b1 = jnp.zeros((H1,), dtype=jnp.float32)
    W2 = jax.random.normal(ks[4], (H1, H2), dtype=jnp.float32) * (1.0 / np.sqrt(H1))
    b2 = jnp.zeros((H2,), dtype=jnp.float32)
    W3 = jax.random.normal(ks[5], (H1, H2), dtype=jnp.float32) * (1.0 / np.sqrt(H1))
    b3 = jnp.zeros((H2,), dtype=jnp.float32)
    return {"features": features, "edge_index": edge_index, "relative_node_idx": relative_node_idx,
            "W1": W1, "b1": b1, "W2": W2, "b2": b2, "W3": W3, "b3": b3}


def reference(features, edge_index, relative_node_idx, W1, b1, W2, b2, W3, b3):
    src = edge_index[0]
    dst = edge_index[1]
    # gc1: SAGEConv(gcn) + ReLU
    hidden1 = jax.nn.relu(_sage_gcn(features, src, dst, W1, b1, N_NODES))
    # gc2 / gc3: mu and logvar heads (no activation)
    mu = _sage_gcn(hidden1, src, dst, W2, b2, N_NODES)
    logvar = _sage_gcn(hidden1, src, dst, W3, b3, N_NODES)
    # eval-mode reparameterize -> z = mu[relative_node_idx]
    z = jnp.take(mu, relative_node_idx, axis=0)
    # InnerProductDecoder with act = identity (dropout off in eval)
    recovered = z @ z.T
    return recovered, mu, logvar

if __name__ == "__main__":
    import jax
    _d = setup_inputs()
    print(jax.jit(kernel)(*tuple(_d.values())))

</pallas_src>

<mosaic_0001>
#map = affine_map<(d0, d1) -> (0, 0)>
#map1 = affine_map<(d0, d1) -> (0)>
module attributes {stable_mosaic.version = 14 : i64} {
  func.func @_sc_zgather(%arg0: i32, %arg1: i32, %arg2: memref<10240x16xf32, #tpu.memory_space<hbm>>, %arg3: memref<1024xi32, #tpu.memory_space<hbm>>, %arg4: memref<1024x16xf32, #tpu.memory_space<hbm>>, %arg5: memref<32xi32, #tpu.memory_space<vmem>>, %arg6: memref<32x16xf32, #tpu.memory_space<vmem>>, %arg7: memref<!tpu.dma_semaphore, #tpu.memory_space<semaphore_mem>>) attributes {dimension_semantics = [#tpu.dimension_semantics<core_parallel>, #tpu.dimension_semantics<subcore_parallel>], iteration_bounds = array<i64: 2, 16>, scalar_prefetch = 0 : i64, scratch_operands = 3 : i64, tpu.core_type = #tpu.core_type<sc_vector_subcore>, window_params = [{transform_indices = #map}, {transform_indices = #map1}, {transform_indices = #map}]} {
    %mul3A = arith.constant 16 : i32
    %mul3A_0 = arith.muli %arg0, %mul3A : i32
    %add3A = arith.addi %mul3A_0, %arg1 : i32
    %mul3A_1 = arith.constant 32 : i32
    %mul3A_2 = arith.muli %add3A, %mul3A_1 : i32
    "tpu.region"() ({
      %run_scoped3A = tpu.sem_alloc : memref<!tpu.dma_semaphore, #tpu.memory_space<semaphore_mem>>
      %dma_start3A_7 = tpu.memref_slice %arg3[%mul3A_2] : memref<1024xi32, #tpu.memory_space<hbm>> -> memref<32xi32, #tpu.memory_space<hbm>>
      %dma_start3A_8 = tpu.memref_slice %arg3[%mul3A_2] : memref<1024xi32, #tpu.memory_space<hbm>> -> memref<32xi32, #tpu.memory_space<hbm>>
      tpu.enqueue_dma source(%dma_start3A_8 : memref<32xi32, #tpu.memory_space<hbm>>) target(%arg5 : memref<32xi32, #tpu.memory_space<vmem>>) target_semaphore(%run_scoped3A : memref<!tpu.dma_semaphore, #tpu.memory_space<semaphore_mem>>)
      %dma_wait3A_9 = tpu.memref_slice %arg3[%mul3A_2] : memref<1024xi32, #tpu.memory_space<hbm>> -> memref<32xi32, #tpu.memory_space<hbm>>
      %dma_wait3A_10 = tpu.memref_slice %arg3[%mul3A_2] : memref<1024xi32, #tpu.memory_space<hbm>> -> memref<32xi32, #tpu.memory_space<hbm>>
      tpu.wait_dma2 semaphore(%run_scoped3A : memref<!tpu.dma_semaphore, #tpu.memory_space<semaphore_mem>>) src(%dma_wait3A_10 : memref<32xi32, #tpu.memory_space<hbm>>) dst(%arg5 : memref<32xi32, #tpu.memory_space<vmem>>)
      tpu.yield
    }) : () -> ()
    %dma_start3A = arith.constant 0 : i32
    %dma_start3A_3 = arith.constant 0 : i32
    %dma_start3A_4 = tpu.memref_slice %arg2[%dma_start3A, %dma_start3A_3] : memref<10240x16xf32, #tpu.memory_space<hbm>> -> memref<10240x16xf32, #tpu.memory_space<hbm>>
    tpu.enqueue_indirect_dma source(%dma_start3A_4 : memref<10240x16xf32, #tpu.memory_space<hbm>>) target(%arg6 : memref<32x16xf32, #tpu.memory_space<vmem>>) offsets(%arg5 : memref<32xi32, #tpu.memory_space<vmem>>) semaphore(%arg7 : memref<!tpu.dma_semaphore, #tpu.memory_space<semaphore_mem>>)
    %dma_wait3A = arith.constant 0 : i32
    %dma_wait3A_5 = arith.constant 0 : i32
    %dma_wait3A_6 = tpu.memref_slice %arg2[%dma_wait3A, %dma_wait3A_5] : memref<10240x16xf32, #tpu.memory_space<hbm>> -> memref<10240x16xf32, #tpu.memory_space<hbm>>
    tpu.wait_indirect_dma semaphore(%arg7 : memref<!tpu.dma_semaphore, #tpu.memory_space<semaphore_mem>>) src(%dma_wait3A_6 : memref<10240x16xf32, #tpu.memory_space<hbm>>) dst(%arg6 : memref<32x16xf32, #tpu.memory_space<vmem>>)
    "tpu.region"() ({
      %run_scoped3A = tpu.sem_alloc : memref<!tpu.dma_semaphore, #tpu.memory_space<semaphore_mem>>
      %dma_start3A_7 = arith.constant 0 : i32
      %dma_start3A_8 = tpu.memref_slice %arg4[%mul3A_2, %dma_start3A_7] : memref<1024x16xf32, #tpu.memory_space<hbm>> -> memref<32x16xf32, #tpu.memory_space<hbm>>
      %dma_start3A_9 = arith.constant 0 : i32
      %dma_start3A_10 = tpu.memref_slice %arg4[%mul3A_2, %dma_start3A_9] : memref<1024x16xf32, #tpu.memory_space<hbm>> -> memref<32x16xf32, #tpu.memory_space<hbm>>
      tpu.enqueue_dma source(%arg6 : memref<32x16xf32, #tpu.memory_space<vmem>>) target(%dma_start3A_10 : memref<32x16xf32, #tpu.memory_space<hbm>>) target_semaphore(%run_scoped3A : memref<!tpu.dma_semaphore, #tpu.memory_space<semaphore_mem>>)
      %dma_wait3A_11 = arith.constant 0 : i32
      %dma_wait3A_12 = tpu.memref_slice %arg4[%mul3A_2, %dma_wait3A_11] : memref<1024x16xf32, #tpu.memory_space<hbm>> -> memref<32x16xf32, #tpu.memory_space<hbm>>
      %dma_wait3A_13 = arith.constant 0 : i32
      %dma_wait3A_14 = tpu.memref_slice %arg4[%mul3A_2, %dma_wait3A_13] : memref<1024x16xf32, #tpu.memory_space<hbm>> -> memref<32x16xf32, #tpu.memory_space<hbm>>
      tpu.wait_dma2 semaphore(%run_scoped3A : memref<!tpu.dma_semaphore, #tpu.memory_space<semaphore_mem>>) src(%arg6 : memref<32x16xf32, #tpu.memory_space<vmem>>) dst(%dma_wait3A_14 : memref<32x16xf32, #tpu.memory_space<hbm>>)
      tpu.yield
    }) : () -> ()
    return
  }
}

#map = affine_map<(d0, d1) -> (0, 0)>
#map1 = affine_map<(d0, d1) -> (0, 0, 0)>
module attributes {stable_mosaic.version = 14 : i64} {
  func.func @_sc_pass1(%arg0: i32, %arg1: i32, %arg2: memref<10240x32xf32, #tpu.memory_space<hbm>>, %arg3: memref<2560x128xi32, #tpu.memory_space<hbm>>, %arg4: memref<2560x128xi32, #tpu.memory_space<hbm>>, %arg5: memref<2x10240x32xf32, #tpu.memory_space<hbm>>, %arg6: memref<2x10240x16xf32, #tpu.memory_space<hbm>>, %arg7: memref<10240x32xf32, #tpu.memory_space<vmem_shared>>, %arg8: memref<10240x32xf32, #tpu.memory_space<vmem_shared>>, %arg9: memref<10240x16xf32, #tpu.memory_space<vmem_shared>>, %arg10: memref<80x128xi32, #tpu.memory_space<vmem>>, %arg11: memref<80x128xi32, #tpu.memory_space<vmem>>, %arg12: memref<8x128x32xf32, #tpu.memory_space<vmem>>, %arg13: memref<128x16xf32, #tpu.memory_space<vmem>>, %arg14: memref<!tpu.dma_semaphore, #tpu.memory_space<semaphore_mem>>, %arg15: memref<!tpu.dma_semaphore, #tpu.memory_space<semaphore_mem>>) attributes {dimension_semantics = [#tpu.dimension_semantics<core_parallel>, #tpu.dimension_semantics<subcore_parallel>], iteration_bounds = array<i64: 2, 16>, scalar_prefetch = 0 : i64, scratch_operands = 9 : i64, tpu.core_type = #tpu.core_type<sc_vector_subcore>, window_params = [{transform_indices = #map}, {transform_indices = #map}, {transform_indices = #map}, {transform_indices = #map1}, {transform_indices = #map1}]} {
    %mul3A = arith.constant 640 : i32
    %mul3A_0 = arith.muli %arg1, %mul3A : i32
    %mul3A_1 = arith.constant 16 : i32
    %mul3A_2 = arith.muli %arg0, %mul3A_1 : i32
    %add3A = arith.addi %mul3A_2, %arg1 : i32
    %mul3A_3 = arith.constant 80 : i32
    %mul3A_4 = arith.muli %add3A, %mul3A_3 : i32
    "tpu.region"() ({
      %run_scoped3A = tpu.sem_alloc : memref<!tpu.dma_semaphore, #tpu.memory_space<semaphore_mem>>
      %dma_start3A = arith.constant 0 : i32
      %dma_start3A_36 = tpu.memref_slice %arg3[%mul3A_4, %dma_start3A] : memref<2560x128xi32, #tpu.memory_space<hbm>> -> memref<80x128xi32, #tpu.memory_space<hbm>>
      %dma_start3A_37 = arith.constant 0 : i32
      %dma_start3A_38 = tpu.memref_slice %arg3[%mul3A_4, %dma_start3A_37] : memref<2560x128xi32, #tpu.memory_space<hbm>> -> memref<80x128xi32, #tpu.memory_space<hbm>>
      tpu.enqueue_dma source(%dma_start3A_38 : memref<80x128xi32, #tpu.memory_space<hbm>>) target(%arg10 : memref<80x128xi32, #tpu.memory_space<vmem>>) target_semaphore(%run_scoped3A : memref<!tpu.dma_semaphore, #tpu.memory_space<semaphore_mem>>)
      %dma_wait3A = arith.constant 0 : i32
      %dma_wait3A_39 = tpu.memref_slice %arg3[%mul3A_4, %dma_wait3A] : memref<2560x128xi32, #tpu.memory_space<hbm>> -> memref<80x128xi32, #tpu.memory_space<hbm>>
      %dma_wait3A_40 = arith.constant 0 : i32
      %dma_wait3A_41 = tpu.memref_slice %arg3[%mul3A_4, %dma_wait3A_40] : memref<2560x128xi32, #tpu.memory_space<hbm>> -> memref<80x128xi32, #tpu.memory_space<hbm>>
      tpu.wait_dma2 semaphore(%run_scoped3A : memref<!tpu.dma_semaphore, #tpu.memory_space<semaphore_mem>>) src(%dma_wait3A_41 : memref<80x128xi32, #tpu.memory_space<hbm>>) dst(%arg10 : memref<80x128xi32, #tpu.memory_space<vmem>>)
      tpu.yield
    }) : () -> ()
    "tpu.region"() ({
      %run_scoped3A = tpu.sem_alloc : memref<!tpu.dma_semaphore, #tpu.memory_space<semaphore_mem>>
      %dma_start3A = arith.constant 0 : i32
      %dma_start3A_36 = tpu.memref_slice %arg4[%mul3A_4, %dma_start3A] : memref<2560x128xi32, #tpu.memory_space<hbm>> -> memref<80x128xi32, #tpu.memory_space<hbm>>
      %dma_start3A_37 = arith.constant 0 : i32
      %dma_start3A_38 = tpu.memref_slice %arg4[%mul3A_4, %dma_start3A_37] : memref<2560x128xi32, #tpu.memory_space<hbm>> -> memref<80x128xi32, #tpu.memory_space<hbm>>
      tpu.enqueue_dma source(%dma_start3A_38 : memref<80x128xi32, #tpu.memory_space<hbm>>) target(%arg11 : memref<80x128xi32, #tpu.memory_space<vmem>>) target_semaphore(%run_scoped3A : memref<!tpu.dma_semaphore, #tpu.memory_space<semaphore_mem>>)
      %dma_wait3A = arith.constant 0 : i32
      %dma_wait3A_39 = tpu.memref_slice %arg4[%mul3A_4, %dma_wait3A] : memref<2560x128xi32, #tpu.memory_space<hbm>> -> memref<80x128xi32, #tpu.memory_space<hbm>>
      %dma_wait3A_40 = arith.constant 0 : i32
      %dma_wait3A_41 = tpu.memref_slice %arg4[%mul3A_4, %dma_wait3A_40] : memref<2560x128xi32, #tpu.memory_space<hbm>> -> memref<80x128xi32, #tpu.memory_space<hbm>>
      tpu.wait_dma2 semaphore(%run_scoped3A : memref<!tpu.dma_semaphore, #tpu.memory_space<semaphore_mem>>) src(%dma_wait3A_41 : memref<80x128xi32, #tpu.memory_space<hbm>>) dst(%arg11 : memref<80x128xi32, #tpu.memory_space<vmem>>)
      tpu.yield
    }) : () -> ()
    "tpu.region"() ({
      %run_scoped3A = tpu.sem_alloc : memref<!tpu.dma_semaphore, #tpu.memory_space<semaphore_mem>>
      %dma_start3A = arith.constant 0 : i32
      %dma_start3A_36 = tpu.memref_slice %arg7[%mul3A_0, %dma_start3A] : memref<10240x32xf32, #tpu.memory_space<vmem_shared>> -> memref<640x32xf32, #tpu.memory_space<vmem_shared>>
      %dma_start3A_37 = arith.constant 0 : i32
      %dma_start3A_38 = tpu.memref_slice %arg2[%mul3A_0, %dma_start3A_37] : memref<10240x32xf32, #tpu.memory_space<hbm>> -> memref<640x32xf32, #tpu.memory_space<hbm>>
      tpu.enqueue_dma source(%dma_start3A_38 : memref<640x32xf32, #tpu.memory_space<hbm>>) target(%dma_start3A_36 : memref<640x32xf32, #tpu.memory_space<vmem_shared>>) target_semaphore(%run_scoped3A : memref<!tpu.dma_semaphore, #tpu.memory_space<semaphore_mem>>)
      %dma_wait3A = arith.constant 0 : i32
      %dma_wait3A_39 = tpu.memref_slice %arg7[%mul3A_0, %dma_wait3A] : memref<10240x32xf32, #tpu.memory_space<vmem_shared>> -> memref<640x32xf32, #tpu.memory_space<vmem_shared>>
      %dma_wait3A_40 = arith.constant 0 : i32
      %dma_wait3A_41 = tpu.memref_slice %arg2[%mul3A_0, %dma_wait3A_40] : memref<10240x32xf32, #tpu.memory_space<hbm>> -> memref<640x32xf32, #tpu.memory_space<hbm>>
      tpu.wait_dma2 semaphore(%run_scoped3A : memref<!tpu.dma_semaphore, #tpu.memory_space<semaphore_mem>>) src(%dma_wait3A_41 : memref<640x32xf32, #tpu.memory_space<hbm>>) dst(%dma_wait3A_39 : memref<640x32xf32, #tpu.memory_space<vmem_shared>>)
      tpu.yield
    }) : () -> ()
    "tpu.region"() ({
      %run_scoped3A = tpu.sem_alloc : memref<!tpu.dma_semaphore, #tpu.memory_space<semaphore_mem>>
      %dma_start3A = arith.constant 0 : i32
      %dma_start3A_36 = tpu.memref_slice %arg8[%mul3A_0, %dma_start3A] : memref<10240x32xf32, #tpu.memory_space<vmem_shared>> -> memref<640x32xf32, #tpu.memory_space<vmem_shared>>
      %dma_start3A_37 = arith.constant 0 : i32
      %dma_start3A_38 = tpu.memref_slice %arg2[%mul3A_0, %dma_start3A_37] : memref<10240x32xf32, #tpu.memory_space<hbm>> -> memref<640x32xf32, #tpu.memory_space<hbm>>
      tpu.enqueue_dma source(%dma_start3A_38 : memref<640x32xf32, #tpu.memory_space<hbm>>) target(%dma_start3A_36 : memref<640x32xf32, #tpu.memory_space<vmem_shared>>) target_semaphore(%run_scoped3A : memref<!tpu.dma_semaphore, #tpu.memory_space<semaphore_mem>>)
      %dma_wait3A = arith.constant 0 : i32
      %dma_wait3A_39 = tpu.memref_slice %arg8[%mul3A_0, %dma_wait3A] : memref<10240x32xf32, #tpu.memory_space<vmem_shared>> -> memref<640x32xf32, #tpu.memory_space<vmem_shared>>
      %dma_wait3A_40 = arith.constant 0 : i32
      %dma_wait3A_41 = tpu.memref_slice %arg2[%mul3A_0, %dma_wait3A_40] : memref<10240x32xf32, #tpu.memory_space<hbm>> -> memref<640x32xf32, #tpu.memory_space<hbm>>
      tpu.wait_dma2 semaphore(%run_scoped3A : memref<!tpu.dma_semaphore, #tpu.memory_space<semaphore_mem>>) src(%dma_wait3A_41 : memref<640x32xf32, #tpu.memory_space<hbm>>) dst(%dma_wait3A_39 : memref<640x32xf32, #tpu.memory_space<vmem_shared>>)
      tpu.yield
    }) : () -> ()
    %broadcast_in_dim3A = arith.constant 0.000000e+00 : f32
    %broadcast_in_dim3A_5 = vector.broadcast %broadcast_in_dim3A : f32 to vector<16xf32>
    %broadcast_in_dim3A_6 = arith.constant 1.000000e+00 : f32
    %broadcast_in_dim3A_7 = vector.broadcast %broadcast_in_dim3A_6 : f32 to vector<16xf32>
    %scan3A = arith.constant 0 : i32
    %scan3A_8 = arith.constant 0 : i32
    %scan3A_9 = arith.constant 128 : i32
    %scan3A_10 = arith.addi %scan3A_8, %scan3A_9 : i32
    %scan3A_11 = arith.constant 1 : i32
    scf.for %scan3A_36 = %scan3A_8 to %scan3A_10 step %scan3A_11  : i32 {
      %swap3A = arith.index_cast %scan3A_36 : i32 to index
      %swap3A_37 = arith.constant 0 : index
      %swap3A_38 = tpu.vector_load %arg13[%swap3A, %swap3A_37] {strides = array<i32>} : memref<128x16xf32, #tpu.memory_space<vmem>>, vector<1x16xf32>,
      %swap3A_39 = vector.shape_cast %swap3A_38 : vector<1x16xf32> to vector<16xf32>
      %swap3A_40 = vector.shape_cast %broadcast_in_dim3A_5 : vector<16xf32> to vector<1x16xf32>
      tpu.vector_store %arg13[%swap3A, %swap3A_37], %swap3A_40 {strides = array<i32>} : memref<128x16xf32, #tpu.memory_space<vmem>>, vector<1x16xf32>,
    }
    %scan3A_12 = arith.constant 128 : i32
    %add3A_13 = arith.constant 0 : i32
    %add3A_14 = arith.addi %mul3A_0, %add3A_13 : i32
    "tpu.region"() ({
      %run_scoped3A = tpu.sem_alloc : memref<!tpu.dma_semaphore, #tpu.memory_space<semaphore_mem>>
      %dma_start3A = arith.constant 0 : i32
      %dma_start3A_36 = tpu.memref_slice %arg9[%add3A_14, %dma_start3A] : memref<10240x16xf32, #tpu.memory_space<vmem_shared>> -> memref<128x16xf32, #tpu.memory_space<vmem_shared>>
      %dma_start3A_37 = arith.constant 0 : i32
      %dma_start3A_38 = tpu.memref_slice %arg9[%add3A_14, %dma_start3A_37] : memref<10240x16xf32, #tpu.memory_space<vmem_shared>> -> memref<128x16xf32, #tpu.memory_space<vmem_shared>>
      tpu.enqueue_dma source(%arg13 : memref<128x16xf32, #tpu.memory_space<vmem>>) target(%dma_start3A_38 : memref<128x16xf32, #tpu.memory_space<vmem_shared>>) target_semaphore(%run_scoped3A : memref<!tpu.dma_semaphore, #tpu.memory_space<semaphore_mem>>)
      %dma_wait3A = arith.constant 0 : i32
      %dma_wait3A_39 = tpu.memref_slice %arg9[%add3A_14, %dma_wait3A] : memref<10240x16xf32, #tpu.memory_space<vmem_shared>> -> memref<128x16xf32, #tpu.memory_space<vmem_shared>>
      %dma_wait3A_40 = arith.constant 0 : i32
      %dma_wait3A_41 = tpu.memref_slice %arg9[%add3A_14, %dma_wait3A_40] : memref<10240x16xf32, #tpu.memory_space<vmem_shared>> -> memref<128x16xf32, #tpu.memory_space<vmem_shared>>
      tpu.wait_dma2 semaphore(%run_scoped3A : memref<!tpu.dma_semaphore, #tpu.memory_space<semaphore_mem>>) src(%arg13 : memref<128x16xf32, #tpu.memory_space<vmem>>) dst(%dma_wait3A_41 : memref<128x16xf32, #tpu.memory_space<vmem_shared>>)
      tpu.yield
    }) : () -> ()
    %add3A_15 = arith.constant 128 : i32
    %add3A_16 = arith.addi %mul3A_0, %add3A_15 : i32
    "tpu.region"() ({
      %run_scoped3A = tpu.sem_alloc : memref<!tpu.dma_semaphore, #tpu.memory_space<semaphore_mem>>
      %dma_start3A = arith.constant 0 : i32
      %dma_start3A_36 = tpu.memref_slice %arg9[%add3A_16, %dma_start3A] : memref<10240x16xf32, #tpu.memory_space<vmem_shared>> -> memref<128x16xf32, #tpu.memory_space<vmem_shared>>
      %dma_start3A_37 = arith.constant 0 : i32
      %dma_start3A_38 = tpu.memref_slice %arg9[%add3A_16, %dma_start3A_37] : memref<10240x16xf32, #tpu.memory_space<vmem_shared>> -> memref<128x16xf32, #tpu.memory_space<vmem_shared>>
      tpu.enqueue_dma source(%arg13 : memref<128x16xf32, #tpu.memory_space<vmem>>) target(%dma_start3A_38 : memref<128x16xf32, #tpu.memory_space<vmem_shared>>) target_semaphore(%run_scoped3A : memref<!tpu.dma_semaphore, #tpu.memory_space<semaphore_mem>>)
      %dma_wait3A = arith.constant 0 : i32
      %dma_wait3A_39 = tpu.memref_slice %arg9[%add3A_16, %dma_wait3A] : memref<10240x16xf32, #tpu.memory_space<vmem_shared>> -> memref<128x16xf32, #tpu.memory_space<vmem_shared>>
      %dma_wait3A_40 = arith.constant 0 : i32
      %dma_wait3A_41 = tpu.memref_slice %arg9[%add3A_16, %dma_wait3A_40] : memref<10240x16xf32, #tpu.memory_space<vmem_shared>> -> memref<128x16xf32, #tpu.memory_space<vmem_shared>>
      tpu.wait_dma2 semaphore(%run_scoped3A : memref<!tpu.dma_semaphore, #tpu.memory_space<semaphore_mem>>) src(%arg13 : memref<128x16xf32, #tpu.memory_space<vmem>>) dst(%dma_wait3A_41 : memref<128x16xf32, #tpu.memory_space<vmem_shared>>)
      tpu.yield
    }) : () -> ()
    %add3A_17 = arith.constant 256 : i32
    %add3A_18 = arith.addi %mul3A_0, %add3A_17 : i32
    "tpu.region"() ({
      %run_scoped3A = tpu.sem_alloc : memref<!tpu.dma_semaphore, #tpu.memory_space<semaphore_mem>>
      %dma_start3A = arith.constant 0 : i32
      %dma_start3A_36 = tpu.memref_slice %arg9[%add3A_18, %dma_start3A] : memref<10240x16xf32, #tpu.memory_space<vmem_shared>> -> memref<128x16xf32, #tpu.memory_space<vmem_shared>>
      %dma_start3A_37 = arith.constant 0 : i32
      %dma_start3A_38 = tpu.memref_slice %arg9[%add3A_18, %dma_start3A_37] : memref<10240x16xf32, #tpu.memory_space<vmem_shared>> -> memref<128x16xf32, #tpu.memory_space<vmem_shared>>
      tpu.enqueue_dma source(%arg13 : memref<128x16xf32, #tpu.memory_space<vmem>>) target(%dma_start3A_38 : memref<128x16xf32, #tpu.memory_space<vmem_shared>>) target_semaphore(%run_scoped3A : memref<!tpu.dma_semaphore, #tpu.memory_space<semaphore_mem>>)
      %dma_wait3A = arith.constant 0 : i32
      %dma_wait3A_39 = tpu.memref_slice %arg9[%add3A_18, %dma_wait3A] : memref<10240x16xf32, #tpu.memory_space<vmem_shared>> -> memref<128x16xf32, #tpu.memory_space<vmem_shared>>
      %dma_wait3A_40 = arith.constant 0 : i32
      %dma_wait3A_41 = tpu.memref_slice %arg9[%add3A_18, %dma_wait3A_40] : memref<10240x16xf32, #tpu.memory_space<vmem_shared>> -> memref<128x16xf32, #tpu.memory_space<vmem_shared>>
      tpu.wait_dma2 semaphore(%run_scoped3A : memref<!tpu.dma_semaphore, #tpu.memory_space<semaphore_mem>>) src(%arg13 : memref<128x16xf32, #tpu.memory_space<vmem>>) dst(%dma_wait3A_41 : memref<128x16xf32, #tpu.memory_space<vmem_shared>>)
      tpu.yield
    }) : () -> ()
    %add3A_19 = arith.constant 384 : i32
    %add3A_20 = arith.addi %mul3A_0, %add3A_19 : i32
    "tpu.region"() ({
      %run_scoped3A = tpu.sem_alloc : memref<!tpu.dma_semaphore, #tpu.memory_space<semaphore_mem>>
      %dma_start3A = arith.constant 0 : i32
      %dma_start3A_36 = tpu.memref_slice %arg9[%add3A_20, %dma_start3A] : memref<10240x16xf32, #tpu.memory_space<vmem_shared>> -> memref<128x16xf32, #tpu.memory_space<vmem_shared>>
      %dma_start3A_37 = arith.constant 0 : i32
      %dma_start3A_38 = tpu.memref_slice %arg9[%add3A_20, %dma_start3A_37] : memref<10240x16xf32, #tpu.memory_space<vmem_shared>> -> memref<128x16xf32, #tpu.memory_space<vmem_shared>>
      tpu.enqueue_dma source(%arg13 : memref<128x16xf32, #tpu.memory_space<vmem>>) target(%dma_start3A_38 : memref<128x16xf32, #tpu.memory_space<vmem_shared>>) target_semaphore(%run_scoped3A : memref<!tpu.dma_semaphore, #tpu.memory_space<semaphore_mem>>)
      %dma_wait3A = arith.constant 0 : i32
      %dma_wait3A_39 = tpu.memref_slice %arg9[%add3A_20, %dma_wait3A] : memref<10240x16xf32, #tpu.memory_space<vmem_shared>> -> memref<128x16xf32, #tpu.memory_space<vmem_shared>>
      %dma_wait3A_40 = arith.constant 0 : i32
      %dma_wait3A_41 = tpu.memref_slice %arg9[%add3A_20, %dma_wait3A_40] : memref<10240x16xf32, #tpu.memory_space<vmem_shared>> -> memref<128x16xf32, #tpu.memory_space<vmem_shared>>
      tpu.wait_dma2 semaphore(%run_scoped3A : memref<!tpu.dma_semaphore, #tpu.memory_space<semaphore_mem>>) src(%arg13 : memref<128x16xf32, #tpu.memory_space<vmem>>) dst(%dma_wait3A_41 : memref<128x16xf32, #tpu.memory_space<vmem_shared>>)
      tpu.yield
    }) : () -> ()
    %add3A_21 = arith.constant 512 : i32
    %add3A_22 = arith.addi %mul3A_0, %add3A_21 : i32
    "tpu.region"() ({
      %run_scoped3A = tpu.sem_alloc : memref<!tpu.dma_semaphore, #tpu.memory_space<semaphore_mem>>
      %dma_start3A = arith.constant 0 : i32
      %dma_start3A_36 = tpu.memref_slice %arg9[%add3A_22, %dma_start3A] : memref<10240x16xf32, #tpu.memory_space<vmem_shared>> -> memref<128x16xf32, #tpu.memory_space<vmem_shared>>
      %dma_start3A_37 = arith.constant 0 : i32
      %dma_start3A_38 = tpu.memref_slice %arg9[%add3A_22, %dma_start3A_37] : memref<10240x16xf32, #tpu.memory_space<vmem_shared>> -> memref<128x16xf32, #tpu.memory_space<vmem_shared>>
      tpu.enqueue_dma source(%arg13 : memref<128x16xf32, #tpu.memory_space<vmem>>) target(%dma_start3A_38 : memref<128x16xf32, #tpu.memory_space<vmem_shared>>) target_semaphore(%run_scoped3A : memref<!tpu.dma_semaphore, #tpu.memory_space<semaphore_mem>>)
      %dma_wait3A = arith.constant 0 : i32
      %dma_wait3A_39 = tpu.memref_slice %arg9[%add3A_22, %dma_wait3A] : memref<10240x16xf32, #tpu.memory_space<vmem_shared>> -> memref<128x16xf32, #tpu.memory_space<vmem_shared>>
      %dma_wait3A_40 = arith.constant 0 : i32
      %dma_wait3A_41 = tpu.memref_slice %arg9[%add3A_22, %dma_wait3A_40] : memref<10240x16xf32, #tpu.memory_space<vmem_shared>> -> memref<128x16xf32, #tpu.memory_space<vmem_shared>>
      tpu.wait_dma2 semaphore(%run_scoped3A : memref<!tpu.dma_semaphore, #tpu.memory_space<semaphore_mem>>) src(%arg13 : memref<128x16xf32, #tpu.memory_space<vmem>>) dst(%dma_wait3A_41 : memref<128x16xf32, #tpu.memory_space<vmem_shared>>)
      tpu.yield
    }) : () -> ()
    %scan3A_23 = arith.constant 0 : i32
    %scan3A_24 = arith.constant 0 : i32
    %scan3A_25 = arith.constant 128 : i32
    %scan3A_26 = arith.addi %scan3A_24, %scan3A_25 : i32
    %scan3A_27 = arith.constant 1 : i32
    scf.for %scan3A_36 = %scan3A_24 to %scan3A_26 step %scan3A_27  : i32 {
      %swap3A = arith.index_cast %scan3A_36 : i32 to index
      %swap3A_37 = arith.constant 0 : index
      %swap3A_38 = tpu.vector_load %arg13[%swap3A, %swap3A_37] {strides = array<i32>} : memref<128x16xf32, #tpu.memory_space<vmem>>, vector<1x16xf32>,
      %swap3A_39 = vector.shape_cast %swap3A_38 : vector<1x16xf32> to vector<16xf32>
      %swap3A_40 = vector.shape_cast %broadcast_in_dim3A_7 : vector<16xf32> to vector<1x16xf32>
      tpu.vector_store %arg13[%swap3A, %swap3A_37], %swap3A_40 {strides = array<i32>} : memref<128x16xf32, #tpu.memory_space<vmem>>, vector<1x16xf32>,
    }
    %scan3A_28 = arith.constant 128 : i32
    %barrier3A = arith.constant 0 : index
    tpu.barrier barrier_id(%barrier3A)
    %scan3A_29 = arith.constant 0 : i32
    %scan3A_30 = arith.constant 0 : i32
    %scan3A_31 = arith.constant 10 : i32
    %scan3A_32 = arith.addi %scan3A_30, %scan3A_31 : i32
    %scan3A_33 = arith.constant 1 : i32
    scf.for %scan3A_36 = %scan3A_30 to %scan3A_32 step %scan3A_33  : i32 {
      %mul3A_37 = arith.constant 8 : i32
      %mul3A_38 = arith.muli %scan3A_36, %mul3A_37 : i32
      %add3A_39 = arith.constant 0 : i32
      %add3A_40 = arith.addi %mul3A_38, %add3A_39 : i32
      %dma_start3A = arith.constant 0 : i32
      %dma_start3A_41 = arith.constant 0 : i32
      %dma_start3A_42 = arith.constant 0 : i32
      %dma_start3A_43 = tpu.memref_slice %arg12[%dma_start3A, %dma_start3A_41, %dma_start3A_42] : memref<8x128x32xf32, #tpu.memory_space<vmem>> -> memref<1x128x32xf32, #tpu.memory_space<vmem>>
      %dma_start3A_44 = tpu.memref_squeeze %dma_start3A_43 : memref<1x128x32xf32, #tpu.memory_space<vmem>> -> memref<128x32xf32, #tpu.memory_space<vmem>>
      %dma_start3A_45 = arith.constant 0 : i32
      %dma_start3A_46 = tpu.memref_slice %arg10[%add3A_40, %dma_start3A_45] : memref<80x128xi32, #tpu.memory_space<vmem>> -> memref<1x128xi32, #tpu.memory_space<vmem>>
      %dma_start3A_47 = tpu.memref_squeeze %dma_start3A_46 : memref<1x128xi32, #tpu.memory_space<vmem>> -> memref<128xi32, #tpu.memory_space<vmem>>
      %dma_start3A_48 = arith.constant 0 : i32
      %dma_start3A_49 = arith.constant 0 : i32
      %dma_start3A_50 = tpu.memref_slice %arg8[%dma_start3A_48, %dma_start3A_49] : memref<10240x32xf32, #tpu.memory_space<vmem_shared>> -> memref<10240x32xf32, #tpu.memory_space<vmem_shared>>
      tpu.enqueue_indirect_dma source(%dma_start3A_50 : memref<10240x32xf32, #tpu.memory_space<vmem_shared>>) target(%dma_start3A_44 : memref<128x32xf32, #tpu.memory_space<vmem>>) offsets(%dma_start3A_47 : memref<128xi32, #tpu.memory_space<vmem>>) semaphore(%arg14 : memref<!tpu.dma_semaphore, #tpu.memory_space<semaphore_mem>>)
      %add3A_51 = arith.constant 1 : i32
      %add3A_52 = arith.addi %mul3A_38, %add3A_51 : i32
      %dma_start3A_53 = arith.constant 1 : i32
      %dma_start3A_54 = arith.constant 0 : i32
      %dma_start3A_55 = arith.constant 0 : i32
      %dma_start3A_56 = tpu.memref_slice %arg12[%dma_start3A_53, %dma_start3A_54, %dma_start3A_55] : memref<8x128x32xf32, #tpu.memory_space<vmem>> -> memref<1x128x32xf32, #tpu.memory_space<vmem>>
      %dma_start3A_57 = tpu.memref_squeeze %dma_start3A_56 : memref<1x128x32xf32, #tpu.memory_space<vmem>> -> memref<128x32xf32, #tpu.memory_space<vmem>>
      %dma_start3A_58 = arith.constant 0 : i32
      %dma_start3A_59 = tpu.memref_slice %arg10[%add3A_52, %dma_start3A_58] : memref<80x128xi32, #tpu.memory_space<vmem>> -> memref<1x128xi32, #tpu.memory_space<vmem>>
      %dma_start3A_60 = tpu.memref_squeeze %dma_start3A_59 : memref<1x128xi32, #tpu.memory_space<vmem>> -> memref<128xi32, #tpu.memory_space<vmem>>
      %dma_start3A_61 = arith.constant 0 : i32
      %dma_start3A_62 = arith.constant 0 : i32
      %dma_start3A_63 = tpu.memref_slice %arg8[%dma_start3A_61, %dma_start3A_62] : memref<10240x32xf32, #tpu.memory_space<vmem_shared>> -> memref<10240x32xf32, #tpu.memory_space<vmem_shared>>
      tpu.enqueue_indirect_dma source(%dma_start3A_63 : memref<10240x32xf32, #tpu.memory_space<vmem_shared>>) target(%dma_start3A_57 : memref<128x32xf32, #tpu.memory_space<vmem>>) offsets(%dma_start3A_60 : memref<128xi32, #tpu.memory_space<vmem>>) semaphore(%arg14 : memref<!tpu.dma_semaphore, #tpu.memory_space<semaphore_mem>>)
      %add3A_64 = arith.constant 2 : i32
      %add3A_65 = arith.addi %mul3A_38, %add3A_64 : i32
      %dma_start3A_66 = arith.constant 2 : i32
      %dma_start3A_67 = arith.constant 0 : i32
      %dma_start3A_68 = arith.constant 0 : i32
      %dma_start3A_69 = tpu.memref_slice %arg12[%dma_start3A_66, %dma_start3A_67, %dma_start3A_68] : memref<8x128x32xf32, #tpu.memory_space<vmem>> -> memref<1x128x32xf32, #tpu.memory_space<vmem>>
      %dma_start3A_70 = tpu.memref_squeeze %dma_start3A_69 : memref<1x128x32xf32, #tpu.memory_space<vmem>> -> memref<128x32xf32, #tpu.memory_space<vmem>>
      %dma_start3A_71 = arith.constant 0 : i32
      %dma_start3A_72 = tpu.memref_slice %arg10[%add3A_65, %dma_start3A_71] : memref<80x128xi32, #tpu.memory_space<vmem>> -> memref<1x128xi32, #tpu.memory_space<vmem>>
      %dma_start3A_73 = tpu.memref_squeeze %dma_start3A_72 : memref<1x128xi32, #tpu.memory_space<vmem>> -> memref<128xi32, #tpu.memory_space<vmem>>
      %dma_start3A_74 = arith.constant 0 : i32
      %dma_start3A_75 = arith.constant 0 : i32
      %dma_start3A_76 = tpu.memref_slice %arg8[%dma_start3A_74, %dma_start3A_75] : memref<10240x32xf32, #tpu.memory_space<vmem_shared>> -> memref<10240x32xf32, #tpu.memory_space<vmem_shared>>
      tpu.enqueue_indirect_dma source(%dma_start3A_76 : memref<10240x32xf32, #tpu.memory_space<vmem_shared>>) target(%dma_start3A_70 : memref<128x32xf32, #tpu.memory_space<vmem>>) offsets(%dma_start3A_73 : memref<128xi32, #tpu.memory_space<vmem>>) semaphore(%arg14 : memref<!tpu.dma_semaphore, #tpu.memory_space<semaphore_mem>>)
      %add3A_77 = arith.constant 3 : i32
      %add3A_78 = arith.addi %mul3A_38, %add3A_77 : i32
      %dma_start3A_79 = arith.constant 3 : i32
      %dma_start3A_80 = arith.constant 0 : i32
      %dma_start3A_81 = arith.constant 0 : i32
      %dma_start3A_82 = tpu.memref_slice %arg12[%dma_start3A_79, %dma_start3A_80, %dma_start3A_81] : memref<8x128x32xf32, #tpu.memory_space<vmem>> -> memref<1x128x32xf32, #tpu.memory_space<vmem>>
      %dma_start3A_83 = tpu.memref_squeeze %dma_start3A_82 : memref<1x128x32xf32, #tpu.memory_space<vmem>> -> memref<128x32xf32, #tpu.memory_space<vmem>>
      %dma_start3A_84 = arith.constant 0 : i32
      %dma_start3A_85 = tpu.memref_slice %arg10[%add3A_78, %dma_start3A_84] : memref<80x128xi32, #tpu.memory_space<vmem>> -> memref<1x128xi32, #tpu.memory_space<vmem>>
      %dma_start3A_86 = tpu.memref_squeeze %dma_start3A_85 : memref<1x128xi32, #tpu.memory_space<vmem>> -> memref<128xi32, #tpu.memory_space<vmem>>
      %dma_start3A_87 = arith.constant 0 : i32
      %dma_start3A_88 = arith.constant 0 : i32
      %dma_start3A_89 = tpu.memref_slice %arg8[%dma_start3A_87, %dma_start3A_88] : memref<10240x32xf32, #tpu.memory_space<vmem_shared>> -> memref<10240x32xf32, #tpu.memory_space<vmem_shared>>
      tpu.enqueue_indirect_dma source(%dma_start3A_89 : memref<10240x32xf32, #tpu.memory_space<vmem_shared>>) target(%dma_start3A_83 : memref<128x32xf32, #tpu.memory_space<vmem>>) offsets(%dma_start3A_86 : memref<128xi32, #tpu.memory_space<vmem>>) semaphore(%arg14 : memref<!tpu.dma_semaphore, #tpu.memory_space<semaphore_mem>>)
      %add3A_90 = arith.constant 4 : i32
      %add3A_91 = arith.addi %mul3A_38, %add3A_90 : i32
      %dma_start3A_92 = arith.constant 4 : i32
      %dma_start3A_93 = arith.constant 0 : i32
      %dma_start3A_94 = arith.constant 0 : i32
      %dma_start3A_95 = tpu.memref_slice %arg12[%dma_start3A_92, %dma_start3A_93, %dma_start3A_94] : memref<8x128x32xf32, #tpu.memory_space<vmem>> -> memref<1x128x32xf32, #tpu.memory_space<vmem>>
      %dma_start3A_96 = tpu.memref_squeeze %dma_start3A_95 : memref<1x128x32xf32, #tpu.memory_space<vmem>> -> memref<128x32xf32, #tpu.memory_space<vmem>>
      %dma_start3A_97 = arith.constant 0 : i32
      %dma_start3A_98 = tpu.memref_slice %arg10[%add3A_91, %dma_start3A_97] : memref<80x128xi32, #tpu.memory_space<vmem>> -> memref<1x128xi32, #tpu.memory_space<vmem>>
      %dma_start3A_99 = tpu.memref_squeeze %dma_start3A_98 : memref<1x128xi32, #tpu.memory_space<vmem>> -> memref<128xi32, #tpu.memory_space<vmem>>
      %dma_start3A_100 = arith.constant 0 : i32
      %dma_start3A_101 = arith.constant 0 : i32
      %dma_start3A_102 = tpu.memref_slice %arg8[%dma_start3A_100, %dma_start3A_101] : memref<10240x32xf32, #tpu.memory_space<vmem_shared>> -> memref<10240x32xf32, #tpu.memory_space<vmem_shared>>
      tpu.enqueue_indirect_dma source(%dma_start3A_102 : memref<10240x32xf32, #tpu.memory_space<vmem_shared>>) target(%dma_start3A_96 : memref<128x32xf32, #tpu.memory_space<vmem>>) offsets(%dma_start3A_99 : memref<128xi32, #tpu.memory_space<vmem>>) semaphore(%arg14 : memref<!tpu.dma_semaphore, #tpu.memory_space<semaphore_mem>>)
      %add3A_103 = arith.constant 5 : i32
      %add3A_104 = arith.addi %mul3A_38, %add3A_103 : i32
      %dma_start3A_105 = arith.constant 5 : i32
      %dma_start3A_106 = arith.constant 0 : i32
      %dma_start3A_107 = arith.constant 0 : i32
      %dma_start3A_108 = tpu.memref_slice %arg12[%dma_start3A_105, %dma_start3A_106, %dma_start3A_107] : memref<8x128x32xf32, #tpu.memory_space<vmem>> -> memref<1x128x32xf32, #tpu.memory_space<vmem>>
      %dma_start3A_109 = tpu.memref_squeeze %dma_start3A_108 : memref<1x128x32xf32, #tpu.memory_space<vmem>> -> memref<128x32xf32, #tpu.memory_space<vmem>>
      %dma_start3A_110 = arith.constant 0 : i32
      %dma_start3A_111 = tpu.memref_slice %arg10[%add3A_104, %dma_start3A_110] : memref<80x128xi32, #tpu.memory_space<vmem>> -> memref<1x128xi32, #tpu.memory_space<vmem>>
      %dma_start3A_112 = tpu.memref_squeeze %dma_start3A_111 : memref<1x128xi32, #tpu.memory_space<vmem>> -> memref<128xi32, #tpu.memory_space<vmem>>
      %dma_start3A_113 = arith.constant 0 : i32
      %dma_start3A_114 = arith.constant 0 : i32
      %dma_start3A_115 = tpu.memref_slice %arg8[%dma_start3A_113, %dma_start3A_114] : memref<10240x32xf32, #tpu.memory_space<vmem_shared>> -> memref<10240x32xf32, #tpu.memory_space<vmem_shared>>
      tpu.enqueue_indirect_dma source(%dma_start3A_115 : memref<10240x32xf32, #tpu.memory_space<vmem_shared>>) target(%dma_start3A_109 : memref<128x32xf32, #tpu.memory_space<vmem>>) offsets(%dma_start3A_112 : memref<128xi32, #tpu.memory_space<vmem>>) semaphore(%arg14 : memref<!tpu.dma_semaphore, #tpu.memory_space<semaphore_mem>>)
      %add3A_116 = arith.constant 6 : i32
      %add3A_117 = arith.addi %mul3A_38, %add3A_116 : i32
      %dma_start3A_118 = arith.constant 6 : i32
      %dma_start3A_119 = arith.constant 0 : i32
      %dma_start3A_120 = arith.constant 0 : i32
      %dma_start3A_121 = tpu.memref_slice %arg12[%dma_start3A_118, %dma_start3A_119, %dma_start3A_120] : memref<8x128x32xf32, #tpu.memory_space<vmem>> -> memref<1x128x32xf32, #tpu.memory_space<vmem>>
      %dma_start3A_122 = tpu.memref_squeeze %dma_start3A_121 : memref<1x128x32xf32, #tpu.memory_space<vmem>> -> memref<128x32xf32, #tpu.memory_space<vmem>>
      %dma_start3A_123 = arith.constant 0 : i32
      %dma_start3A_124 = tpu.memref_slice %arg10[%add3A_117, %dma_start3A_123] : memref<80x128xi32, #tpu.memory_space<vmem>> -> memref<1x128xi32, #tpu.memory_space<vmem>>
      %dma_start3A_125 = tpu.memref_squeeze %dma_start3A_124 : memref<1x128xi32, #tpu.memory_space<vmem>> -> memref<128xi32, #tpu.memory_space<vmem>>
      %dma_start3A_126 = arith.constant 0 : i32
      %dma_start3A_127 = arith.constant 0 : i32
      %dma_start3A_128 = tpu.memref_slice %arg8[%dma_start3A_126, %dma_start3A_127] : memref<10240x32xf32, #tpu.memory_space<vmem_shared>> -> memref<10240x32xf32, #tpu.memory_space<vmem_shared>>
      tpu.enqueue_indirect_dma source(%dma_start3A_128 : memref<10240x32xf32, #tpu.memory_space<vmem_shared>>) target(%dma_start3A_122 : memref<128x32xf32, #tpu.memory_space<vmem>>) offsets(%dma_start3A_125 : memref<128xi32, #tpu.memory_space<vmem>>) semaphore(%arg14 : memref<!tpu.dma_semaphore, #tpu.memory_space<semaphore_mem>>)
      %add3A_129 = arith.constant 7 : i32
      %add3A_130 = arith.addi %mul3A_38, %add3A_129 : i32
      %dma_start3A_131 = arith.constant 7 : i32
      %dma_start3A_132 = arith.constant 0 : i32
      %dma_start3A_133 = arith.constant 0 : i32
      %dma_start3A_134 = tpu.memref_slice %arg12[%dma_start3A_131, %dma_start3A_132, %dma_start3A_133] : memref<8x128x32xf32, #tpu.memory_space<vmem>> -> memref<1x128x32xf32, #tpu.memory_space<vmem>>
      %dma_start3A_135 = tpu.memref_squeeze %dma_start3A_134 : memref<1x128x32xf32, #tpu.memory_space<vmem>> -> memref<128x32xf32, #tpu.memory_space<vmem>>
      %dma_start3A_136 = arith.constant 0 : i32
      %dma_start3A_137 = tpu.memref_slice %arg10[%add3A_130, %dma_start3A_136] : memref<80x128xi32, #tpu.memory_space<vmem>> -> memref<1x128xi32, #tpu.memory_space<vmem>>
      %dma_start3A_138 = tpu.memref_squeeze %dma_start3A_137 : memref<1x128xi32, #tpu.memory_space<vmem>> -> memref<128xi32, #tpu.memory_space<vmem>>
      %dma_start3A_139 = arith.constant 0 : i32
      %dma_start3A_140 = arith.constant 0 : i32
      %dma_start3A_141 = tpu.memref_slice %arg8[%dma_start3A_139, %dma_start3A_140] : memref<10240x32xf32, #tpu.memory_space<vmem_shared>> -> memref<10240x32xf32, #tpu.memory_space<vmem_shared>>
      tpu.enqueue_indirect_dma source(%dma_start3A_141 : memref<10240x32xf32, #tpu.memory_space<vmem_shared>>) target(%dma_start3A_135 : memref<128x32xf32, #tpu.memory_space<vmem>>) offsets(%dma_start3A_138 : memref<128xi32, #tpu.memory_space<vmem>>) semaphore(%arg14 : memref<!tpu.dma_semaphore, #tpu.memory_space<semaphore_mem>>)
      %add3A_142 = arith.constant 0 : i32
      %add3A_143 = arith.addi %mul3A_38, %add3A_142 : i32
      %dma_wait3A = arith.constant 0 : i32
      %dma_wait3A_144 = arith.constant 0 : i32
      %dma_wait3A_145 = arith.constant 0 : i32
      %dma_wait3A_146 = tpu.memref_slice %arg12[%dma_wait3A, %dma_wait3A_144, %dma_wait3A_145] : memref<8x128x32xf32, #tpu.memory_space<vmem>> -> memref<1x128x32xf32, #tpu.memory_space<vmem>>
      %dma_wait3A_147 = tpu.memref_squeeze %dma_wait3A_146 : memref<1x128x32xf32, #tpu.memory_space<vmem>> -> memref<128x32xf32, #tpu.memory_space<vmem>>
      %dma_wait3A_148 = arith.constant 0 : i32
      %dma_wait3A_149 = tpu.memref_slice %arg10[%add3A_143, %dma_wait3A_148] : memref<80x128xi32, #tpu.memory_space<vmem>> -> memref<1x128xi32, #tpu.memory_space<vmem>>
      %dma_wait3A_150 = tpu.memref_squeeze %dma_wait3A_149 : memref<1x128xi32, #tpu.memory_space<vmem>> -> memref<128xi32, #tpu.memory_space<vmem>>
      %dma_wait3A_151 = arith.constant 0 : i32
      %dma_wait3A_152 = arith.constant 0 : i32
      %dma_wait3A_153 = tpu.memref_slice %arg8[%dma_wait3A_151, %dma_wait3A_152] : memref<10240x32xf32, #tpu.memory_space<vmem_shared>> -> memref<10240x32xf32, #tpu.memory_space<vmem_shared>>
      tpu.wait_indirect_dma semaphore(%arg14 : memref<!tpu.dma_semaphore, #tpu.memory_space<semaphore_mem>>) src(%dma_wait3A_153 : memref<10240x32xf32, #tpu.memory_space<vmem_shared>>) dst(%dma_wait3A_147 : memref<128x32xf32, #tpu.memory_space<vmem>>)
      %add3A_154 = arith.constant 1 : i32
      %add3A_155 = arith.addi %mul3A_38, %add3A_154 : i32
      %dma_wait3A_156 = arith.constant 1 : i32
      %dma_wait3A_157 = arith.constant 0 : i32
      %dma_wait3A_158 = arith.constant 0 : i32
      %dma_wait3A_159 = tpu.memref_slice %arg12[%dma_wait3A_156, %dma_wait3A_157, %dma_wait3A_158] : memref<8x128x32xf32, #tpu.memory_space<vmem>> -> memref<1x128x32xf32, #tpu.memory_space<vmem>>
      %dma_wait3A_160 = tpu.memref_squeeze %dma_wait3A_159 : memref<1x128x32xf32, #tpu.memory_space<vmem>> -> memref<128x32xf32, #tpu.memory_space<vmem>>
      %dma_wait3A_161 = arith.constant 0 : i32
      %dma_wait3A_162 = tpu.memref_slice %arg10[%add3A_155, %dma_wait3A_161] : memref<80x128xi32, #tpu.memory_space<vmem>> -> memref<1x128xi32, #tpu.memory_space<vmem>>
      %dma_wait3A_163 = tpu.memref_squeeze %dma_wait3A_162 : memref<1x128xi32, #tpu.memory_space<vmem>> -> memref<128xi32, #tpu.memory_space<vmem>>
      %dma_wait3A_164 = arith.constant 0 : i32
      %dma_wait3A_165 = arith.constant 0 : i32
      %dma_wait3A_166 = tpu.memref_slice %arg8[%dma_wait3A_164, %dma_wait3A_165] : memref<10240x32xf32, #tpu.memory_space<vmem_shared>> -> memref<10240x32xf32, #tpu.memory_space<vmem_shared>>
      tpu.wait_indirect_dma semaphore(%arg14 : memref<!tpu.dma_semaphore, #tpu.memory_space<semaphore_mem>>) src(%dma_wait3A_166 : memref<10240x32xf32, #tpu.memory_space<vmem_shared>>) dst(%dma_wait3A_160 : memref<128x32xf32, #tpu.memory_space<vmem>>)
      %add3A_167 = arith.constant 2 : i32
      %add3A_168 = arith.addi %mul3A_38, %add3A_167 : i32
      %dma_wait3A_169 = arith.constant 2 : i32
      %dma_wait3A_170 = arith.constant 0 : i32
      %dma_wait3A_171 = arith.constant 0 : i32
      %dma_wait3A_172 = tpu.memref_slice %arg12[%dma_wait3A_169, %dma_wait3A_170, %dma_wait3A_171] : memref<8x128x32xf32, #tpu.memory_space<vmem>> -> memref<1x128x32xf32, #tpu.memory_space<vmem>>
      %dma_wait3A_173 = tpu.memref_squeeze %dma_wait3A_172 : memref<1x128x32xf32, #tpu.memory_space<vmem>> -> memref<128x32xf32, #tpu.memory_space<vmem>>
      %dma_wait3A_174 = arith.constant 0 : i32
      %dma_wait3A_175 = tpu.memref_slice %arg10[%add3A_168, %dma_wait3A_174] : memref<80x128xi32, #tpu.memory_space<vmem>> -> memref<1x128xi32, #tpu.memory_space<vmem>>
      %dma_wait3A_176 = tpu.memref_squeeze %dma_wait3A_175 : memref<1x128xi32, #tpu.memory_space<vmem>> -> memref<128xi32, #tpu.memory_space<vmem>>
      %dma_wait3A_177 = arith.constant 0 : i32
      %dma_wait3A_178 = arith.constant 0 : i32
      %dma_wait3A_179 = tpu.memref_slice %arg8[%dma_wait3A_177, %dma_wait3A_178] : memref<10240x32xf32, #tpu.memory_space<vmem_shared>> -> memref<10240x32xf32, #tpu.memory_space<vmem_shared>>
      tpu.wait_indirect_dma semaphore(%arg14 : memref<!tpu.dma_semaphore, #tpu.memory_space<semaphore_mem>>) src(%dma_wait3A_179 : memref<10240x32xf32, #tpu.memory_space<vmem_shared>>) dst(%dma_wait3A_173 : memref<128x32xf32, #tpu.memory_space<vmem>>)
      %add3A_180 = arith.constant 3 : i32
      %add3A_181 = arith.addi %mul3A_38, %add3A_180 : i32
      %dma_wait3A_182 = arith.constant 3 : i32
      %dma_wait3A_183 = arith.constant 0 : i32
      %dma_wait3A_184 = arith.constant 0 : i32
      %dma_wait3A_185 = tpu.memref_slice %arg12[%dma_wait3A_182, %dma_wait3A_183, %dma_wait3A_184] : memref<8x128x32xf32, #tpu.memory_space<vmem>> -> memref<1x128x32xf32, #tpu.memory_space<vmem>>
      %dma_wait3A_186 = tpu.memref_squeeze %dma_wait3A_185 : memref<1x128x32xf32, #tpu.memory_space<vmem>> -> memref<128x32xf32, #tpu.memory_space<vmem>>
      %dma_wait3A_187 = arith.constant 0 : i32
      %dma_wait3A_188 = tpu.memref_slice %arg10[%add3A_181, %dma_wait3A_187] : memref<80x128xi32, #tpu.memory_space<vmem>> -> memref<1x128xi32, #tpu.memory_space<vmem>>
      %dma_wait3A_189 = tpu.memref_squeeze %dma_wait3A_188 : memref<1x128xi32, #tpu.memory_space<vmem>> -> memref<128xi32, #tpu.memory_space<vmem>>
      %dma_wait3A_190 = arith.constant 0 : i32
      %dma_wait3A_191 = arith.constant 0 : i32
      %dma_wait3A_192 = tpu.memref_slice %arg8[%dma_wait3A_190, %dma_wait3A_191] : memref<10240x32xf32, #tpu.memory_space<vmem_shared>> -> memref<10240x32xf32, #tpu.memory_space<vmem_shared>>
      tpu.wait_indirect_dma semaphore(%arg14 : memref<!tpu.dma_semaphore, #tpu.memory_space<semaphore_mem>>) src(%dma_wait3A_192 : memref<10240x32xf32, #tpu.memory_space<vmem_shared>>) dst(%dma_wait3A_186 : memref<128x32xf32, #tpu.memory_space<vmem>>)
      %add3A_193 = arith.constant 4 : i32
      %add3A_194 = arith.addi %mul3A_38, %add3A_193 : i32
      %dma_wait3A_195 = arith.constant 4 : i32
      %dma_wait3A_196 = arith.constant 0 : i32
      %dma_wait3A_197 = arith.constant 0 : i32
      %dma_wait3A_198 = tpu.memref_slice %arg12[%dma_wait3A_195, %dma_wait3A_196, %dma_wait3A_197] : memref<8x128x32xf32, #tpu.memory_space<vmem>> -> memref<1x128x32xf32, #tpu.memory_space<vmem>>
      %dma_wait3A_199 = tpu.memref_squeeze %dma_wait3A_198 : memref<1x128x32xf32, #tpu.memory_space<vmem>> -> memref<128x32xf32, #tpu.memory_space<vmem>>
      %dma_wait3A_200 = arith.constant 0 : i32
      %dma_wait3A_201 = tpu.memref_slice %arg10[%add3A_194, %dma_wait3A_200] : memref<80x128xi32, #tpu.memory_space<vmem>> -> memref<1x128xi32, #tpu.memory_space<vmem>>
      %dma_wait3A_202 = tpu.memref_squeeze %dma_wait3A_201 : memref<1x128xi32, #tpu.memory_space<vmem>> -> memref<128xi32, #tpu.memory_space<vmem>>
      %dma_wait3A_203 = arith.constant 0 : i32
      %dma_wait3A_204 = arith.constant 0 : i32
      %dma_wait3A_205 = tpu.memref_slice %arg8[%dma_wait3A_203, %dma_wait3A_204] : memref<10240x32xf32, #tpu.memory_space<vmem_shared>> -> memref<10240x32xf32, #tpu.memory_space<vmem_shared>>
      tpu.wait_indirect_dma semaphore(%arg14 : memref<!tpu.dma_semaphore, #tpu.memory_space<semaphore_mem>>) src(%dma_wait3A_205 : memref<10240x32xf32, #tpu.memory_space<vmem_shared>>) dst(%dma_wait3A_199 : memref<128x32xf32, #tpu.memory_space<vmem>>)
      %add3A_206 = arith.constant 5 : i32
      %add3A_207 = arith.addi %mul3A_38, %add3A_206 : i32
      %dma_wait3A_208 = arith.constant 5 : i32
      %dma_wait3A_209 = arith.constant 0 : i32
      %dma_wait3A_210 = arith.constant 0 : i32
      %dma_wait3A_211 = tpu.memref_slice %arg12[%dma_wait3A_208, %dma_wait3A_209, %dma_wait3A_210] : memref<8x128x32xf32, #tpu.memory_space<vmem>> -> memref<1x128x32xf32, #tpu.memory_space<vmem>>
      %dma_wait3A_212 = tpu.memref_squeeze %dma_wait3A_211 : memref<1x128x32xf32, #tpu.memory_space<vmem>> -> memref<128x32xf32, #tpu.memory_space<vmem>>
      %dma_wait3A_213 = arith.constant 0 : i32
      %dma_wait3A_214 = tpu.memref_slice %arg10[%add3A_207, %dma_wait3A_213] : memref<80x128xi32, #tpu.memory_space<vmem>> -> memref<1x128xi32, #tpu.memory_space<vmem>>
      %dma_wait3A_215 = tpu.memref_squeeze %dma_wait3A_214 : memref<1x128xi32, #tpu.memory_space<vmem>> -> memref<128xi32, #tpu.memory_space<vmem>>
      %dma_wait3A_216 = arith.constant 0 : i32
      %dma_wait3A_217 = arith.constant 0 : i32
      %dma_wait3A_218 = tpu.memref_slice %arg8[%dma_wait3A_216, %dma_wait3A_217] : memref<10240x32xf32, #tpu.memory_space<vmem_shared>> -> memref<10240x32xf32, #tpu.memory_space<vmem_shared>>
      tpu.wait_indirect_dma semaphore(%arg14 : memref<!tpu.dma_semaphore, #tpu.memory_space<semaphore_mem>>) src(%dma_wait3A_218 : memref<10240x32xf32, #tpu.memory_space<vmem_shared>>) dst(%dma_wait3A_212 : memref<128x32xf32, #tpu.memory_space<vmem>>)
      %add3A_219 = arith.constant 6 : i32
      %add3A_220 = arith.addi %mul3A_38, %add3A_219 : i32
      %dma_wait3A_221 = arith.constant 6 : i32
      %dma_wait3A_222 = arith.constant 0 : i32
      %dma_wait3A_223 = arith.constant 0 : i32
      %dma_wait3A_224 = tpu.memref_slice %arg12[%dma_wait3A_221, %dma_wait3A_222, %dma_wait3A_223] : memref<8x128x32xf32, #tpu.memory_space<vmem>> -> memref<1x128x32xf32, #tpu.memory_space<vmem>>
      %dma_wait3A_225 = tpu.memref_squeeze %dma_wait3A_224 : memref<1x128x32xf32, #tpu.memory_space<vmem>> -> memref<128x32xf32, #tpu.memory_space<vmem>>
      %dma_wait3A_226 = arith.constant 0 : i32
      %dma_wait3A_227 = tpu.memref_slice %arg10[%add3A_220, %dma_wait3A_226] : memref<80x128xi32, #tpu.memory_space<vmem>> -> memref<1x128xi32, #tpu.memory_space<vmem>>
      %dma_wait3A_228 = tpu.memref_squeeze %dma_wait3A_227 : memref<1x128xi32, #tpu.memory_space<vmem>> -> memref<128xi32, #tpu.memory_space<vmem>>
      %dma_wait3A_229 = arith.constant 0 : i32
      %dma_wait3A_230 = arith.constant 0 : i32
      %dma_wait3A_231 = tpu.memref_slice %arg8[%dma_wait3A_229, %dma_wait3A_230] : memref<10240x32xf32, #tpu.memory_space<vmem_shared>> -> memref<10240x32xf32, #tpu.memory_space<vmem_shared>>
      tpu.wait_indirect_dma semaphore(%arg14 : memref<!tpu.dma_semaphore, #tpu.memory_space<semaphore_mem>>) src(%dma_wait3A_231 : memref<10240x32xf32, #tpu.memory_space<vmem_shared>>) dst(%dma_wait3A_225 : memref<128x32xf32, #tpu.memory_space<vmem>>)
      %add3A_232 = arith.constant 7 : i32
      %add3A_233 = arith.addi %mul3A_38, %add3A_232 : i32
      %dma_wait3A_234 = arith.constant 7 : i32
      %dma_wait3A_235 = arith.constant 0 : i32
      %dma_wait3A_236 = arith.constant 0 : i32
      %dma_wait3A_237 = tpu.memref_slice %arg12[%dma_wait3A_234, %dma_wait3A_235, %dma_wait3A_236] : memref<8x128x32xf32, #tpu.memory_space<vmem>> -> memref<1x128x32xf32, #tpu.memory_space<vmem>>
      %dma_wait3A_238 = tpu.memref_squeeze %dma_wait3A_237 : memref<1x128x32xf32, #tpu.memory_space<vmem>> -> memref<128x32xf32, #tpu.memory_space<vmem>>
      %dma_wait3A_239 = arith.constant 0 : i32
      %dma_wait3A_240 = tpu.memref_slice %arg10[%add3A_233, %dma_wait3A_239] : memref<80x128xi32, #tpu.memory_space<vmem>> -> memref<1x128xi32, #tpu.memory_space<vmem>>
      %dma_wait3A_241 = tpu.memref_squeeze %dma_wait3A_240 : memref<1x128xi32, #tpu.memory_space<vmem>> -> memref<128xi32, #tpu.memory_space<vmem>>
      %dma_wait3A_242 = arith.constant 0 : i32
      %dma_wait3A_243 = arith.constant 0 : i32
      %dma_wait3A_244 = tpu.memref_slice %arg8[%dma_wait3A_242, %dma_wait3A_243] : memref<10240x32xf32, #tpu.memory_space<vmem_shared>> -> memref<10240x32xf32, #tpu.memory_space<vmem_shared>>
      tpu.wait_indirect_dma semaphore(%arg14 : memref<!tpu.dma_semaphore, #tpu.memory_space<semaphore_mem>>) src(%dma_wait3A_244 : memref<10240x32xf32, #tpu.memory_space<vmem_shared>>) dst(%dma_wait3A_238 : memref<128x32xf32, #tpu.memory_space<vmem>>)
      %add3A_245 = arith.constant 0 : i32
      %add3A_246 = arith.addi %mul3A_38, %add3A_245 : i32
      %dma_start3A_247 = arith.constant 0 : i32
      %dma_start3A_248 = arith.constant 0 : i32
      %dma_start3A_249 = arith.constant 0 : i32
      %dma_start3A_250 = tpu.memref_slice %arg12[%dma_start3A_247, %dma_start3A_248, %dma_start3A_249] : memref<8x128x32xf32, #tpu.memory_space<vmem>> -> memref<1x128x32xf32, #tpu.memory_space<vmem>>
      %dma_start3A_251 = tpu.memref_squeeze %dma_start3A_250 : memref<1x128x32xf32, #tpu.memory_space<vmem>> -> memref<128x32xf32, #tpu.memory_space<vmem>>
      %dma_start3A_252 = arith.constant 0 : i32
      %dma_start3A_253 = tpu.memref_slice %arg11[%add3A_246, %dma_start3A_252] : memref<80x128xi32, #tpu.memory_space<vmem>> -> memref<1x128xi32, #tpu.memory_space<vmem>>
      %dma_start3A_254 = tpu.memref_squeeze %dma_start3A_253 : memref<1x128xi32, #tpu.memory_space<vmem>> -> memref<128xi32, #tpu.memory_space<vmem>>
      %dma_start3A_255 = arith.constant 0 : i32
      %dma_start3A_256 = arith.constant 0 : i32
      %dma_start3A_257 = tpu.memref_slice %arg7[%dma_start3A_255, %dma_start3A_256] : memref<10240x32xf32, #tpu.memory_space<vmem_shared>> -> memref<10240x32xf32, #tpu.memory_space<vmem_shared>>
      tpu.enqueue_indirect_dma source(%dma_start3A_251 : memref<128x32xf32, #tpu.memory_space<vmem>>) target(%dma_start3A_257 : memref<10240x32xf32, #tpu.memory_space<vmem_shared>>) offsets(%dma_start3A_254 : memref<128xi32, #tpu.memory_space<vmem>>) semaphore(%arg15 : memref<!tpu.dma_semaphore, #tpu.memory_space<semaphore_mem>>) {add = true}
      %add3A_258 = arith.constant 0 : i32
      %add3A_259 = arith.addi %mul3A_38, %add3A_258 : i32
      %dma_start3A_260 = arith.constant 0 : i32
      %dma_start3A_261 = tpu.memref_slice %arg11[%add3A_259, %dma_start3A_260] : memref<80x128xi32, #tpu.memory_space<vmem>> -> memref<1x128xi32, #tpu.memory_space<vmem>>
      %dma_start3A_262 = tpu.memref_squeeze %dma_start3A_261 : memref<1x128xi32, #tpu.memory_space<vmem>> -> memref<128xi32, #tpu.memory_space<vmem>>
      %dma_start3A_263 = arith.constant 0 : i32
      %dma_start3A_264 = arith.constant 0 : i32
      %dma_start3A_265 = tpu.memref_slice %arg9[%dma_start3A_263, %dma_start3A_264] : memref<10240x16xf32, #tpu.memory_space<vmem_shared>> -> memref<10240x16xf32, #tpu.memory_space<vmem_shared>>
      tpu.enqueue_indirect_dma source(%arg13 : memref<128x16xf32, #tpu.memory_space<vmem>>) target(%dma_start3A_265 : memref<10240x16xf32, #tpu.memory_space<vmem_shared>>) offsets(%dma_start3A_262 : memref<128xi32, #tpu.memory_space<vmem>>) semaphore(%arg15 : memref<!tpu.dma_semaphore, #tpu.memory_space<semaphore_mem>>) {add = true}
      %add3A_266 = arith.constant 1 : i32
      %add3A_267 = arith.addi %mul3A_38, %add3A_266 : i32
      %dma_start3A_268 = arith.constant 1 : i32
      %dma_start3A_269 = arith.constant 0 : i32
      %dma_start3A_270 = arith.constant 0 : i32
      %dma_start3A_271 = tpu.memref_slice %arg12[%dma_start3A_268, %dma_start3A_269, %dma_start3A_270] : memref<8x128x32xf32, #tpu.memory_space<vmem>> -> memref<1x128x32xf32, #tpu.memory_space<vmem>>
      %dma_start3A_272 = tpu.memref_squeeze %dma_start3A_271 : memref<1x128x32xf32, #tpu.memory_space<vmem>> -> memref<128x32xf32, #tpu.memory_space<vmem>>
      %dma_start3A_273 = arith.constant 0 : i32
      %dma_start3A_274 = tpu.memref_slice %arg11[%add3A_267, %dma_start3A_273] : memref<80x128xi32, #tpu.memory_space<vmem>> -> memref<1x128xi32, #tpu.memory_space<vmem>>
      %dma_start3A_275 = tpu.memref_squeeze %dma_start3A_274 : memref<1x128xi32, #tpu.memory_space<vmem>> -> memref<128xi32, #tpu.memory_space<vmem>>
      %dma_start3A_276 = arith.constant 0 : i32
      %dma_start3A_277 = arith.constant 0 : i32
      %dma_start3A_278 = tpu.memref_slice %arg7[%dma_start3A_276, %dma_start3A_277] : memref<10240x32xf32, #tpu.memory_space<vmem_shared>> -> memref<10240x32xf32, #tpu.memory_space<vmem_shared>>
      tpu.enqueue_indirect_dma source(%dma_start3A_272 : memref<128x32xf32, #tpu.memory_space<vmem>>) target(%dma_start3A_278 : memref<10240x32xf32, #tpu.memory_space<vmem_shared>>) offsets(%dma_start3A_275 : memref<128xi32, #tpu.memory_space<vmem>>) semaphore(%arg15 : memref<!tpu.dma_semaphore, #tpu.memory_space<semaphore_mem>>) {add = true}
      %add3A_279 = arith.constant 1 : i32
      %add3A_280 = arith.addi %mul3A_38, %add3A_279 : i32
      %dma_start3A_281 = arith.constant 0 : i32
      %dma_start3A_282 = tpu.memref_slice %arg11[%add3A_280, %dma_start3A_281] : memref<80x128xi32, #tpu.memory_space<vmem>> -> memref<1x128xi32, #tpu.memory_space<vmem>>
      %dma_start3A_283 = tpu.memref_squeeze %dma_start3A_282 : memref<1x128xi32, #tpu.memory_space<vmem>> -> memref<128xi32, #tpu.memory_space<vmem>>
      %dma_start3A_284 = arith.constant 0 : i32
      %dma_start3A_285 = arith.constant 0 : i32
      %dma_start3A_286 = tpu.memref_slice %arg9[%dma_start3A_284, %dma_start3A_285] : memref<10240x16xf32, #tpu.memory_space<vmem_shared>> -> memref<10240x16xf32, #tpu.memory_space<vmem_shared>>
      tpu.enqueue_indirect_dma source(%arg13 : memref<128x16xf32, #tpu.memory_space<vmem>>) target(%dma_start3A_286 : memref<10240x16xf32, #tpu.memory_space<vmem_shared>>) offsets(%dma_start3A_283 : memref<128xi32, #tpu.memory_space<vmem>>) semaphore(%arg15 : memref<!tpu.dma_semaphore, #tpu.memory_space<semaphore_mem>>) {add = true}
      %add3A_287 = arith.constant 2 : i32
      %add3A_288 = arith.addi %mul3A_38, %add3A_287 : i32
      %dma_start3A_289 = arith.constant 2 : i32
      %dma_start3A_290 = arith.constant 0 : i32
      %dma_start3A_291 = arith.constant 0 : i32
      %dma_start3A_292 = tpu.memref_slice %arg12[%dma_start3A_289, %dma_start3A_290, %dma_start3A_291] : memref<8x128x32xf32, #tpu.memory_space<vmem>> -> memref<1x128x32xf32, #tpu.memory_space<vmem>>
      %dma_start3A_293 = tpu.memref_squeeze %dma_start3A_292 : memref<1x128x32xf32, #tpu.memory_space<vmem>> -> memref<128x32xf32, #tpu.memory_space<vmem>>
      %dma_start3A_294 = arith.constant 0 : i32
      %dma_start3A_295 = tpu.memref_slice %arg11[%add3A_288, %dma_start3A_294] : memref<80x128xi32, #tpu.memory_space<vmem>> -> memref<1x128xi32, #tpu.memory_space<vmem>>
      %dma_start3A_296 = tpu.memref_squeeze %dma_start3A_295 : memref<1x128xi32, #tpu.memory_space<vmem>> -> memref<128xi32, #tpu.memory_space<vmem>>
      %dma_start3A_297 = arith.constant 0 : i32
      %dma_start3A_298 = arith.constant 0 : i32
      %dma_start3A_299 = tpu.memref_slice %arg7[%dma_start3A_297, %dma_start3A_298] : memref<10240x32xf32, #tpu.memory_space<vmem_shared>> -> memref<10240x32xf32, #tpu.memory_space<vmem_shared>>
      tpu.enqueue_indirect_dma source(%dma_start3A_293 : memref<128x32xf32, #tpu.memory_space<vmem>>) target(%dma_start3A_299 : memref<10240x32xf32, #tpu.memory_space<vmem_shared>>) offsets(%dma_start3A_296 : memref<128xi32, #tpu.memory_space<vmem>>) semaphore(%arg15 : memref<!tpu.dma_semaphore, #tpu.memory_space<semaphore_mem>>) {add = true}
      %add3A_300 = arith.constant 2 : i32
      %add3A_301 = arith.addi %mul3A_38, %add3A_300 : i32
      %dma_start3A_302 = arith.constant 0 : i32
      %dma_start3A_303 = tpu.memref_slice %arg11[%add3A_301, %dma_start3A_302] : memref<80x128xi32, #tpu.memory_space<vmem>> -> memref<1x128xi32, #tpu.memory_space<vmem>>
      %dma_start3A_304 = tpu.memref_squeeze %dma_start3A_303 : memref<1x128xi32, #tpu.memory_space<vmem>> -> memref<128xi32, #tpu.memory_space<vmem>>
      %dma_start3A_305 = arith.constant 0 : i32
      %dma_start3A_306 = arith.constant 0 : i32
      %dma_start3A_307 = tpu.memref_slice %arg9[%dma_start3A_305, %dma_start3A_306] : memref<10240x16xf32, #tpu.memory_space<vmem_shared>> -> memref<10240x16xf32, #tpu.memory_space<vmem_shared>>
      tpu.enqueue_indirect_dma source(%arg13 : memref<128x16xf32, #tpu.memory_space<vmem>>) target(%dma_start3A_307 : memref<10240x16xf32, #tpu.memory_space<vmem_shared>>) offsets(%dma_start3A_304 : memref<128xi32, #tpu.memory_space<vmem>>) semaphore(%arg15 : memref<!tpu.dma_semaphore, #tpu.memory_space<semaphore_mem>>) {add = true}
      %add3A_308 = arith.constant 3 : i32
      %add3A_309 = arith.addi %mul3A_38, %add3A_308 : i32
      %dma_start3A_310 = arith.constant 3 : i32
      %dma_start3A_311 = arith.constant 0 : i32
      %dma_start3A_312 = arith.constant 0 : i32
      %dma_start3A_313 = tpu.memref_slice %arg12[%dma_start3A_310, %dma_start3A_311, %dma_start3A_312] : memref<8x128x32xf32, #tpu.memory_space<vmem>> -> memref<1x128x32xf32, #tpu.memory_space<vmem>>
      %dma_start3A_314 = tpu.memref_squeeze %dma_start3A_313 : memref<1x128x32xf32, #tpu.memory_space<vmem>> -> memref<128x32xf32, #tpu.memory_space<vmem>>
      %dma_start3A_315 = arith.constant 0 : i32
      %dma_start3A_316 = tpu.memref_slice %arg11[%add3A_309, %dma_start3A_315] : memref<80x128xi32, #tpu.memory_space<vmem>> -> memref<1x128xi32, #tpu.memory_space<vmem>>
      %dma_start3A_317 = tpu.memref_squeeze %dma_start3A_316 : memref<1x128xi32, #tpu.memory_space<vmem>> -> memref<128xi32, #tpu.memory_space<vmem>>
      %dma_start3A_318 = arith.constant 0 : i32
      %dma_start3A_319 = arith.constant 0 : i32
      %dma_start3A_320 = tpu.memref_slice %arg7[%dma_start3A_318, %dma_start3A_319] : memref<10240x32xf32, #tpu.memory_space<vmem_shared>> -> memref<10240x32xf32, #tpu.memory_space<vmem_shared>>
      tpu.enqueue_indirect_dma source(%dma_start3A_314 : memref<128x32xf32, #tpu.memory_space<vmem>>) target(%dma_start3A_320 : memref<10240x32xf32, #tpu.memory_space<vmem_shared>>) offsets(%dma_start3A_317 : memref<128xi32, #tpu.memory_space<vmem>>) semaphore(%arg15 : memref<!tpu.dma_semaphore, #tpu.memory_space<semaphore_mem>>) {add = true}
      %add3A_321 = arith.constant 3 : i32
      %add3A_322 = arith.addi %mul3A_38, %add3A_321 : i32
      %dma_start3A_323 = arith.constant 0 : i32
      %dma_start3A_324 = tpu.memref_slice %arg11[%add3A_322, %dma_start3A_323] : memref<80x128xi32, #tpu.memory_space<vmem>> -> memref<1x128xi32, #tpu.memory_space<vmem>>
      %dma_start3A_325 = tpu.memref_squeeze %dma_start3A_324 : memref<1x128xi32, #tpu.memory_space<vmem>> -> memref<128xi32, #tpu.memory_space<vmem>>
      %dma_start3A_326 = arith.constant 0 : i32
      %dma_start3A_327 = arith.constant 0 : i32
      %dma_start3A_328 = tpu.memref_slice %arg9[%dma_start3A_326, %dma_start3A_327] : memref<10240x16xf32, #tpu.memory_space<vmem_shared>> -> memref<10240x16xf32, #tpu.memory_space<vmem_shared>>
      tpu.enqueue_indirect_dma source(%arg13 : memref<128x16xf32, #tpu.memory_space<vmem>>) target(%dma_start3A_328 : memref<10240x16xf32, #tpu.memory_space<vmem_shared>>) offsets(%dma_start3A_325 : memref<128xi32, #tpu.memory_space<vmem>>) semaphore(%arg15 : memref<!tpu.dma_semaphore, #tpu.memory_space<semaphore_mem>>) {add = true}
      %add3A_329 = arith.constant 4 : i32
      %add3A_330 = arith.addi %mul3A_38, %add3A_329 : i32
      %dma_start3A_331 = arith.constant 4 : i32
      %dma_start3A_332 = arith.constant 0 : i32
      %dma_start3A_333 = arith.constant 0 : i32
      %dma_start3A_334 = tpu.memref_slice %arg12[%dma_start3A_331, %dma_start3A_332, %dma_start3A_333] : memref<8x128x32xf32, #tpu.memory_space<vmem>> -> memref<1x128x32xf32, #tpu.memory_space<vmem>>
      %dma_start3A_335 = tpu.memref_squeeze %dma_start3A_334 : memref<1x128x32xf32, #tpu.memory_space<vmem>> -> memref<128x32xf32, #tpu.memory_space<vmem>>
      %dma_start3A_336 = arith.constant 0 : i32
      %dma_start3A_337 = tpu.memref_slice %arg11[%add3A_330, %dma_start3A_336] : memref<80x128xi32, #tpu.memory_space<vmem>> -> memref<1x128xi32, #tpu.memory_space<vmem>>
      %dma_start3A_338 = tpu.memref_squeeze %dma_start3A_337 : memref<1x128xi32, #tpu.memory_space<vmem>> -> memref<128xi32, #tpu.memory_space<vmem>>
      %dma_start3A_339 = arith.constant 0 : i32
      %dma_start3A_340 = arith.constant 0 : i32
      %dma_start3A_341 = tpu.memref_slice %arg7[%dma_start3A_339, %dma_start3A_340] : memref<10240x32xf32, #tpu.memory_space<vmem_shared>> -> memref<10240x32xf32, #tpu.memory_space<vmem_shared>>
      tpu.enqueue_indirect_dma source(%dma_start3A_335 : memref<128x32xf32, #tpu.memory_space<vmem>>) target(%dma_start3A_341 : memref<10240x32xf32, #tpu.memory_space<vmem_shared>>) offsets(%dma_start3A_338 : memref<128xi32, #tpu.memory_space<vmem>>) semaphore(%arg15 : memref<!tpu.dma_semaphore, #tpu.memory_space<semaphore_mem>>) {add = true}
      %add3A_342 = arith.constant 4 : i32
      %add3A_343 = arith.addi %mul3A_38, %add3A_342 : i32
      %dma_start3A_344 = arith.constant 0 : i32
      %dma_start3A_345 = tpu.memref_slice %arg11[%add3A_343, %dma_start3A_344] : memref<80x128xi32, #tpu.memory_space<vmem>> -> memref<1x128xi32, #tpu.memory_space<vmem>>
      %dma_start3A_346 = tpu.memref_squeeze %dma_start3A_345 : memref<1x128xi32, #tpu.memory_space<vmem>> -> memref<128xi32, #tpu.memory_space<vmem>>
      %dma_start3A_347 = arith.constant 0 : i32
      %dma_start3A_348 = arith.constant 0 : i32
      %dma_start3A_349 = tpu.memref_slice %arg9[%dma_start3A_347, %dma_start3A_348] : memref<10240x16xf32, #tpu.memory_space<vmem_shared>> -> memref<10240x16xf32, #tpu.memory_space<vmem_shared>>
      tpu.enqueue_indirect_dma source(%arg13 : memref<128x16xf32, #tpu.memory_space<vmem>>) target(%dma_start3A_349 : memref<10240x16xf32, #tpu.memory_space<vmem_shared>>) offsets(%dma_start3A_346 : memref<128xi32, #tpu.memory_space<vmem>>) semaphore(%arg15 : memref<!tpu.dma_semaphore, #tpu.memory_space<semaphore_mem>>) {add = true}
      %add3A_350 = arith.constant 5 : i32
      %add3A_351 = arith.addi %mul3A_38, %add3A_350 : i32
      %dma_start3A_352 = arith.constant 5 : i32
      %dma_start3A_353 = arith.constant 0 : i32
      %dma_start3A_354 = arith.constant 0 : i32
      %dma_start3A_355 = tpu.memref_slice %arg12[%dma_start3A_352, %dma_start3A_353, %dma_start3A_354] : memref<8x128x32xf32, #tpu.memory_space<vmem>> -> memref<1x128x32xf32, #tpu.memory_space<vmem>>
      %dma_start3A_356 = tpu.memref_squeeze %dma_start3A_355 : memref<1x128x32xf32, #tpu.memory_space<vmem>> -> memref<128x32xf32, #tpu.memory_space<vmem>>
      %dma_start3A_357 = arith.constant 0 : i32
      %dma_start3A_358 = tpu.memref_slice %arg11[%add3A_351, %dma_start3A_357] : memref<80x128xi32, #tpu.memory_space<vmem>> -> memref<1x128xi32, #tpu.memory_space<vmem>>
      %dma_start3A_359 = tpu.memref_squeeze %dma_start3A_358 : memref<1x128xi32, #tpu.memory_space<vmem>> -> memref<128xi32, #tpu.memory_space<vmem>>
      %dma_start3A_360 = arith.constant 0 : i32
      %dma_start3A_361 = arith.constant 0 : i32
      %dma_start3A_362 = tpu.memref_slice %arg7[%dma_start3A_360, %dma_start3A_361] : memref<10240x32xf32, #tpu.memory_space<vmem_shared>> -> memref<10240x32xf32, #tpu.memory_space<vmem_shared>>
      tpu.enqueue_indirect_dma source(%dma_start3A_356 : memref<128x32xf32, #tpu.memory_space<vmem>>) target(%dma_start3A_362 : memref<10240x32xf32, #tpu.memory_space<vmem_shared>>) offsets(%dma_start3A_359 : memref<128xi32, #tpu.memory_space<vmem>>) semaphore(%arg15 : memref<!tpu.dma_semaphore, #tpu.memory_space<semaphore_mem>>) {add = true}
      %add3A_363 = arith.constant 5 : i32
      %add3A_364 = arith.addi %mul3A_38, %add3A_363 : i32
      %dma_start3A_365 = arith.constant 0 : i32
      %dma_start3A_366 = tpu.memref_slice %arg11[%add3A_364, %dma_start3A_365] : memref<80x128xi32, #tpu.memory_space<vmem>> -> memref<1x128xi32, #tpu.memory_space<vmem>>
      %dma_start3A_367 = tpu.memref_squeeze %dma_start3A_366 : memref<1x128xi32, #tpu.memory_space<vmem>> -> memref<128xi32, #tpu.memory_space<vmem>>
      %dma_start3A_368 = arith.constant 0 : i32
      %dma_start3A_369 = arith.constant 0 : i32
      %dma_start3A_370 = tpu.memref_slice %arg9[%dma_start3A_368, %dma_start3A_369] : memref<10240x16xf32, #tpu.memory_space<vmem_shared>> -> memref<10240x16xf32, #tpu.memory_space<vmem_shared>>
      tpu.enqueue_indirect_dma source(%arg13 : memref<128x16xf32, #tpu.memory_space<vmem>>) target(%dma_start3A_370 : memref<10240x16xf32, #tpu.memory_space<vmem_shared>>) offsets(%dma_start3A_367 : memref<128xi32, #tpu.memory_space<vmem>>) semaphore(%arg15 : memref<!tpu.dma_semaphore, #tpu.memory_space<semaphore_mem>>) {add = true}
      %add3A_371 = arith.constant 6 : i32
      %add3A_372 = arith.addi %mul3A_38, %add3A_371 : i32
      %dma_start3A_373 = arith.constant 6 : i32
      %dma_start3A_374 = arith.constant 0 : i32
      %dma_start3A_375 = arith.constant 0 : i32
      %dma_start3A_376 = tpu.memref_slice %arg12[%dma_start3A_373, %dma_start3A_374, %dma_start3A_375] : memref<8x128x32xf32, #tpu.memory_space<vmem>> -> memref<1x128x32xf32, #tpu.memory_space<vmem>>
      %dma_start3A_377 = tpu.memref_squeeze %dma_start3A_376 : memref<1x128x32xf32, #tpu.memory_space<vmem>> -> memref<128x32xf32, #tpu.memory_space<vmem>>
      %dma_start3A_378 = arith.constant 0 : i32
      %dma_start3A_379 = tpu.memref_slice %arg11[%add3A_372, %dma_start3A_378] : memref<80x128xi32, #tpu.memory_space<vmem>> -> memref<1x128xi32, #tpu.memory_space<vmem>>
      %dma_start3A_380 = tpu.memref_squeeze %dma_start3A_379 : memref<1x128xi32, #tpu.memory_space<vmem>> -> memref<128xi32, #tpu.memory_space<vmem>>
      %dma_start3A_381 = arith.constant 0 : i32
      %dma_start3A_382 = arith.constant 0 : i32
      %dma_start3A_383 = tpu.memref_slice %arg7[%dma_start3A_381, %dma_start3A_382] : memref<10240x32xf32, #tpu.memory_space<vmem_shared>> -> memref<10240x32xf32, #tpu.memory_space<vmem_shared>>
      tpu.enqueue_indirect_dma source(%dma_start3A_377 : memref<128x32xf32, #tpu.memory_space<vmem>>) target(%dma_start3A_383 : memref<10240x32xf32, #tpu.memory_space<vmem_shared>>) offsets(%dma_start3A_380 : memref<128xi32, #tpu.memory_space<vmem>>) semaphore(%arg15 : memref<!tpu.dma_semaphore, #tpu.memory_space<semaphore_mem>>) {add = true}
      %add3A_384 = arith.constant 6 : i32
      %add3A_385 = arith.addi %mul3A_38, %add3A_384 : i32
      %dma_start3A_386 = arith.constant 0 : i32
      %dma_start3A_387 = tpu.memref_slice %arg11[%add3A_385, %dma_start3A_386] : memref<80x128xi32, #tpu.memory_space<vmem>> -> memref<1x128xi32, #tpu.memory_space<vmem>>
      %dma_start3A_388 = tpu.memref_squeeze %dma_start3A_387 : memref<1x128xi32, #tpu.memory_space<vmem>> -> memref<128xi32, #tpu.memory_space<vmem>>
      %dma_start3A_389 = arith.constant 0 : i32
      %dma_start3A_390 = arith.constant 0 : i32
      %dma_start3A_391 = tpu.memref_slice %arg9[%dma_start3A_389, %dma_start3A_390] : memref<10240x16xf32, #tpu.memory_space<vmem_shared>> -> memref<10240x16xf32, #tpu.memory_space<vmem_shared>>
      tpu.enqueue_indirect_dma source(%arg13 : memref<128x16xf32, #tpu.memory_space<vmem>>) target(%dma_start3A_391 : memref<10240x16xf32, #tpu.memory_space<vmem_shared>>) offsets(%dma_start3A_388 : memref<128xi32, #tpu.memory_space<vmem>>) semaphore(%arg15 : memref<!tpu.dma_semaphore, #tpu.memory_space<semaphore_mem>>) {add = true}
      %add3A_392 = arith.constant 7 : i32
      %add3A_393 = arith.addi %mul3A_38, %add3A_392 : i32
      %dma_start3A_394 = arith.constant 7 : i32
      %dma_start3A_395 = arith.constant 0 : i32
      %dma_start3A_396 = arith.constant 0 : i32
      %dma_start3A_397 = tpu.memref_slice %arg12[%dma_start3A_394, %dma_start3A_395, %dma_start3A_396] : memref<8x128x32xf32, #tpu.memory_space<vmem>> -> memref<1x128x32xf32, #tpu.memory_space<vmem>>
      %dma_start3A_398 = tpu.memref_squeeze %dma_start3A_397 : memref<1x128x32xf32, #tpu.memory_space<vmem>> -> memref<128x32xf32, #tpu.memory_space<vmem>>
      %dma_start3A_399 = arith.constant 0 : i32
      %dma_start3A_400 = tpu.memref_slice %arg11[%add3A_393, %dma_start3A_399] : memref<80x128xi32, #tpu.memory_space<vmem>> -> memref<1x128xi32, #tpu.memory_space<vmem>>
      %dma_start3A_401 = tpu.memref_squeeze %dma_start3A_400 : memref<1x128xi32, #tpu.memory_space<vmem>> -> memref<128xi32, #tpu.memory_space<vmem>>
      %dma_start3A_402 = arith.constant 0 : i32
      %dma_start3A_403 = arith.constant 0 : i32
      %dma_start3A_404 = tpu.memref_slice %arg7[%dma_start3A_402, %dma_start3A_403] : memref<10240x32xf32, #tpu.memory_space<vmem_shared>> -> memref<10240x32xf32, #tpu.memory_space<vmem_shared>>
      tpu.enqueue_indirect_dma source(%dma_start3A_398 : memref<128x32xf32, #tpu.memory_space<vmem>>) target(%dma_start3A_404 : memref<10240x32xf32, #tpu.memory_space<vmem_shared>>) offsets(%dma_start3A_401 : memref<128xi32, #tpu.memory_space<vmem>>) semaphore(%arg15 : memref<!tpu.dma_semaphore, #tpu.memory_space<semaphore_mem>>) {add = true}
      %add3A_405 = arith.constant 7 : i32
      %add3A_406 = arith.addi %mul3A_38, %add3A_405 : i32
      %dma_start3A_407 = arith.constant 0 : i32
      %dma_start3A_408 = tpu.memref_slice %arg11[%add3A_406, %dma_start3A_407] : memref<80x128xi32, #tpu.memory_space<vmem>> -> memref<1x128xi32, #tpu.memory_space<vmem>>
      %dma_start3A_409 = tpu.memref_squeeze %dma_start3A_408 : memref<1x128xi32, #tpu.memory_space<vmem>> -> memref<128xi32, #tpu.memory_space<vmem>>
      %dma_start3A_410 = arith.constant 0 : i32
      %dma_start3A_411 = arith.constant 0 : i32
      %dma_start3A_412 = tpu.memref_slice %arg9[%dma_start3A_410, %dma_start3A_411] : memref<10240x16xf32, #tpu.memory_space<vmem_shared>> -> memref<10240x16xf32, #tpu.memory_space<vmem_shared>>
      tpu.enqueue_indirect_dma source(%arg13 : memref<128x16xf32, #tpu.memory_space<vmem>>) target(%dma_start3A_412 : memref<10240x16xf32, #tpu.memory_space<vmem_shared>>) offsets(%dma_start3A_409 : memref<128xi32, #tpu.memory_space<vmem>>) semaphore(%arg15 : memref<!tpu.dma_semaphore, #tpu.memory_space<semaphore_mem>>) {add = true}
      %add3A_413 = arith.constant 0 : i32
      %add3A_414 = arith.addi %mul3A_38, %add3A_413 : i32
      %dma_wait3A_415 = arith.constant 0 : i32
      %dma_wait3A_416 = arith.constant 0 : i32
      %dma_wait3A_417 = arith.constant 0 : i32
      %dma_wait3A_418 = tpu.memref_slice %arg12[%dma_wait3A_415, %dma_wait3A_416, %dma_wait3A_417] : memref<8x128x32xf32, #tpu.memory_space<vmem>> -> memref<1x128x32xf32, #tpu.memory_space<vmem>>
      %dma_wait3A_419 = tpu.memref_squeeze %dma_wait3A_418 : memref<1x128x32xf32, #tpu.memory_space<vmem>> -> memref<128x32xf32, #tpu.memory_space<vmem>>
      %dma_wait3A_420 = arith.constant 0 : i32
      %dma_wait3A_421 = tpu.memref_slice %arg11[%add3A_414, %dma_wait3A_420] : memref<80x128xi32, #tpu.memory_space<vmem>> -> memref<1x128xi32, #tpu.memory_space<vmem>>
      %dma_wait3A_422 = tpu.memref_squeeze %dma_wait3A_421 : memref<1x128xi32, #tpu.memory_space<vmem>> -> memref<128xi32, #tpu.memory_space<vmem>>
      %dma_wait3A_423 = arith.constant 0 : i32
      %dma_wait3A_424 = arith.constant 0 : i32
      %dma_wait3A_425 = tpu.memref_slice %arg7[%dma_wait3A_423, %dma_wait3A_424] : memref<10240x32xf32, #tpu.memory_space<vmem_shared>> -> memref<10240x32xf32, #tpu.memory_space<vmem_shared>>
      tpu.wait_indirect_dma semaphore(%arg15 : memref<!tpu.dma_semaphore, #tpu.memory_space<semaphore_mem>>) src(%dma_wait3A_419 : memref<128x32xf32, #tpu.memory_space<vmem>>) dst(%dma_wait3A_425 : memref<10240x32xf32, #tpu.memory_space<vmem_shared>>)
      %add3A_426 = arith.constant 0 : i32
      %add3A_427 = arith.addi %mul3A_38, %add3A_426 : i32
      %dma_wait3A_428 = arith.constant 0 : i32
      %dma_wait3A_429 = tpu.memref_slice %arg11[%add3A_427, %dma_wait3A_428] : memref<80x128xi32, #tpu.memory_space<vmem>> -> memref<1x128xi32, #tpu.memory_space<vmem>>
      %dma_wait3A_430 = tpu.memref_squeeze %dma_wait3A_429 : memref<1x128xi32, #tpu.memory_space<vmem>> -> memref<128xi32, #tpu.memory_space<vmem>>
      %dma_wait3A_431 = arith.constant 0 : i32
      %dma_wait3A_432 = arith.constant 0 : i32
      %dma_wait3A_433 = tpu.memref_slice %arg9[%dma_wait3A_431, %dma_wait3A_432] : memref<10240x16xf32, #tpu.memory_space<vmem_shared>> -> memref<10240x16xf32, #tpu.memory_space<vmem_shared>>
      tpu.wait_indirect_dma semaphore(%arg15 : memref<!tpu.dma_semaphore, #tpu.memory_space<semaphore_mem>>) src(%arg13 : memref<128x16xf32, #tpu.memory_space<vmem>>) dst(%dma_wait3A_433 : memref<10240x16xf32, #tpu.memory_space<vmem_shared>>)
      %add3A_434 = arith.constant 1 : i32
      %add3A_435 = arith.addi %mul3A_38, %add3A_434 : i32
      %dma_wait3A_436 = arith.constant 1 : i32
      %dma_wait3A_437 = arith.constant 0 : i32
      %dma_wait3A_438 = arith.constant 0 : i32
      %dma_wait3A_439 = tpu.memref_slice %arg12[%dma_wait3A_436, %dma_wait3A_437, %dma_wait3A_438] : memref<8x128x32xf32, #tpu.memory_space<vmem>> -> memref<1x128x32xf32, #tpu.memory_space<vmem>>
      %dma_wait3A_440 = tpu.memref_squeeze %dma_wait3A_439 : memref<1x128x32xf32, #tpu.memory_space<vmem>> -> memref<128x32xf32, #tpu.memory_space<vmem>>
      %dma_wait3A_441 = arith.constant 0 : i32
      %dma_wait3A_442 = tpu.memref_slice %arg11[%add3A_435, %dma_wait3A_441] : memref<80x128xi32, #tpu.memory_space<vmem>> -> memref<1x128xi32, #tpu.memory_space<vmem>>
      %dma_wait3A_443 = tpu.memref_squeeze %dma_wait3A_442 : memref<1x128xi32, #tpu.memory_space<vmem>> -> memref<128xi32, #tpu.memory_space<vmem>>
      %dma_wait3A_444 = arith.constant 0 : i32
      %dma_wait3A_445 = arith.constant 0 : i32
      %dma_wait3A_446 = tpu.memref_slice %arg7[%dma_wait3A_444, %dma_wait3A_445] : memref<10240x32xf32, #tpu.memory_space<vmem_shared>> -> memref<10240x32xf32, #tpu.memory_space<vmem_shared>>
      tpu.wait_indirect_dma semaphore(%arg15 : memref<!tpu.dma_semaphore, #tpu.memory_space<semaphore_mem>>) src(%dma_wait3A_440 : memref<128x32xf32, #tpu.memory_space<vmem>>) dst(%dma_wait3A_446 : memref<10240x32xf32, #tpu.memory_space<vmem_shared>>)
      %add3A_447 = arith.constant 1 : i32
      %add3A_448 = arith.addi %mul3A_38, %add3A_447 : i32
      %dma_wait3A_449 = arith.constant 0 : i32
      %dma_wait3A_450 = tpu.memref_slice %arg11[%add3A_448, %dma_wait3A_449] : memref<80x128xi32, #tpu.memory_space<vmem>> -> memref<1x128xi32, #tpu.memory_space<vmem>>
      %dma_wait3A_451 = tpu.memref_squeeze %dma_wait3A_450 : memref<1x128xi32, #tpu.memory_space<vmem>> -> memref<128xi32, #tpu.memory_space<vmem>>
      %dma_wait3A_452 = arith.constant 0 : i32
      %dma_wait3A_453 = arith.constant 0 : i32
      %dma_wait3A_454 = tpu.memref_slice %arg9[%dma_wait3A_452, %dma_wait3A_453] : memref<10240x16xf32, #tpu.memory_space<vmem_shared>> -> memref<10240x16xf32, #tpu.memory_space<vmem_shared>>
      tpu.wait_indirect_dma semaphore(%arg15 : memref<!tpu.dma_semaphore, #tpu.memory_space<semaphore_mem>>) src(%arg13 : memref<128x16xf32, #tpu.memory_space<vmem>>) dst(%dma_wait3A_454 : memref<10240x16xf32, #tpu.memory_space<vmem_shared>>)
      %add3A_455 = arith.constant 2 : i32
      %add3A_456 = arith.addi %mul3A_38, %add3A_455 : i32
      %dma_wait3A_457 = arith.constant 2 : i32
      %dma_wait3A_458 = arith.constant 0 : i32
      %dma_wait3A_459 = arith.constant 0 : i32
      %dma_wait3A_460 = tpu.memref_slice %arg12[%dma_wait3A_457, %dma_wait3A_458, %dma_wait3A_459] : memref<8x128x32xf32, #tpu.memory_space<vmem>> -> memref<1x128x32xf32, #tpu.memory_space<vmem>>
      %dma_wait3A_461 = tpu.memref_squeeze %dma_wait3A_460 : memref<1x128x32xf32, #tpu.memory_space<vmem>> -> memref<128x32xf32, #tpu.memory_space<vmem>>
      %dma_wait3A_462 = arith.constant 0 : i32
      %dma_wait3A_463 = tpu.memref_slice %arg11[%add3A_456, %dma_wait3A_462] : memref<80x128xi32, #tpu.memory_space<vmem>> -> memref<1x128xi32, #tpu.memory_space<vmem>>
      %dma_wait3A_464 = tpu.memref_squeeze %dma_wait3A_463 : memref<1x128xi32, #tpu.memory_space<vmem>> -> memref<128xi32, #tpu.memory_space<vmem>>
      %dma_wait3A_465 = arith.constant 0 : i32
      %dma_wait3A_466 = arith.constant 0 : i32
      %dma_wait3A_467 = tpu.memref_slice %arg7[%dma_wait3A_465, %dma_wait3A_466] : memref<10240x32xf32, #tpu.memory_space<vmem_shared>> -> memref<10240x32xf32, #tpu.memory_space<vmem_shared>>
      tpu.wait_indirect_dma semaphore(%arg15 : memref<!tpu.dma_semaphore, #tpu.memory_space<semaphore_mem>>) src(%dma_wait3A_461 : memref<128x32xf32, #tpu.memory_space<vmem>>) dst(%dma_wait3A_467 : memref<10240x32xf32, #tpu.memory_space<vmem_shared>>)
      %add3A_468 = arith.constant 2 : i32
      %add3A_469 = arith.addi %mul3A_38, %add3A_468 : i32
      %dma_wait3A_470 = arith.constant 0 : i32
      %dma_wait3A_471 = tpu.memref_slice %arg11[%add3A_469, %dma_wait3A_470] : memref<80x128xi32, #tpu.memory_space<vmem>> -> memref<1x128xi32, #tpu.memory_space<vmem>>
      %dma_wait3A_472 = tpu.memref_squeeze %dma_wait3A_471 : memref<1x128xi32, #tpu.memory_space<vmem>> -> memref<128xi32, #tpu.memory_space<vmem>>
      %dma_wait3A_473 = arith.constant 0 : i32
      %dma_wait3A_474 = arith.constant 0 : i32
      %dma_wait3A_475 = tpu.memref_slice %arg9[%dma_wait3A_473, %dma_wait3A_474] : memref<10240x16xf32, #tpu.memory_space<vmem_shared>> -> memref<10240x16xf32, #tpu.memory_space<vmem_shared>>
      tpu.wait_indirect_dma semaphore(%arg15 : memref<!tpu.dma_semaphore, #tpu.memory_space<semaphore_mem>>) src(%arg13 : memref<128x16xf32, #tpu.memory_space<vmem>>) dst(%dma_wait3A_475 : memref<10240x16xf32, #tpu.memory_space<vmem_shared>>)
      %add3A_476 = arith.constant 3 : i32
      %add3A_477 = arith.addi %mul3A_38, %add3A_476 : i32
      %dma_wait3A_478 = arith.constant 3 : i32
      %dma_wait3A_479 = arith.constant 0 : i32
      %dma_wait3A_480 = arith.constant 0 : i32
      %dma_wait3A_481 = tpu.memref_slice %arg12[%dma_wait3A_478, %dma_wait3A_479, %dma_wait3A_480] : memref<8x128x32xf32, #tpu.memory_space<vmem>> -> memref<1x128x32xf32, #tpu.memory_space<vmem>>
      %dma_wait3A_482 = tpu.memref_squeeze %dma_wait3A_481 : memref<1x128x32xf32, #tpu.memory_space<vmem>> -> memref<128x32xf32, #tpu.memory_space<vmem>>
      %dma_wait3A_483 = arith.constant 0 : i32
      %dma_wait3A_484 = tpu.memref_slice %arg11[%add3A_477, %dma_wait3A_483] : memref<80x128xi32, #tpu.memory_space<vmem>> -> memref<1x128xi32, #tpu.memory_space<vmem>>
      %dma_wait3A_485 = tpu.memref_squeeze %dma_wait3A_484 : memref<1x128xi32, #tpu.memory_space<vmem>> -> memref<128xi32, #tpu.memory_space<vmem>>
      %dma_wait3A_486 = arith.constant 0 : i32
      %dma_wait3A_487 = arith.constant 0 : i32
      %dma_wait3A_488 = tpu.memref_slice %arg7[%dma_wait3A_486, %dma_wait3A_487] : memref<10240x32xf32, #tpu.memory_space<vmem_shared>> -> memref<10240x32xf32, #tpu.memory_space<vmem_shared>>
      tpu.wait_indirect_dma semaphore(%arg15 : memref<!tpu.dma_semaphore, #tpu.memory_space<semaphore_mem>>) src(%dma_wait3A_482 : memref<128x32xf32, #tpu.memory_space<vmem>>) dst(%dma_wait3A_488 : memref<10240x32xf32, #tpu.memory_space<vmem_shared>>)
      %add3A_489 = arith.constant 3 : i32
      %add3A_490 = arith.addi %mul3A_38, %add3A_489 : i32
      %dma_wait3A_491 = arith.constant 0 : i32
      %dma_wait3A_492 = tpu.memref_slice %arg11[%add3A_490, %dma_wait3A_491] : memref<80x128xi32, #tpu.memory_space<vmem>> -> memref<1x128xi32, #tpu.memory_space<vmem>>
      %dma_wait3A_493 = tpu.memref_squeeze %dma_wait3A_492 : memref<1x128xi32, #tpu.memory_space<vmem>> -> memref<128xi32, #tpu.memory_space<vmem>>
      %dma_wait3A_494 = arith.constant 0 : i32
      %dma_wait3A_495 = arith.constant 0 : i32
      %dma_wait3A_496 = tpu.memref_slice %arg9[%dma_wait3A_494, %dma_wait3A_495] : memref<10240x16xf32, #tpu.memory_space<vmem_shared>> -> memref<10240x16xf32, #tpu.memory_space<vmem_shared>>
      tpu.wait_indirect_dma semaphore(%arg15 : memref<!tpu.dma_semaphore, #tpu.memory_space<semaphore_mem>>) src(%arg13 : memref<128x16xf32, #tpu.memory_space<vmem>>) dst(%dma_wait3A_496 : memref<10240x16xf32, #tpu.memory_space<vmem_shared>>)
      %add3A_497 = arith.constant 4 : i32
      %add3A_498 = arith.addi %mul3A_38, %add3A_497 : i32
      %dma_wait3A_499 = arith.constant 4 : i32
      %dma_wait3A_500 = arith.constant 0 : i32
      %dma_wait3A_501 = arith.constant 0 : i32
      %dma_wait3A_502 = tpu.memref_slice %arg12[%dma_wait3A_499, %dma_wait3A_500, %dma_wait3A_501] : memref<8x128x32xf32, #tpu.memory_space<vmem>> -> memref<1x128x32xf32, #tpu.memory_space<vmem>>
      %dma_wait3A_503 = tpu.memref_squeeze %dma_wait3A_502 : memref<1x128x32xf32, #tpu.memory_space<vmem>> -> memref<128x32xf32, #tpu.memory_space<vmem>>
      %dma_wait3A_504 = arith.constant 0 : i32
      %dma_wait3A_505 = tpu.memref_slice %arg11[%add3A_498, %dma_wait3A_504] : memref<80x128xi32, #tpu.memory_space<vmem>> -> memref<1x128xi32, #tpu.memory_space<vmem>>
      %dma_wait3A_506 = tpu.memref_squeeze %dma_wait3A_505 : memref<1x128xi32, #tpu.memory_space<vmem>> -> memref<128xi32, #tpu.memory_space<vmem>>
      %dma_wait3A_507 = arith.constant 0 : i32
      %dma_wait3A_508 = arith.constant 0 : i32
      %dma_wait3A_509 = tpu.memref_slice %arg7[%dma_wait3A_507, %dma_wait3A_508] : memref<10240x32xf32, #tpu.memory_space<vmem_shared>> -> memref<10240x32xf32, #tpu.memory_space<vmem_shared>>
      tpu.wait_indirect_dma semaphore(%arg15 : memref<!tpu.dma_semaphore, #tpu.memory_space<semaphore_mem>>) src(%dma_wait3A_503 : memref<128x32xf32, #tpu.memory_space<vmem>>) dst(%dma_wait3A_509 : memref<10240x32xf32, #tpu.memory_space<vmem_shared>>)
      %add3A_510 = arith.constant 4 : i32
      %add3A_511 = arith.addi %mul3A_38, %add3A_510 : i32
      %dma_wait3A_512 = arith.constant 0 : i32
      %dma_wait3A_513 = tpu.memref_slice %arg11[%add3A_511, %dma_wait3A_512] : memref<80x128xi32, #tpu.memory_space<vmem>> -> memref<1x128xi32, #tpu.memory_space<vmem>>
      %dma_wait3A_514 = tpu.memref_squeeze %dma_wait3A_513 : memref<1x128xi32, #tpu.memory_space<vmem>> -> memref<128xi32, #tpu.memory_space<vmem>>
      %dma_wait3A_515 = arith.constant 0 : i32
      %dma_wait3A_516 = arith.constant 0 : i32
      %dma_wait3A_517 = tpu.memref_slice %arg9[%dma_wait3A_515, %dma_wait3A_516] : memref<10240x16xf32, #tpu.memory_space<vmem_shared>> -> memref<10240x16xf32, #tpu.memory_space<vmem_shared>>
      tpu.wait_indirect_dma semaphore(%arg15 : memref<!tpu.dma_semaphore, #tpu.memory_space<semaphore_mem>>) src(%arg13 : memref<128x16xf32, #tpu.memory_space<vmem>>) dst(%dma_wait3A_517 : memref<10240x16xf32, #tpu.memory_space<vmem_shared>>)
      %add3A_518 = arith.constant 5 : i32
      %add3A_519 = arith.addi %mul3A_38, %add3A_518 : i32
      %dma_wait3A_520 = arith.constant 5 : i32
      %dma_wait3A_521 = arith.constant 0 : i32
      %dma_wait3A_522 = arith.constant 0 : i32
      %dma_wait3A_523 = tpu.memref_slice %arg12[%dma_wait3A_520, %dma_wait3A_521, %dma_wait3A_522] : memref<8x128x32xf32, #tpu.memory_space<vmem>> -> memref<1x128x32xf32, #tpu.memory_space<vmem>>
      %dma_wait3A_524 = tpu.memref_squeeze %dma_wait3A_523 : memref<1x128x32xf32, #tpu.memory_space<vmem>> -> memref<128x32xf32, #tpu.memory_space<vmem>>
      %dma_wait3A_525 = arith.constant 0 : i32
      %dma_wait3A_526 = tpu.memref_slice %arg11[%add3A_519, %dma_wait3A_525] : memref<80x128xi32, #tpu.memory_space<vmem>> -> memref<1x128xi32, #tpu.memory_space<vmem>>
      %dma_wait3A_527 = tpu.memref_squeeze %dma_wait3A_526 : memref<1x128xi32, #tpu.memory_space<vmem>> -> memref<128xi32, #tpu.memory_space<vmem>>
      %dma_wait3A_528 = arith.constant 0 : i32
      %dma_wait3A_529 = arith.constant 0 : i32
      %dma_wait3A_530 = tpu.memref_slice %arg7[%dma_wait3A_528, %dma_wait3A_529] : memref<10240x32xf32, #tpu.memory_space<vmem_shared>> -> memref<10240x32xf32, #tpu.memory_space<vmem_shared>>
      tpu.wait_indirect_dma semaphore(%arg15 : memref<!tpu.dma_semaphore, #tpu.memory_space<semaphore_mem>>) src(%dma_wait3A_524 : memref<128x32xf32, #tpu.memory_space<vmem>>) dst(%dma_wait3A_530 : memref<10240x32xf32, #tpu.memory_space<vmem_shared>>)
      %add3A_531 = arith.constant 5 : i32
      %add3A_532 = arith.addi %mul3A_38, %add3A_531 : i32
      %dma_wait3A_533 = arith.constant 0 : i32
      %dma_wait3A_534 = tpu.memref_slice %arg11[%add3A_532, %dma_wait3A_533] : memref<80x128xi32, #tpu.memory_space<vmem>> -> memref<1x128xi32, #tpu.memory_space<vmem>>
      %dma_wait3A_535 = tpu.memref_squeeze %dma_wait3A_534 : memref<1x128xi32, #tpu.memory_space<vmem>> -> memref<128xi32, #tpu.memory_space<vmem>>
      %dma_wait3A_536 = arith.constant 0 : i32
      %dma_wait3A_537 = arith.constant 0 : i32
      %dma_wait3A_538 = tpu.memref_slice %arg9[%dma_wait3A_536, %dma_wait3A_537] : memref<10240x16xf32, #tpu.memory_space<vmem_shared>> -> memref<10240x16xf32, #tpu.memory_space<vmem_shared>>
      tpu.wait_indirect_dma semaphore(%arg15 : memref<!tpu.dma_semaphore, #tpu.memory_space<semaphore_mem>>) src(%arg13 : memref<128x16xf32, #tpu.memory_space<vmem>>) dst(%dma_wait3A_538 : memref<10240x16xf32, #tpu.memory_space<vmem_shared>>)
      %add3A_539 = arith.constant 6 : i32
      %add3A_540 = arith.addi %mul3A_38, %add3A_539 : i32
      %dma_wait3A_541 = arith.constant 6 : i32
      %dma_wait3A_542 = arith.constant 0 : i32
      %dma_wait3A_543 = arith.constant 0 : i32
      %dma_wait3A_544 = tpu.memref_slice %arg12[%dma_wait3A_541, %dma_wait3A_542, %dma_wait3A_543] : memref<8x128x32xf32, #tpu.memory_space<vmem>> -> memref<1x128x32xf32, #tpu.memory_space<vmem>>
      %dma_wait3A_545 = tpu.memref_squeeze %dma_wait3A_544 : memref<1x128x32xf32, #tpu.memory_space<vmem>> -> memref<128x32xf32, #tpu.memory_space<vmem>>
      %dma_wait3A_546 = arith.constant 0 : i32
      %dma_wait3A_547 = tpu.memref_slice %arg11[%add3A_540, %dma_wait3A_546] : memref<80x128xi32, #tpu.memory_space<vmem>> -> memref<1x128xi32, #tpu.memory_space<vmem>>
      %dma_wait3A_548 = tpu.memref_squeeze %dma_wait3A_547 : memref<1x128xi32, #tpu.memory_space<vmem>> -> memref<128xi32, #tpu.memory_space<vmem>>
      %dma_wait3A_549 = arith.constant 0 : i32
      %dma_wait3A_550 = arith.constant 0 : i32
      %dma_wait3A_551 = tpu.memref_slice %arg7[%dma_wait3A_549, %dma_wait3A_550] : memref<10240x32xf32, #tpu.memory_space<vmem_shared>> -> memref<10240x32xf32, #tpu.memory_space<vmem_shared>>
      tpu.wait_indirect_dma semaphore(%arg15 : memref<!tpu.dma_semaphore, #tpu.memory_space<semaphore_mem>>) src(%dma_wait3A_545 : memref<128x32xf32, #tpu.memory_space<vmem>>) dst(%dma_wait3A_551 : memref<10240x32xf32, #tpu.memory_space<vmem_shared>>)
      %add3A_552 = arith.constant 6 : i32
      %add3A_553 = arith.addi %mul3A_38, %add3A_552 : i32
      %dma_wait3A_554 = arith.constant 0 : i32
      %dma_wait3A_555 = tpu.memref_slice %arg11[%add3A_553, %dma_wait3A_554] : memref<80x128xi32, #tpu.memory_space<vmem>> -> memref<1x128xi32, #tpu.memory_space<vmem>>
      %dma_wait3A_556 = tpu.memref_squeeze %dma_wait3A_555 : memref<1x128xi32, #tpu.memory_space<vmem>> -> memref<128xi32, #tpu.memory_space<vmem>>
      %dma_wait3A_557 = arith.constant 0 : i32
      %dma_wait3A_558 = arith.constant 0 : i32
      %dma_wait3A_559 = tpu.memref_slice %arg9[%dma_wait3A_557, %dma_wait3A_558] : memref<10240x16xf32, #tpu.memory_space<vmem_shared>> -> memref<10240x16xf32, #tpu.memory_space<vmem_shared>>
      tpu.wait_indirect_dma semaphore(%arg15 : memref<!tpu.dma_semaphore, #tpu.memory_space<semaphore_mem>>) src(%arg13 : memref<128x16xf32, #tpu.memory_space<vmem>>) dst(%dma_wait3A_559 : memref<10240x16xf32, #tpu.memory_space<vmem_shared>>)
      %add3A_560 = arith.constant 7 : i32
      %add3A_561 = arith.addi %mul3A_38, %add3A_560 : i32
      %dma_wait3A_562 = arith.constant 7 : i32
      %dma_wait3A_563 = arith.constant 0 : i32
      %dma_wait3A_564 = arith.constant 0 : i32
      %dma_wait3A_565 = tpu.memref_slice %arg12[%dma_wait3A_562, %dma_wait3A_563, %dma_wait3A_564] : memref<8x128x32xf32, #tpu.memory_space<vmem>> -> memref<1x128x32xf32, #tpu.memory_space<vmem>>
      %dma_wait3A_566 = tpu.memref_squeeze %dma_wait3A_565 : memref<1x128x32xf32, #tpu.memory_space<vmem>> -> memref<128x32xf32, #tpu.memory_space<vmem>>
      %dma_wait3A_567 = arith.constant 0 : i32
      %dma_wait3A_568 = tpu.memref_slice %arg11[%add3A_561, %dma_wait3A_567] : memref<80x128xi32, #tpu.memory_space<vmem>> -> memref<1x128xi32, #tpu.memory_space<vmem>>
      %dma_wait3A_569 = tpu.memref_squeeze %dma_wait3A_568 : memref<1x128xi32, #tpu.memory_space<vmem>> -> memref<128xi32, #tpu.memory_space<vmem>>
      %dma_wait3A_570 = arith.constant 0 : i32
      %dma_wait3A_571 = arith.constant 0 : i32
      %dma_wait3A_572 = tpu.memref_slice %arg7[%dma_wait3A_570, %dma_wait3A_571] : memref<10240x32xf32, #tpu.memory_space<vmem_shared>> -> memref<10240x32xf32, #tpu.memory_space<vmem_shared>>
      tpu.wait_indirect_dma semaphore(%arg15 : memref<!tpu.dma_semaphore, #tpu.memory_space<semaphore_mem>>) src(%dma_wait3A_566 : memref<128x32xf32, #tpu.memory_space<vmem>>) dst(%dma_wait3A_572 : memref<10240x32xf32, #tpu.memory_space<vmem_shared>>)
      %add3A_573 = arith.constant 7 : i32
      %add3A_574 = arith.addi %mul3A_38, %add3A_573 : i32
      %dma_wait3A_575 = arith.constant 0 : i32
      %dma_wait3A_576 = tpu.memref_slice %arg11[%add3A_574, %dma_wait3A_575] : memref<80x128xi32, #tpu.memory_space<vmem>> -> memref<1x128xi32, #tpu.memory_space<vmem>>
      %dma_wait3A_577 = tpu.memref_squeeze %dma_wait3A_576 : memref<1x128xi32, #tpu.memory_space<vmem>> -> memref<128xi32, #tpu.memory_space<vmem>>
      %dma_wait3A_578 = arith.constant 0 : i32
      %dma_wait3A_579 = arith.constant 0 : i32
      %dma_wait3A_580 = tpu.memref_slice %arg9[%dma_wait3A_578, %dma_wait3A_579] : memref<10240x16xf32, #tpu.memory_space<vmem_shared>> -> memref<10240x16xf32, #tpu.memory_space<vmem_shared>>
      tpu.wait_indirect_dma semaphore(%arg15 : memref<!tpu.dma_semaphore, #tpu.memory_space<semaphore_mem>>) src(%arg13 : memref<128x16xf32, #tpu.memory_space<vmem>>) dst(%dma_wait3A_580 : memref<10240x16xf32, #tpu.memory_space<vmem_shared>>)
    }
    %scan3A_34 = arith.constant 10 : i32
    %barrier3A_35 = arith.constant 0 : index
    tpu.barrier barrier_id(%barrier3A_35)
    "tpu.region"() ({
      %run_scoped3A = tpu.sem_alloc : memref<!tpu.dma_semaphore, #tpu.memory_space<semaphore_mem>>
      %dma_start3A = arith.constant 0 : i32
      %dma_start3A_36 = arith.constant 0 : i32
      %dma_start3A_37 = tpu.memref_slice %arg5[%arg0, %dma_start3A, %dma_start3A_36] : memref<2x10240x32xf32, #tpu.memory_space<hbm>> -> memref<1x10240x32xf32, #tpu.memory_space<hbm>>
      %dma_start3A_38 = tpu.memref_squeeze %dma_start3A_37 : memref<1x10240x32xf32, #tpu.memory_space<hbm>> -> memref<10240x32xf32, #tpu.memory_space<hbm>>
      %dma_start3A_39 = arith.constant 0 : i32
      %dma_start3A_40 = tpu.memref_slice %dma_start3A_38[%mul3A_0, %dma_start3A_39] : memref<10240x32xf32, #tpu.memory_space<hbm>> -> memref<640x32xf32, #tpu.memory_space<hbm>>
      %dma_start3A_41 = arith.constant 0 : i32
      %dma_start3A_42 = tpu.memref_slice %arg7[%mul3A_0, %dma_start3A_41] : memref<10240x32xf32, #tpu.memory_space<vmem_shared>> -> memref<640x32xf32, #tpu.memory_space<vmem_shared>>
      tpu.enqueue_dma source(%dma_start3A_42 : memref<640x32xf32, #tpu.memory_space<vmem_shared>>) target(%dma_start3A_40 : memref<640x32xf32, #tpu.memory_space<hbm>>) target_semaphore(%run_scoped3A : memref<!tpu.dma_semaphore, #tpu.memory_space<semaphore_mem>>)
      %dma_wait3A = arith.constant 0 : i32
      %dma_wait3A_43 = arith.constant 0 : i32
      %dma_wait3A_44 = tpu.memref_slice %arg5[%arg0, %dma_wait3A, %dma_wait3A_43] : memref<2x10240x32xf32, #tpu.memory_space<hbm>> -> memref<1x10240x32xf32, #tpu.memory_space<hbm>>
      %dma_wait3A_45 = tpu.memref_squeeze %dma_wait3A_44 : memref<1x10240x32xf32, #tpu.memory_space<hbm>> -> memref<10240x32xf32, #tpu.memory_space<hbm>>
      %dma_wait3A_46 = arith.constant 0 : i32
      %dma_wait3A_47 = tpu.memref_slice %dma_wait3A_45[%mul3A_0, %dma_wait3A_46] : memref<10240x32xf32, #tpu.memory_space<hbm>> -> memref<640x32xf32, #tpu.memory_space<hbm>>
      %dma_wait3A_48 = arith.constant 0 : i32
      %dma_wait3A_49 = tpu.memref_slice %arg7[%mul3A_0, %dma_wait3A_48] : memref<10240x32xf32, #tpu.memory_space<vmem_shared>> -> memref<640x32xf32, #tpu.memory_space<vmem_shared>>
      tpu.wait_dma2 semaphore(%run_scoped3A : memref<!tpu.dma_semaphore, #tpu.memory_space<semaphore_mem>>) src(%dma_wait3A_49 : memref<640x32xf32, #tpu.memory_space<vmem_shared>>) dst(%dma_wait3A_47 : memref<640x32xf32, #tpu.memory_space<hbm>>)
      tpu.yield
    }) : () -> ()
    "tpu.region"() ({
      %run_scoped3A = tpu.sem_alloc : memref<!tpu.dma_semaphore, #tpu.memory_space<semaphore_mem>>
      %dma_start3A = arith.constant 0 : i32
      %dma_start3A_36 = arith.constant 0 : i32
      %dma_start3A_37 = tpu.memref_slice %arg6[%arg0, %dma_start3A, %dma_start3A_36] : memref<2x10240x16xf32, #tpu.memory_space<hbm>> -> memref<1x10240x16xf32, #tpu.memory_space<hbm>>
      %dma_start3A_38 = tpu.memref_squeeze %dma_start3A_37 : memref<1x10240x16xf32, #tpu.memory_space<hbm>> -> memref<10240x16xf32, #tpu.memory_space<hbm>>
      %dma_start3A_39 = arith.constant 0 : i32
      %dma_start3A_40 = tpu.memref_slice %dma_start3A_38[%mul3A_0, %dma_start3A_39] : memref<10240x16xf32, #tpu.memory_space<hbm>> -> memref<640x16xf32, #tpu.memory_space<hbm>>
      %dma_start3A_41 = arith.constant 0 : i32
      %dma_start3A_42 = tpu.memref_slice %arg9[%mul3A_0, %dma_start3A_41] : memref<10240x16xf32, #tpu.memory_space<vmem_shared>> -> memref<640x16xf32, #tpu.memory_space<vmem_shared>>
      tpu.enqueue_dma source(%dma_start3A_42 : memref<640x16xf32, #tpu.memory_space<vmem_shared>>) target(%dma_start3A_40 : memref<640x16xf32, #tpu.memory_space<hbm>>) target_semaphore(%run_scoped3A : memref<!tpu.dma_semaphore, #tpu.memory_space<semaphore_mem>>)
      %dma_wait3A = arith.constant 0 : i32
      %dma_wait3A_43 = arith.constant 0 : i32
      %dma_wait3A_44 = tpu.memref_slice %arg6[%arg0, %dma_wait3A, %dma_wait3A_43] : memref<2x10240x16xf32, #tpu.memory_space<hbm>> -> memref<1x10240x16xf32, #tpu.memory_space<hbm>>
      %dma_wait3A_45 = tpu.memref_squeeze %dma_wait3A_44 : memref<1x10240x16xf32, #tpu.memory_space<hbm>> -> memref<10240x16xf32, #tpu.memory_space<hbm>>
      %dma_wait3A_46 = arith.constant 0 : i32
      %dma_wait3A_47 = tpu.memref_slice %dma_wait3A_45[%mul3A_0, %dma_wait3A_46] : memref<10240x16xf32, #tpu.memory_space<hbm>> -> memref<640x16xf32, #tpu.memory_space<hbm>>
      %dma_wait3A_48 = arith.constant 0 : i32
      %dma_wait3A_49 = tpu.memref_slice %arg9[%mul3A_0, %dma_wait3A_48] : memref<10240x16xf32, #tpu.memory_space<vmem_shared>> -> memref<640x16xf32, #tpu.memory_space<vmem_shared>>
      tpu.wait_dma2 semaphore(%run_scoped3A : memref<!tpu.dma_semaphore, #tpu.memory_space<semaphore_mem>>) src(%dma_wait3A_49 : memref<640x16xf32, #tpu.memory_space<vmem_shared>>) dst(%dma_wait3A_47 : memref<640x16xf32, #tpu.memory_space<hbm>>)
      tpu.yield
    }) : () -> ()
    return
  }
}

#map = affine_map<(d0, d1) -> (0, 0, 0)>
#map1 = affine_map<(d0, d1) -> (0, 0)>
#map2 = affine_map<(d0, d1) -> (0)>
module attributes {stable_mosaic.version = 14 : i64} {
  func.func @_sc_pass2(%arg0: i32, %arg1: i32, %arg2: memref<2x10240x32xf32, #tpu.memory_space<hbm>>, %arg3: memref<2x10240x16xf32, #tpu.memory_space<hbm>>, %arg4: memref<10240x32xf32, #tpu.memory_space<hbm>>, %arg5: memref<32xf32, #tpu.memory_space<hbm>>, %arg6: memref<2560x128xi32, #tpu.memory_space<hbm>>, %arg7: memref<2560x128xi32, #tpu.memory_space<hbm>>, %arg8: memref<2x10240x32xf32, #tpu.memory_space<hbm>>, %arg9: memref<10240x32xf32, #tpu.memory_space<hbm>>, %arg10: memref<10240x32xf32, #tpu.memory_space<vmem_shared>>, %arg11: memref<10240x32xf32, #tpu.memory_space<vmem_shared>>, %arg12: memref<80x128xi32, #tpu.memory_space<vmem>>, %arg13: memref<80x128xi32, #tpu.memory_space<vmem>>, %arg14: memref<8x128x32xf32, #tpu.memory_space<vmem>>, %arg15: memref<128x32xf32, #tpu.memory_space<vmem>>, %arg16: memref<128x32xf32, #tpu.memory_space<vmem>>, %arg17: memref<128x32xf32, #tpu.memory_space<vmem>>, %arg18: memref<128x16xf32, #tpu.memory_space<vmem>>, %arg19: memref<128x16xf32, #tpu.memory_space<vmem>>, %arg20: memref<32xf32, #tpu.memory_space<vmem>>, %arg21: memref<!tpu.dma_semaphore, #tpu.memory_space<semaphore_mem>>, %arg22: memref<!tpu.dma_semaphore, #tpu.memory_space<semaphore_mem>>) attributes {dimension_semantics = [#tpu.dimension_semantics<core_parallel>, #tpu.dimension_semantics<subcore_parallel>], iteration_bounds = array<i64: 2, 16>, scalar_prefetch = 0 : i64, scratch_operands = 13 : i64, tpu.core_type = #tpu.core_type<sc_vector_subcore>, window_params = [{transform_indices = #map}, {transform_indices = #map}, {transform_indices = #map1}, {transform_indices = #map2}, {transform_indices = #map1}, {transform_indices = #map1}, {transform_indices = #map}, {transform_indices = #map1}]} {
    %mul3A = arith.constant 640 : i32
    %mul3A_0 = arith.muli %arg1, %mul3A : i32
    %mul3A_1 = arith.constant 16 : i32
    %mul3A_2 = arith.muli %arg0, %mul3A_1 : i32
    %add3A = arith.addi %mul3A_2, %arg1 : i32
    %mul3A_3 = arith.constant 80 : i32
    %mul3A_4 = arith.muli %add3A, %mul3A_3 : i32
    "tpu.region"() ({
      %run_scoped3A_92 = tpu.sem_alloc : memref<!tpu.dma_semaphore, #tpu.memory_space<semaphore_mem>>
      %dma_start3A = arith.constant 0 : i32
      %dma_start3A_93 = tpu.memref_slice %arg6[%mul3A_4, %dma_start3A] : memref<2560x128xi32, #tpu.memory_space<hbm>> -> memref<80x128xi32, #tpu.memory_space<hbm>>
      %dma_start3A_94 = arith.constant 0 : i32
      %dma_start3A_95 = tpu.memref_slice %arg6[%mul3A_4, %dma_start3A_94] : memref<2560x128xi32, #tpu.memory_space<hbm>> -> memref<80x128xi32, #tpu.memory_space<hbm>>
      tpu.enqueue_dma source(%dma_start3A_95 : memref<80x128xi32, #tpu.memory_space<hbm>>) target(%arg12 : memref<80x128xi32, #tpu.memory_space<vmem>>) target_semaphore(%run_scoped3A_92 : memref<!tpu.dma_semaphore, #tpu.memory_space<semaphore_mem>>)
      %dma_wait3A = arith.constant 0 : i32
      %dma_wait3A_96 = tpu.memref_slice %arg6[%mul3A_4, %dma_wait3A] : memref<2560x128xi32, #tpu.memory_space<hbm>> -> memref<80x128xi32, #tpu.memory_space<hbm>>
      %dma_wait3A_97 = arith.constant 0 : i32
      %dma_wait3A_98 = tpu.memref_slice %arg6[%mul3A_4, %dma_wait3A_97] : memref<2560x128xi32, #tpu.memory_space<hbm>> -> memref<80x128xi32, #tpu.memory_space<hbm>>
      tpu.wait_dma2 semaphore(%run_scoped3A_92 : memref<!tpu.dma_semaphore, #tpu.memory_space<semaphore_mem>>) src(%dma_wait3A_98 : memref<80x128xi32, #tpu.memory_space<hbm>>) dst(%arg12 : memref<80x128xi32, #tpu.memory_space<vmem>>)
      tpu.yield
    }) : () -> ()
    "tpu.region"() ({
      %run_scoped3A_92 = tpu.sem_alloc : memref<!tpu.dma_semaphore, #tpu.memory_space<semaphore_mem>>
      %dma_start3A = arith.constant 0 : i32
      %dma_start3A_93 = tpu.memref_slice %arg7[%mul3A_4, %dma_start3A] : memref<2560x128xi32, #tpu.memory_space<hbm>> -> memref<80x128xi32, #tpu.memory_space<hbm>>
      %dma_start3A_94 = arith.constant 0 : i32
      %dma_start3A_95 = tpu.memref_slice %arg7[%mul3A_4, %dma_start3A_94] : memref<2560x128xi32, #tpu.memory_space<hbm>> -> memref<80x128xi32, #tpu.memory_space<hbm>>
      tpu.enqueue_dma source(%dma_start3A_95 : memref<80x128xi32, #tpu.memory_space<hbm>>) target(%arg13 : memref<80x128xi32, #tpu.memory_space<vmem>>) target_semaphore(%run_scoped3A_92 : memref<!tpu.dma_semaphore, #tpu.memory_space<semaphore_mem>>)
      %dma_wait3A = arith.constant 0 : i32
      %dma_wait3A_96 = tpu.memref_slice %arg7[%mul3A_4, %dma_wait3A] : memref<2560x128xi32, #tpu.memory_space<hbm>> -> memref<80x128xi32, #tpu.memory_space<hbm>>
      %dma_wait3A_97 = arith.constant 0 : i32
      %dma_wait3A_98 = tpu.memref_slice %arg7[%mul3A_4, %dma_wait3A_97] : memref<2560x128xi32, #tpu.memory_space<hbm>> -> memref<80x128xi32, #tpu.memory_space<hbm>>
      tpu.wait_dma2 semaphore(%run_scoped3A_92 : memref<!tpu.dma_semaphore, #tpu.memory_space<semaphore_mem>>) src(%dma_wait3A_98 : memref<80x128xi32, #tpu.memory_space<hbm>>) dst(%arg13 : memref<80x128xi32, #tpu.memory_space<vmem>>)
      tpu.yield
    }) : () -> ()
    "tpu.region"() ({
      %run_scoped3A_92 = tpu.sem_alloc : memref<!tpu.dma_semaphore, #tpu.memory_space<semaphore_mem>>
      tpu.enqueue_dma source(%arg5 : memref<32xf32, #tpu.memory_space<hbm>>) target(%arg20 : memref<32xf32, #tpu.memory_space<vmem>>) target_semaphore(%run_scoped3A_92 : memref<!tpu.dma_semaphore, #tpu.memory_space<semaphore_mem>>)
      tpu.wait_dma2 semaphore(%run_scoped3A_92 : memref<!tpu.dma_semaphore, #tpu.memory_space<semaphore_mem>>) src(%arg5 : memref<32xf32, #tpu.memory_space<hbm>>) dst(%arg20 : memref<32xf32, #tpu.memory_space<vmem>>)
      tpu.yield
    }) : () -> ()
    %add3A_5 = arith.constant 0 : i32
    %add3A_6 = arith.addi %mul3A_0, %add3A_5 : i32
    %run_scoped3A = arith.constant 0 : i32
    "tpu.region"() ({
      %run_scoped3A_92 = tpu.sem_alloc : memref<!tpu.dma_semaphore, #tpu.memory_space<semaphore_mem>>
      %dma_start3A = arith.constant 0 : i32
      %dma_start3A_93 = arith.constant 0 : i32
      %dma_start3A_94 = tpu.memref_slice %arg2[%run_scoped3A, %dma_start3A, %dma_start3A_93] : memref<2x10240x32xf32, #tpu.memory_space<hbm>> -> memref<1x10240x32xf32, #tpu.memory_space<hbm>>
      %dma_start3A_95 = tpu.memref_squeeze %dma_start3A_94 : memref<1x10240x32xf32, #tpu.memory_space<hbm>> -> memref<10240x32xf32, #tpu.memory_space<hbm>>
      %dma_start3A_96 = arith.constant 0 : i32
      %dma_start3A_97 = tpu.memref_slice %dma_start3A_95[%add3A_6, %dma_start3A_96] : memref<10240x32xf32, #tpu.memory_space<hbm>> -> memref<128x32xf32, #tpu.memory_space<hbm>>
      %dma_start3A_98 = arith.constant 0 : i32
      %dma_start3A_99 = arith.constant 0 : i32
      %dma_start3A_100 = tpu.memref_slice %arg2[%run_scoped3A, %dma_start3A_98, %dma_start3A_99] : memref<2x10240x32xf32, #tpu.memory_space<hbm>> -> memref<1x10240x32xf32, #tpu.memory_space<hbm>>
      %dma_start3A_101 = tpu.memref_squeeze %dma_start3A_100 : memref<1x10240x32xf32, #tpu.memory_space<hbm>> -> memref<10240x32xf32, #tpu.memory_space<hbm>>
      %dma_start3A_102 = arith.constant 0 : i32
      %dma_start3A_103 = tpu.memref_slice %dma_start3A_101[%add3A_6, %dma_start3A_102] : memref<10240x32xf32, #tpu.memory_space<hbm>> -> memref<128x32xf32, #tpu.memory_space<hbm>>
      tpu.enqueue_dma source(%dma_start3A_103 : memref<128x32xf32, #tpu.memory_space<hbm>>) target(%arg15 : memref<128x32xf32, #tpu.memory_space<vmem>>) target_semaphore(%run_scoped3A_92 : memref<!tpu.dma_semaphore, #tpu.memory_space<semaphore_mem>>)
      %dma_wait3A = arith.constant 0 : i32
      %dma_wait3A_104 = arith.constant 0 : i32
      %dma_wait3A_105 = tpu.memref_slice %arg2[%run_scoped3A, %dma_wait3A, %dma_wait3A_104] : memref<2x10240x32xf32, #tpu.memory_space<hbm>> -> memref<1x10240x32xf32, #tpu.memory_space<hbm>>
      %dma_wait3A_106 = tpu.memref_squeeze %dma_wait3A_105 : memref<1x10240x32xf32, #tpu.memory_space<hbm>> -> memref<10240x32xf32, #tpu.memory_space<hbm>>
      %dma_wait3A_107 = arith.constant 0 : i32
      %dma_wait3A_108 = tpu.memref_slice %dma_wait3A_106[%add3A_6, %dma_wait3A_107] : memref<10240x32xf32, #tpu.memory_space<hbm>> -> memref<128x32xf32, #tpu.memory_space<hbm>>
      %dma_wait3A_109 = arith.constant 0 : i32
      %dma_wait3A_110 = arith.constant 0 : i32
      %dma_wait3A_111 = tpu.memref_slice %arg2[%run_scoped3A, %dma_wait3A_109, %dma_wait3A_110] : memref<2x10240x32xf32, #tpu.memory_space<hbm>> -> memref<1x10240x32xf32, #tpu.memory_space<hbm>>
      %dma_wait3A_112 = tpu.memref_squeeze %dma_wait3A_111 : memref<1x10240x32xf32, #tpu.memory_space<hbm>> -> memref<10240x32xf32, #tpu.memory_space<hbm>>
      %dma_wait3A_113 = arith.constant 0 : i32
      %dma_wait3A_114 = tpu.memref_slice %dma_wait3A_112[%add3A_6, %dma_wait3A_113] : memref<10240x32xf32, #tpu.memory_space<hbm>> -> memref<128x32xf32, #tpu.memory_space<hbm>>
      tpu.wait_dma2 semaphore(%run_scoped3A_92 : memref<!tpu.dma_semaphore, #tpu.memory_space<semaphore_mem>>) src(%dma_wait3A_114 : memref<128x32xf32, #tpu.memory_space<hbm>>) dst(%arg15 : memref<128x32xf32, #tpu.memory_space<vmem>>)
      tpu.yield
    }) : () -> ()
    %run_scoped3A_7 = arith.constant 1 : i32
    "tpu.region"() ({
      %run_scoped3A_92 = tpu.sem_alloc : memref<!tpu.dma_semaphore, #tpu.memory_space<semaphore_mem>>
      %dma_start3A = arith.constant 0 : i32
      %dma_start3A_93 = arith.constant 0 : i32
      %dma_start3A_94 = tpu.memref_slice %arg2[%run_scoped3A_7, %dma_start3A, %dma_start3A_93] : memref<2x10240x32xf32, #tpu.memory_space<hbm>> -> memref<1x10240x32xf32, #tpu.memory_space<hbm>>
      %dma_start3A_95 = tpu.memref_squeeze %dma_start3A_94 : memref<1x10240x32xf32, #tpu.memory_space<hbm>> -> memref<10240x32xf32, #tpu.memory_space<hbm>>
      %dma_start3A_96 = arith.constant 0 : i32
      %dma_start3A_97 = tpu.memref_slice %dma_start3A_95[%add3A_6, %dma_start3A_96] : memref<10240x32xf32, #tpu.memory_space<hbm>> -> memref<128x32xf32, #tpu.memory_space<hbm>>
      %dma_start3A_98 = arith.constant 0 : i32
      %dma_start3A_99 = arith.constant 0 : i32
      %dma_start3A_100 = tpu.memref_slice %arg2[%run_scoped3A_7, %dma_start3A_98, %dma_start3A_99] : memref<2x10240x32xf32, #tpu.memory_space<hbm>> -> memref<1x10240x32xf32, #tpu.memory_space<hbm>>
      %dma_start3A_101 = tpu.memref_squeeze %dma_start3A_100 : memref<1x10240x32xf32, #tpu.memory_space<hbm>> -> memref<10240x32xf32, #tpu.memory_space<hbm>>
      %dma_start3A_102 = arith.constant 0 : i32
      %dma_start3A_103 = tpu.memref_slice %dma_start3A_101[%add3A_6, %dma_start3A_102] : memref<10240x32xf32, #tpu.memory_space<hbm>> -> memref<128x32xf32, #tpu.memory_space<hbm>>
      tpu.enqueue_dma source(%dma_start3A_103 : memref<128x32xf32, #tpu.memory_space<hbm>>) target(%arg16 : memref<128x32xf32, #tpu.memory_space<vmem>>) target_semaphore(%run_scoped3A_92 : memref<!tpu.dma_semaphore, #tpu.memory_space<semaphore_mem>>)
      %dma_wait3A = arith.constant 0 : i32
      %dma_wait3A_104 = arith.constant 0 : i32
      %dma_wait3A_105 = tpu.memref_slice %arg2[%run_scoped3A_7, %dma_wait3A, %dma_wait3A_104] : memref<2x10240x32xf32, #tpu.memory_space<hbm>> -> memref<1x10240x32xf32, #tpu.memory_space<hbm>>
      %dma_wait3A_106 = tpu.memref_squeeze %dma_wait3A_105 : memref<1x10240x32xf32, #tpu.memory_space<hbm>> -> memref<10240x32xf32, #tpu.memory_space<hbm>>
      %dma_wait3A_107 = arith.constant 0 : i32
      %dma_wait3A_108 = tpu.memref_slice %dma_wait3A_106[%add3A_6, %dma_wait3A_107] : memref<10240x32xf32, #tpu.memory_space<hbm>> -> memref<128x32xf32, #tpu.memory_space<hbm>>
      %dma_wait3A_109 = arith.constant 0 : i32
      %dma_wait3A_110 = arith.constant 0 : i32
      %dma_wait3A_111 = tpu.memref_slice %arg2[%run_scoped3A_7, %dma_wait3A_109, %dma_wait3A_110] : memref<2x10240x32xf32, #tpu.memory_space<hbm>> -> memref<1x10240x32xf32, #tpu.memory_space<hbm>>
      %dma_wait3A_112 = tpu.memref_squeeze %dma_wait3A_111 : memref<1x10240x32xf32, #tpu.memory_space<hbm>> -> memref<10240x32xf32, #tpu.memory_space<hbm>>
      %dma_wait3A_113 = arith.constant 0 : i32
      %dma_wait3A_114 = tpu.memref_slice %dma_wait3A_112[%add3A_6, %dma_wait3A_113] : memref<10240x32xf32, #tpu.memory_space<hbm>> -> memref<128x32xf32, #tpu.memory_space<hbm>>
      tpu.wait_dma2 semaphore(%run_scoped3A_92 : memref<!tpu.dma_semaphore, #tpu.memory_space<semaphore_mem>>) src(%dma_wait3A_114 : memref<128x32xf32, #tpu.memory_space<hbm>>) dst(%arg16 : memref<128x32xf32, #tpu.memory_space<vmem>>)
      tpu.yield
    }) : () -> ()
    "tpu.region"() ({
      %run_scoped3A_92 = tpu.sem_alloc : memref<!tpu.dma_semaphore, #tpu.memory_space<semaphore_mem>>
      %dma_start3A = arith.constant 0 : i32
      %dma_start3A_93 = tpu.memref_slice %arg4[%add3A_6, %dma_start3A] : memref<10240x32xf32, #tpu.memory_space<hbm>> -> memref<128x32xf32, #tpu.memory_space<hbm>>
      %dma_start3A_94 = arith.constant 0 : i32
      %dma_start3A_95 = tpu.memref_slice %arg4[%add3A_6, %dma_start3A_94] : memref<10240x32xf32, #tpu.memory_space<hbm>> -> memref<128x32xf32, #tpu.memory_space<hbm>>
      tpu.enqueue_dma source(%dma_start3A_95 : memref<128x32xf32, #tpu.memory_space<hbm>>) target(%arg17 : memref<128x32xf32, #tpu.memory_space<vmem>>) target_semaphore(%run_scoped3A_92 : memref<!tpu.dma_semaphore, #tpu.memory_space<semaphore_mem>>)
      %dma_wait3A = arith.constant 0 : i32
      %dma_wait3A_96 = tpu.memref_slice %arg4[%add3A_6, %dma_wait3A] : memref<10240x32xf32, #tpu.memory_space<hbm>> -> memref<128x32xf32, #tpu.memory_space<hbm>>
      %dma_wait3A_97 = arith.constant 0 : i32
      %dma_wait3A_98 = tpu.memref_slice %arg4[%add3A_6, %dma_wait3A_97] : memref<10240x32xf32, #tpu.memory_space<hbm>> -> memref<128x32xf32, #tpu.memory_space<hbm>>
      tpu.wait_dma2 semaphore(%run_scoped3A_92 : memref<!tpu.dma_semaphore, #tpu.memory_space<semaphore_mem>>) src(%dma_wait3A_98 : memref<128x32xf32, #tpu.memory_space<hbm>>) dst(%arg17 : memref<128x32xf32, #tpu.memory_space<vmem>>)
      tpu.yield
    }) : () -> ()
    %run_scoped3A_8 = arith.constant 0 : i32
    "tpu.region"() ({
      %run_scoped3A_92 = tpu.sem_alloc : memref<!tpu.dma_semaphore, #tpu.memory_space<semaphore_mem>>
      %dma_start3A = arith.constant 0 : i32
      %dma_start3A_93 = arith.constant 0 : i32
      %dma_start3A_94 = tpu.memref_slice %arg3[%run_scoped3A_8, %dma_start3A, %dma_start3A_93] : memref<2x10240x16xf32, #tpu.memory_space<hbm>> -> memref<1x10240x16xf32, #tpu.memory_space<hbm>>
      %dma_start3A_95 = tpu.memref_squeeze %dma_start3A_94 : memref<1x10240x16xf32, #tpu.memory_space<hbm>> -> memref<10240x16xf32, #tpu.memory_space<hbm>>
      %dma_start3A_96 = arith.constant 0 : i32
      %dma_start3A_97 = tpu.memref_slice %dma_start3A_95[%add3A_6, %dma_start3A_96] : memref<10240x16xf32, #tpu.memory_space<hbm>> -> memref<128x16xf32, #tpu.memory_space<hbm>>
      %dma_start3A_98 = arith.constant 0 : i32
      %dma_start3A_99 = arith.constant 0 : i32
      %dma_start3A_100 = tpu.memref_slice %arg3[%run_scoped3A_8, %dma_start3A_98, %dma_start3A_99] : memref<2x10240x16xf32, #tpu.memory_space<hbm>> -> memref<1x10240x16xf32, #tpu.memory_space<hbm>>
      %dma_start3A_101 = tpu.memref_squeeze %dma_start3A_100 : memref<1x10240x16xf32, #tpu.memory_space<hbm>> -> memref<10240x16xf32, #tpu.memory_space<hbm>>
      %dma_start3A_102 = arith.constant 0 : i32
      %dma_start3A_103 = tpu.memref_slice %dma_start3A_101[%add3A_6, %dma_start3A_102] : memref<10240x16xf32, #tpu.memory_space<hbm>> -> memref<128x16xf32, #tpu.memory_space<hbm>>
      tpu.enqueue_dma source(%dma_start3A_103 : memref<128x16xf32, #tpu.memory_space<hbm>>) target(%arg18 : memref<128x16xf32, #tpu.memory_space<vmem>>) target_semaphore(%run_scoped3A_92 : memref<!tpu.dma_semaphore, #tpu.memory_space<semaphore_mem>>)
      %dma_wait3A = arith.constant 0 : i32
      %dma_wait3A_104 = arith.constant 0 : i32
      %dma_wait3A_105 = tpu.memref_slice %arg3[%run_scoped3A_8, %dma_wait3A, %dma_wait3A_104] : memref<2x10240x16xf32, #tpu.memory_space<hbm>> -> memref<1x10240x16xf32, #tpu.memory_space<hbm>>
      %dma_wait3A_106 = tpu.memref_squeeze %dma_wait3A_105 : memref<1x10240x16xf32, #tpu.memory_space<hbm>> -> memref<10240x16xf32, #tpu.memory_space<hbm>>
      %dma_wait3A_107 = arith.constant 0 : i32
      %dma_wait3A_108 = tpu.memref_slice %dma_wait3A_106[%add3A_6, %dma_wait3A_107] : memref<10240x16xf32, #tpu.memory_space<hbm>> -> memref<128x16xf32, #tpu.memory_space<hbm>>
      %dma_wait3A_109 = arith.constant 0 : i32
      %dma_wait3A_110 = arith.constant 0 : i32
      %dma_wait3A_111 = tpu.memref_slice %arg3[%run_scoped3A_8, %dma_wait3A_109, %dma_wait3A_110] : memref<2x10240x16xf32, #tpu.memory_space<hbm>> -> memref<1x10240x16xf32, #tpu.memory_space<hbm>>
      %dma_wait3A_112 = tpu.memref_squeeze %dma_wait3A_111 : memref<1x10240x16xf32, #tpu.memory_space<hbm>> -> memref<10240x16xf32, #tpu.memory_space<hbm>>
      %dma_wait3A_113 = arith.constant 0 : i32
      %dma_wait3A_114 = tpu.memref_slice %dma_wait3A_112[%add3A_6, %dma_wait3A_113] : memref<10240x16xf32, #tpu.memory_space<hbm>> -> memref<128x16xf32, #tpu.memory_space<hbm>>
      tpu.wait_dma2 semaphore(%run_scoped3A_92 : memref<!tpu.dma_semaphore, #tpu.memory_space<semaphore_mem>>) src(%dma_wait3A_114 : memref<128x16xf32, #tpu.memory_space<hbm>>) dst(%arg18 : memref<128x16xf32, #tpu.memory_space<vmem>>)
      tpu.yield
    }) : () -> ()
    %run_scoped3A_9 = arith.constant 1 : i32
    "tpu.region"() ({
      %run_scoped3A_92 = tpu.sem_alloc : memref<!tpu.dma_semaphore, #tpu.memory_space<semaphore_mem>>
      %dma_start3A = arith.constant 0 : i32
      %dma_start3A_93 = arith.constant 0 : i32
      %dma_start3A_94 = tpu.memref_slice %arg3[%run_scoped3A_9, %dma_start3A, %dma_start3A_93] : memref<2x10240x16xf32, #tpu.memory_space<hbm>> -> memref<1x10240x16xf32, #tpu.memory_space<hbm>>
      %dma_start3A_95 = tpu.memref_squeeze %dma_start3A_94 : memref<1x10240x16xf32, #tpu.memory_space<hbm>> -> memref<10240x16xf32, #tpu.memory_space<hbm>>
      %dma_start3A_96 = arith.constant 0 : i32
      %dma_start3A_97 = tpu.memref_slice %dma_start3A_95[%add3A_6, %dma_start3A_96] : memref<10240x16xf32, #tpu.memory_space<hbm>> -> memref<128x16xf32, #tpu.memory_space<hbm>>
      %dma_start3A_98 = arith.constant 0 : i32
      %dma_start3A_99 = arith.constant 0 : i32
      %dma_start3A_100 = tpu.memref_slice %arg3[%run_scoped3A_9, %dma_start3A_98, %dma_start3A_99] : memref<2x10240x16xf32, #tpu.memory_space<hbm>> -> memref<1x10240x16xf32, #tpu.memory_space<hbm>>
      %dma_start3A_101 = tpu.memref_squeeze %dma_start3A_100 : memref<1x10240x16xf32, #tpu.memory_space<hbm>> -> memref<10240x16xf32, #tpu.memory_space<hbm>>
      %dma_start3A_102 = arith.constant 0 : i32
      %dma_start3A_103 = tpu.memref_slice %dma_start3A_101[%add3A_6, %dma_start3A_102] : memref<10240x16xf32, #tpu.memory_space<hbm>> -> memref<128x16xf32, #tpu.memory_space<hbm>>
      tpu.enqueue_dma source(%dma_start3A_103 : memref<128x16xf32, #tpu.memory_space<hbm>>) target(%arg19 : memref<128x16xf32, #tpu.memory_space<vmem>>) target_semaphore(%run_scoped3A_92 : memref<!tpu.dma_semaphore, #tpu.memory_space<semaphore_mem>>)
      %dma_wait3A = arith.constant 0 : i32
      %dma_wait3A_104 = arith.constant 0 : i32
      %dma_wait3A_105 = tpu.memref_slice %arg3[%run_scoped3A_9, %dma_wait3A, %dma_wait3A_104] : memref<2x10240x16xf32, #tpu.memory_space<hbm>> -> memref<1x10240x16xf32, #tpu.memory_space<hbm>>
      %dma_wait3A_106 = tpu.memref_squeeze %dma_wait3A_105 : memref<1x10240x16xf32, #tpu.memory_space<hbm>> -> memref<10240x16xf32, #tpu.memory_space<hbm>>
      %dma_wait3A_107 = arith.constant 0 : i32
      %dma_wait3A_108 = tpu.memref_slice %dma_wait3A_106[%add3A_6, %dma_wait3A_107] : memref<10240x16xf32, #tpu.memory_space<hbm>> -> memref<128x16xf32, #tpu.memory_space<hbm>>
      %dma_wait3A_109 = arith.constant 0 : i32
      %dma_wait3A_110 = arith.constant 0 : i32
      %dma_wait3A_111 = tpu.memref_slice %arg3[%run_scoped3A_9, %dma_wait3A_109, %dma_wait3A_110] : memref<2x10240x16xf32, #tpu.memory_space<hbm>> -> memref<1x10240x16xf32, #tpu.memory_space<hbm>>
      %dma_wait3A_112 = tpu.memref_squeeze %dma_wait3A_111 : memref<1x10240x16xf32, #tpu.memory_space<hbm>> -> memref<10240x16xf32, #tpu.memory_space<hbm>>
      %dma_wait3A_113 = arith.constant 0 : i32
      %dma_wait3A_114 = tpu.memref_slice %dma_wait3A_112[%add3A_6, %dma_wait3A_113] : memref<10240x16xf32, #tpu.memory_space<hbm>> -> memref<128x16xf32, #tpu.memory_space<hbm>>
      tpu.wait_dma2 semaphore(%run_scoped3A_92 : memref<!tpu.dma_semaphore, #tpu.memory_space<semaphore_mem>>) src(%dma_wait3A_114 : memref<128x16xf32, #tpu.memory_space<hbm>>) dst(%arg19 : memref<128x16xf32, #tpu.memory_space<vmem>>)
      tpu.yield
    }) : () -> ()
    %scan3A = arith.constant 0 : i32
    %scan3A_10 = arith.constant 0 : i32
    %scan3A_11 = arith.constant 128 : i32
    %scan3A_12 = arith.addi %scan3A_10, %scan3A_11 : i32
    %scan3A_13 = arith.constant 1 : i32
    scf.for %scan3A_92 = %scan3A_10 to %scan3A_12 step %scan3A_13  : i32 {
      %get3A = arith.index_cast %scan3A_92 : i32 to index
      %get3A_93 = arith.constant 0 : index
      %get3A_94 = tpu.vector_load %arg18[%get3A, %get3A_93] {strides = array<i32>} : memref<128x16xf32, #tpu.memory_space<vmem>>, vector<1x16xf32>,
      %get3A_95 = vector.shape_cast %get3A_94 : vector<1x16xf32> to vector<16xf32>
      %get3A_96 = arith.index_cast %scan3A_92 : i32 to index
      %get3A_97 = arith.constant 0 : index
      %get3A_98 = tpu.vector_load %arg19[%get3A_96, %get3A_97] {strides = array<i32>} : memref<128x16xf32, #tpu.memory_space<vmem>>, vector<1x16xf32>,
      %get3A_99 = vector.shape_cast %get3A_98 : vector<1x16xf32> to vector<16xf32>
      %add3A_100 = arith.addf %get3A_95, %get3A_99 : vector<16xf32>
      %add3A_101 = arith.constant 1.000000e+00 : f32
      %add3A_102 = vector.broadcast %add3A_101 : f32 to vector<16xf32>
      %add3A_103 = arith.addf %add3A_100, %add3A_102 : vector<16xf32>
      %div3A = arith.constant 1.000000e+00 : f32
      %div3A_104 = vector.broadcast %div3A : f32 to vector<16xf32>
      %div3A_105 = arith.divf %div3A_104, %add3A_103 : vector<16xf32>
      %get3A_106 = arith.index_cast %scan3A_92 : i32 to index
      %get3A_107 = arith.constant 0 : index
      %get3A_108 = tpu.vector_load %arg15[%get3A_106, %get3A_107] {strides = array<i32>} : memref<128x32xf32, #tpu.memory_space<vmem>>, vector<1x16xf32>,
      %get3A_109 = vector.shape_cast %get3A_108 : vector<1x16xf32> to vector<16xf32>
      %get3A_110 = arith.index_cast %scan3A_92 : i32 to index
      %get3A_111 = arith.constant 0 : index
      %get3A_112 = tpu.vector_load %arg16[%get3A_110, %get3A_111] {strides = array<i32>} : memref<128x32xf32, #tpu.memory_space<vmem>>, vector<1x16xf32>,
      %get3A_113 = vector.shape_cast %get3A_112 : vector<1x16xf32> to vector<16xf32>
      %add3A_114 = arith.addf %get3A_109, %get3A_113 : vector<16xf32>
      %get3A_115 = arith.index_cast %scan3A_92 : i32 to index
      %get3A_116 = arith.constant 0 : index
      %get3A_117 = tpu.vector_load %arg17[%get3A_115, %get3A_116] {strides = array<i32>} : memref<128x32xf32, #tpu.memory_space<vmem>>, vector<1x16xf32>,
      %get3A_118 = vector.shape_cast %get3A_117 : vector<1x16xf32> to vector<16xf32>
      %sub3A = arith.subf %add3A_114, %get3A_118 : vector<16xf32>
      %mul3A_119 = arith.mulf %sub3A, %div3A_105 : vector<16xf32>
      %get3A_120 = arith.constant 0 : index
      %get3A_121 = tpu.vector_load %arg20[%get3A_120] {strides = array<i32>} : memref<32xf32, #tpu.memory_space<vmem>>, vector<16xf32>,
      %get3A_122 = vector.shape_cast %get3A_121 : vector<16xf32> to vector<16xf32>
      %add3A_123 = arith.addf %mul3A_119, %get3A_122 : vector<16xf32>
      %max3A = arith.constant 0.000000e+00 : f32
      %max3A_124 = vector.broadcast %max3A : f32 to vector<16xf32>
      %max3A_125 = arith.maximumf %add3A_123, %max3A_124 : vector<16xf32>
      %swap3A = arith.index_cast %scan3A_92 : i32 to index
      %swap3A_126 = arith.constant 0 : index
      %swap3A_127 = tpu.vector_load %arg15[%swap3A, %swap3A_126] {strides = array<i32>} : memref<128x32xf32, #tpu.memory_space<vmem>>, vector<1x16xf32>,
      %swap3A_128 = vector.shape_cast %swap3A_127 : vector<1x16xf32> to vector<16xf32>
      %swap3A_129 = vector.shape_cast %max3A_125 : vector<16xf32> to vector<1x16xf32>
      tpu.vector_store %arg15[%swap3A, %swap3A_126], %swap3A_129 {strides = array<i32>} : memref<128x32xf32, #tpu.memory_space<vmem>>, vector<1x16xf32>,
      %get3A_130 = arith.index_cast %scan3A_92 : i32 to index
      %get3A_131 = arith.constant 16 : index
      %get3A_132 = tpu.vector_load %arg15[%get3A_130, %get3A_131] {strides = array<i32>} : memref<128x32xf32, #tpu.memory_space<vmem>>, vector<1x16xf32>,
      %get3A_133 = vector.shape_cast %get3A_132 : vector<1x16xf32> to vector<16xf32>
      %get3A_134 = arith.index_cast %scan3A_92 : i32 to index
      %get3A_135 = arith.constant 16 : index
      %get3A_136 = tpu.vector_load %arg16[%get3A_134, %get3A_135] {strides = array<i32>} : memref<128x32xf32, #tpu.memory_space<vmem>>, vector<1x16xf32>,
      %get3A_137 = vector.shape_cast %get3A_136 : vector<1x16xf32> to vector<16xf32>
      %add3A_138 = arith.addf %get3A_133, %get3A_137 : vector<16xf32>
      %get3A_139 = arith.index_cast %scan3A_92 : i32 to index
      %get3A_140 = arith.constant 16 : index
      %get3A_141 = tpu.vector_load %arg17[%get3A_139, %get3A_140] {strides = array<i32>} : memref<128x32xf32, #tpu.memory_space<vmem>>, vector<1x16xf32>,
      %get3A_142 = vector.shape_cast %get3A_141 : vector<1x16xf32> to vector<16xf32>
      %sub3A_143 = arith.subf %add3A_138, %get3A_142 : vector<16xf32>
      %mul3A_144 = arith.mulf %sub3A_143, %div3A_105 : vector<16xf32>
      %get3A_145 = arith.constant 16 : index
      %get3A_146 = tpu.vector_load %arg20[%get3A_145] {strides = array<i32>} : memref<32xf32, #tpu.memory_space<vmem>>, vector<16xf32>,
      %get3A_147 = vector.shape_cast %get3A_146 : vector<16xf32> to vector<16xf32>
      %add3A_148 = arith.addf %mul3A_144, %get3A_147 : vector<16xf32>
      %max3A_149 = arith.constant 0.000000e+00 : f32
      %max3A_150 = vector.broadcast %max3A_149 : f32 to vector<16xf32>
      %max3A_151 = arith.maximumf %add3A_148, %max3A_150 : vector<16xf32>
      %swap3A_152 = arith.index_cast %scan3A_92 : i32 to index
      %swap3A_153 = arith.constant 16 : index
      %swap3A_154 = tpu.vector_load %arg15[%swap3A_152, %swap3A_153] {strides = array<i32>} : memref<128x32xf32, #tpu.memory_space<vmem>>, vector<1x16xf32>,
      %swap3A_155 = vector.shape_cast %swap3A_154 : vector<1x16xf32> to vector<16xf32>
      %swap3A_156 = vector.shape_cast %max3A_151 : vector<16xf32> to vector<1x16xf32>
      tpu.vector_store %arg15[%swap3A_152, %swap3A_153], %swap3A_156 {strides = array<i32>} : memref<128x32xf32, #tpu.memory_space<vmem>>, vector<1x16xf32>,
    }
    %scan3A_14 = arith.constant 128 : i32
    "tpu.region"() ({
      %run_scoped3A_92 = tpu.sem_alloc : memref<!tpu.dma_semaphore, #tpu.memory_space<semaphore_mem>>
      %dma_start3A = arith.constant 0 : i32
      %dma_start3A_93 = tpu.memref_slice %arg11[%add3A_6, %dma_start3A] : memref<10240x32xf32, #tpu.memory_space<vmem_shared>> -> memref<128x32xf32, #tpu.memory_space<vmem_shared>>
      %dma_start3A_94 = arith.constant 0 : i32
      %dma_start3A_95 = tpu.memref_slice %arg11[%add3A_6, %dma_start3A_94] : memref<10240x32xf32, #tpu.memory_space<vmem_shared>> -> memref<128x32xf32, #tpu.memory_space<vmem_shared>>
      tpu.enqueue_dma source(%arg15 : memref<128x32xf32, #tpu.memory_space<vmem>>) target(%dma_start3A_95 : memref<128x32xf32, #tpu.memory_space<vmem_shared>>) target_semaphore(%run_scoped3A_92 : memref<!tpu.dma_semaphore, #tpu.memory_space<semaphore_mem>>)
      %dma_wait3A = arith.constant 0 : i32
      %dma_wait3A_96 = tpu.memref_slice %arg11[%add3A_6, %dma_wait3A] : memref<10240x32xf32, #tpu.memory_space<vmem_shared>> -> memref<128x32xf32, #tpu.memory_space<vmem_shared>>
      %dma_wait3A_97 = arith.constant 0 : i32
      %dma_wait3A_98 = tpu.memref_slice %arg11[%add3A_6, %dma_wait3A_97] : memref<10240x32xf32, #tpu.memory_space<vmem_shared>> -> memref<128x32xf32, #tpu.memory_space<vmem_shared>>
      tpu.wait_dma2 semaphore(%run_scoped3A_92 : memref<!tpu.dma_semaphore, #tpu.memory_space<semaphore_mem>>) src(%arg15 : memref<128x32xf32, #tpu.memory_space<vmem>>) dst(%dma_wait3A_98 : memref<128x32xf32, #tpu.memory_space<vmem_shared>>)
      tpu.yield
    }) : () -> ()
    "tpu.region"() ({
      %run_scoped3A_92 = tpu.sem_alloc : memref<!tpu.dma_semaphore, #tpu.memory_space<semaphore_mem>>
      %dma_start3A = arith.constant 0 : i32
      %dma_start3A_93 = tpu.memref_slice %arg10[%add3A_6, %dma_start3A] : memref<10240x32xf32, #tpu.memory_space<vmem_shared>> -> memref<128x32xf32, #tpu.memory_space<vmem_shared>>
      %dma_start3A_94 = arith.constant 0 : i32
      %dma_start3A_95 = tpu.memref_slice %arg10[%add3A_6, %dma_start3A_94] : memref<10240x32xf32, #tpu.memory_space<vmem_shared>> -> memref<128x32xf32, #tpu.memory_space<vmem_shared>>
      tpu.enqueue_dma source(%arg15 : memref<128x32xf32, #tpu.memory_space<vmem>>) target(%dma_start3A_95 : memref<128x32xf32, #tpu.memory_space<vmem_shared>>) target_semaphore(%run_scoped3A_92 : memref<!tpu.dma_semaphore, #tpu.memory_space<semaphore_mem>>)
      %dma_wait3A = arith.constant 0 : i32
      %dma_wait3A_96 = tpu.memref_slice %arg10[%add3A_6, %dma_wait3A] : memref<10240x32xf32, #tpu.memory_space<vmem_shared>> -> memref<128x32xf32, #tpu.memory_space<vmem_shared>>
      %dma_wait3A_97 = arith.constant 0 : i32
      %dma_wait3A_98 = tpu.memref_slice %arg10[%add3A_6, %dma_wait3A_97] : memref<10240x32xf32, #tpu.memory_space<vmem_shared>> -> memref<128x32xf32, #tpu.memory_space<vmem_shared>>
      tpu.wait_dma2 semaphore(%run_scoped3A_92 : memref<!tpu.dma_semaphore, #tpu.memory_space<semaphore_mem>>) src(%arg15 : memref<128x32xf32, #tpu.memory_space<vmem>>) dst(%dma_wait3A_98 : memref<128x32xf32, #tpu.memory_space<vmem_shared>>)
      tpu.yield
    }) : () -> ()
    %eq3A = arith.constant 0 : i32
    %eq3A_15 = arith.cmpi eq, %arg0, %eq3A : i32
    %convert_element_type3A = arith.extui %eq3A_15 : i1 to i32
    %cond3A = arith.constant 0 : i32
    %cond3A_16 = arith.cmpi ne, %convert_element_type3A, %cond3A : i32
    scf.if %cond3A_16 {
      "tpu.region"() ({
        %run_scoped3A_92 = tpu.sem_alloc : memref<!tpu.dma_semaphore, #tpu.memory_space<semaphore_mem>>
        %dma_start3A = arith.constant 0 : i32
        %dma_start3A_93 = tpu.memref_slice %arg9[%add3A_6, %dma_start3A] : memref<10240x32xf32, #tpu.memory_space<hbm>> -> memref<128x32xf32, #tpu.memory_space<hbm>>
        %dma_start3A_94 = arith.constant 0 : i32
        %dma_start3A_95 = tpu.memref_slice %arg9[%add3A_6, %dma_start3A_94] : memref<10240x32xf32, #tpu.memory_space<hbm>> -> memref<128x32xf32, #tpu.memory_space<hbm>>
        tpu.enqueue_dma source(%arg15 : memref<128x32xf32, #tpu.memory_space<vmem>>) target(%dma_start3A_95 : memref<128x32xf32, #tpu.memory_space<hbm>>) target_semaphore(%run_scoped3A_92 : memref<!tpu.dma_semaphore, #tpu.memory_space<semaphore_mem>>)
        %dma_wait3A = arith.constant 0 : i32
        %dma_wait3A_96 = tpu.memref_slice %arg9[%add3A_6, %dma_wait3A] : memref<10240x32xf32, #tpu.memory_space<hbm>> -> memref<128x32xf32, #tpu.memory_space<hbm>>
        %dma_wait3A_97 = arith.constant 0 : i32
        %dma_wait3A_98 = tpu.memref_slice %arg9[%add3A_6, %dma_wait3A_97] : memref<10240x32xf32, #tpu.memory_space<hbm>> -> memref<128x32xf32, #tpu.memory_space<hbm>>
        tpu.wait_dma2 semaphore(%run_scoped3A_92 : memref<!tpu.dma_semaphore, #tpu.memory_space<semaphore_mem>>) src(%arg15 : memref<128x32xf32, #tpu.memory_space<vmem>>) dst(%dma_wait3A_98 : memref<128x32xf32, #tpu.memory_space<hbm>>)
        tpu.yield
      }) : () -> ()
    } else {
    }
    %add3A_17 = arith.constant 128 : i32
    %add3A_18 = arith.addi %mul3A_0, %add3A_17 : i32
    %run_scoped3A_19 = arith.constant 0 : i32
    "tpu.region"() ({
      %run_scoped3A_92 = tpu.sem_alloc : memref<!tpu.dma_semaphore, #tpu.memory_space<semaphore_mem>>
      %dma_start3A = arith.constant 0 : i32
      %dma_start3A_93 = arith.constant 0 : i32
      %dma_start3A_94 = tpu.memref_slice %arg2[%run_scoped3A_19, %dma_start3A, %dma_start3A_93] : memref<2x10240x32xf32, #tpu.memory_space<hbm>> -> memref<1x10240x32xf32, #tpu.memory_space<hbm>>
      %dma_start3A_95 = tpu.memref_squeeze %dma_start3A_94 : memref<1x10240x32xf32, #tpu.memory_space<hbm>> -> memref<10240x32xf32, #tpu.memory_space<hbm>>
      %dma_start3A_96 = arith.constant 0 : i32
      %dma_start3A_97 = tpu.memref_slice %dma_start3A_95[%add3A_18, %dma_start3A_96] : memref<10240x32xf32, #tpu.memory_space<hbm>> -> memref<128x32xf32, #tpu.memory_space<hbm>>
      %dma_start3A_98 = arith.constant 0 : i32
      %dma_start3A_99 = arith.constant 0 : i32
      %dma_start3A_100 = tpu.memref_slice %arg2[%run_scoped3A_19, %dma_start3A_98, %dma_start3A_99] : memref<2x10240x32xf32, #tpu.memory_space<hbm>> -> memref<1x10240x32xf32, #tpu.memory_space<hbm>>
      %dma_start3A_101 = tpu.memref_squeeze %dma_start3A_100 : memref<1x10240x32xf32, #tpu.memory_space<hbm>> -> memref<10240x32xf32, #tpu.memory_space<hbm>>
      %dma_start3A_102 = arith.constant 0 : i32
      %dma_start3A_103 = tpu.memref_slice %dma_start3A_101[%add3A_18, %dma_start3A_102] : memref<10240x32xf32, #tpu.memory_space<hbm>> -> memref<128x32xf32, #tpu.memory_space<hbm>>
      tpu.enqueue_dma source(%dma_start3A_103 : memref<128x32xf32, #tpu.memory_space<hbm>>) target(%arg15 : memref<128x32xf32, #tpu.memory_space<vmem>>) target_semaphore(%run_scoped3A_92 : memref<!tpu.dma_semaphore, #tpu.memory_space<semaphore_mem>>)
      %dma_wait3A = arith.constant 0 : i32
      %dma_wait3A_104 = arith.constant 0 : i32
      %dma_wait3A_105 = tpu.memref_slice %arg2[%run_scoped3A_19, %dma_wait3A, %dma_wait3A_104] : memref<2x10240x32xf32, #tpu.memory_space<hbm>> -> memref<1x10240x32xf32, #tpu.memory_space<hbm>>
      %dma_wait3A_106 = tpu.memref_squeeze %dma_wait3A_105 : memref<1x10240x32xf32, #tpu.memory_space<hbm>> -> memref<10240x32xf32, #tpu.memory_space<hbm>>
      %dma_wait3A_107 = arith.constant 0 : i32
      %dma_wait3A_108 = tpu.memref_slice %dma_wait3A_106[%add3A_18, %dma_wait3A_107] : memref<10240x32xf32, #tpu.memory_space<hbm>> -> memref<128x32xf32, #tpu.memory_space<hbm>>
      %dma_wait3A_109 = arith.constant 0 : i32
      %dma_wait3A_110 = arith.constant 0 : i32
      %dma_wait3A_111 = tpu.memref_slice %arg2[%run_scoped3A_19, %dma_wait3A_109, %dma_wait3A_110] : memref<2x10240x32xf32, #tpu.memory_space<hbm>> -> memref<1x10240x32xf32, #tpu.memory_space<hbm>>
      %dma_wait3A_112 = tpu.memref_squeeze %dma_wait3A_111 : memref<1x10240x32xf32, #tpu.memory_space<hbm>> -> memref<10240x32xf32, #tpu.memory_space<hbm>>
      %dma_wait3A_113 = arith.constant 0 : i32
      %dma_wait3A_114 = tpu.memref_slice %dma_wait3A_112[%add3A_18, %dma_wait3A_113] : memref<10240x32xf32, #tpu.memory_space<hbm>> -> memref<128x32xf32, #tpu.memory_space<hbm>>
      tpu.wait_dma2 semaphore(%run_scoped3A_92 : memref<!tpu.dma_semaphore, #tpu.memory_space<semaphore_mem>>) src(%dma_wait3A_114 : memref<128x32xf32, #tpu.memory_space<hbm>>) dst(%arg15 : memref<128x32xf32, #tpu.memory_space<vmem>>)
      tpu.yield
    }) : () -> ()
    %run_scoped3A_20 = arith.constant 1 : i32
    "tpu.region"() ({
      %run_scoped3A_92 = tpu.sem_alloc : memref<!tpu.dma_semaphore, #tpu.memory_space<semaphore_mem>>
      %dma_start3A = arith.constant 0 : i32
      %dma_start3A_93 = arith.constant 0 : i32
      %dma_start3A_94 = tpu.memref_slice %arg2[%run_scoped3A_20, %dma_start3A, %dma_start3A_93] : memref<2x10240x32xf32, #tpu.memory_space<hbm>> -> memref<1x10240x32xf32, #tpu.memory_space<hbm>>
      %dma_start3A_95 = tpu.memref_squeeze %dma_start3A_94 : memref<1x10240x32xf32, #tpu.memory_space<hbm>> -> memref<10240x32xf32, #tpu.memory_space<hbm>>
      %dma_start3A_96 = arith.constant 0 : i32
      %dma_start3A_97 = tpu.memref_slice %dma_start3A_95[%add3A_18, %dma_start3A_96] : memref<10240x32xf32, #tpu.memory_space<hbm>> -> memref<128x32xf32, #tpu.memory_space<hbm>>
      %dma_start3A_98 = arith.constant 0 : i32
      %dma_start3A_99 = arith.constant 0 : i32
      %dma_start3A_100 = tpu.memref_slice %arg2[%run_scoped3A_20, %dma_start3A_98, %dma_start3A_99] : memref<2x10240x32xf32, #tpu.memory_space<hbm>> -> memref<1x10240x32xf32, #tpu.memory_space<hbm>>
      %dma_start3A_101 = tpu.memref_squeeze %dma_start3A_100 : memref<1x10240x32xf32, #tpu.memory_space<hbm>> -> memref<10240x32xf32, #tpu.memory_space<hbm>>
      %dma_start3A_102 = arith.constant 0 : i32
      %dma_start3A_103 = tpu.memref_slice %dma_start3A_101[%add3A_18, %dma_start3A_102] : memref<10240x32xf32, #tpu.memory_space<hbm>> -> memref<128x32xf32, #tpu.memory_space<hbm>>
      tpu.enqueue_dma source(%dma_start3A_103 : memref<128x32xf32, #tpu.memory_space<hbm>>) target(%arg16 : memref<128x32xf32, #tpu.memory_space<vmem>>) target_semaphore(%run_scoped3A_92 : memref<!tpu.dma_semaphore, #tpu.memory_space<semaphore_mem>>)
      %dma_wait3A = arith.constant 0 : i32
      %dma_wait3A_104 = arith.constant 0 : i32
      %dma_wait3A_105 = tpu.memref_slice %arg2[%run_scoped3A_20, %dma_wait3A, %dma_wait3A_104] : memref<2x10240x32xf32, #tpu.memory_space<hbm>> -> memref<1x10240x32xf32, #tpu.memory_space<hbm>>
      %dma_wait3A_106 = tpu.memref_squeeze %dma_wait3A_105 : memref<1x10240x32xf32, #tpu.memory_space<hbm>> -> memref<10240x32xf32, #tpu.memory_space<hbm>>
      %dma_wait3A_107 = arith.constant 0 : i32
      %dma_wait3A_108 = tpu.memref_slice %dma_wait3A_106[%add3A_18, %dma_wait3A_107] : memref<10240x32xf32, #tpu.memory_space<hbm>> -> memref<128x32xf32, #tpu.memory_space<hbm>>
      %dma_wait3A_109 = arith.constant 0 : i32
      %dma_wait3A_110 = arith.constant 0 : i32
      %dma_wait3A_111 = tpu.memref_slice %arg2[%run_scoped3A_20, %dma_wait3A_109, %dma_wait3A_110] : memref<2x10240x32xf32, #tpu.memory_space<hbm>> -> memref<1x10240x32xf32, #tpu.memory_space<hbm>>
      %dma_wait3A_112 = tpu.memref_squeeze %dma_wait3A_111 : memref<1x10240x32xf32, #tpu.memory_space<hbm>> -> memref<10240x32xf32, #tpu.memory_space<hbm>>
      %dma_wait3A_113 = arith.constant 0 : i32
      %dma_wait3A_114 = tpu.memref_slice %dma_wait3A_112[%add3A_18, %dma_wait3A_113] : memref<10240x32xf32, #tpu.memory_space<hbm>> -> memref<128x32xf32, #tpu.memory_space<hbm>>
      tpu.wait_dma2 semaphore(%run_scoped3A_92 : memref<!tpu.dma_semaphore, #tpu.memory_space<semaphore_mem>>) src(%dma_wait3A_114 : memref<128x32xf32, #tpu.memory_space<hbm>>) dst(%arg16 : memref<128x32xf32, #tpu.memory_space<vmem>>)
      tpu.yield
    }) : () -> ()
    "tpu.region"() ({
      %run_scoped3A_92 = tpu.sem_alloc : memref<!tpu.dma_semaphore, #tpu.memory_space<semaphore_mem>>
      %dma_start3A = arith.constant 0 : i32
      %dma_start3A_93 = tpu.memref_slice %arg4[%add3A_18, %dma_start3A] : memref<10240x32xf32, #tpu.memory_space<hbm>> -> memref<128x32xf32, #tpu.memory_space<hbm>>
      %dma_start3A_94 = arith.constant 0 : i32
      %dma_start3A_95 = tpu.memref_slice %arg4[%add3A_18, %dma_start3A_94] : memref<10240x32xf32, #tpu.memory_space<hbm>> -> memref<128x32xf32, #tpu.memory_space<hbm>>
      tpu.enqueue_dma source(%dma_start3A_95 : memref<128x32xf32, #tpu.memory_space<hbm>>) target(%arg17 : memref<128x32xf32, #tpu.memory_space<vmem>>) target_semaphore(%run_scoped3A_92 : memref<!tpu.dma_semaphore, #tpu.memory_space<semaphore_mem>>)
      %dma_wait3A = arith.constant 0 : i32
      %dma_wait3A_96 = tpu.memref_slice %arg4[%add3A_18, %dma_wait3A] : memref<10240x32xf32, #tpu.memory_space<hbm>> -> memref<128x32xf32, #tpu.memory_space<hbm>>
      %dma_wait3A_97 = arith.constant 0 : i32
      %dma_wait3A_98 = tpu.memref_slice %arg4[%add3A_18, %dma_wait3A_97] : memref<10240x32xf32, #tpu.memory_space<hbm>> -> memref<128x32xf32, #tpu.memory_space<hbm>>
      tpu.wait_dma2 semaphore(%run_scoped3A_92 : memref<!tpu.dma_semaphore, #tpu.memory_space<semaphore_mem>>) src(%dma_wait3A_98 : memref<128x32xf32, #tpu.memory_space<hbm>>) dst(%arg17 : memref<128x32xf32, #tpu.memory_space<vmem>>)
      tpu.yield
    }) : () -> ()
    %run_scoped3A_21 = arith.constant 0 : i32
    "tpu.region"() ({
      %run_scoped3A_92 = tpu.sem_alloc : memref<!tpu.dma_semaphore, #tpu.memory_space<semaphore_mem>>
      %dma_start3A = arith.constant 0 : i32
      %dma_start3A_93 = arith.constant 0 : i32
      %dma_start3A_94 = tpu.memref_slice %arg3[%run_scoped3A_21, %dma_start3A, %dma_start3A_93] : memref<2x10240x16xf32, #tpu.memory_space<hbm>> -> memref<1x10240x16xf32, #tpu.memory_space<hbm>>
      %dma_start3A_95 = tpu.memref_squeeze %dma_start3A_94 : memref<1x10240x16xf32, #tpu.memory_space<hbm>> -> memref<10240x16xf32, #tpu.memory_space<hbm>>
      %dma_start3A_96 = arith.constant 0 : i32
      %dma_start3A_97 = tpu.memref_slice %dma_start3A_95[%add3A_18, %dma_start3A_96] : memref<10240x16xf32, #tpu.memory_space<hbm>> -> memref<128x16xf32, #tpu.memory_space<hbm>>
      %dma_start3A_98 = arith.constant 0 : i32
      %dma_start3A_99 = arith.constant 0 : i32
      %dma_start3A_100 = tpu.memref_slice %arg3[%run_scoped3A_21, %dma_start3A_98, %dma_start3A_99] : memref<2x10240x16xf32, #tpu.memory_space<hbm>> -> memref<1x10240x16xf32, #tpu.memory_space<hbm>>
      %dma_start3A_101 = tpu.memref_squeeze %dma_start3A_100 : memref<1x10240x16xf32, #tpu.memory_space<hbm>> -> memref<10240x16xf32, #tpu.memory_space<hbm>>
      %dma_start3A_102 = arith.constant 0 : i32
      %dma_start3A_103 = tpu.memref_slice %dma_start3A_101[%add3A_18, %dma_start3A_102] : memref<10240x16xf32, #tpu.memory_space<hbm>> -> memref<128x16xf32, #tpu.memory_space<hbm>>
      tpu.enqueue_dma source(%dma_start3A_103 : memref<128x16xf32, #tpu.memory_space<hbm>>) target(%arg18 : memref<128x16xf32, #tpu.memory_space<vmem>>) target_semaphore(%run_scoped3A_92 : memref<!tpu.dma_semaphore, #tpu.memory_space<semaphore_mem>>)
      %dma_wait3A = arith.constant 0 : i32
      %dma_wait3A_104 = arith.constant 0 : i32
      %dma_wait3A_105 = tpu.memref_slice %arg3[%run_scoped3A_21, %dma_wait3A, %dma_wait3A_104] : memref<2x10240x16xf32, #tpu.memory_space<hbm>> -> memref<1x10240x16xf32, #tpu.memory_space<hbm>>
      %dma_wait3A_106 = tpu.memref_squeeze %dma_wait3A_105 : memref<1x10240x16xf32, #tpu.memory_space<hbm>> -> memref<10240x16xf32, #tpu.memory_space<hbm>>
      %dma_wait3A_107 = arith.constant 0 : i32
      %dma_wait3A_108 = tpu.memref_slice %dma_wait3A_106[%add3A_18, %dma_wait3A_107] : memref<10240x16xf32, #tpu.memory_space<hbm>> -> memref<128x16xf32, #tpu.memory_space<hbm>>
      %dma_wait3A_109 = arith.constant 0 : i32
      %dma_wait3A_110 = arith.constant 0 : i32
      %dma_wait3A_111 = tpu.memref_slice %arg3[%run_scoped3A_21, %dma_wait3A_109, %dma_wait3A_110] : memref<2x10240x16xf32, #tpu.memory_space<hbm>> -> memref<1x10240x16xf32, #tpu.memory_space<hbm>>
      %dma_wait3A_112 = tpu.memref_squeeze %dma_wait3A_111 : memref<1x10240x16xf32, #tpu.memory_space<hbm>> -> memref<10240x16xf32, #tpu.memory_space<hbm>>
      %dma_wait3A_113 = arith.constant 0 : i32
      %dma_wait3A_114 = tpu.memref_slice %dma_wait3A_112[%add3A_18, %dma_wait3A_113] : memref<10240x16xf32, #tpu.memory_space<hbm>> -> memref<128x16xf32, #tpu.memory_space<hbm>>
      tpu.wait_dma2 semaphore(%run_scoped3A_92 : memref<!tpu.dma_semaphore, #tpu.memory_space<semaphore_mem>>) src(%dma_wait3A_114 : memref<128x16xf32, #tpu.memory_space<hbm>>) dst(%arg18 : memref<128x16xf32, #tpu.memory_space<vmem>>)
      tpu.yield
    }) : () -> ()
    %run_scoped3A_22 = arith.constant 1 : i32
    "tpu.region"() ({
      %run_scoped3A_92 = tpu.sem_alloc : memref<!tpu.dma_semaphore, #tpu.memory_space<semaphore_mem>>
      %dma_start3A = arith.constant 0 : i32
      %dma_start3A_93 = arith.constant 0 : i32
      %dma_start3A_94 = tpu.memref_slice %arg3[%run_scoped3A_22, %dma_start3A, %dma_start3A_93] : memref<2x10240x16xf32, #tpu.memory_space<hbm>> -> memref<1x10240x16xf32, #tpu.memory_space<hbm>>
      %dma_start3A_95 = tpu.memref_squeeze %dma_start3A_94 : memref<1x10240x16xf32, #tpu.memory_space<hbm>> -> memref<10240x16xf32, #tpu.memory_space<hbm>>
      %dma_start3A_96 = arith.constant 0 : i32
      %dma_start3A_97 = tpu.memref_slice %dma_start3A_95[%add3A_18, %dma_start3A_96] : memref<10240x16xf32, #tpu.memory_space<hbm>> -> memref<128x16xf32, #tpu.memory_space<hbm>>
      %dma_start3A_98 = arith.constant 0 : i32
      %dma_start3A_99 = arith.constant 0 : i32
      %dma_start3A_100 = tpu.memref_slice %arg3[%run_scoped3A_22, %dma_start3A_98, %dma_start3A_99] : memref<2x10240x16xf32, #tpu.memory_space<hbm>> -> memref<1x10240x16xf32, #tpu.memory_space<hbm>>
      %dma_start3A_101 = tpu.memref_squeeze %dma_start3A_100 : memref<1x10240x16xf32, #tpu.memory_space<hbm>> -> memref<10240x16xf32, #tpu.memory_space<hbm>>
      %dma_start3A_102 = arith.constant 0 : i32
      %dma_start3A_103 = tpu.memref_slice %dma_start3A_101[%add3A_18, %dma_start3A_102] : memref<10240x16xf32, #tpu.memory_space<hbm>> -> memref<128x16xf32, #tpu.memory_space<hbm>>
      tpu.enqueue_dma source(%dma_start3A_103 : memref<128x16xf32, #tpu.memory_space<hbm>>) target(%arg19 : memref<128x16xf32, #tpu.memory_space<vmem>>) target_semaphore(%run_scoped3A_92 : memref<!tpu.dma_semaphore, #tpu.memory_space<semaphore_mem>>)
      %dma_wait3A = arith.constant 0 : i32
      %dma_wait3A_104 = arith.constant 0 : i32
      %dma_wait3A_105 = tpu.memref_slice %arg3[%run_scoped3A_22, %dma_wait3A, %dma_wait3A_104] : memref<2x10240x16xf32, #tpu.memory_space<hbm>> -> memref<1x10240x16xf32, #tpu.memory_space<hbm>>
      %dma_wait3A_106 = tpu.memref_squeeze %dma_wait3A_105 : memref<1x10240x16xf32, #tpu.memory_space<hbm>> -> memref<10240x16xf32, #tpu.memory_space<hbm>>
      %dma_wait3A_107 = arith.constant 0 : i32
      %dma_wait3A_108 = tpu.memref_slice %dma_wait3A_106[%add3A_18, %dma_wait3A_107] : memref<10240x16xf32, #tpu.memory_space<hbm>> -> memref<128x16xf32, #tpu.memory_space<hbm>>
      %dma_wait3A_109 = arith.constant 0 : i32
      %dma_wait3A_110 = arith.constant 0 : i32
      %dma_wait3A_111 = tpu.memref_slice %arg3[%run_scoped3A_22, %dma_wait3A_109, %dma_wait3A_110] : memref<2x10240x16xf32, #tpu.memory_space<hbm>> -> memref<1x10240x16xf32, #tpu.memory_space<hbm>>
      %dma_wait3A_112 = tpu.memref_squeeze %dma_wait3A_111 : memref<1x10240x16xf32, #tpu.memory_space<hbm>> -> memref<10240x16xf32, #tpu.memory_space<hbm>>
      %dma_wait3A_113 = arith.constant 0 : i32
      %dma_wait3A_114 = tpu.memref_slice %dma_wait3A_112[%add3A_18, %dma_wait3A_113] : memref<10240x16xf32, #tpu.memory_space<hbm>> -> memref<128x16xf32, #tpu.memory_space<hbm>>
      tpu.wait_dma2 semaphore(%run_scoped3A_92 : memref<!tpu.dma_semaphore, #tpu.memory_space<semaphore_mem>>) src(%dma_wait3A_114 : memref<128x16xf32, #tpu.memory_space<hbm>>) dst(%arg19 : memref<128x16xf32, #tpu.memory_space<vmem>>)
      tpu.yield
    }) : () -> ()
    %scan3A_23 = arith.constant 0 : i32
    %scan3A_24 = arith.constant 0 : i32
    %scan3A_25 = arith.constant 128 : i32
    %scan3A_26 = arith.addi %scan3A_24, %scan3A_25 : i32
    %scan3A_27 = arith.constant 1 : i32
    scf.for %scan3A_92 = %scan3A_24 to %scan3A_26 step %scan3A_27  : i32 {
      %get3A = arith.index_cast %scan3A_92 : i32 to index
      %get3A_93 = arith.constant 0 : index
      %get3A_94 = tpu.vector_load %arg18[%get3A, %get3A_93] {strides = array<i32>} : memref<128x16xf32, #tpu.memory_space<vmem>>, vector<1x16xf32>,
      %get3A_95 = vector.shape_cast %get3A_94 : vector<1x16xf32> to vector<16xf32>
      %get3A_96 = arith.index_cast %scan3A_92 : i32 to index
      %get3A_97 = arith.constant 0 : index
      %get3A_98 = tpu.vector_load %arg19[%get3A_96, %get3A_97] {strides = array<i32>} : memref<128x16xf32, #tpu.memory_space<vmem>>, vector<1x16xf32>,
      %get3A_99 = vector.shape_cast %get3A_98 : vector<1x16xf32> to vector<16xf32>
      %add3A_100 = arith.addf %get3A_95, %get3A_99 : vector<16xf32>
      %add3A_101 = arith.constant 1.000000e+00 : f32
      %add3A_102 = vector.broadcast %add3A_101 : f32 to vector<16xf32>
      %add3A_103 = arith.addf %add3A_100, %add3A_102 : vector<16xf32>
      %div3A = arith.constant 1.000000e+00 : f32
      %div3A_104 = vector.broadcast %div3A : f32 to vector<16xf32>
      %div3A_105 = arith.divf %div3A_104, %add3A_103 : vector<16xf32>
      %get3A_106 = arith.index_cast %scan3A_92 : i32 to index
      %get3A_107 = arith.constant 0 : index
      %get3A_108 = tpu.vector_load %arg15[%get3A_106, %get3A_107] {strides = array<i32>} : memref<128x32xf32, #tpu.memory_space<vmem>>, vector<1x16xf32>,
      %get3A_109 = vector.shape_cast %get3A_108 : vector<1x16xf32> to vector<16xf32>
      %get3A_110 = arith.index_cast %scan3A_92 : i32 to index
      %get3A_111 = arith.constant 0 : index
      %get3A_112 = tpu.vector_load %arg16[%get3A_110, %get3A_111] {strides = array<i32>} : memref<128x32xf32, #tpu.memory_space<vmem>>, vector<1x16xf32>,
      %get3A_113 = vector.shape_cast %get3A_112 : vector<1x16xf32> to vector<16xf32>
      %add3A_114 = arith.addf %get3A_109, %get3A_113 : vector<16xf32>
      %get3A_115 = arith.index_cast %scan3A_92 : i32 to index
      %get3A_116 = arith.constant 0 : index
      %get3A_117 = tpu.vector_load %arg17[%get3A_115, %get3A_116] {strides = array<i32>} : memref<128x32xf32, #tpu.memory_space<vmem>>, vector<1x16xf32>,
      %get3A_118 = vector.shape_cast %get3A_117 : vector<1x16xf32> to vector<16xf32>
      %sub3A = arith.subf %add3A_114, %get3A_118 : vector<16xf32>
      %mul3A_119 = arith.mulf %sub3A, %div3A_105 : vector<16xf32>
      %get3A_120 = arith.constant 0 : index
      %get3A_121 = tpu.vector_load %arg20[%get3A_120] {strides = array<i32>} : memref<32xf32, #tpu.memory_space<vmem>>, vector<16xf32>,
      %get3A_122 = vector.shape_cast %get3A_121 : vector<16xf32> to vector<16xf32>
      %add3A_123 = arith.addf %mul3A_119, %get3A_122 : vector<16xf32>
      %max3A = arith.constant 0.000000e+00 : f32
      %max3A_124 = vector.broadcast %max3A : f32 to vector<16xf32>
      %max3A_125 = arith.maximumf %add3A_123, %max3A_124 : vector<16xf32>
      %swap3A = arith.index_cast %scan3A_92 : i32 to index
      %swap3A_126 = arith.constant 0 : index
      %swap3A_127 = tpu.vector_load %arg15[%swap3A, %swap3A_126] {strides = array<i32>} : memref<128x32xf32, #tpu.memory_space<vmem>>, vector<1x16xf32>,
      %swap3A_128 = vector.shape_cast %swap3A_127 : vector<1x16xf32> to vector<16xf32>
      %swap3A_129 = vector.shape_cast %max3A_125 : vector<16xf32> to vector<1x16xf32>
      tpu.vector_store %arg15[%swap3A, %swap3A_126], %swap3A_129 {strides = array<i32>} : memref<128x32xf32, #tpu.memory_space<vmem>>, vector<1x16xf32>,
      %get3A_130 = arith.index_cast %scan3A_92 : i32 to index
      %get3A_131 = arith.constant 16 : index
      %get3A_132 = tpu.vector_load %arg15[%get3A_130, %get3A_131] {strides = array<i32>} : memref<128x32xf32, #tpu.memory_space<vmem>>, vector<1x16xf32>,
      %get3A_133 = vector.shape_cast %get3A_132 : vector<1x16xf32> to vector<16xf32>
      %get3A_134 = arith.index_cast %scan3A_92 : i32 to index
      %get3A_135 = arith.constant 16 : index
      %get3A_136 = tpu.vector_load %arg16[%get3A_134, %get3A_135] {strides = array<i32>} : memref<128x32xf32, #tpu.memory_space<vmem>>, vector<1x16xf32>,
      %get3A_137 = vector.shape_cast %get3A_136 : vector<1x16xf32> to vector<16xf32>
      %add3A_138 = arith.addf %get3A_133, %get3A_137 : vector<16xf32>
      %get3A_139 = arith.index_cast %scan3A_92 : i32 to index
      %get3A_140 = arith.constant 16 : index
      %get3A_141 = tpu.vector_load %arg17[%get3A_139, %get3A_140] {strides = array<i32>} : memref<128x32xf32, #tpu.memory_space<vmem>>, vector<1x16xf32>,
      %get3A_142 = vector.shape_cast %get3A_141 : vector<1x16xf32> to vector<16xf32>
      %sub3A_143 = arith.subf %add3A_138, %get3A_142 : vector<16xf32>
      %mul3A_144 = arith.mulf %sub3A_143, %div3A_105 : vector<16xf32>
      %get3A_145 = arith.constant 16 : index
      %get3A_146 = tpu.vector_load %arg20[%get3A_145] {strides = array<i32>} : memref<32xf32, #tpu.memory_space<vmem>>, vector<16xf32>,
      %get3A_147 = vector.shape_cast %get3A_146 : vector<16xf32> to vector<16xf32>
      %add3A_148 = arith.addf %mul3A_144, %get3A_147 : vector<16xf32>
      %max3A_149 = arith.constant 0.000000e+00 : f32
      %max3A_150 = vector.broadcast %max3A_149 : f32 to vector<16xf32>
      %max3A_151 = arith.maximumf %add3A_148, %max3A_150 : vector<16xf32>
      %swap3A_152 = arith.index_cast %scan3A_92 : i32 to index
      %swap3A_153 = arith.constant 16 : index
      %swap3A_154 = tpu.vector_load %arg15[%swap3A_152, %swap3A_153] {strides = array<i32>} : memref<128x32xf32, #tpu.memory_space<vmem>>, vector<1x16xf32>,
      %swap3A_155 = vector.shape_cast %swap3A_154 : vector<1x16xf32> to vector<16xf32>
      %swap3A_156 = vector.shape_cast %max3A_151 : vector<16xf32> to vector<1x16xf32>
      tpu.vector_store %arg15[%swap3A_152, %swap3A_153], %swap3A_156 {strides = array<i32>} : memref<128x32xf32, #tpu.memory_space<vmem>>, vector<1x16xf32>,
    }
    %scan3A_28 = arith.constant 128 : i32
    "tpu.region"() ({
      %run_scoped3A_92 = tpu.sem_alloc : memref<!tpu.dma_semaphore, #tpu.memory_space<semaphore_mem>>
      %dma_start3A = arith.constant 0 : i32
      %dma_start3A_93 = tpu.memref_slice %arg11[%add3A_18, %dma_start3A] : memref<10240x32xf32, #tpu.memory_space<vmem_shared>> -> memref<128x32xf32, #tpu.memory_space<vmem_shared>>
      %dma_start3A_94 = arith.constant 0 : i32
      %dma_start3A_95 = tpu.memref_slice %arg11[%add3A_18, %dma_start3A_94] : memref<10240x32xf32, #tpu.memory_space<vmem_shared>> -> memref<128x32xf32, #tpu.memory_space<vmem_shared>>
      tpu.enqueue_dma source(%arg15 : memref<128x32xf32, #tpu.memory_space<vmem>>) target(%dma_start3A_95 : memref<128x32xf32, #tpu.memory_space<vmem_shared>>) target_semaphore(%run_scoped3A_92 : memref<!tpu.dma_semaphore, #tpu.memory_space<semaphore_mem>>)
      %dma_wait3A = arith.constant 0 : i32
      %dma_wait3A_96 = tpu.memref_slice %arg11[%add3A_18, %dma_wait3A] : memref<10240x32xf32, #tpu.memory_space<vmem_shared>> -> memref<128x32xf32, #tpu.memory_space<vmem_shared>>
      %dma_wait3A_97 = arith.constant 0 : i32
      %dma_wait3A_98 = tpu.memref_slice %arg11[%add3A_18, %dma_wait3A_97] : memref<10240x32xf32, #tpu.memory_space<vmem_shared>> -> memref<128x32xf32, #tpu.memory_space<vmem_shared>>
      tpu.wait_dma2 semaphore(%run_scoped3A_92 : memref<!tpu.dma_semaphore, #tpu.memory_space<semaphore_mem>>) src(%arg15 : memref<128x32xf32, #tpu.memory_space<vmem>>) dst(%dma_wait3A_98 : memref<128x32xf32, #tpu.memory_space<vmem_shared>>)
      tpu.yield
    }) : () -> ()
    "tpu.region"() ({
      %run_scoped3A_92 = tpu.sem_alloc : memref<!tpu.dma_semaphore, #tpu.memory_space<semaphore_mem>>
      %dma_start3A = arith.constant 0 : i32
      %dma_start3A_93 = tpu.memref_slice %arg10[%add3A_18, %dma_start3A] : memref<10240x32xf32, #tpu.memory_space<vmem_shared>> -> memref<128x32xf32, #tpu.memory_space<vmem_shared>>
      %dma_start3A_94 = arith.constant 0 : i32
      %dma_start3A_95 = tpu.memref_slice %arg10[%add3A_18, %dma_start3A_94] : memref<10240x32xf32, #tpu.memory_space<vmem_shared>> -> memref<128x32xf32, #tpu.memory_space<vmem_shared>>
      tpu.enqueue_dma source(%arg15 : memref<128x32xf32, #tpu.memory_space<vmem>>) target(%dma_start3A_95 : memref<128x32xf32, #tpu.memory_space<vmem_shared>>) target_semaphore(%run_scoped3A_92 : memref<!tpu.dma_semaphore, #tpu.memory_space<semaphore_mem>>)
      %dma_wait3A = arith.constant 0 : i32
      %dma_wait3A_96 = tpu.memref_slice %arg10[%add3A_18, %dma_wait3A] : memref<10240x32xf32, #tpu.memory_space<vmem_shared>> -> memref<128x32xf32, #tpu.memory_space<vmem_shared>>
      %dma_wait3A_97 = arith.constant 0 : i32
      %dma_wait3A_98 = tpu.memref_slice %arg10[%add3A_18, %dma_wait3A_97] : memref<10240x32xf32, #tpu.memory_space<vmem_shared>> -> memref<128x32xf32, #tpu.memory_space<vmem_shared>>
      tpu.wait_dma2 semaphore(%run_scoped3A_92 : memref<!tpu.dma_semaphore, #tpu.memory_space<semaphore_mem>>) src(%arg15 : memref<128x32xf32, #tpu.memory_space<vmem>>) dst(%dma_wait3A_98 : memref<128x32xf32, #tpu.memory_space<vmem_shared>>)
      tpu.yield
    }) : () -> ()
    %eq3A_29 = arith.constant 0 : i32
    %eq3A_30 = arith.cmpi eq, %arg0, %eq3A_29 : i32
    %convert_element_type3A_31 = arith.extui %eq3A_30 : i1 to i32
    %cond3A_32 = arith.constant 0 : i32
    %cond3A_33 = arith.cmpi ne, %convert_element_type3A_31, %cond3A_32 : i32
    scf.if %cond3A_33 {
      "tpu.region"() ({
        %run_scoped3A_92 = tpu.sem_alloc : memref<!tpu.dma_semaphore, #tpu.memory_space<semaphore_mem>>
        %dma_start3A = arith.constant 0 : i32
        %dma_start3A_93 = tpu.memref_slice %arg9[%add3A_18, %dma_start3A] : memref<10240x32xf32, #tpu.memory_space<hbm>> -> memref<128x32xf32, #tpu.memory_space<hbm>>
        %dma_start3A_94 = arith.constant 0 : i32
        %dma_start3A_95 = tpu.memref_slice %arg9[%add3A_18, %dma_start3A_94] : memref<10240x32xf32, #tpu.memory_space<hbm>> -> memref<128x32xf32, #tpu.memory_space<hbm>>
        tpu.enqueue_dma source(%arg15 : memref<128x32xf32, #tpu.memory_space<vmem>>) target(%dma_start3A_95 : memref<128x32xf32, #tpu.memory_space<hbm>>) target_semaphore(%run_scoped3A_92 : memref<!tpu.dma_semaphore, #tpu.memory_space<semaphore_mem>>)
        %dma_wait3A = arith.constant 0 : i32
        %dma_wait3A_96 = tpu.memref_slice %arg9[%add3A_18, %dma_wait3A] : memref<10240x32xf32, #tpu.memory_space<hbm>> -> memref<128x32xf32, #tpu.memory_space<hbm>>
        %dma_wait3A_97 = arith.constant 0 : i32
        %dma_wait3A_98 = tpu.memref_slice %arg9[%add3A_18, %dma_wait3A_97] : memref<10240x32xf32, #tpu.memory_space<hbm>> -> memref<128x32xf32, #tpu.memory_space<hbm>>
        tpu.wait_dma2 semaphore(%run_scoped3A_92 : memref<!tpu.dma_semaphore, #tpu.memory_space<semaphore_mem>>) src(%arg15 : memref<128x32xf32, #tpu.memory_space<vmem>>) dst(%dma_wait3A_98 : memref<128x32xf32, #tpu.memory_space<hbm>>)
        tpu.yield
      }) : () -> ()
    } else {
    }
    %add3A_34 = arith.constant 256 : i32
    %add3A_35 = arith.addi %mul3A_0, %add3A_34 : i32
    %run_scoped3A_36 = arith.constant 0 : i32
    "tpu.region"() ({
      %run_scoped3A_92 = tpu.sem_alloc : memref<!tpu.dma_semaphore, #tpu.memory_space<semaphore_mem>>
      %dma_start3A = arith.constant 0 : i32
      %dma_start3A_93 = arith.constant 0 : i32
      %dma_start3A_94 = tpu.memref_slice %arg2[%run_scoped3A_36, %dma_start3A, %dma_start3A_93] : memref<2x10240x32xf32, #tpu.memory_space<hbm>> -> memref<1x10240x32xf32, #tpu.memory_space<hbm>>
      %dma_start3A_95 = tpu.memref_squeeze %dma_start3A_94 : memref<1x10240x32xf32, #tpu.memory_space<hbm>> -> memref<10240x32xf32, #tpu.memory_space<hbm>>
      %dma_start3A_96 = arith.constant 0 : i32
      %dma_start3A_97 = tpu.memref_slice %dma_start3A_95[%add3A_35, %dma_start3A_96] : memref<10240x32xf32, #tpu.memory_space<hbm>> -> memref<128x32xf32, #tpu.memory_space<hbm>>
      %dma_start3A_98 = arith.constant 0 : i32
      %dma_start3A_99 = arith.constant 0 : i32
      %dma_start3A_100 = tpu.memref_slice %arg2[%run_scoped3A_36, %dma_start3A_98, %dma_start3A_99] : memref<2x10240x32xf32, #tpu.memory_space<hbm>> -> memref<1x10240x32xf32, #tpu.memory_space<hbm>>
      %dma_start3A_101 = tpu.memref_squeeze %dma_start3A_100 : memref<1x10240x32xf32, #tpu.memory_space<hbm>> -> memref<10240x32xf32, #tpu.memory_space<hbm>>
      %dma_start3A_102 = arith.constant 0 : i32
      %dma_start3A_103 = tpu.memref_slice %dma_start3A_101[%add3A_35, %dma_start3A_102] : memref<10240x32xf32, #tpu.memory_space<hbm>> -> memref<128x32xf32, #tpu.memory_space<hbm>>
      tpu.enqueue_dma source(%dma_start3A_103 : memref<128x32xf32, #tpu.memory_space<hbm>>) target(%arg15 : memref<128x32xf32, #tpu.memory_space<vmem>>) target_semaphore(%run_scoped3A_92 : memref<!tpu.dma_semaphore, #tpu.memory_space<semaphore_mem>>)
      %dma_wait3A = arith.constant 0 : i32
      %dma_wait3A_104 = arith.constant 0 : i32
      %dma_wait3A_105 = tpu.memref_slice %arg2[%run_scoped3A_36, %dma_wait3A, %dma_wait3A_104] : memref<2x10240x32xf32, #tpu.memory_space<hbm>> -> memref<1x10240x32xf32, #tpu.memory_space<hbm>>
      %dma_wait3A_106 = tpu.memref_squeeze %dma_wait3A_105 : memref<1x10240x32xf32, #tpu.memory_space<hbm>> -> memref<10240x32xf32, #tpu.memory_space<hbm>>
      %dma_wait3A_107 = arith.constant 0 : i32
      %dma_wait3A_108 = tpu.memref_slice %dma_wait3A_106[%add3A_35, %dma_wait3A_107] : memref<10240x32xf32, #tpu.memory_space<hbm>> -> memref<128x32xf32, #tpu.memory_space<hbm>>
      %dma_wait3A_109 = arith.constant 0 : i32
      %dma_wait3A_110 = arith.constant 0 : i32
      %dma_wait3A_111 = tpu.memref_slice %arg2[%run_scoped3A_36, %dma_wait3A_109, %dma_wait3A_110] : memref<2x10240x32xf32, #tpu.memory_space<hbm>> -> memref<1x10240x32xf32, #tpu.memory_space<hbm>>
      %dma_wait3A_112 = tpu.memref_squeeze %dma_wait3A_111 : memref<1x10240x32xf32, #tpu.memory_space<hbm>> -> memref<10240x32xf32, #tpu.memory_space<hbm>>
      %dma_wait3A_113 = arith.constant 0 : i32
      %dma_wait3A_114 = tpu.memref_slice %dma_wait3A_112[%add3A_35, %dma_wait3A_113] : memref<10240x32xf32, #tpu.memory_space<hbm>> -> memref<128x32xf32, #tpu.memory_space<hbm>>
      tpu.wait_dma2 semaphore(%run_scoped3A_92 : memref<!tpu.dma_semaphore, #tpu.memory_space<semaphore_mem>>) src(%dma_wait3A_114 : memref<128x32xf32, #tpu.memory_space<hbm>>) dst(%arg15 : memref<128x32xf32, #tpu.memory_space<vmem>>)
      tpu.yield
    }) : () -> ()
    %run_scoped3A_37 = arith.constant 1 : i32
    "tpu.region"() ({
      %run_scoped3A_92 = tpu.sem_alloc : memref<!tpu.dma_semaphore, #tpu.memory_space<semaphore_mem>>
      %dma_start3A = arith.constant 0 : i32
      %dma_start3A_93 = arith.constant 0 : i32
      %dma_start3A_94 = tpu.memref_slice %arg2[%run_scoped3A_37, %dma_start3A, %dma_start3A_93] : memref<2x10240x32xf32, #tpu.memory_space<hbm>> -> memref<1x10240x32xf32, #tpu.memory_space<hbm>>
      %dma_start3A_95 = tpu.memref_squeeze %dma_start3A_94 : memref<1x10240x32xf32, #tpu.memory_space<hbm>> -> memref<10240x32xf32, #tpu.memory_space<hbm>>
      %dma_start3A_96 = arith.constant 0 : i32
      %dma_start3A_97 = tpu.memref_slice %dma_start3A_95[%add3A_35, %dma_start3A_96] : memref<10240x32xf32, #tpu.memory_space<hbm>> -> memref<128x32xf32, #tpu.memory_space<hbm>>
      %dma_start3A_98 = arith.constant 0 : i32
      %dma_start3A_99 = arith.constant 0 : i32
      %dma_start3A_100 = tpu.memref_slice %arg2[%run_scoped3A_37, %dma_start3A_98, %dma_start3A_99] : memref<2x10240x32xf32, #tpu.memory_space<hbm>> -> memref<1x10240x32xf32, #tpu.memory_space<hbm>>
      %dma_start3A_101 = tpu.memref_squeeze %dma_start3A_100 : memref<1x10240x32xf32, #tpu.memory_space<hbm>> -> memref<10240x32xf32, #tpu.memory_space<hbm>>
      %dma_start3A_102 = arith.constant 0 : i32
      %dma_start3A_103 = tpu.memref_slice %dma_start3A_101[%add3A_35, %dma_start3A_102] : memref<10240x32xf32, #tpu.memory_space<hbm>> -> memref<128x32xf32, #tpu.memory_space<hbm>>
      tpu.enqueue_dma source(%dma_start3A_103 : memref<128x32xf32, #tpu.memory_space<hbm>>) target(%arg16 : memref<128x32xf32, #tpu.memory_space<vmem>>) target_semaphore(%run_scoped3A_92 : memref<!tpu.dma_semaphore, #tpu.memory_space<semaphore_mem>>)
      %dma_wait3A = arith.constant 0 : i32
      %dma_wait3A_104 = arith.constant 0 : i32
      %dma_wait3A_105 = tpu.memref_slice %arg2[%run_scoped3A_37, %dma_wait3A, %dma_wait3A_104] : memref<2x10240x32xf32, #tpu.memory_space<hbm>> -> memref<1x10240x32xf32, #tpu.memory_space<hbm>>
      %dma_wait3A_106 = tpu.memref_squeeze %dma_wait3A_105 : memref<1x10240x32xf32, #tpu.memory_space<hbm>> -> memref<10240x32xf32, #tpu.memory_space<hbm>>
      %dma_wait3A_107 = arith.constant 0 : i32
      %dma_wait3A_108 = tpu.memref_slice %dma_wait3A_106[%add3A_35, %dma_wait3A_107] : memref<10240x32xf32, #tpu.memory_space<hbm>> -> memref<128x32xf32, #tpu.memory_space<hbm>>
      %dma_wait3A_109 = arith.constant 0 : i32
      %dma_wait3A_110 = arith.constant 0 : i32
      %dma_wait3A_111 = tpu.memref_slice %arg2[%run_scoped3A_37, %dma_wait3A_109, %dma_wait3A_110] : memref<2x10240x32xf32, #tpu.memory_space<hbm>> -> memref<1x10240x32xf32, #tpu.memory_space<hbm>>
      %dma_wait3A_112 = tpu.memref_squeeze %dma_wait3A_111 : memref<1x10240x32xf32, #tpu.memory_space<hbm>> -> memref<10240x32xf32, #tpu.memory_space<hbm>>
      %dma_wait3A_113 = arith.constant 0 : i32
      %dma_wait3A_114 = tpu.memref_slice %dma_wait3A_112[%add3A_35, %dma_wait3A_113] : memref<10240x32xf32, #tpu.memory_space<hbm>> -> memref<128x32xf32, #tpu.memory_space<hbm>>
      tpu.wait_dma2 semaphore(%run_scoped3A_92 : memref<!tpu.dma_semaphore, #tpu.memory_space<semaphore_mem>>) src(%dma_wait3A_114 : memref<128x32xf32, #tpu.memory_space<hbm>>) dst(%arg16 : memref<128x32xf32, #tpu.memory_space<vmem>>)
      tpu.yield
    }) : () -> ()
    "tpu.region"() ({
      %run_scoped3A_92 = tpu.sem_alloc : memref<!tpu.dma_semaphore, #tpu.memory_space<semaphore_mem>>
      %dma_start3A = arith.constant 0 : i32
      %dma_start3A_93 = tpu.memref_slice %arg4[%add3A_35, %dma_start3A] : memref<10240x32xf32, #tpu.memory_space<hbm>> -> memref<128x32xf32, #tpu.memory_space<hbm>>
      %dma_start3A_94 = arith.constant 0 : i32
      %dma_start3A_95 = tpu.memref_slice %arg4[%add3A_35, %dma_start3A_94] : memref<10240x32xf32, #tpu.memory_space<hbm>> -> memref<128x32xf32, #tpu.memory_space<hbm>>
      tpu.enqueue_dma source(%dma_start3A_95 : memref<128x32xf32, #tpu.memory_space<hbm>>) target(%arg17 : memref<128x32xf32, #tpu.memory_space<vmem>>) target_semaphore(%run_scoped3A_92 : memref<!tpu.dma_semaphore, #tpu.memory_space<semaphore_mem>>)
      %dma_wait3A = arith.constant 0 : i32
      %dma_wait3A_96 = tpu.memref_slice %arg4[%add3A_35, %dma_wait3A] : memref<10240x32xf32, #tpu.memory_space<hbm>> -> memref<128x32xf32, #tpu.memory_space<hbm>>
      %dma_wait3A_97 = arith.constant 0 : i32
      %dma_wait3A_98 = tpu.memref_slice %arg4[%add3A_35, %dma_wait3A_97] : memref<10240x32xf32, #tpu.memory_space<hbm>> -> memref<128x32xf32, #tpu.memory_space<hbm>>
      tpu.wait_dma2 semaphore(%run_scoped3A_92 : memref<!tpu.dma_semaphore, #tpu.memory_space<semaphore_mem>>) src(%dma_wait3A_98 : memref<128x32xf32, #tpu.memory_space<hbm>>) dst(%arg17 : memref<128x32xf32, #tpu.memory_space<vmem>>)
      tpu.yield
    }) : () -> ()
    %run_scoped3A_38 = arith.constant 0 : i32
    "tpu.region"() ({
      %run_scoped3A_92 = tpu.sem_alloc : memref<!tpu.dma_semaphore, #tpu.memory_space<semaphore_mem>>
      %dma_start3A = arith.constant 0 : i32
      %dma_start3A_93 = arith.constant 0 : i32
      %dma_start3A_94 = tpu.memref_slice %arg3[%run_scoped3A_38, %dma_start3A, %dma_start3A_93] : memref<2x10240x16xf32, #tpu.memory_space<hbm>> -> memref<1x10240x16xf32, #tpu.memory_space<hbm>>
      %dma_start3A_95 = tpu.memref_squeeze %dma_start3A_94 : memref<1x10240x16xf32, #tpu.memory_space<hbm>> -> memref<10240x16xf32, #tpu.memory_space<hbm>>
      %dma_start3A_96 = arith.constant 0 : i32
      %dma_start3A_97 = tpu.memref_slice %dma_start3A_95[%add3A_35, %dma_start3A_96] : memref<10240x16xf32, #tpu.memory_space<hbm>> -> memref<128x16xf32, #tpu.memory_space<hbm>>
      %dma_start3A_98 = arith.constant 0 : i32
      %dma_start3A_99 = arith.constant 0 : i32
      %dma_start3A_100 = tpu.memref_slice %arg3[%run_scoped3A_38, %dma_start3A_98, %dma_start3A_99] : memref<2x10240x16xf32, #tpu.memory_space<hbm>> -> memref<1x10240x16xf32, #tpu.memory_space<hbm>>
      %dma_start3A_101 = tpu.memref_squeeze %dma_start3A_100 : memref<1x10240x16xf32, #tpu.memory_space<hbm>> -> memref<10240x16xf32, #tpu.memory_space<hbm>>
      %dma_start3A_102 = arith.constant 0 : i32
      %dma_start3A_103 = tpu.memref_slice %dma_start3A_101[%add3A_35, %dma_start3A_102] : memref<10240x16xf32, #tpu.memory_space<hbm>> -> memref<128x16xf32, #tpu.memory_space<hbm>>
      tpu.enqueue_dma source(%dma_start3A_103 : memref<128x16xf32, #tpu.memory_space<hbm>>) target(%arg18 : memref<128x16xf32, #tpu.memory_space<vmem>>) target_semaphore(%run_scoped3A_92 : memref<!tpu.dma_semaphore, #tpu.memory_space<semaphore_mem>>)
      %dma_wait3A = arith.constant 0 : i32
      %dma_wait3A_104 = arith.constant 0 : i32
      %dma_wait3A_105 = tpu.memref_slice %arg3[%run_scoped3A_38, %dma_wait3A, %dma_wait3A_104] : memref<2x10240x16xf32, #tpu.memory_space<hbm>> -> memref<1x10240x16xf32, #tpu.memory_space<hbm>>
      %dma_wait3A_106 = tpu.memref_squeeze %dma_wait3A_105 : memref<1x10240x16xf32, #tpu.memory_space<hbm>> -> memref<10240x16xf32, #tpu.memory_space<hbm>>
      %dma_wait3A_107 = arith.constant 0 : i32
      %dma_wait3A_108 = tpu.memref_slice %dma_wait3A_106[%add3A_35, %dma_wait3A_107] : memref<10240x16xf32, #tpu.memory_space<hbm>> -> memref<128x16xf32, #tpu.memory_space<hbm>>
      %dma_wait3A_109 = arith.constant 0 : i32
      %dma_wait3A_110 = arith.constant 0 : i32
      %dma_wait3A_111 = tpu.memref_slice %arg3[%run_scoped3A_38, %dma_wait3A_109, %dma_wait3A_110] : memref<2x10240x16xf32, #tpu.memory_space<hbm>> -> memref<1x10240x16xf32, #tpu.memory_space<hbm>>
      %dma_wait3A_112 = tpu.memref_squeeze %dma_wait3A_111 : memref<1x10240x16xf32, #tpu.memory_space<hbm>> -> memref<10240x16xf32, #tpu.memory_space<hbm>>
      %dma_wait3A_113 = arith.constant 0 : i32
      %dma_wait3A_114 = tpu.memref_slice %dma_wait3A_112[%add3A_35, %dma_wait3A_113] : memref<10240x16xf32, #tpu.memory_space<hbm>> -> memref<128x16xf32, #tpu.memory_space<hbm>>
      tpu.wait_dma2 semaphore(%run_scoped3A_92 : memref<!tpu.dma_semaphore, #tpu.memory_space<semaphore_mem>>) src(%dma_wait3A_114 : memref<128x16xf32, #tpu.memory_space<hbm>>) dst(%arg18 : memref<128x16xf32, #tpu.memory_space<vmem>>)
      tpu.yield
    }) : () -> ()
    %run_scoped3A_39 = arith.constant 1 : i32
    "tpu.region"() ({
      %run_scoped3A_92 = tpu.sem_alloc : memref<!tpu.dma_semaphore, #tpu.memory_space<semaphore_mem>>
      %dma_start3A = arith.constant 0 : i32
      %dma_start3A_93 = arith.constant 0 : i32
      %dma_start3A_94 = tpu.memref_slice %arg3[%run_scoped3A_39, %dma_start3A, %dma_start3A_93] : memref<2x10240x16xf32, #tpu.memory_space<hbm>> -> memref<1x10240x16xf32, #tpu.memory_space<hbm>>
      %dma_start3A_95 = tpu.memref_squeeze %dma_start3A_94 : memref<1x10240x16xf32, #tpu.memory_space<hbm>> -> memref<10240x16xf32, #tpu.memory_space<hbm>>
      %dma_start3A_96 = arith.constant 0 : i32
      %dma_start3A_97 = tpu.memref_slice %dma_start3A_95[%add3A_35, %dma_start3A_96] : memref<10240x16xf32, #tpu.memory_space<hbm>> -> memref<128x16xf32, #tpu.memory_space<hbm>>
      %dma_start3A_98 = arith.constant 0 : i32
      %dma_start3A_99 = arith.constant 0 : i32
      %dma_start3A_100 = tpu.memref_slice %arg3[%run_scoped3A_39, %dma_start3A_98, %dma_start3A_99] : memref<2x10240x16xf32, #tpu.memory_space<hbm>> -> memref<1x10240x16xf32, #tpu.memory_space<hbm>>
      %dma_start3A_101 = tpu.memref_squeeze %dma_start3A_100 : memref<1x10240x16xf32, #tpu.memory_space<hbm>> -> memref<10240x16xf32, #tpu.memory_space<hbm>>
      %dma_start3A_102 = arith.constant 0 : i32
      %dma_start3A_103 = tpu.memref_slice %dma_start3A_101[%add3A_35, %dma_start3A_102] : memref<10240x16xf32, #tpu.memory_space<hbm>> -> memref<128x16xf32, #tpu.memory_space<hbm>>
      tpu.enqueue_dma source(%dma_start3A_103 : memref<128x16xf32, #tpu.memory_space<hbm>>) target(%arg19 : memref<128x16xf32, #tpu.memory_space<vmem>>) target_semaphore(%run_scoped3A_92 : memref<!tpu.dma_semaphore, #tpu.memory_space<semaphore_mem>>)
      %dma_wait3A = arith.constant 0 : i32
      %dma_wait3A_104 = arith.constant 0 : i32
      %dma_wait3A_105 = tpu.memref_slice %arg3[%run_scoped3A_39, %dma_wait3A, %dma_wait3A_104] : memref<2x10240x16xf32, #tpu.memory_space<hbm>> -> memref<1x10240x16xf32, #tpu.memory_space<hbm>>
      %dma_wait3A_106 = tpu.memref_squeeze %dma_wait3A_105 : memref<1x10240x16xf32, #tpu.memory_space<hbm>> -> memref<10240x16xf32, #tpu.memory_space<hbm>>
      %dma_wait3A_107 = arith.constant 0 : i32
      %dma_wait3A_108 = tpu.memref_slice %dma_wait3A_106[%add3A_35, %dma_wait3A_107] : memref<10240x16xf32, #tpu.memory_space<hbm>> -> memref<128x16xf32, #tpu.memory_space<hbm>>
      %dma_wait3A_109 = arith.constant 0 : i32
      %dma_wait3A_110 = arith.constant 0 : i32
      %dma_wait3A_111 = tpu.memref_slice %arg3[%run_scoped3A_39, %dma_wait3A_109, %dma_wait3A_110] : memref<2x10240x16xf32, #tpu.memory_space<hbm>> -> memref<1x10240x16xf32, #tpu.memory_space<hbm>>
      %dma_wait3A_112 = tpu.memref_squeeze %dma_wait3A_111 : memref<1x10240x16xf32, #tpu.memory_space<hbm>> -> memref<10240x16xf32, #tpu.memory_space<hbm>>
      %dma_wait3A_113 = arith.constant 0 : i32
      %dma_wait3A_114 = tpu.memref_slice %dma_wait3A_112[%add3A_35, %dma_wait3A_113] : memref<10240x16xf32, #tpu.memory_space<hbm>> -> memref<128x16xf32, #tpu.memory_space<hbm>>
      tpu.wait_dma2 semaphore(%run_scoped3A_92 : memref<!tpu.dma_semaphore, #tpu.memory_space<semaphore_mem>>) src(%dma_wait3A_114 : memref<128x16xf32, #tpu.memory_space<hbm>>) dst(%arg19 : memref<128x16xf32, #tpu.memory_space<vmem>>)
      tpu.yield
    }) : () -> ()
    %scan3A_40 = arith.constant 0 : i32
    %scan3A_41 = arith.constant 0 : i32
    %scan3A_42 = arith.constant 128 : i32
    %scan3A_43 = arith.addi %scan3A_41, %scan3A_42 : i32
    %scan3A_44 = arith.constant 1 : i32
    scf.for %scan3A_92 = %scan3A_41 to %scan3A_43 step %scan3A_44  : i32 {
      %get3A = arith.index_cast %scan3A_92 : i32 to index
      %get3A_93 = arith.constant 0 : index
      %get3A_94 = tpu.vector_load %arg18[%get3A, %get3A_93] {strides = array<i32>} : memref<128x16xf32, #tpu.memory_space<vmem>>, vector<1x16xf32>,
      %get3A_95 = vector.shape_cast %get3A_94 : vector<1x16xf32> to vector<16xf32>
      %get3A_96 = arith.index_cast %scan3A_92 : i32 to index
      %get3A_97 = arith.constant 0 : index
      %get3A_98 = tpu.vector_load %arg19[%get3A_96, %get3A_97] {strides = array<i32>} : memref<128x16xf32, #tpu.memory_space<vmem>>, vector<1x16xf32>,
      %get3A_99 = vector.shape_cast %get3A_98 : vector<1x16xf32> to vector<16xf32>
      %add3A_100 = arith.addf %get3A_95, %get3A_99 : vector<16xf32>
      %add3A_101 = arith.constant 1.000000e+00 : f32
      %add3A_102 = vector.broadcast %add3A_101 : f32 to vector<16xf32>
      %add3A_103 = arith.addf %add3A_100, %add3A_102 : vector<16xf32>
      %div3A = arith.constant 1.000000e+00 : f32
      %div3A_104 = vector.broadcast %div3A : f32 to vector<16xf32>
      %div3A_105 = arith.divf %div3A_104, %add3A_103 : vector<16xf32>
      %get3A_106 = arith.index_cast %scan3A_92 : i32 to index
      %get3A_107 = arith.constant 0 : index
      %get3A_108 = tpu.vector_load %arg15[%get3A_106, %get3A_107] {strides = array<i32>} : memref<128x32xf32, #tpu.memory_space<vmem>>, vector<1x16xf32>,
      %get3A_109 = vector.shape_cast %get3A_108 : vector<1x16xf32> to vector<16xf32>
      %get3A_110 = arith.index_cast %scan3A_92 : i32 to index
      %get3A_111 = arith.constant 0 : index
      %get3A_112 = tpu.vector_load %arg16[%get3A_110, %get3A_111] {strides = array<i32>} : memref<128x32xf32, #tpu.memory_space<vmem>>, vector<1x16xf32>,
      %get3A_113 = vector.shape_cast %get3A_112 : vector<1x16xf32> to vector<16xf32>
      %add3A_114 = arith.addf %get3A_109, %get3A_113 : vector<16xf32>
      %get3A_115 = arith.index_cast %scan3A_92 : i32 to index
      %get3A_116 = arith.constant 0 : index
      %get3A_117 = tpu.vector_load %arg17[%get3A_115, %get3A_116] {strides = array<i32>} : memref<128x32xf32, #tpu.memory_space<vmem>>, vector<1x16xf32>,
      %get3A_118 = vector.shape_cast %get3A_117 : vector<1x16xf32> to vector<16xf32>
      %sub3A = arith.subf %add3A_114, %get3A_118 : vector<16xf32>
      %mul3A_119 = arith.mulf %sub3A, %div3A_105 : vector<16xf32>
      %get3A_120 = arith.constant 0 : index
      %get3A_121 = tpu.vector_load %arg20[%get3A_120] {strides = array<i32>} : memref<32xf32, #tpu.memory_space<vmem>>, vector<16xf32>,
      %get3A_122 = vector.shape_cast %get3A_121 : vector<16xf32> to vector<16xf32>
      %add3A_123 = arith.addf %mul3A_119, %get3A_122 : vector<16xf32>
      %max3A = arith.constant 0.000000e+00 : f32
      %max3A_124 = vector.broadcast %max3A : f32 to vector<16xf32>
      %max3A_125 = arith.maximumf %add3A_123, %max3A_124 : vector<16xf32>
      %swap3A = arith.index_cast %scan3A_92 : i32 to index
      %swap3A_126 = arith.constant 0 : index
      %swap3A_127 = tpu.vector_load %arg15[%swap3A, %swap3A_126] {strides = array<i32>} : memref<128x32xf32, #tpu.memory_space<vmem>>, vector<1x16xf32>,
      %swap3A_128 = vector.shape_cast %swap3A_127 : vector<1x16xf32> to vector<16xf32>
      %swap3A_129 = vector.shape_cast %max3A_125 : vector<16xf32> to vector<1x16xf32>
      tpu.vector_store %arg15[%swap3A, %swap3A_126], %swap3A_129 {strides = array<i32>} : memref<128x32xf32, #tpu.memory_space<vmem>>, vector<1x16xf32>,
      %get3A_130 = arith.index_cast %scan3A_92 : i32 to index
      %get3A_131 = arith.constant 16 : index
      %get3A_132 = tpu.vector_load %arg15[%get3A_130, %get3A_131] {strides = array<i32>} : memref<128x32xf32, #tpu.memory_space<vmem>>, vector<1x16xf32>,
      %get3A_133 = vector.shape_cast %get3A_132 : vector<1x16xf32> to vector<16xf32>
      %get3A_134 = arith.index_cast %scan3A_92 : i32 to index
      %get3A_135 = arith.constant 16 : index
      %get3A_136 = tpu.vector_load %arg16[%get3A_134, %get3A_135] {strides = array<i32>} : memref<128x32xf32, #tpu.memory_space<vmem>>, vector<1x16xf32>,
      %get3A_137 = vector.shape_cast %get3A_136 : vector<1x16xf32> to vector<16xf32>
      %add3A_138 = arith.addf %get3A_133, %get3A_137 : vector<16xf32>
      %get3A_139 = arith.index_cast %scan3A_92 : i32 to index
      %get3A_140 = arith.constant 16 : index
      %get3A_141 = tpu.vector_load %arg17[%get3A_139, %get3A_140] {strides = array<i32>} : memref<128x32xf32, #tpu.memory_space<vmem>>, vector<1x16xf32>,
      %get3A_142 = vector.shape_cast %get3A_141 : vector<1x16xf32> to vector<16xf32>
      %sub3A_143 = arith.subf %add3A_138, %get3A_142 : vector<16xf32>
      %mul3A_144 = arith.mulf %sub3A_143, %div3A_105 : vector<16xf32>
      %get3A_145 = arith.constant 16 : index
      %get3A_146 = tpu.vector_load %arg20[%get3A_145] {strides = array<i32>} : memref<32xf32, #tpu.memory_space<vmem>>, vector<16xf32>,
      %get3A_147 = vector.shape_cast %get3A_146 : vector<16xf32> to vector<16xf32>
      %add3A_148 = arith.addf %mul3A_144, %get3A_147 : vector<16xf32>
      %max3A_149 = arith.constant 0.000000e+00 : f32
      %max3A_150 = vector.broadcast %max3A_149 : f32 to vector<16xf32>
      %max3A_151 = arith.maximumf %add3A_148, %max3A_150 : vector<16xf32>
      %swap3A_152 = arith.index_cast %scan3A_92 : i32 to index
      %swap3A_153 = arith.constant 16 : index
      %swap3A_154 = tpu.vector_load %arg15[%swap3A_152, %swap3A_153] {strides = array<i32>} : memref<128x32xf32, #tpu.memory_space<vmem>>, vector<1x16xf32>,
      %swap3A_155 = vector.shape_cast %swap3A_154 : vector<1x16xf32> to vector<16xf32>
      %swap3A_156 = vector.shape_cast %max3A_151 : vector<16xf32> to vector<1x16xf32>
      tpu.vector_store %arg15[%swap3A_152, %swap3A_153], %swap3A_156 {strides = array<i32>} : memref<128x32xf32, #tpu.memory_space<vmem>>, vector<1x16xf32>,
    }
    %scan3A_45 = arith.constant 128 : i32
    "tpu.region"() ({
      %run_scoped3A_92 = tpu.sem_alloc : memref<!tpu.dma_semaphore, #tpu.memory_space<semaphore_mem>>
      %dma_start3A = arith.constant 0 : i32
      %dma_start3A_93 = tpu.memref_slice %arg11[%add3A_35, %dma_start3A] : memref<10240x32xf32, #tpu.memory_space<vmem_shared>> -> memref<128x32xf32, #tpu.memory_space<vmem_shared>>
      %dma_start3A_94 = arith.constant 0 : i32
      %dma_start3A_95 = tpu.memref_slice %arg11[%add3A_35, %dma_start3A_94] : memref<10240x32xf32, #tpu.memory_space<vmem_shared>> -> memref<128x32xf32, #tpu.memory_space<vmem_shared>>
      tpu.enqueue_dma source(%arg15 : memref<128x32xf32, #tpu.memory_space<vmem>>) target(%dma_start3A_95 : memref<128x32xf32, #tpu.memory_space<vmem_shared>>) target_semaphore(%run_scoped3A_92 : memref<!tpu.dma_semaphore, #tpu.memory_space<semaphore_mem>>)
      %dma_wait3A = arith.constant 0 : i32
      %dma_wait3A_96 = tpu.memref_slice %arg11[%add3A_35, %dma_wait3A] : memref<10240x32xf32, #tpu.memory_space<vmem_shared>> -> memref<128x32xf32, #tpu.memory_space<vmem_shared>>
      %dma_wait3A_97 = arith.constant 0 : i32
      %dma_wait3A_98 = tpu.memref_slice %arg11[%add3A_35, %dma_wait3A_97] : memref<10240x32xf32, #tpu.memory_space<vmem_shared>> -> memref<128x32xf32, #tpu.memory_space<vmem_shared>>
      tpu.wait_dma2 semaphore(%run_scoped3A_92 : memref<!tpu.dma_semaphore, #tpu.memory_space<semaphore_mem>>) src(%arg15 : memref<128x32xf32, #tpu.memory_space<vmem>>) dst(%dma_wait3A_98 : memref<128x32xf32, #tpu.memory_space<vmem_shared>>)
      tpu.yield
    }) : () -> ()
    "tpu.region"() ({
      %run_scoped3A_92 = tpu.sem_alloc : memref<!tpu.dma_semaphore, #tpu.memory_space<semaphore_mem>>
      %dma_start3A = arith.constant 0 : i32
      %dma_start3A_93 = tpu.memref_slice %arg10[%add3A_35, %dma_start3A] : memref<10240x32xf32, #tpu.memory_space<vmem_shared>> -> memref<128x32xf32, #tpu.memory_space<vmem_shared>>
      %dma_start3A_94 = arith.constant 0 : i32
      %dma_start3A_95 = tpu.memref_slice %arg10[%add3A_35, %dma_start3A_94] : memref<10240x32xf32, #tpu.memory_space<vmem_shared>> -> memref<128x32xf32, #tpu.memory_space<vmem_shared>>
      tpu.enqueue_dma source(%arg15 : memref<128x32xf32, #tpu.memory_space<vmem>>) target(%dma_start3A_95 : memref<128x32xf32, #tpu.memory_space<vmem_shared>>) target_semaphore(%run_scoped3A_92 : memref<!tpu.dma_semaphore, #tpu.memory_space<semaphore_mem>>)
      %dma_wait3A = arith.constant 0 : i32
      %dma_wait3A_96 = tpu.memref_slice %arg10[%add3A_35, %dma_wait3A] : memref<10240x32xf32, #tpu.memory_space<vmem_shared>> -> memref<128x32xf32, #tpu.memory_space<vmem_shared>>
      %dma_wait3A_97 = arith.constant 0 : i32
      %dma_wait3A_98 = tpu.memref_slice %arg10[%add3A_35, %dma_wait3A_97] : memref<10240x32xf32, #tpu.memory_space<vmem_shared>> -> memref<128x32xf32, #tpu.memory_space<vmem_shared>>
      tpu.wait_dma2 semaphore(%run_scoped3A_92 : memref<!tpu.dma_semaphore, #tpu.memory_space<semaphore_mem>>) src(%arg15 : memref<128x32xf32, #tpu.memory_space<vmem>>) dst(%dma_wait3A_98 : memref<128x32xf32, #tpu.memory_space<vmem_shared>>)
      tpu.yield
    }) : () -> ()
    %eq3A_46 = arith.constant 0 : i32
    %eq3A_47 = arith.cmpi eq, %arg0, %eq3A_46 : i32
    %convert_element_type3A_48 = arith.extui %eq3A_47 : i1 to i32
    %cond3A_49 = arith.constant 0 : i32
    %cond3A_50 = arith.cmpi ne, %convert_element_type3A_48, %cond3A_49 : i32
    scf.if %cond3A_50 {
      "tpu.region"() ({
        %run_scoped3A_92 = tpu.sem_alloc : memref<!tpu.dma_semaphore, #tpu.memory_space<semaphore_mem>>
        %dma_start3A = arith.constant 0 : i32
        %dma_start3A_93 = tpu.memref_slice %arg9[%add3A_35, %dma_start3A] : memref<10240x32xf32, #tpu.memory_space<hbm>> -> memref<128x32xf32, #tpu.memory_space<hbm>>
        %dma_start3A_94 = arith.constant 0 : i32
        %dma_start3A_95 = tpu.memref_slice %arg9[%add3A_35, %dma_start3A_94] : memref<10240x32xf32, #tpu.memory_space<hbm>> -> memref<128x32xf32, #tpu.memory_space<hbm>>
        tpu.enqueue_dma source(%arg15 : memref<128x32xf32, #tpu.memory_space<vmem>>) target(%dma_start3A_95 : memref<128x32xf32, #tpu.memory_space<hbm>>) target_semaphore(%run_scoped3A_92 : memref<!tpu.dma_semaphore, #tpu.memory_space<semaphore_mem>>)
        %dma_wait3A = arith.constant 0 : i32
        %dma_wait3A_96 = tpu.memref_slice %arg9[%add3A_35, %dma_wait3A] : memref<10240x32xf32, #tpu.memory_space<hbm>> -> memref<128x32xf32, #tpu.memory_space<hbm>>
        %dma_wait3A_97 = arith.constant 0 : i32
        %dma_wait3A_98 = tpu.memref_slice %arg9[%add3A_35, %dma_wait3A_97] : memref<10240x32xf32, #tpu.memory_space<hbm>> -> memref<128x32xf32, #tpu.memory_space<hbm>>
        tpu.wait_dma2 semaphore(%run_scoped3A_92 : memref<!tpu.dma_semaphore, #tpu.memory_space<semaphore_mem>>) src(%arg15 : memref<128x32xf32, #tpu.memory_space<vmem>>) dst(%dma_wait3A_98 : memref<128x32xf32, #tpu.memory_space<hbm>>)
        tpu.yield
      }) : () -> ()
    } else {
    }
    %add3A_51 = arith.constant 384 : i32
    %add3A_52 = arith.addi %mul3A_0, %add3A_51 : i32
    %run_scoped3A_53 = arith.constant 0 : i32
    "tpu.region"() ({
      %run_scoped3A_92 = tpu.sem_alloc : memref<!tpu.dma_semaphore, #tpu.memory_space<semaphore_mem>>
      %dma_start3A = arith.constant 0 : i32
      %dma_start3A_93 = arith.constant 0 : i32
      %dma_start3A_94 = tpu.memref_slice %arg2[%run_scoped3A_53, %dma_start3A, %dma_start3A_93] : memref<2x10240x32xf32, #tpu.memory_space<hbm>> -> memref<1x10240x32xf32, #tpu.memory_space<hbm>>
      %dma_start3A_95 = tpu.memref_squeeze %dma_start3A_94 : memref<1x10240x32xf32, #tpu.memory_space<hbm>> -> memref<10240x32xf32, #tpu.memory_space<hbm>>
      %dma_start3A_96 = arith.constant 0 : i32
      %dma_start3A_97 = tpu.memref_slice %dma_start3A_95[%add3A_52, %dma_start3A_96] : memref<10240x32xf32, #tpu.memory_space<hbm>> -> memref<128x32xf32, #tpu.memory_space<hbm>>
      %dma_start3A_98 = arith.constant 0 : i32
      %dma_start3A_99 = arith.constant 0 : i32
      %dma_start3A_100 = tpu.memref_slice %arg2[%run_scoped3A_53, %dma_start3A_98, %dma_start3A_99] : memref<2x10240x32xf32, #tpu.memory_space<hbm>> -> memref<1x10240x32xf32, #tpu.memory_space<hbm>>
      %dma_start3A_101 = tpu.memref_squeeze %dma_start3A_100 : memref<1x10240x32xf32, #tpu.memory_space<hbm>> -> memref<10240x32xf32, #tpu.memory_space<hbm>>
      %dma_start3A_102 = arith.constant 0 : i32
      %dma_start3A_103 = tpu.memref_slice %dma_start3A_101[%add3A_52, %dma_start3A_102] : memref<10240x32xf32, #tpu.memory_space<hbm>> -> memref<128x32xf32, #tpu.memory_space<hbm>>
      tpu.enqueue_dma source(%dma_start3A_103 : memref<128x32xf32, #tpu.memory_space<hbm>>) target(%arg15 : memref<128x32xf32, #tpu.memory_space<vmem>>) target_semaphore(%run_scoped3A_92 : memref<!tpu.dma_semaphore, #tpu.memory_space<semaphore_mem>>)
      %dma_wait3A = arith.constant 0 : i32
      %dma_wait3A_104 = arith.constant 0 : i32
      %dma_wait3A_105 = tpu.memref_slice %arg2[%run_scoped3A_53, %dma_wait3A, %dma_wait3A_104] : memref<2x10240x32xf32, #tpu.memory_space<hbm>> -> memref<1x10240x32xf32, #tpu.memory_space<hbm>>
      %dma_wait3A_106 = tpu.memref_squeeze %dma_wait3A_105 : memref<1x10240x32xf32, #tpu.memory_space<hbm>> -> memref<10240x32xf32, #tpu.memory_space<hbm>>
      %dma_wait3A_107 = arith.constant 0 : i32
      %dma_wait3A_108 = tpu.memref_slice %dma_wait3A_106[%add3A_52, %dma_wait3A_107] : memref<10240x32xf32, #tpu.memory_space<hbm>> -> memref<128x32xf32, #tpu.memory_space<hbm>>
      %dma_wait3A_109 = arith.constant 0 : i32
      %dma_wait3A_110 = arith.constant 0 : i32
      %dma_wait3A_111 = tpu.memref_slice %arg2[%run_scoped3A_53, %dma_wait3A_109, %dma_wait3A_110] : memref<2x10240x32xf32, #tpu.memory_space<hbm>> -> memref<1x10240x32xf32, #tpu.memory_space<hbm>>
      %dma_wait3A_112 = tpu.memref_squeeze %dma_wait3A_111 : memref<1x10240x32xf32, #tpu.memory_space<hbm>> -> memref<10240x32xf32, #tpu.memory_space<hbm>>
      %dma_wait3A_113 = arith.constant 0 : i32
      %dma_wait3A_114 = tpu.memref_slice %dma_wait3A_112[%add3A_52, %dma_wait3A_113] : memref<10240x32xf32, #tpu.memory_space<hbm>> -> memref<128x32xf32, #tpu.memory_space<hbm>>
      tpu.wait_dma2 semaphore(%run_scoped3A_92 : memref<!tpu.dma_semaphore, #tpu.memory_space<semaphore_mem>>) src(%dma_wait3A_114 : memref<128x32xf32, #tpu.memory_space<hbm>>) dst(%arg15 : memref<128x32xf32, #tpu.memory_space<vmem>>)
      tpu.yield
    }) : () -> ()
    %run_scoped3A_54 = arith.constant 1 : i32
    "tpu.region"() ({
      %run_scoped3A_92 = tpu.sem_alloc : memref<!tpu.dma_semaphore, #tpu.memory_space<semaphore_mem>>
      %dma_start3A = arith.constant 0 : i32
      %dma_start3A_93 = arith.constant 0 : i32
      %dma_start3A_94 = tpu.memref_slice %arg2[%run_scoped3A_54, %dma_start3A, %dma_start3A_93] : memref<2x10240x32xf32, #tpu.memory_space<hbm>> -> memref<1x10240x32xf32, #tpu.memory_space<hbm>>
      %dma_start3A_95 = tpu.memref_squeeze %dma_start3A_94 : memref<1x10240x32xf32, #tpu.memory_space<hbm>> -> memref<10240x32xf32, #tpu.memory_space<hbm>>
      %dma_start3A_96 = arith.constant 0 : i32
      %dma_start3A_97 = tpu.memref_slice %dma_start3A_95[%add3A_52, %dma_start3A_96] : memref<10240x32xf32, #tpu.memory_space<hbm>> -> memref<128x32xf32, #tpu.memory_space<hbm>>
      %dma_start3A_98 = arith.constant 0 : i32
      %dma_start3A_99 = arith.constant 0 : i32
      %dma_start3A_100 = tpu.memref_slice %arg2[%run_scoped3A_54, %dma_start3A_98, %dma_start3A_99] : memref<2x10240x32xf32, #tpu.memory_space<hbm>> -> memref<1x10240x32xf32, #tpu.memory_space<hbm>>
      %dma_start3A_101 = tpu.memref_squeeze %dma_start3A_100 : memref<1x10240x32xf32, #tpu.memory_space<hbm>> -> memref<10240x32xf32, #tpu.memory_space<hbm>>
      %dma_start3A_102 = arith.constant 0 : i32
      %dma_start3A_103 = tpu.memref_slice %dma_start3A_101[%add3A_52, %dma_start3A_102] : memref<10240x32xf32, #tpu.memory_space<hbm>> -> memref<128x32xf32, #tpu.memory_space<hbm>>
      tpu.enqueue_dma source(%dma_start3A_103 : memref<128x32xf32, #tpu.memory_space<hbm>>) target(%arg16 : memref<128x32xf32, #tpu.memory_space<vmem>>) target_semaphore(%run_scoped3A_92 : memref<!tpu.dma_semaphore, #tpu.memory_space<semaphore_mem>>)
      %dma_wait3A = arith.constant 0 : i32
      %dma_wait3A_104 = arith.constant 0 : i32
      %dma_wait3A_105 = tpu.memref_slice %arg2[%run_scoped3A_54, %dma_wait3A, %dma_wait3A_104] : memref<2x10240x32xf32, #tpu.memory_space<hbm>> -> memref<1x10240x32xf32, #tpu.memory_space<hbm>>
      %dma_wait3A_106 = tpu.memref_squeeze %dma_wait3A_105 : memref<1x10240x32xf32, #tpu.memory_space<hbm>> -> memref<10240x32xf32, #tpu.memory_space<hbm>>
      %dma_wait3A_107 = arith.constant 0 : i32
      %dma_wait3A_108 = tpu.memref_slice %dma_wait3A_106[%add3A_52, %dma_wait3A_107] : memref<10240x32xf32, #tpu.memory_space<hbm>> -> memref<128x32xf32, #tpu.memory_space<hbm>>
      %dma_wait3A_109 = arith.constant 0 : i32
      %dma_wait3A_110 = arith.constant 0 : i32
      %dma_wait3A_111 = tpu.memref_slice %arg2[%run_scoped3A_54, %dma_wait3A_109, %dma_wait3A_110] : memref<2x10240x32xf32, #tpu.memory_space<hbm>> -> memref<1x10240x32xf32, #tpu.memory_space<hbm>>
      %dma_wait3A_112 = tpu.memref_squeeze %dma_wait3A_111 : memref<1x10240x32xf32, #tpu.memory_space<hbm>> -> memref<10240x32xf32, #tpu.memory_space<hbm>>
      %dma_wait3A_113 = arith.constant 0 : i32
      %dma_wait3A_114 = tpu.memref_slice %dma_wait3A_112[%add3A_52, %dma_wait3A_113] : memref<10240x32xf32, #tpu.memory_space<hbm>> -> memref<128x32xf32, #tpu.memory_space<hbm>>
      tpu.wait_dma2 semaphore(%run_scoped3A_92 : memref<!tpu.dma_semaphore, #tpu.memory_space<semaphore_mem>>) src(%dma_wait3A_114 : memref<128x32xf32, #tpu.memory_space<hbm>>) dst(%arg16 : memref<128x32xf32, #tpu.memory_space<vmem>>)
      tpu.yield
    }) : () -> ()
    "tpu.region"() ({
      %run_scoped3A_92 = tpu.sem_alloc : memref<!tpu.dma_semaphore, #tpu.memory_space<semaphore_mem>>
      %dma_start3A = arith.constant 0 : i32
      %dma_start3A_93 = tpu.memref_slice %arg4[%add3A_52, %dma_start3A] : memref<10240x32xf32, #tpu.memory_space<hbm>> -> memref<128x32xf32, #tpu.memory_space<hbm>>
      %dma_start3A_94 = arith.constant 0 : i32
      %dma_start3A_95 = tpu.memref_slice %arg4[%add3A_52, %dma_start3A_94] : memref<10240x32xf32, #tpu.memory_space<hbm>> -> memref<128x32xf32, #tpu.memory_space<hbm>>
      tpu.enqueue_dma source(%dma_start3A_95 : memref<128x32xf32, #tpu.memory_space<hbm>>) target(%arg17 : memref<128x32xf32, #tpu.memory_space<vmem>>) target_semaphore(%run_scoped3A_92 : memref<!tpu.dma_semaphore, #tpu.memory_space<semaphore_mem>>)
      %dma_wait3A = arith.constant 0 : i32
      %dma_wait3A_96 = tpu.memref_slice %arg4[%add3A_52, %dma_wait3A] : memref<10240x32xf32, #tpu.memory_space<hbm>> -> memref<128x32xf32, #tpu.memory_space<hbm>>
      %dma_wait3A_97 = arith.constant 0 : i32
      %dma_wait3A_98 = tpu.memref_slice %arg4[%add3A_52, %dma_wait3A_97] : memref<10240x32xf32, #tpu.memory_space<hbm>> -> memref<128x32xf32, #tpu.memory_space<hbm>>
      tpu.wait_dma2 semaphore(%run_scoped3A_92 : memref<!tpu.dma_semaphore, #tpu.memory_space<semaphore_mem>>) src(%dma_wait3A_98 : memref<128x32xf32, #tpu.memory_space<hbm>>) dst(%arg17 : memref<128x32xf32, #tpu.memory_space<vmem>>)
      tpu.yield
    }) : () -> ()
    %run_scoped3A_55 = arith.constant 0 : i32
    "tpu.region"() ({
      %run_scoped3A_92 = tpu.sem_alloc : memref<!tpu.dma_semaphore, #tpu.memory_space<semaphore_mem>>
      %dma_start3A = arith.constant 0 : i32
      %dma_start3A_93 = arith.constant 0 : i32
      %dma_start3A_94 = tpu.memref_slice %arg3[%run_scoped3A_55, %dma_start3A, %dma_start3A_93] : memref<2x10240x16xf32, #tpu.memory_space<hbm>> -> memref<1x10240x16xf32, #tpu.memory_space<hbm>>
      %dma_start3A_95 = tpu.memref_squeeze %dma_start3A_94 : memref<1x10240x16xf32, #tpu.memory_space<hbm>> -> memref<10240x16xf32, #tpu.memory_space<hbm>>
      %dma_start3A_96 = arith.constant 0 : i32
      %dma_start3A_97 = tpu.memref_slice %dma_start3A_95[%add3A_52, %dma_start3A_96] : memref<10240x16xf32, #tpu.memory_space<hbm>> -> memref<128x16xf32, #tpu.memory_space<hbm>>
      %dma_start3A_98 = arith.constant 0 : i32
      %dma_start3A_99 = arith.constant 0 : i32
      %dma_start3A_100 = tpu.memref_slice %arg3[%run_scoped3A_55, %dma_start3A_98, %dma_start3A_99] : memref<2x10240x16xf32, #tpu.memory_space<hbm>> -> memref<1x10240x16xf32, #tpu.memory_space<hbm>>
      %dma_start3A_101 = tpu.memref_squeeze %dma_start3A_100 : memref<1x10240x16xf32, #tpu.memory_space<hbm>> -> memref<10240x16xf32, #tpu.memory_space<hbm>>
      %dma_start3A_102 = arith.constant 0 : i32
      %dma_start3A_103 = tpu.memref_slice %dma_start3A_101[%add3A_52, %dma_start3A_102] : memref<10240x16xf32, #tpu.memory_space<hbm>> -> memref<128x16xf32, #tpu.memory_space<hbm>>
      tpu.enqueue_dma source(%dma_start3A_103 : memref<128x16xf32, #tpu.memory_space<hbm>>) target(%arg18 : memref<128x16xf32, #tpu.memory_space<vmem>>) target_semaphore(%run_scoped3A_92 : memref<!tpu.dma_semaphore, #tpu.memory_space<semaphore_mem>>)
      %dma_wait3A = arith.constant 0 : i32
      %dma_wait3A_104 = arith.constant 0 : i32
      %dma_wait3A_105 = tpu.memref_slice %arg3[%run_scoped3A_55, %dma_wait3A, %dma_wait3A_104] : memref<2x10240x16xf32, #tpu.memory_space<hbm>> -> memref<1x10240x16xf32, #tpu.memory_space<hbm>>
      %dma_wait3A_106 = tpu.memref_squeeze %dma_wait3A_105 : memref<1x10240x16xf32, #tpu.memory_space<hbm>> -> memref<10240x16xf32, #tpu.memory_space<hbm>>
      %dma_wait3A_107 = arith.constant 0 : i32
      %dma_wait3A_108 = tpu.memref_slice %dma_wait3A_106[%add3A_52, %dma_wait3A_107] : memref<10240x16xf32, #tpu.memory_space<hbm>> -> memref<128x16xf32, #tpu.memory_space<hbm>>
      %dma_wait3A_109 = arith.constant 0 : i32
      %dma_wait3A_110 = arith.constant 0 : i32
      %dma_wait3A_111 = tpu.memref_slice %arg3[%run_scoped3A_55, %dma_wait3A_109, %dma_wait3A_110] : memref<2x10240x16xf32, #tpu.memory_space<hbm>> -> memref<1x10240x16xf32, #tpu.memory_space<hbm>>
      %dma_wait3A_112 = tpu.memref_squeeze %dma_wait3A_111 : memref<1x10240x16xf32, #tpu.memory_space<hbm>> -> memref<10240x16xf32, #tpu.memory_space<hbm>>
      %dma_wait3A_113 = arith.constant 0 : i32
      %dma_wait3A_114 = tpu.memref_slice %dma_wait3A_112[%add3A_52, %dma_wait3A_113] : memref<10240x16xf32, #tpu.memory_space<hbm>> -> memref<128x16xf32, #tpu.memory_space<hbm>>
      tpu.wait_dma2 semaphore(%run_scoped3A_92 : memref<!tpu.dma_semaphore, #tpu.memory_space<semaphore_mem>>) src(%dma_wait3A_114 : memref<128x16xf32, #tpu.memory_space<hbm>>) dst(%arg18 : memref<128x16xf32, #tpu.memory_space<vmem>>)
      tpu.yield
    }) : () -> ()
    %run_scoped3A_56 = arith.constant 1 : i32
    "tpu.region"() ({
      %run_scoped3A_92 = tpu.sem_alloc : memref<!tpu.dma_semaphore, #tpu.memory_space<semaphore_mem>>
      %dma_start3A = arith.constant 0 : i32
      %dma_start3A_93 = arith.constant 0 : i32
      %dma_start3A_94 = tpu.memref_slice %arg3[%run_scoped3A_56, %dma_start3A, %dma_start3A_93] : memref<2x10240x16xf32, #tpu.memory_space<hbm>> -> memref<1x10240x16xf32, #tpu.memory_space<hbm>>
      %dma_start3A_95 = tpu.memref_squeeze %dma_start3A_94 : memref<1x10240x16xf32, #tpu.memory_space<hbm>> -> memref<10240x16xf32, #tpu.memory_space<hbm>>
      %dma_start3A_96 = arith.constant 0 : i32
      %dma_start3A_97 = tpu.memref_slice %dma_start3A_95[%add3A_52, %dma_start3A_96] : memref<10240x16xf32, #tpu.memory_space<hbm>> -> memref<128x16xf32, #tpu.memory_space<hbm>>
      %dma_start3A_98 = arith.constant 0 : i32
      %dma_start3A_99 = arith.constant 0 : i32
      %dma_start3A_100 = tpu.memref_slice %arg3[%run_scoped3A_56, %dma_start3A_98, %dma_start3A_99] : memref<2x10240x16xf32, #tpu.memory_space<hbm>> -> memref<1x10240x16xf32, #tpu.memory_space<hbm>>
      %dma_start3A_101 = tpu.memref_squeeze %dma_start3A_100 : memref<1x10240x16xf32, #tpu.memory_space<hbm>> -> memref<10240x16xf32, #tpu.memory_space<hbm>>
      %dma_start3A_102 = arith.constant 0 : i32
      %dma_start3A_103 = tpu.memref_slice %dma_start3A_101[%add3A_52, %dma_start3A_102] : memref<10240x16xf32, #tpu.memory_space<hbm>> -> memref<128x16xf32, #tpu.memory_space<hbm>>
      tpu.enqueue_dma source(%dma_start3A_103 : memref<128x16xf32, #tpu.memory_space<hbm>>) target(%arg19 : memref<128x16xf32, #tpu.memory_space<vmem>>) target_semaphore(%run_scoped3A_92 : memref<!tpu.dma_semaphore, #tpu.memory_space<semaphore_mem>>)
      %dma_wait3A = arith.constant 0 : i32
      %dma_wait3A_104 = arith.constant 0 : i32
      %dma_wait3A_105 = tpu.memref_slice %arg3[%run_scoped3A_56, %dma_wait3A, %dma_wait3A_104] : memref<2x10240x16xf32, #tpu.memory_space<hbm>> -> memref<1x10240x16xf32, #tpu.memory_space<hbm>>
      %dma_wait3A_106 = tpu.memref_squeeze %dma_wait3A_105 : memref<1x10240x16xf32, #tpu.memory_space<hbm>> -> memref<10240x16xf32, #tpu.memory_space<hbm>>
      %dma_wait3A_107 = arith.constant 0 : i32
      %dma_wait3A_108 = tpu.memref_slice %dma_wait3A_106[%add3A_52, %dma_wait3A_107] : memref<10240x16xf32, #tpu.memory_space<hbm>> -> memref<128x16xf32, #tpu.memory_space<hbm>>
      %dma_wait3A_109 = arith.constant 0 : i32
      %dma_wait3A_110 = arith.constant 0 : i32
      %dma_wait3A_111 = tpu.memref_slice %arg3[%run_scoped3A_56, %dma_wait3A_109, %dma_wait3A_110] : memref<2x10240x16xf32, #tpu.memory_space<hbm>> -> memref<1x10240x16xf32, #tpu.memory_space<hbm>>
      %dma_wait3A_112 = tpu.memref_squeeze %dma_wait3A_111 : memref<1x10240x16xf32, #tpu.memory_space<hbm>> -> memref<10240x16xf32, #tpu.memory_space<hbm>>
      %dma_wait3A_113 = arith.constant 0 : i32
      %dma_wait3A_114 = tpu.memref_slice %dma_wait3A_112[%add3A_52, %dma_wait3A_113] : memref<10240x16xf32, #tpu.memory_space<hbm>> -> memref<128x16xf32, #tpu.memory_space<hbm>>
      tpu.wait_dma2 semaphore(%run_scoped3A_92 : memref<!tpu.dma_semaphore, #tpu.memory_space<semaphore_mem>>) src(%dma_wait3A_114 : memref<128x16xf32, #tpu.memory_space<hbm>>) dst(%arg19 : memref<128x16xf32, #tpu.memory_space<vmem>>)
      tpu.yield
    }) : () -> ()
    %scan3A_57 = arith.constant 0 : i32
    %scan3A_58 = arith.constant 0 : i32
    %scan3A_59 = arith.constant 128 : i32
    %scan3A_60 = arith.addi %scan3A_58, %scan3A_59 : i32
    %scan3A_61 = arith.constant 1 : i32
    scf.for %scan3A_92 = %scan3A_58 to %scan3A_60 step %scan3A_61  : i32 {
      %get3A = arith.index_cast %scan3A_92 : i32 to index
      %get3A_93 = arith.constant 0 : index
      %get3A_94 = tpu.vector_load %arg18[%get3A, %get3A_93] {strides = array<i32>} : memref<128x16xf32, #tpu.memory_space<vmem>>, vector<1x16xf32>,
      %get3A_95 = vector.shape_cast %get3A_94 : vector<1x16xf32> to vector<16xf32>
      %get3A_96 = arith.index_cast %scan3A_92 : i32 to index
      %get3A_97 = arith.constant 0 : index
      %get3A_98 = tpu.vector_load %arg19[%get3A_96, %get3A_97] {strides = array<i32>} : memref<128x16xf32, #tpu.memory_space<vmem>>, vector<1x16xf32>,
      %get3A_99 = vector.shape_cast %get3A_98 : vector<1x16xf32> to vector<16xf32>
      %add3A_100 = arith.addf %get3A_95, %get3A_99 : vector<16xf32>
      %add3A_101 = arith.constant 1.000000e+00 : f32
      %add3A_102 = vector.broadcast %add3A_101 : f32 to vector<16xf32>
      %add3A_103 = arith.addf %add3A_100, %add3A_102 : vector<16xf32>
      %div3A = arith.constant 1.000000e+00 : f32
      %div3A_104 = vector.broadcast %div3A : f32 to vector<16xf32>
      %div3A_105 = arith.divf %div3A_104, %add3A_103 : vector<16xf32>
      %get3A_106 = arith.index_cast %scan3A_92 : i32 to index
      %get3A_107 = arith.constant 0 : index
      %get3A_108 = tpu.vector_load %arg15[%get3A_106, %get3A_107] {strides = array<i32>} : memref<128x32xf32, #tpu.memory_space<vmem>>, vector<1x16xf32>,
      %get3A_109 = vector.shape_cast %get3A_108 : vector<1x16xf32> to vector<16xf32>
      %get3A_110 = arith.index_cast %scan3A_92 : i32 to index
      %get3A_111 = arith.constant 0 : index
      %get3A_112 = tpu.vector_load %arg16[%get3A_110, %get3A_111] {strides = array<i32>} : memref<128x32xf32, #tpu.memory_space<vmem>>, vector<1x16xf32>,
      %get3A_113 = vector.shape_cast %get3A_112 : vector<1x16xf32> to vector<16xf32>
      %add3A_114 = arith.addf %get3A_109, %get3A_113 : vector<16xf32>
      %get3A_115 = arith.index_cast %scan3A_92 : i32 to index
      %get3A_116 = arith.constant 0 : index
      %get3A_117 = tpu.vector_load %arg17[%get3A_115, %get3A_116] {strides = array<i32>} : memref<128x32xf32, #tpu.memory_space<vmem>>, vector<1x16xf32>,
      %get3A_118 = vector.shape_cast %get3A_117 : vector<1x16xf32> to vector<16xf32>
      %sub3A = arith.subf %add3A_114, %get3A_118 : vector<16xf32>
      %mul3A_119 = arith.mulf %sub3A, %div3A_105 : vector<16xf32>
      %get3A_120 = arith.constant 0 : index
      %get3A_121 = tpu.vector_load %arg20[%get3A_120] {strides = array<i32>} : memref<32xf32, #tpu.memory_space<vmem>>, vector<16xf32>,
      %get3A_122 = vector.shape_cast %get3A_121 : vector<16xf32> to vector<16xf32>
      %add3A_123 = arith.addf %mul3A_119, %get3A_122 : vector<16xf32>
      %max3A = arith.constant 0.000000e+00 : f32
      %max3A_124 = vector.broadcast %max3A : f32 to vector<16xf32>
      %max3A_125 = arith.maximumf %add3A_123, %max3A_124 : vector<16xf32>
      %swap3A = arith.index_cast %scan3A_92 : i32 to index
      %swap3A_126 = arith.constant 0 : index
      %swap3A_127 = tpu.vector_load %arg15[%swap3A, %swap3A_126] {strides = array<i32>} : memref<128x32xf32, #tpu.memory_space<vmem>>, vector<1x16xf32>,
      %swap3A_128 = vector.shape_cast %swap3A_127 : vector<1x16xf32> to vector<16xf32>
      %swap3A_129 = vector.shape_cast %max3A_125 : vector<16xf32> to vector<1x16xf32>
      tpu.vector_store %arg15[%swap3A, %swap3A_126], %swap3A_129 {strides = array<i32>} : memref<128x32xf32, #tpu.memory_space<vmem>>, vector<1x16xf32>,
      %get3A_130 = arith.index_cast %scan3A_92 : i32 to index
      %get3A_131 = arith.constant 16 : index
      %get3A_132 = tpu.vector_load %arg15[%get3A_130, %get3A_131] {strides = array<i32>} : memref<128x32xf32, #tpu.memory_space<vmem>>, vector<1x16xf32>,
      %get3A_133 = vector.shape_cast %get3A_132 : vector<1x16xf32> to vector<16xf32>
      %get3A_134 = arith.index_cast %scan3A_92 : i32 to index
      %get3A_135 = arith.constant 16 : index
      %get3A_136 = tpu.vector_load %arg16[%get3A_134, %get3A_135] {strides = array<i32>} : memref<128x32xf32, #tpu.memory_space<vmem>>, vector<1x16xf32>,
      %get3A_137 = vector.shape_cast %get3A_136 : vector<1x16xf32> to vector<16xf32>
      %add3A_138 = arith.addf %get3A_133, %get3A_137 : vector<16xf32>
      %get3A_139 = arith.index_cast %scan3A_92 : i32 to index
      %get3A_140 = arith.constant 16 : index
      %get3A_141 = tpu.vector_load %arg17[%get3A_139, %get3A_140] {strides = array<i32>} : memref<128x32xf32, #tpu.memory_space<vmem>>, vector<1x16xf32>,
      %get3A_142 = vector.shape_cast %get3A_141 : vector<1x16xf32> to vector<16xf32>
      %sub3A_143 = arith.subf %add3A_138, %get3A_142 : vector<16xf32>
      %mul3A_144 = arith.mulf %sub3A_143, %div3A_105 : vector<16xf32>
      %get3A_145 = arith.constant 16 : index
      %get3A_146 = tpu.vector_load %arg20[%get3A_145] {strides = array<i32>} : memref<32xf32, #tpu.memory_space<vmem>>, vector<16xf32>,
      %get3A_147 = vector.shape_cast %get3A_146 : vector<16xf32> to vector<16xf32>
      %add3A_148 = arith.addf %mul3A_144, %get3A_147 : vector<16xf32>
      %max3A_149 = arith.constant 0.000000e+00 : f32
      %max3A_150 = vector.broadcast %max3A_149 : f32 to vector<16xf32>
      %max3A_151 = arith.maximumf %add3A_148, %max3A_150 : vector<16xf32>
      %swap3A_152 = arith.index_cast %scan3A_92 : i32 to index
      %swap3A_153 = arith.constant 16 : index
      %swap3A_154 = tpu.vector_load %arg15[%swap3A_152, %swap3A_153] {strides = array<i32>} : memref<128x32xf32, #tpu.memory_space<vmem>>, vector<1x16xf32>,
      %swap3A_155 = vector.shape_cast %swap3A_154 : vector<1x16xf32> to vector<16xf32>
      %swap3A_156 = vector.shape_cast %max3A_151 : vector<16xf32> to vector<1x16xf32>
      tpu.vector_store %arg15[%swap3A_152, %swap3A_153], %swap3A_156 {strides = array<i32>} : memref<128x32xf32, #tpu.memory_space<vmem>>, vector<1x16xf32>,
    }
    %scan3A_62 = arith.constant 128 : i32
    "tpu.region"() ({
      %run_scoped3A_92 = tpu.sem_alloc : memref<!tpu.dma_semaphore, #tpu.memory_space<semaphore_mem>>
      %dma_start3A = arith.constant 0 : i32
      %dma_start3A_93 = tpu.memref_slice %arg11[%add3A_52, %dma_start3A] : memref<10240x32xf32, #tpu.memory_space<vmem_shared>> -> memref<128x32xf32, #tpu.memory_space<vmem_shared>>
      %dma_start3A_94 = arith.constant 0 : i32
      %dma_start3A_95 = tpu.memref_slice %arg11[%add3A_52, %dma_start3A_94] : memref<10240x32xf32, #tpu.memory_space<vmem_shared>> -> memref<128x32xf32, #tpu.memory_space<vmem_shared>>
      tpu.enqueue_dma source(%arg15 : memref<128x32xf32, #tpu.memory_space<vmem>>) target(%dma_start3A_95 : memref<128x32xf32, #tpu.memory_space<vmem_shared>>) target_semaphore(%run_scoped3A_92 : memref<!tpu.dma_semaphore, #tpu.memory_space<semaphore_mem>>)
      %dma_wait3A = arith.constant 0 : i32
      %dma_wait3A_96 = tpu.memref_slice %arg11[%add3A_52, %dma_wait3A] : memref<10240x32xf32, #tpu.memory_space<vmem_shared>> -> memref<128x32xf32, #tpu.memory_space<vmem_shared>>
      %dma_wait3A_97 = arith.constant 0 : i32
      %dma_wait3A_98 = tpu.memref_slice %arg11[%add3A_52, %dma_wait3A_97] : memref<10240x32xf32, #tpu.memory_space<vmem_shared>> -> memref<128x32xf32, #tpu.memory_space<vmem_shared>>
      tpu.wait_dma2 semaphore(%run_scoped3A_92 : memref<!tpu.dma_semaphore, #tpu.memory_space<semaphore_mem>>) src(%arg15 : memref<128x32xf32, #tpu.memory_space<vmem>>) dst(%dma_wait3A_98 : memref<128x32xf32, #tpu.memory_space<vmem_shared>>)
      tpu.yield
    }) : () -> ()
    "tpu.region"() ({
      %run_scoped3A_92 = tpu.sem_alloc : memref<!tpu.dma_semaphore, #tpu.memory_space<semaphore_mem>>
      %dma_start3A = arith.constant 0 : i32
      %dma_start3A_93 = tpu.memref_slice %arg10[%add3A_52, %dma_start3A] : memref<10240x32xf32, #tpu.memory_space<vmem_shared>> -> memref<128x32xf32, #tpu.memory_space<vmem_shared>>
      %dma_start3A_94 = arith.constant 0 : i32
      %dma_start3A_95 = tpu.memref_slice %arg10[%add3A_52, %dma_start3A_94] : memref<10240x32xf32, #tpu.memory_space<vmem_shared>> -> memref<128x32xf32, #tpu.memory_space<vmem_shared>>
      tpu.enqueue_dma source(%arg15 : memref<128x32xf32, #tpu.memory_space<vmem>>) target(%dma_start3A_95 : memref<128x32xf32, #tpu.memory_space<vmem_shared>>) target_semaphore(%run_scoped3A_92 : memref<!tpu.dma_semaphore, #tpu.memory_space<semaphore_mem>>)
      %dma_wait3A = arith.constant 0 : i32
      %dma_wait3A_96 = tpu.memref_slice %arg10[%add3A_52, %dma_wait3A] : memref<10240x32xf32, #tpu.memory_space<vmem_shared>> -> memref<128x32xf32, #tpu.memory_space<vmem_shared>>
      %dma_wait3A_97 = arith.constant 0 : i32
      %dma_wait3A_98 = tpu.memref_slice %arg10[%add3A_52, %dma_wait3A_97] : memref<10240x32xf32, #tpu.memory_space<vmem_shared>> -> memref<128x32xf32, #tpu.memory_space<vmem_shared>>
      tpu.wait_dma2 semaphore(%run_scoped3A_92 : memref<!tpu.dma_semaphore, #tpu.memory_space<semaphore_mem>>) src(%arg15 : memref<128x32xf32, #tpu.memory_space<vmem>>) dst(%dma_wait3A_98 : memref<128x32xf32, #tpu.memory_space<vmem_shared>>)
      tpu.yield
    }) : () -> ()
    %eq3A_63 = arith.constant 0 : i32
    %eq3A_64 = arith.cmpi eq, %arg0, %eq3A_63 : i32
    %convert_element_type3A_65 = arith.extui %eq3A_64 : i1 to i32
    %cond3A_66 = arith.constant 0 : i32
    %cond3A_67 = arith.cmpi ne, %convert_element_type3A_65, %cond3A_66 : i32
    scf.if %cond3A_67 {
      "tpu.region"() ({
        %run_scoped3A_92 = tpu.sem_alloc : memref<!tpu.dma_semaphore, #tpu.memory_space<semaphore_mem>>
        %dma_start3A = arith.constant 0 : i32
        %dma_start3A_93 = tpu.memref_slice %arg9[%add3A_52, %dma_start3A] : memref<10240x32xf32, #tpu.memory_space<hbm>> -> memref<128x32xf32, #tpu.memory_space<hbm>>
        %dma_start3A_94 = arith.constant 0 : i32
        %dma_start3A_95 = tpu.memref_slice %arg9[%add3A_52, %dma_start3A_94] : memref<10240x32xf32, #tpu.memory_space<hbm>> -> memref<128x32xf32, #tpu.memory_space<hbm>>
        tpu.enqueue_dma source(%arg15 : memref<128x32xf32, #tpu.memory_space<vmem>>) target(%dma_start3A_95 : memref<128x32xf32, #tpu.memory_space<hbm>>) target_semaphore(%run_scoped3A_92 : memref<!tpu.dma_semaphore, #tpu.memory_space<semaphore_mem>>)
        %dma_wait3A = arith.constant 0 : i32
        %dma_wait3A_96 = tpu.memref_slice %arg9[%add3A_52, %dma_wait3A] : memref<10240x32xf32, #tpu.memory_space<hbm>> -> memref<128x32xf32, #tpu.memory_space<hbm>>
        %dma_wait3A_97 = arith.constant 0 : i32
        %dma_wait3A_98 = tpu.memref_slice %arg9[%add3A_52, %dma_wait3A_97] : memref<10240x32xf32, #tpu.memory_space<hbm>> -> memref<128x32xf32, #tpu.memory_space<hbm>>
        tpu.wait_dma2 semaphore(%run_scoped3A_92 : memref<!tpu.dma_semaphore, #tpu.memory_space<semaphore_mem>>) src(%arg15 : memref<128x32xf32, #tpu.memory_space<vmem>>) dst(%dma_wait3A_98 : memref<128x32xf32, #tpu.memory_space<hbm>>)
        tpu.yield
      }) : () -> ()
    } else {
    }
    %add3A_68 = arith.constant 512 : i32
    %add3A_69 = arith.addi %mul3A_0, %add3A_68 : i32
    %run_scoped3A_70 = arith.constant 0 : i32
    "tpu.region"() ({
      %run_scoped3A_92 = tpu.sem_alloc : memref<!tpu.dma_semaphore, #tpu.memory_space<semaphore_mem>>
      %dma_start3A = arith.constant 0 : i32
      %dma_start3A_93 = arith.constant 0 : i32
      %dma_start3A_94 = tpu.memref_slice %arg2[%run_scoped3A_70, %dma_start3A, %dma_start3A_93] : memref<2x10240x32xf32, #tpu.memory_space<hbm>> -> memref<1x10240x32xf32, #tpu.memory_space<hbm>>
      %dma_start3A_95 = tpu.memref_squeeze %dma_start3A_94 : memref<1x10240x32xf32, #tpu.memory_space<hbm>> -> memref<10240x32xf32, #tpu.memory_space<hbm>>
      %dma_start3A_96 = arith.constant 0 : i32
      %dma_start3A_97 = tpu.memref_slice %dma_start3A_95[%add3A_69, %dma_start3A_96] : memref<10240x32xf32, #tpu.memory_space<hbm>> -> memref<128x32xf32, #tpu.memory_space<hbm>>
      %dma_start3A_98 = arith.constant 0 : i32
      %dma_start3A_99 = arith.constant 0 : i32
      %dma_start3A_100 = tpu.memref_slice %arg2[%run_scoped3A_70, %dma_start3A_98, %dma_start3A_99] : memref<2x10240x32xf32, #tpu.memory_space<hbm>> -> memref<1x10240x32xf32, #tpu.memory_space<hbm>>
      %dma_start3A_101 = tpu.memref_squeeze %dma_start3A_100 : memref<1x10240x32xf32, #tpu.memory_space<hbm>> -> memref<10240x32xf32, #tpu.memory_space<hbm>>
      %dma_start3A_102 = arith.constant 0 : i32
      %dma_start3A_103 = tpu.memref_slice %dma_start3A_101[%add3A_69, %dma_start3A_102] : memref<10240x32xf32, #tpu.memory_space<hbm>> -> memref<128x32xf32, #tpu.memory_space<hbm>>
      tpu.enqueue_dma source(%dma_start3A_103 : memref<128x32xf32, #tpu.memory_space<hbm>>) target(%arg15 : memref<128x32xf32, #tpu.memory_space<vmem>>) target_semaphore(%run_scoped3A_92 : memref<!tpu.dma_semaphore, #tpu.memory_space<semaphore_mem>>)
      %dma_wait3A = arith.constant 0 : i32
      %dma_wait3A_104 = arith.constant 0 : i32
      %dma_wait3A_105 = tpu.memref_slice %arg2[%run_scoped3A_70, %dma_wait3A, %dma_wait3A_104] : memref<2x10240x32xf32, #tpu.memory_space<hbm>> -> memref<1x10240x32xf32, #tpu.memory_space<hbm>>
      %dma_wait3A_106 = tpu.memref_squeeze %dma_wait3A_105 : memref<1x10240x32xf32, #tpu.memory_space<hbm>> -> memref<10240x32xf32, #tpu.memory_space<hbm>>
      %dma_wait3A_107 = arith.constant 0 : i32
      %dma_wait3A_108 = tpu.memref_slice %dma_wait3A_106[%add3A_69, %dma_wait3A_107] : memref<10240x32xf32, #tpu.memory_space<hbm>> -> memref<128x32xf32, #tpu.memory_space<hbm>>
      %dma_wait3A_109 = arith.constant 0 : i32
      %dma_wait3A_110 = arith.constant 0 : i32
      %dma_wait3A_111 = tpu.memref_slice %arg2[%run_scoped3A_70, %dma_wait3A_109, %dma_wait3A_110] : memref<2x10240x32xf32, #tpu.memory_space<hbm>> -> memref<1x10240x32xf32, #tpu.memory_space<hbm>>
      %dma_wait3A_112 = tpu.memref_squeeze %dma_wait3A_111 : memref<1x10240x32xf32, #tpu.memory_space<hbm>> -> memref<10240x32xf32, #tpu.memory_space<hbm>>
      %dma_wait3A_113 = arith.constant 0 : i32
      %dma_wait3A_114 = tpu.memref_slice %dma_wait3A_112[%add3A_69, %dma_wait3A_113] : memref<10240x32xf32, #tpu.memory_space<hbm>> -> memref<128x32xf32, #tpu.memory_space<hbm>>
      tpu.wait_dma2 semaphore(%run_scoped3A_92 : memref<!tpu.dma_semaphore, #tpu.memory_space<semaphore_mem>>) src(%dma_wait3A_114 : memref<128x32xf32, #tpu.memory_space<hbm>>) dst(%arg15 : memref<128x32xf32, #tpu.memory_space<vmem>>)
      tpu.yield
    }) : () -> ()
    %run_scoped3A_71 = arith.constant 1 : i32
    "tpu.region"() ({
      %run_scoped3A_92 = tpu.sem_alloc : memref<!tpu.dma_semaphore, #tpu.memory_space<semaphore_mem>>
      %dma_start3A = arith.constant 0 : i32
      %dma_start3A_93 = arith.constant 0 : i32
      %dma_start3A_94 = tpu.memref_slice %arg2[%run_scoped3A_71, %dma_start3A, %dma_start3A_93] : memref<2x10240x32xf32, #tpu.memory_space<hbm>> -> memref<1x10240x32xf32, #tpu.memory_space<hbm>>
      %dma_start3A_95 = tpu.memref_squeeze %dma_start3A_94 : memref<1x10240x32xf32, #tpu.memory_space<hbm>> -> memref<10240x32xf32, #tpu.memory_space<hbm>>
      %dma_start3A_96 = arith.constant 0 : i32
      %dma_start3A_97 = tpu.memref_slice %dma_start3A_95[%add3A_69, %dma_start3A_96] : memref<10240x32xf32, #tpu.memory_space<hbm>> -> memref<128x32xf32, #tpu.memory_space<hbm>>
      %dma_start3A_98 = arith.constant 0 : i32
      %dma_start3A_99 = arith.constant 0 : i32
      %dma_start3A_100 = tpu.memref_slice %arg2[%run_scoped3A_71, %dma_start3A_98, %dma_start3A_99] : memref<2x10240x32xf32, #tpu.memory_space<hbm>> -> memref<1x10240x32xf32, #tpu.memory_space<hbm>>
      %dma_start3A_101 = tpu.memref_squeeze %dma_start3A_100 : memref<1x10240x32xf32, #tpu.memory_space<hbm>> -> memref<10240x32xf32, #tpu.memory_space<hbm>>
      %dma_start3A_102 = arith.constant 0 : i32
      %dma_start3A_103 = tpu.memref_slice %dma_start3A_101[%add3A_69, %dma_start3A_102] : memref<10240x32xf32, #tpu.memory_space<hbm>> -> memref<128x32xf32, #tpu.memory_space<hbm>>
      tpu.enqueue_dma source(%dma_start3A_103 : memref<128x32xf32, #tpu.memory_space<hbm>>) target(%arg16 : memref<128x32xf32, #tpu.memory_space<vmem>>) target_semaphore(%run_scoped3A_92 : memref<!tpu.dma_semaphore, #tpu.memory_space<semaphore_mem>>)
      %dma_wait3A = arith.constant 0 : i32
      %dma_wait3A_104 = arith.constant 0 : i32
      %dma_wait3A_105 = tpu.memref_slice %arg2[%run_scoped3A_71, %dma_wait3A, %dma_wait3A_104] : memref<2x10240x32xf32, #tpu.memory_space<hbm>> -> memref<1x10240x32xf32, #tpu.memory_space<hbm>>
      %dma_wait3A_106 = tpu.memref_squeeze %dma_wait3A_105 : memref<1x10240x32xf32, #tpu.memory_space<hbm>> -> memref<10240x32xf32, #tpu.memory_space<hbm>>
      %dma_wait3A_107 = arith.constant 0 : i32
      %dma_wait3A_108 = tpu.memref_slice %dma_wait3A_106[%add3A_69, %dma_wait3A_107] : memref<10240x32xf32, #tpu.memory_space<hbm>> -> memref<128x32xf32, #tpu.memory_space<hbm>>
      %dma_wait3A_109 = arith.constant 0 : i32
      %dma_wait3A_110 = arith.constant 0 : i32
      %dma_wait3A_111 = tpu.memref_slice %arg2[%run_scoped3A_71, %dma_wait3A_109, %dma_wait3A_110] : memref<2x10240x32xf32, #tpu.memory_space<hbm>> -> memref<1x10240x32xf32, #tpu.memory_space<hbm>>
      %dma_wait3A_112 = tpu.memref_squeeze %dma_wait3A_111 : memref<1x10240x32xf32, #tpu.memory_space<hbm>> -> memref<10240x32xf32, #tpu.memory_space<hbm>>
      %dma_wait3A_113 = arith.constant 0 : i32
      %dma_wait3A_114 = tpu.memref_slice %dma_wait3A_112[%add3A_69, %dma_wait3A_113] : memref<10240x32xf32, #tpu.memory_space<hbm>> -> memref<128x32xf32, #tpu.memory_space<hbm>>
      tpu.wait_dma2 semaphore(%run_scoped3A_92 : memref<!tpu.dma_semaphore, #tpu.memory_space<semaphore_mem>>) src(%dma_wait3A_114 : memref<128x32xf32, #tpu.memory_space<hbm>>) dst(%arg16 : memref<128x32xf32, #tpu.memory_space<vmem>>)
      tpu.yield
    }) : () -> ()
    "tpu.region"() ({
      %run_scoped3A_92 = tpu.sem_alloc : memref<!tpu.dma_semaphore, #tpu.memory_space<semaphore_mem>>
      %dma_start3A = arith.constant 0 : i32
      %dma_start3A_93 = tpu.memref_slice %arg4[%add3A_69, %dma_start3A] : memref<10240x32xf32, #tpu.memory_space<hbm>> -> memref<128x32xf32, #tpu.memory_space<hbm>>
      %dma_start3A_94 = arith.constant 0 : i32
      %dma_start3A_95 = tpu.memref_slice %arg4[%add3A_69, %dma_start3A_94] : memref<10240x32xf32, #tpu.memory_space<hbm>> -> memref<128x32xf32, #tpu.memory_space<hbm>>
      tpu.enqueue_dma source(%dma_start3A_95 : memref<128x32xf32, #tpu.memory_space<hbm>>) target(%arg17 : memref<128x32xf32, #tpu.memory_space<vmem>>) target_semaphore(%run_scoped3A_92 : memref<!tpu.dma_semaphore, #tpu.memory_space<semaphore_mem>>)
      %dma_wait3A = arith.constant 0 : i32
      %dma_wait3A_96 = tpu.memref_slice %arg4[%add3A_69, %dma_wait3A] : memref<10240x32xf32, #tpu.memory_space<hbm>> -> memref<128x32xf32, #tpu.memory_space<hbm>>
      %dma_wait3A_97 = arith.constant 0 : i32
      %dma_wait3A_98 = tpu.memref_slice %arg4[%add3A_69, %dma_wait3A_97] : memref<10240x32xf32, #tpu.memory_space<hbm>> -> memref<128x32xf32, #tpu.memory_space<hbm>>
      tpu.wait_dma2 semaphore(%run_scoped3A_92 : memref<!tpu.dma_semaphore, #tpu.memory_space<semaphore_mem>>) src(%dma_wait3A_98 : memref<128x32xf32, #tpu.memory_space<hbm>>) dst(%arg17 : memref<128x32xf32, #tpu.memory_space<vmem>>)
      tpu.yield
    }) : () -> ()
    %run_scoped3A_72 = arith.constant 0 : i32
    "tpu.region"() ({
      %run_scoped3A_92 = tpu.sem_alloc : memref<!tpu.dma_semaphore, #tpu.memory_space<semaphore_mem>>
      %dma_start3A = arith.constant 0 : i32
      %dma_start3A_93 = arith.constant 0 : i32
      %dma_start3A_94 = tpu.memref_slice %arg3[%run_scoped3A_72, %dma_start3A, %dma_start3A_93] : memref<2x10240x16xf32, #tpu.memory_space<hbm>> -> memref<1x10240x16xf32, #tpu.memory_space<hbm>>
      %dma_start3A_95 = tpu.memref_squeeze %dma_start3A_94 : memref<1x10240x16xf32, #tpu.memory_space<hbm>> -> memref<10240x16xf32, #tpu.memory_space<hbm>>
      %dma_start3A_96 = arith.constant 0 : i32
      %dma_start3A_97 = tpu.memref_slice %dma_start3A_95[%add3A_69, %dma_start3A_96] : memref<10240x16xf32, #tpu.memory_space<hbm>> -> memref<128x16xf32, #tpu.memory_space<hbm>>
      %dma_start3A_98 = arith.constant 0 : i32
      %dma_start3A_99 = arith.constant 0 : i32
      %dma_start3A_100 = tpu.memref_slice %arg3[%run_scoped3A_72, %dma_start3A_98, %dma_start3A_99] : memref<2x10240x16xf32, #tpu.memory_space<hbm>> -> memref<1x10240x16xf32, #tpu.memory_space<hbm>>
      %dma_start3A_101 = tpu.memref_squeeze %dma_start3A_100 : memref<1x10240x16xf32, #tpu.memory_space<hbm>> -> memref<10240x16xf32, #tpu.memory_space<hbm>>
      %dma_start3A_102 = arith.constant 0 : i32
      %dma_start3A_103 = tpu.memref_slice %dma_start3A_101[%add3A_69, %dma_start3A_102] : memref<10240x16xf32, #tpu.memory_space<hbm>> -> memref<128x16xf32, #tpu.memory_space<hbm>>
      tpu.enqueue_dma source(%dma_start3A_103 : memref<128x16xf32, #tpu.memory_space<hbm>>) target(%arg18 : memref<128x16xf32, #tpu.memory_space<vmem>>) target_semaphore(%run_scoped3A_92 : memref<!tpu.dma_semaphore, #tpu.memory_space<semaphore_mem>>)
      %dma_wait3A = arith.constant 0 : i32
      %dma_wait3A_104 = arith.constant 0 : i32
      %dma_wait3A_105 = tpu.memref_slice %arg3[%run_scoped3A_72, %dma_wait3A, %dma_wait3A_104] : memref<2x10240x16xf32, #tpu.memory_space<hbm>> -> memref<1x10240x16xf32, #tpu.memory_space<hbm>>
      %dma_wait3A_106 = tpu.memref_squeeze %dma_wait3A_105 : memref<1x10240x16xf32, #tpu.memory_space<hbm>> -> memref<10240x16xf32, #tpu.memory_space<hbm>>
      %dma_wait3A_107 = arith.constant 0 : i32
      %dma_wait3A_108 = tpu.memref_slice %dma_wait3A_106[%add3A_69, %dma_wait3A_107] : memref<10240x16xf32, #tpu.memory_space<hbm>> -> memref<128x16xf32, #tpu.memory_space<hbm>>
      %dma_wait3A_109 = arith.constant 0 : i32
      %dma_wait3A_110 = arith.constant 0 : i32
      %dma_wait3A_111 = tpu.memref_slice %arg3[%run_scoped3A_72, %dma_wait3A_109, %dma_wait3A_110] : memref<2x10240x16xf32, #tpu.memory_space<hbm>> -> memref<1x10240x16xf32, #tpu.memory_space<hbm>>
      %dma_wait3A_112 = tpu.memref_squeeze %dma_wait3A_111 : memref<1x10240x16xf32, #tpu.memory_space<hbm>> -> memref<10240x16xf32, #tpu.memory_space<hbm>>
      %dma_wait3A_113 = arith.constant 0 : i32
      %dma_wait3A_114 = tpu.memref_slice %dma_wait3A_112[%add3A_69, %dma_wait3A_113] : memref<10240x16xf32, #tpu.memory_space<hbm>> -> memref<128x16xf32, #tpu.memory_space<hbm>>
      tpu.wait_dma2 semaphore(%run_scoped3A_92 : memref<!tpu.dma_semaphore, #tpu.memory_space<semaphore_mem>>) src(%dma_wait3A_114 : memref<128x16xf32, #tpu.memory_space<hbm>>) dst(%arg18 : memref<128x16xf32, #tpu.memory_space<vmem>>)
      tpu.yield
    }) : () -> ()
    %run_scoped3A_73 = arith.constant 1 : i32
    "tpu.region"() ({
      %run_scoped3A_92 = tpu.sem_alloc : memref<!tpu.dma_semaphore, #tpu.memory_space<semaphore_mem>>
      %dma_start3A = arith.constant 0 : i32
      %dma_start3A_93 = arith.constant 0 : i32
      %dma_start3A_94 = tpu.memref_slice %arg3[%run_scoped3A_73, %dma_start3A, %dma_start3A_93] : memref<2x10240x16xf32, #tpu.memory_space<hbm>> -> memref<1x10240x16xf32, #tpu.memory_space<hbm>>
      %dma_start3A_95 = tpu.memref_squeeze %dma_start3A_94 : memref<1x10240x16xf32, #tpu.memory_space<hbm>> -> memref<10240x16xf32, #tpu.memory_space<hbm>>
      %dma_start3A_96 = arith.constant 0 : i32
      %dma_start3A_97 = tpu.memref_slice %dma_start3A_95[%add3A_69, %dma_start3A_96] : memref<10240x16xf32, #tpu.memory_space<hbm>> -> memref<128x16xf32, #tpu.memory_space<hbm>>
      %dma_start3A_98 = arith.constant 0 : i32
      %dma_start3A_99 = arith.constant 0 : i32
      %dma_start3A_100 = tpu.memref_slice %arg3[%run_scoped3A_73, %dma_start3A_98, %dma_start3A_99] : memref<2x10240x16xf32, #tpu.memory_space<hbm>> -> memref<1x10240x16xf32, #tpu.memory_space<hbm>>
      %dma_start3A_101 = tpu.memref_squeeze %dma_start3A_100 : memref<1x10240x16xf32, #tpu.memory_space<hbm>> -> memref<10240x16xf32, #tpu.memory_space<hbm>>
      %dma_start3A_102 = arith.constant 0 : i32
      %dma_start3A_103 = tpu.memref_slice %dma_start3A_101[%add3A_69, %dma_start3A_102] : memref<10240x16xf32, #tpu.memory_space<hbm>> -> memref<128x16xf32, #tpu.memory_space<hbm>>
      tpu.enqueue_dma source(%dma_start3A_103 : memref<128x16xf32, #tpu.memory_space<hbm>>) target(%arg19 : memref<128x16xf32, #tpu.memory_space<vmem>>) target_semaphore(%run_scoped3A_92 : memref<!tpu.dma_semaphore, #tpu.memory_space<semaphore_mem>>)
      %dma_wait3A = arith.constant 0 : i32
      %dma_wait3A_104 = arith.constant 0 : i32
      %dma_wait3A_105 = tpu.memref_slice %arg3[%run_scoped3A_73, %dma_wait3A, %dma_wait3A_104] : memref<2x10240x16xf32, #tpu.memory_space<hbm>> -> memref<1x10240x16xf32, #tpu.memory_space<hbm>>
      %dma_wait3A_106 = tpu.memref_squeeze %dma_wait3A_105 : memref<1x10240x16xf32, #tpu.memory_space<hbm>> -> memref<10240x16xf32, #tpu.memory_space<hbm>>
      %dma_wait3A_107 = arith.constant 0 : i32
      %dma_wait3A_108 = tpu.memref_slice %dma_wait3A_106[%add3A_69, %dma_wait3A_107] : memref<10240x16xf32, #tpu.memory_space<hbm>> -> memref<128x16xf32, #tpu.memory_space<hbm>>
      %dma_wait3A_109 = arith.constant 0 : i32
      %dma_wait3A_110 = arith.constant 0 : i32
      %dma_wait3A_111 = tpu.memref_slice %arg3[%run_scoped3A_73, %dma_wait3A_109, %dma_wait3A_110] : memref<2x10240x16xf32, #tpu.memory_space<hbm>> -> memref<1x10240x16xf32, #tpu.memory_space<hbm>>
      %dma_wait3A_112 = tpu.memref_squeeze %dma_wait3A_111 : memref<1x10240x16xf32, #tpu.memory_space<hbm>> -> memref<10240x16xf32, #tpu.memory_space<hbm>>
      %dma_wait3A_113 = arith.constant 0 : i32
      %dma_wait3A_114 = tpu.memref_slice %dma_wait3A_112[%add3A_69, %dma_wait3A_113] : memref<10240x16xf32, #tpu.memory_space<hbm>> -> memref<128x16xf32, #tpu.memory_space<hbm>>
      tpu.wait_dma2 semaphore(%run_scoped3A_92 : memref<!tpu.dma_semaphore, #tpu.memory_space<semaphore_mem>>) src(%dma_wait3A_114 : memref<128x16xf32, #tpu.memory_space<hbm>>) dst(%arg19 : memref<128x16xf32, #tpu.memory_space<vmem>>)
      tpu.yield
    }) : () -> ()
    %scan3A_74 = arith.constant 0 : i32
    %scan3A_75 = arith.constant 0 : i32
    %scan3A_76 = arith.constant 128 : i32
    %scan3A_77 = arith.addi %scan3A_75, %scan3A_76 : i32
    %scan3A_78 = arith.constant 1 : i32
    scf.for %scan3A_92 = %scan3A_75 to %scan3A_77 step %scan3A_78  : i32 {
      %get3A = arith.index_cast %scan3A_92 : i32 to index
      %get3A_93 = arith.constant 0 : index
      %get3A_94 = tpu.vector_load %arg18[%get3A, %get3A_93] {strides = array<i32>} : memref<128x16xf32, #tpu.memory_space<vmem>>, vector<1x16xf32>,
      %get3A_95 = vector.shape_cast %get3A_94 : vector<1x16xf32> to vector<16xf32>
      %get3A_96 = arith.index_cast %scan3A_92 : i32 to index
      %get3A_97 = arith.constant 0 : index
      %get3A_98 = tpu.vector_load %arg19[%get3A_96, %get3A_97] {strides = array<i32>} : memref<128x16xf32, #tpu.memory_space<vmem>>, vector<1x16xf32>,
      %get3A_99 = vector.shape_cast %get3A_98 : vector<1x16xf32> to vector<16xf32>
      %add3A_100 = arith.addf %get3A_95, %get3A_99 : vector<16xf32>
      %add3A_101 = arith.constant 1.000000e+00 : f32
      %add3A_102 = vector.broadcast %add3A_101 : f32 to vector<16xf32>
      %add3A_103 = arith.addf %add3A_100, %add3A_102 : vector<16xf32>
      %div3A = arith.constant 1.000000e+00 : f32
      %div3A_104 = vector.broadcast %div3A : f32 to vector<16xf32>
      %div3A_105 = arith.divf %div3A_104, %add3A_103 : vector<16xf32>
      %get3A_106 = arith.index_cast %scan3A_92 : i32 to index
      %get3A_107 = arith.constant 0 : index
      %get3A_108 = tpu.vector_load %arg15[%get3A_106, %get3A_107] {strides = array<i32>} : memref<128x32xf32, #tpu.memory_space<vmem>>, vector<1x16xf32>,
      %get3A_109 = vector.shape_cast %get3A_108 : vector<1x16xf32> to vector<16xf32>
      %get3A_110 = arith.index_cast %scan3A_92 : i32 to index
      %get3A_111 = arith.constant 0 : index
      %get3A_112 = tpu.vector_load %arg16[%get3A_110, %get3A_111] {strides = array<i32>} : memref<128x32xf32, #tpu.memory_space<vmem>>, vector<1x16xf32>,
      %get3A_113 = vector.shape_cast %get3A_112 : vector<1x16xf32> to vector<16xf32>
      %add3A_114 = arith.addf %get3A_109, %get3A_113 : vector<16xf32>
      %get3A_115 = arith.index_cast %scan3A_92 : i32 to index
      %get3A_116 = arith.constant 0 : index
      %get3A_117 = tpu.vector_load %arg17[%get3A_115, %get3A_116] {strides = array<i32>} : memref<128x32xf32, #tpu.memory_space<vmem>>, vector<1x16xf32>,
      %get3A_118 = vector.shape_cast %get3A_117 : vector<1x16xf32> to vector<16xf32>
      %sub3A = arith.subf %add3A_114, %get3A_118 : vector<16xf32>
      %mul3A_119 = arith.mulf %sub3A, %div3A_105 : vector<16xf32>
      %get3A_120 = arith.constant 0 : index
      %get3A_121 = tpu.vector_load %arg20[%get3A_120] {strides = array<i32>} : memref<32xf32, #tpu.memory_space<vmem>>, vector<16xf32>,
      %get3A_122 = vector.shape_cast %get3A_121 : vector<16xf32> to vector<16xf32>
      %add3A_123 = arith.addf %mul3A_119, %get3A_122 : vector<16xf32>
      %max3A = arith.constant 0.000000e+00 : f32
      %max3A_124 = vector.broadcast %max3A : f32 to vector<16xf32>
      %max3A_125 = arith.maximumf %add3A_123, %max3A_124 : vector<16xf32>
      %swap3A = arith.index_cast %scan3A_92 : i32 to index
      %swap3A_126 = arith.constant 0 : index
      %swap3A_127 = tpu.vector_load %arg15[%swap3A, %swap3A_126] {strides = array<i32>} : memref<128x32xf32, #tpu.memory_space<vmem>>, vector<1x16xf32>,
      %swap3A_128 = vector.shape_cast %swap3A_127 : vector<1x16xf32> to vector<16xf32>
      %swap3A_129 = vector.shape_cast %max3A_125 : vector<16xf32> to vector<1x16xf32>
      tpu.vector_store %arg15[%swap3A, %swap3A_126], %swap3A_129 {strides = array<i32>} : memref<128x32xf32, #tpu.memory_space<vmem>>, vector<1x16xf32>,
      %get3A_130 = arith.index_cast %scan3A_92 : i32 to index
      %get3A_131 = arith.constant 16 : index
      %get3A_132 = tpu.vector_load %arg15[%get3A_130, %get3A_131] {strides = array<i32>} : memref<128x32xf32, #tpu.memory_space<vmem>>, vector<1x16xf32>,
      %get3A_133 = vector.shape_cast %get3A_132 : vector<1x16xf32> to vector<16xf32>
      %get3A_134 = arith.index_cast %scan3A_92 : i32 to index
      %get3A_135 = arith.constant 16 : index
      %get3A_136 = tpu.vector_load %arg16[%get3A_134, %get3A_135] {strides = array<i32>} : memref<128x32xf32, #tpu.memory_space<vmem>>, vector<1x16xf32>,
      %get3A_137 = vector.shape_cast %get3A_136 : vector<1x16xf32> to vector<16xf32>
      %add3A_138 = arith.addf %get3A_133, %get3A_137 : vector<16xf32>
      %get3A_139 = arith.index_cast %scan3A_92 : i32 to index
      %get3A_140 = arith.constant 16 : index
      %get3A_141 = tpu.vector_load %arg17[%get3A_139, %get3A_140] {strides = array<i32>} : memref<128x32xf32, #tpu.memory_space<vmem>>, vector<1x16xf32>,
      %get3A_142 = vector.shape_cast %get3A_141 : vector<1x16xf32> to vector<16xf32>
      %sub3A_143 = arith.subf %add3A_138, %get3A_142 : vector<16xf32>
      %mul3A_144 = arith.mulf %sub3A_143, %div3A_105 : vector<16xf32>
      %get3A_145 = arith.constant 16 : index
      %get3A_146 = tpu.vector_load %arg20[%get3A_145] {strides = array<i32>} : memref<32xf32, #tpu.memory_space<vmem>>, vector<16xf32>,
      %get3A_147 = vector.shape_cast %get3A_146 : vector<16xf32> to vector<16xf32>
      %add3A_148 = arith.addf %mul3A_144, %get3A_147 : vector<16xf32>
      %max3A_149 = arith.constant 0.000000e+00 : f32
      %max3A_150 = vector.broadcast %max3A_149 : f32 to vector<16xf32>
      %max3A_151 = arith.maximumf %add3A_148, %max3A_150 : vector<16xf32>
      %swap3A_152 = arith.index_cast %scan3A_92 : i32 to index
      %swap3A_153 = arith.constant 16 : index
      %swap3A_154 = tpu.vector_load %arg15[%swap3A_152, %swap3A_153] {strides = array<i32>} : memref<128x32xf32, #tpu.memory_space<vmem>>, vector<1x16xf32>,
      %swap3A_155 = vector.shape_cast %swap3A_154 : vector<1x16xf32> to vector<16xf32>
      %swap3A_156 = vector.shape_cast %max3A_151 : vector<16xf32> to vector<1x16xf32>
      tpu.vector_store %arg15[%swap3A_152, %swap3A_153], %swap3A_156 {strides = array<i32>} : memref<128x32xf32, #tpu.memory_space<vmem>>, vector<1x16xf32>,
    }
    %scan3A_79 = arith.constant 128 : i32
    "tpu.region"() ({
      %run_scoped3A_92 = tpu.sem_alloc : memref<!tpu.dma_semaphore, #tpu.memory_space<semaphore_mem>>
      %dma_start3A = arith.constant 0 : i32
      %dma_start3A_93 = tpu.memref_slice %arg11[%add3A_69, %dma_start3A] : memref<10240x32xf32, #tpu.memory_space<vmem_shared>> -> memref<128x32xf32, #tpu.memory_space<vmem_shared>>
      %dma_start3A_94 = arith.constant 0 : i32
      %dma_start3A_95 = tpu.memref_slice %arg11[%add3A_69, %dma_start3A_94] : memref<10240x32xf32, #tpu.memory_space<vmem_shared>> -> memref<128x32xf32, #tpu.memory_space<vmem_shared>>
      tpu.enqueue_dma source(%arg15 : memref<128x32xf32, #tpu.memory_space<vmem>>) target(%dma_start3A_95 : memref<128x32xf32, #tpu.memory_space<vmem_shared>>) target_semaphore(%run_scoped3A_92 : memref<!tpu.dma_semaphore, #tpu.memory_space<semaphore_mem>>)
      %dma_wait3A = arith.constant 0 : i32
      %dma_wait3A_96 = tpu.memref_slice %arg11[%add3A_69, %dma_wait3A] : memref<10240x32xf32, #tpu.memory_space<vmem_shared>> -> memref<128x32xf32, #tpu.memory_space<vmem_shared>>
      %dma_wait3A_97 = arith.constant 0 : i32
      %dma_wait3A_98 = tpu.memref_slice %arg11[%add3A_69, %dma_wait3A_97] : memref<10240x32xf32, #tpu.memory_space<vmem_shared>> -> memref<128x32xf32, #tpu.memory_space<vmem_shared>>
      tpu.wait_dma2 semaphore(%run_scoped3A_92 : memref<!tpu.dma_semaphore, #tpu.memory_space<semaphore_mem>>) src(%arg15 : memref<128x32xf32, #tpu.memory_space<vmem>>) dst(%dma_wait3A_98 : memref<128x32xf32, #tpu.memory_space<vmem_shared>>)
      tpu.yield
    }) : () -> ()
    "tpu.region"() ({
      %run_scoped3A_92 = tpu.sem_alloc : memref<!tpu.dma_semaphore, #tpu.memory_space<semaphore_mem>>
      %dma_start3A = arith.constant 0 : i32
      %dma_start3A_93 = tpu.memref_slice %arg10[%add3A_69, %dma_start3A] : memref<10240x32xf32, #tpu.memory_space<vmem_shared>> -> memref<128x32xf32, #tpu.memory_space<vmem_shared>>
      %dma_start3A_94 = arith.constant 0 : i32
      %dma_start3A_95 = tpu.memref_slice %arg10[%add3A_69, %dma_start3A_94] : memref<10240x32xf32, #tpu.memory_space<vmem_shared>> -> memref<128x32xf32, #tpu.memory_space<vmem_shared>>
      tpu.enqueue_dma source(%arg15 : memref<128x32xf32, #tpu.memory_space<vmem>>) target(%dma_start3A_95 : memref<128x32xf32, #tpu.memory_space<vmem_shared>>) target_semaphore(%run_scoped3A_92 : memref<!tpu.dma_semaphore, #tpu.memory_space<semaphore_mem>>)
      %dma_wait3A = arith.constant 0 : i32
      %dma_wait3A_96 = tpu.memref_slice %arg10[%add3A_69, %dma_wait3A] : memref<10240x32xf32, #tpu.memory_space<vmem_shared>> -> memref<128x32xf32, #tpu.memory_space<vmem_shared>>
      %dma_wait3A_97 = arith.constant 0 : i32
      %dma_wait3A_98 = tpu.memref_slice %arg10[%add3A_69, %dma_wait3A_97] : memref<10240x32xf32, #tpu.memory_space<vmem_shared>> -> memref<128x32xf32, #tpu.memory_space<vmem_shared>>
      tpu.wait_dma2 semaphore(%run_scoped3A_92 : memref<!tpu.dma_semaphore, #tpu.memory_space<semaphore_mem>>) src(%arg15 : memref<128x32xf32, #tpu.memory_space<vmem>>) dst(%dma_wait3A_98 : memref<128x32xf32, #tpu.memory_space<vmem_shared>>)
      tpu.yield
    }) : () -> ()
    %eq3A_80 = arith.constant 0 : i32
    %eq3A_81 = arith.cmpi eq, %arg0, %eq3A_80 : i32
    %convert_element_type3A_82 = arith.extui %eq3A_81 : i1 to i32
    %cond3A_83 = arith.constant 0 : i32
    %cond3A_84 = arith.cmpi ne, %convert_element_type3A_82, %cond3A_83 : i32
    scf.if %cond3A_84 {
      "tpu.region"() ({
        %run_scoped3A_92 = tpu.sem_alloc : memref<!tpu.dma_semaphore, #tpu.memory_space<semaphore_mem>>
        %dma_start3A = arith.constant 0 : i32
        %dma_start3A_93 = tpu.memref_slice %arg9[%add3A_69, %dma_start3A] : memref<10240x32xf32, #tpu.memory_space<hbm>> -> memref<128x32xf32, #tpu.memory_space<hbm>>
        %dma_start3A_94 = arith.constant 0 : i32
        %dma_start3A_95 = tpu.memref_slice %arg9[%add3A_69, %dma_start3A_94] : memref<10240x32xf32, #tpu.memory_space<hbm>> -> memref<128x32xf32, #tpu.memory_space<hbm>>
        tpu.enqueue_dma source(%arg15 : memref<128x32xf32, #tpu.memory_space<vmem>>) target(%dma_start3A_95 : memref<128x32xf32, #tpu.memory_space<hbm>>) target_semaphore(%run_scoped3A_92 : memref<!tpu.dma_semaphore, #tpu.memory_space<semaphore_mem>>)
        %dma_wait3A = arith.constant 0 : i32
        %dma_wait3A_96 = tpu.memref_slice %arg9[%add3A_69, %dma_wait3A] : memref<10240x32xf32, #tpu.memory_space<hbm>> -> memref<128x32xf32, #tpu.memory_space<hbm>>
        %dma_wait3A_97 = arith.constant 0 : i32
        %dma_wait3A_98 = tpu.memref_slice %arg9[%add3A_69, %dma_wait3A_97] : memref<10240x32xf32, #tpu.memory_space<hbm>> -> memref<128x32xf32, #tpu.memory_space<hbm>>
        tpu.wait_dma2 semaphore(%run_scoped3A_92 : memref<!tpu.dma_semaphore, #tpu.memory_space<semaphore_mem>>) src(%arg15 : memref<128x32xf32, #tpu.memory_space<vmem>>) dst(%dma_wait3A_98 : memref<128x32xf32, #tpu.memory_space<hbm>>)
        tpu.yield
      }) : () -> ()
    } else {
    }
    %barrier3A = arith.constant 0 : index
    tpu.barrier barrier_id(%barrier3A)
    %scan3A_85 = arith.constant 0 : i32
    %scan3A_86 = arith.constant 0 : i32
    %scan3A_87 = arith.constant 10 : i32
    %scan3A_88 = arith.addi %scan3A_86, %scan3A_87 : i32
    %scan3A_89 = arith.constant 1 : i32
    scf.for %scan3A_92 = %scan3A_86 to %scan3A_88 step %scan3A_89  : i32 {
      %mul3A_93 = arith.constant 8 : i32
      %mul3A_94 = arith.muli %scan3A_92, %mul3A_93 : i32
      %add3A_95 = arith.constant 0 : i32
      %add3A_96 = arith.addi %mul3A_94, %add3A_95 : i32
      %dma_start3A = arith.constant 0 : i32
      %dma_start3A_97 = arith.constant 0 : i32
      %dma_start3A_98 = arith.constant 0 : i32
      %dma_start3A_99 = tpu.memref_slice %arg14[%dma_start3A, %dma_start3A_97, %dma_start3A_98] : memref<8x128x32xf32, #tpu.memory_space<vmem>> -> memref<1x128x32xf32, #tpu.memory_space<vmem>>
      %dma_start3A_100 = tpu.memref_squeeze %dma_start3A_99 : memref<1x128x32xf32, #tpu.memory_space<vmem>> -> memref<128x32xf32, #tpu.memory_space<vmem>>
      %dma_start3A_101 = arith.constant 0 : i32
      %dma_start3A_102 = tpu.memref_slice %arg12[%add3A_96, %dma_start3A_101] : memref<80x128xi32, #tpu.memory_space<vmem>> -> memref<1x128xi32, #tpu.memory_space<vmem>>
      %dma_start3A_103 = tpu.memref_squeeze %dma_start3A_102 : memref<1x128xi32, #tpu.memory_space<vmem>> -> memref<128xi32, #tpu.memory_space<vmem>>
      %dma_start3A_104 = arith.constant 0 : i32
      %dma_start3A_105 = arith.constant 0 : i32
      %dma_start3A_106 = tpu.memref_slice %arg11[%dma_start3A_104, %dma_start3A_105] : memref<10240x32xf32, #tpu.memory_space<vmem_shared>> -> memref<10240x32xf32, #tpu.memory_space<vmem_shared>>
      tpu.enqueue_indirect_dma source(%dma_start3A_106 : memref<10240x32xf32, #tpu.memory_space<vmem_shared>>) target(%dma_start3A_100 : memref<128x32xf32, #tpu.memory_space<vmem>>) offsets(%dma_start3A_103 : memref<128xi32, #tpu.memory_space<vmem>>) semaphore(%arg21 : memref<!tpu.dma_semaphore, #tpu.memory_space<semaphore_mem>>)
      %add3A_107 = arith.constant 1 : i32
      %add3A_108 = arith.addi %mul3A_94, %add3A_107 : i32
      %dma_start3A_109 = arith.constant 1 : i32
      %dma_start3A_110 = arith.constant 0 : i32
      %dma_start3A_111 = arith.constant 0 : i32
      %dma_start3A_112 = tpu.memref_slice %arg14[%dma_start3A_109, %dma_start3A_110, %dma_start3A_111] : memref<8x128x32xf32, #tpu.memory_space<vmem>> -> memref<1x128x32xf32, #tpu.memory_space<vmem>>
      %dma_start3A_113 = tpu.memref_squeeze %dma_start3A_112 : memref<1x128x32xf32, #tpu.memory_space<vmem>> -> memref<128x32xf32, #tpu.memory_space<vmem>>
      %dma_start3A_114 = arith.constant 0 : i32
      %dma_start3A_115 = tpu.memref_slice %arg12[%add3A_108, %dma_start3A_114] : memref<80x128xi32, #tpu.memory_space<vmem>> -> memref<1x128xi32, #tpu.memory_space<vmem>>
      %dma_start3A_116 = tpu.memref_squeeze %dma_start3A_115 : memref<1x128xi32, #tpu.memory_space<vmem>> -> memref<128xi32, #tpu.memory_space<vmem>>
      %dma_start3A_117 = arith.constant 0 : i32
      %dma_start3A_118 = arith.constant 0 : i32
      %dma_start3A_119 = tpu.memref_slice %arg11[%dma_start3A_117, %dma_start3A_118] : memref<10240x32xf32, #tpu.memory_space<vmem_shared>> -> memref<10240x32xf32, #tpu.memory_space<vmem_shared>>
      tpu.enqueue_indirect_dma source(%dma_start3A_119 : memref<10240x32xf32, #tpu.memory_space<vmem_shared>>) target(%dma_start3A_113 : memref<128x32xf32, #tpu.memory_space<vmem>>) offsets(%dma_start3A_116 : memref<128xi32, #tpu.memory_space<vmem>>) semaphore(%arg21 : memref<!tpu.dma_semaphore, #tpu.memory_space<semaphore_mem>>)
      %add3A_120 = arith.constant 2 : i32
      %add3A_121 = arith.addi %mul3A_94, %add3A_120 : i32
      %dma_start3A_122 = arith.constant 2 : i32
      %dma_start3A_123 = arith.constant 0 : i32
      %dma_start3A_124 = arith.constant 0 : i32
      %dma_start3A_125 = tpu.memref_slice %arg14[%dma_start3A_122, %dma_start3A_123, %dma_start3A_124] : memref<8x128x32xf32, #tpu.memory_space<vmem>> -> memref<1x128x32xf32, #tpu.memory_space<vmem>>
      %dma_start3A_126 = tpu.memref_squeeze %dma_start3A_125 : memref<1x128x32xf32, #tpu.memory_space<vmem>> -> memref<128x32xf32, #tpu.memory_space<vmem>>
      %dma_start3A_127 = arith.constant 0 : i32
      %dma_start3A_128 = tpu.memref_slice %arg12[%add3A_121, %dma_start3A_127] : memref<80x128xi32, #tpu.memory_space<vmem>> -> memref<1x128xi32, #tpu.memory_space<vmem>>
      %dma_start3A_129 = tpu.memref_squeeze %dma_start3A_128 : memref<1x128xi32, #tpu.memory_space<vmem>> -> memref<128xi32, #tpu.memory_space<vmem>>
      %dma_start3A_130 = arith.constant 0 : i32
      %dma_start3A_131 = arith.constant 0 : i32
      %dma_start3A_132 = tpu.memref_slice %arg11[%dma_start3A_130, %dma_start3A_131] : memref<10240x32xf32, #tpu.memory_space<vmem_shared>> -> memref<10240x32xf32, #tpu.memory_space<vmem_shared>>
      tpu.enqueue_indirect_dma source(%dma_start3A_132 : memref<10240x32xf32, #tpu.memory_space<vmem_shared>>) target(%dma_start3A_126 : memref<128x32xf32, #tpu.memory_space<vmem>>) offsets(%dma_start3A_129 : memref<128xi32, #tpu.memory_space<vmem>>) semaphore(%arg21 : memref<!tpu.dma_semaphore, #tpu.memory_space<semaphore_mem>>)
      %add3A_133 = arith.constant 3 : i32
      %add3A_134 = arith.addi %mul3A_94, %add3A_133 : i32
      %dma_start3A_135 = arith.constant 3 : i32
      %dma_start3A_136 = arith.constant 0 : i32
      %dma_start3A_137 = arith.constant 0 : i32
      %dma_start3A_138 = tpu.memref_slice %arg14[%dma_start3A_135, %dma_start3A_136, %dma_start3A_137] : memref<8x128x32xf32, #tpu.memory_space<vmem>> -> memref<1x128x32xf32, #tpu.memory_space<vmem>>
      %dma_start3A_139 = tpu.memref_squeeze %dma_start3A_138 : memref<1x128x32xf32, #tpu.memory_space<vmem>> -> memref<128x32xf32, #tpu.memory_space<vmem>>
      %dma_start3A_140 = arith.constant 0 : i32
      %dma_start3A_141 = tpu.memref_slice %arg12[%add3A_134, %dma_start3A_140] : memref<80x128xi32, #tpu.memory_space<vmem>> -> memref<1x128xi32, #tpu.memory_space<vmem>>
      %dma_start3A_142 = tpu.memref_squeeze %dma_start3A_141 : memref<1x128xi32, #tpu.memory_space<vmem>> -> memref<128xi32, #tpu.memory_space<vmem>>
      %dma_start3A_143 = arith.constant 0 : i32
      %dma_start3A_144 = arith.constant 0 : i32
      %dma_start3A_145 = tpu.memref_slice %arg11[%dma_start3A_143, %dma_start3A_144] : memref<10240x32xf32, #tpu.memory_space<vmem_shared>> -> memref<10240x32xf32, #tpu.memory_space<vmem_shared>>
      tpu.enqueue_indirect_dma source(%dma_start3A_145 : memref<10240x32xf32, #tpu.memory_space<vmem_shared>>) target(%dma_start3A_139 : memref<128x32xf32, #tpu.memory_space<vmem>>) offsets(%dma_start3A_142 : memref<128xi32, #tpu.memory_space<vmem>>) semaphore(%arg21 : memref<!tpu.dma_semaphore, #tpu.memory_space<semaphore_mem>>)
      %add3A_146 = arith.constant 4 : i32
      %add3A_147 = arith.addi %mul3A_94, %add3A_146 : i32
      %dma_start3A_148 = arith.constant 4 : i32
      %dma_start3A_149 = arith.constant 0 : i32
      %dma_start3A_150 = arith.constant 0 : i32
      %dma_start3A_151 = tpu.memref_slice %arg14[%dma_start3A_148, %dma_start3A_149, %dma_start3A_150] : memref<8x128x32xf32, #tpu.memory_space<vmem>> -> memref<1x128x32xf32, #tpu.memory_space<vmem>>
      %dma_start3A_152 = tpu.memref_squeeze %dma_start3A_151 : memref<1x128x32xf32, #tpu.memory_space<vmem>> -> memref<128x32xf32, #tpu.memory_space<vmem>>
      %dma_start3A_153 = arith.constant 0 : i32
      %dma_start3A_154 = tpu.memref_slice %arg12[%add3A_147, %dma_start3A_153] : memref<80x128xi32, #tpu.memory_space<vmem>> -> memref<1x128xi32, #tpu.memory_space<vmem>>
      %dma_start3A_155 = tpu.memref_squeeze %dma_start3A_154 : memref<1x128xi32, #tpu.memory_space<vmem>> -> memref<128xi32, #tpu.memory_space<vmem>>
      %dma_start3A_156 = arith.constant 0 : i32
      %dma_start3A_157 = arith.constant 0 : i32
      %dma_start3A_158 = tpu.memref_slice %arg11[%dma_start3A_156, %dma_start3A_157] : memref<10240x32xf32, #tpu.memory_space<vmem_shared>> -> memref<10240x32xf32, #tpu.memory_space<vmem_shared>>
      tpu.enqueue_indirect_dma source(%dma_start3A_158 : memref<10240x32xf32, #tpu.memory_space<vmem_shared>>) target(%dma_start3A_152 : memref<128x32xf32, #tpu.memory_space<vmem>>) offsets(%dma_start3A_155 : memref<128xi32, #tpu.memory_space<vmem>>) semaphore(%arg21 : memref<!tpu.dma_semaphore, #tpu.memory_space<semaphore_mem>>)
      %add3A_159 = arith.constant 5 : i32
      %add3A_160 = arith.addi %mul3A_94, %add3A_159 : i32
      %dma_start3A_161 = arith.constant 5 : i32
      %dma_start3A_162 = arith.constant 0 : i32
      %dma_start3A_163 = arith.constant 0 : i32
      %dma_start3A_164 = tpu.memref_slice %arg14[%dma_start3A_161, %dma_start3A_162, %dma_start3A_163] : memref<8x128x32xf32, #tpu.memory_space<vmem>> -> memref<1x128x32xf32, #tpu.memory_space<vmem>>
      %dma_start3A_165 = tpu.memref_squeeze %dma_start3A_164 : memref<1x128x32xf32, #tpu.memory_space<vmem>> -> memref<128x32xf32, #tpu.memory_space<vmem>>
      %dma_start3A_166 = arith.constant 0 : i32
      %dma_start3A_167 = tpu.memref_slice %arg12[%add3A_160, %dma_start3A_166] : memref<80x128xi32, #tpu.memory_space<vmem>> -> memref<1x128xi32, #tpu.memory_space<vmem>>
      %dma_start3A_168 = tpu.memref_squeeze %dma_start3A_167 : memref<1x128xi32, #tpu.memory_space<vmem>> -> memref<128xi32, #tpu.memory_space<vmem>>
      %dma_start3A_169 = arith.constant 0 : i32
      %dma_start3A_170 = arith.constant 0 : i32
      %dma_start3A_171 = tpu.memref_slice %arg11[%dma_start3A_169, %dma_start3A_170] : memref<10240x32xf32, #tpu.memory_space<vmem_shared>> -> memref<10240x32xf32, #tpu.memory_space<vmem_shared>>
      tpu.enqueue_indirect_dma source(%dma_start3A_171 : memref<10240x32xf32, #tpu.memory_space<vmem_shared>>) target(%dma_start3A_165 : memref<128x32xf32, #tpu.memory_space<vmem>>) offsets(%dma_start3A_168 : memref<128xi32, #tpu.memory_space<vmem>>) semaphore(%arg21 : memref<!tpu.dma_semaphore, #tpu.memory_space<semaphore_mem>>)
      %add3A_172 = arith.constant 6 : i32
      %add3A_173 = arith.addi %mul3A_94, %add3A_172 : i32
      %dma_start3A_174 = arith.constant 6 : i32
      %dma_start3A_175 = arith.constant 0 : i32
      %dma_start3A_176 = arith.constant 0 : i32
      %dma_start3A_177 = tpu.memref_slice %arg14[%dma_start3A_174, %dma_start3A_175, %dma_start3A_176] : memref<8x128x32xf32, #tpu.memory_space<vmem>> -> memref<1x128x32xf32, #tpu.memory_space<vmem>>
      %dma_start3A_178 = tpu.memref_squeeze %dma_start3A_177 : memref<1x128x32xf32, #tpu.memory_space<vmem>> -> memref<128x32xf32, #tpu.memory_space<vmem>>
      %dma_start3A_179 = arith.constant 0 : i32
      %dma_start3A_180 = tpu.memref_slice %arg12[%add3A_173, %dma_start3A_179] : memref<80x128xi32, #tpu.memory_space<vmem>> -> memref<1x128xi32, #tpu.memory_space<vmem>>
      %dma_start3A_181 = tpu.memref_squeeze %dma_start3A_180 : memref<1x128xi32, #tpu.memory_space<vmem>> -> memref<128xi32, #tpu.memory_space<vmem>>
      %dma_start3A_182 = arith.constant 0 : i32
      %dma_start3A_183 = arith.constant 0 : i32
      %dma_start3A_184 = tpu.memref_slice %arg11[%dma_start3A_182, %dma_start3A_183] : memref<10240x32xf32, #tpu.memory_space<vmem_shared>> -> memref<10240x32xf32, #tpu.memory_space<vmem_shared>>
      tpu.enqueue_indirect_dma source(%dma_start3A_184 : memref<10240x32xf32, #tpu.memory_space<vmem_shared>>) target(%dma_start3A_178 : memref<128x32xf32, #tpu.memory_space<vmem>>) offsets(%dma_start3A_181 : memref<128xi32, #tpu.memory_space<vmem>>) semaphore(%arg21 : memref<!tpu.dma_semaphore, #tpu.memory_space<semaphore_mem>>)
      %add3A_185 = arith.constant 7 : i32
      %add3A_186 = arith.addi %mul3A_94, %add3A_185 : i32
      %dma_start3A_187 = arith.constant 7 : i32
      %dma_start3A_188 = arith.constant 0 : i32
      %dma_start3A_189 = arith.constant 0 : i32
      %dma_start3A_190 = tpu.memref_slice %arg14[%dma_start3A_187, %dma_start3A_188, %dma_start3A_189] : memref<8x128x32xf32, #tpu.memory_space<vmem>> -> memref<1x128x32xf32, #tpu.memory_space<vmem>>
      %dma_start3A_191 = tpu.memref_squeeze %dma_start3A_190 : memref<1x128x32xf32, #tpu.memory_space<vmem>> -> memref<128x32xf32, #tpu.memory_space<vmem>>
      %dma_start3A_192 = arith.constant 0 : i32
      %dma_start3A_193 = tpu.memref_slice %arg12[%add3A_186, %dma_start3A_192] : memref<80x128xi32, #tpu.memory_space<vmem>> -> memref<1x128xi32, #tpu.memory_space<vmem>>
      %dma_start3A_194 = tpu.memref_squeeze %dma_start3A_193 : memref<1x128xi32, #tpu.memory_space<vmem>> -> memref<128xi32, #tpu.memory_space<vmem>>
      %dma_start3A_195 = arith.constant 0 : i32
      %dma_start3A_196 = arith.constant 0 : i32
      %dma_start3A_197 = tpu.memref_slice %arg11[%dma_start3A_195, %dma_start3A_196] : memref<10240x32xf32, #tpu.memory_space<vmem_shared>> -> memref<10240x32xf32, #tpu.memory_space<vmem_shared>>
      tpu.enqueue_indirect_dma source(%dma_start3A_197 : memref<10240x32xf32, #tpu.memory_space<vmem_shared>>) target(%dma_start3A_191 : memref<128x32xf32, #tpu.memory_space<vmem>>) offsets(%dma_start3A_194 : memref<128xi32, #tpu.memory_space<vmem>>) semaphore(%arg21 : memref<!tpu.dma_semaphore, #tpu.memory_space<semaphore_mem>>)
      %add3A_198 = arith.constant 0 : i32
      %add3A_199 = arith.addi %mul3A_94, %add3A_198 : i32
      %dma_wait3A = arith.constant 0 : i32
      %dma_wait3A_200 = arith.constant 0 : i32
      %dma_wait3A_201 = arith.constant 0 : i32
      %dma_wait3A_202 = tpu.memref_slice %arg14[%dma_wait3A, %dma_wait3A_200, %dma_wait3A_201] : memref<8x128x32xf32, #tpu.memory_space<vmem>> -> memref<1x128x32xf32, #tpu.memory_space<vmem>>
      %dma_wait3A_203 = tpu.memref_squeeze %dma_wait3A_202 : memref<1x128x32xf32, #tpu.memory_space<vmem>> -> memref<128x32xf32, #tpu.memory_space<vmem>>
      %dma_wait3A_204 = arith.constant 0 : i32
      %dma_wait3A_205 = tpu.memref_slice %arg12[%add3A_199, %dma_wait3A_204] : memref<80x128xi32, #tpu.memory_space<vmem>> -> memref<1x128xi32, #tpu.memory_space<vmem>>
      %dma_wait3A_206 = tpu.memref_squeeze %dma_wait3A_205 : memref<1x128xi32, #tpu.memory_space<vmem>> -> memref<128xi32, #tpu.memory_space<vmem>>
      %dma_wait3A_207 = arith.constant 0 : i32
      %dma_wait3A_208 = arith.constant 0 : i32
      %dma_wait3A_209 = tpu.memref_slice %arg11[%dma_wait3A_207, %dma_wait3A_208] : memref<10240x32xf32, #tpu.memory_space<vmem_shared>> -> memref<10240x32xf32, #tpu.memory_space<vmem_shared>>
      tpu.wait_indirect_dma semaphore(%arg21 : memref<!tpu.dma_semaphore, #tpu.memory_space<semaphore_mem>>) src(%dma_wait3A_209 : memref<10240x32xf32, #tpu.memory_space<vmem_shared>>) dst(%dma_wait3A_203 : memref<128x32xf32, #tpu.memory_space<vmem>>)
      %add3A_210 = arith.constant 1 : i32
      %add3A_211 = arith.addi %mul3A_94, %add3A_210 : i32
      %dma_wait3A_212 = arith.constant 1 : i32
      %dma_wait3A_213 = arith.constant 0 : i32
      %dma_wait3A_214 = arith.constant 0 : i32
      %dma_wait3A_215 = tpu.memref_slice %arg14[%dma_wait3A_212, %dma_wait3A_213, %dma_wait3A_214] : memref<8x128x32xf32, #tpu.memory_space<vmem>> -> memref<1x128x32xf32, #tpu.memory_space<vmem>>
      %dma_wait3A_216 = tpu.memref_squeeze %dma_wait3A_215 : memref<1x128x32xf32, #tpu.memory_space<vmem>> -> memref<128x32xf32, #tpu.memory_space<vmem>>
      %dma_wait3A_217 = arith.constant 0 : i32
      %dma_wait3A_218 = tpu.memref_slice %arg12[%add3A_211, %dma_wait3A_217] : memref<80x128xi32, #tpu.memory_space<vmem>> -> memref<1x128xi32, #tpu.memory_space<vmem>>
      %dma_wait3A_219 = tpu.memref_squeeze %dma_wait3A_218 : memref<1x128xi32, #tpu.memory_space<vmem>> -> memref<128xi32, #tpu.memory_space<vmem>>
      %dma_wait3A_220 = arith.constant 0 : i32
      %dma_wait3A_221 = arith.constant 0 : i32
      %dma_wait3A_222 = tpu.memref_slice %arg11[%dma_wait3A_220, %dma_wait3A_221] : memref<10240x32xf32, #tpu.memory_space<vmem_shared>> -> memref<10240x32xf32, #tpu.memory_space<vmem_shared>>
      tpu.wait_indirect_dma semaphore(%arg21 : memref<!tpu.dma_semaphore, #tpu.memory_space<semaphore_mem>>) src(%dma_wait3A_222 : memref<10240x32xf32, #tpu.memory_space<vmem_shared>>) dst(%dma_wait3A_216 : memref<128x32xf32, #tpu.memory_space<vmem>>)
      %add3A_223 = arith.constant 2 : i32
      %add3A_224 = arith.addi %mul3A_94, %add3A_223 : i32
      %dma_wait3A_225 = arith.constant 2 : i32
      %dma_wait3A_226 = arith.constant 0 : i32
      %dma_wait3A_227 = arith.constant 0 : i32
      %dma_wait3A_228 = tpu.memref_slice %arg14[%dma_wait3A_225, %dma_wait3A_226, %dma_wait3A_227] : memref<8x128x32xf32, #tpu.memory_space<vmem>> -> memref<1x128x32xf32, #tpu.memory_space<vmem>>
      %dma_wait3A_229 = tpu.memref_squeeze %dma_wait3A_228 : memref<1x128x32xf32, #tpu.memory_space<vmem>> -> memref<128x32xf32, #tpu.memory_space<vmem>>
      %dma_wait3A_230 = arith.constant 0 : i32
      %dma_wait3A_231 = tpu.memref_slice %arg12[%add3A_224, %dma_wait3A_230] : memref<80x128xi32, #tpu.memory_space<vmem>> -> memref<1x128xi32, #tpu.memory_space<vmem>>
      %dma_wait3A_232 = tpu.memref_squeeze %dma_wait3A_231 : memref<1x128xi32, #tpu.memory_space<vmem>> -> memref<128xi32, #tpu.memory_space<vmem>>
      %dma_wait3A_233 = arith.constant 0 : i32
      %dma_wait3A_234 = arith.constant 0 : i32
      %dma_wait3A_235 = tpu.memref_slice %arg11[%dma_wait3A_233, %dma_wait3A_234] : memref<10240x32xf32, #tpu.memory_space<vmem_shared>> -> memref<10240x32xf32, #tpu.memory_space<vmem_shared>>
      tpu.wait_indirect_dma semaphore(%arg21 : memref<!tpu.dma_semaphore, #tpu.memory_space<semaphore_mem>>) src(%dma_wait3A_235 : memref<10240x32xf32, #tpu.memory_space<vmem_shared>>) dst(%dma_wait3A_229 : memref<128x32xf32, #tpu.memory_space<vmem>>)
      %add3A_236 = arith.constant 3 : i32
      %add3A_237 = arith.addi %mul3A_94, %add3A_236 : i32
      %dma_wait3A_238 = arith.constant 3 : i32
      %dma_wait3A_239 = arith.constant 0 : i32
      %dma_wait3A_240 = arith.constant 0 : i32
      %dma_wait3A_241 = tpu.memref_slice %arg14[%dma_wait3A_238, %dma_wait3A_239, %dma_wait3A_240] : memref<8x128x32xf32, #tpu.memory_space<vmem>> -> memref<1x128x32xf32, #tpu.memory_space<vmem>>
      %dma_wait3A_242 = tpu.memref_squeeze %dma_wait3A_241 : memref<1x128x32xf32, #tpu.memory_space<vmem>> -> memref<128x32xf32, #tpu.memory_space<vmem>>
      %dma_wait3A_243 = arith.constant 0 : i32
      %dma_wait3A_244 = tpu.memref_slice %arg12[%add3A_237, %dma_wait3A_243] : memref<80x128xi32, #tpu.memory_space<vmem>> -> memref<1x128xi32, #tpu.memory_space<vmem>>
      %dma_wait3A_245 = tpu.memref_squeeze %dma_wait3A_244 : memref<1x128xi32, #tpu.memory_space<vmem>> -> memref<128xi32, #tpu.memory_space<vmem>>
      %dma_wait3A_246 = arith.constant 0 : i32
      %dma_wait3A_247 = arith.constant 0 : i32
      %dma_wait3A_248 = tpu.memref_slice %arg11[%dma_wait3A_246, %dma_wait3A_247] : memref<10240x32xf32, #tpu.memory_space<vmem_shared>> -> memref<10240x32xf32, #tpu.memory_space<vmem_shared>>
      tpu.wait_indirect_dma semaphore(%arg21 : memref<!tpu.dma_semaphore, #tpu.memory_space<semaphore_mem>>) src(%dma_wait3A_248 : memref<10240x32xf32, #tpu.memory_space<vmem_shared>>) dst(%dma_wait3A_242 : memref<128x32xf32, #tpu.memory_space<vmem>>)
      %add3A_249 = arith.constant 4 : i32
      %add3A_250 = arith.addi %mul3A_94, %add3A_249 : i32
      %dma_wait3A_251 = arith.constant 4 : i32
      %dma_wait3A_252 = arith.constant 0 : i32
      %dma_wait3A_253 = arith.constant 0 : i32
      %dma_wait3A_254 = tpu.memref_slice %arg14[%dma_wait3A_251, %dma_wait3A_252, %dma_wait3A_253] : memref<8x128x32xf32, #tpu.memory_space<vmem>> -> memref<1x128x32xf32, #tpu.memory_space<vmem>>
      %dma_wait3A_255 = tpu.memref_squeeze %dma_wait3A_254 : memref<1x128x32xf32, #tpu.memory_space<vmem>> -> memref<128x32xf32, #tpu.memory_space<vmem>>
      %dma_wait3A_256 = arith.constant 0 : i32
      %dma_wait3A_257 = tpu.memref_slice %arg12[%add3A_250, %dma_wait3A_256] : memref<80x128xi32, #tpu.memory_space<vmem>> -> memref<1x128xi32, #tpu.memory_space<vmem>>
      %dma_wait3A_258 = tpu.memref_squeeze %dma_wait3A_257 : memref<1x128xi32, #tpu.memory_space<vmem>> -> memref<128xi32, #tpu.memory_space<vmem>>
      %dma_wait3A_259 = arith.constant 0 : i32
      %dma_wait3A_260 = arith.constant 0 : i32
      %dma_wait3A_261 = tpu.memref_slice %arg11[%dma_wait3A_259, %dma_wait3A_260] : memref<10240x32xf32, #tpu.memory_space<vmem_shared>> -> memref<10240x32xf32, #tpu.memory_space<vmem_shared>>
      tpu.wait_indirect_dma semaphore(%arg21 : memref<!tpu.dma_semaphore, #tpu.memory_space<semaphore_mem>>) src(%dma_wait3A_261 : memref<10240x32xf32, #tpu.memory_space<vmem_shared>>) dst(%dma_wait3A_255 : memref<128x32xf32, #tpu.memory_space<vmem>>)
      %add3A_262 = arith.constant 5 : i32
      %add3A_263 = arith.addi %mul3A_94, %add3A_262 : i32
      %dma_wait3A_264 = arith.constant 5 : i32
      %dma_wait3A_265 = arith.constant 0 : i32
      %dma_wait3A_266 = arith.constant 0 : i32
      %dma_wait3A_267 = tpu.memref_slice %arg14[%dma_wait3A_264, %dma_wait3A_265, %dma_wait3A_266] : memref<8x128x32xf32, #tpu.memory_space<vmem>> -> memref<1x128x32xf32, #tpu.memory_space<vmem>>
      %dma_wait3A_268 = tpu.memref_squeeze %dma_wait3A_267 : memref<1x128x32xf32, #tpu.memory_space<vmem>> -> memref<128x32xf32, #tpu.memory_space<vmem>>
      %dma_wait3A_269 = arith.constant 0 : i32
      %dma_wait3A_270 = tpu.memref_slice %arg12[%add3A_263, %dma_wait3A_269] : memref<80x128xi32, #tpu.memory_space<vmem>> -> memref<1x128xi32, #tpu.memory_space<vmem>>
      %dma_wait3A_271 = tpu.memref_squeeze %dma_wait3A_270 : memref<1x128xi32, #tpu.memory_space<vmem>> -> memref<128xi32, #tpu.memory_space<vmem>>
      %dma_wait3A_272 = arith.constant 0 : i32
      %dma_wait3A_273 = arith.constant 0 : i32
      %dma_wait3A_274 = tpu.memref_slice %arg11[%dma_wait3A_272, %dma_wait3A_273] : memref<10240x32xf32, #tpu.memory_space<vmem_shared>> -> memref<10240x32xf32, #tpu.memory_space<vmem_shared>>
      tpu.wait_indirect_dma semaphore(%arg21 : memref<!tpu.dma_semaphore, #tpu.memory_space<semaphore_mem>>) src(%dma_wait3A_274 : memref<10240x32xf32, #tpu.memory_space<vmem_shared>>) dst(%dma_wait3A_268 : memref<128x32xf32, #tpu.memory_space<vmem>>)
      %add3A_275 = arith.constant 6 : i32
      %add3A_276 = arith.addi %mul3A_94, %add3A_275 : i32
      %dma_wait3A_277 = arith.constant 6 : i32
      %dma_wait3A_278 = arith.constant 0 : i32
      %dma_wait3A_279 = arith.constant 0 : i32
      %dma_wait3A_280 = tpu.memref_slice %arg14[%dma_wait3A_277, %dma_wait3A_278, %dma_wait3A_279] : memref<8x128x32xf32, #tpu.memory_space<vmem>> -> memref<1x128x32xf32, #tpu.memory_space<vmem>>
      %dma_wait3A_281 = tpu.memref_squeeze %dma_wait3A_280 : memref<1x128x32xf32, #tpu.memory_space<vmem>> -> memref<128x32xf32, #tpu.memory_space<vmem>>
      %dma_wait3A_282 = arith.constant 0 : i32
      %dma_wait3A_283 = tpu.memref_slice %arg12[%add3A_276, %dma_wait3A_282] : memref<80x128xi32, #tpu.memory_space<vmem>> -> memref<1x128xi32, #tpu.memory_space<vmem>>
      %dma_wait3A_284 = tpu.memref_squeeze %dma_wait3A_283 : memref<1x128xi32, #tpu.memory_space<vmem>> -> memref<128xi32, #tpu.memory_space<vmem>>
      %dma_wait3A_285 = arith.constant 0 : i32
      %dma_wait3A_286 = arith.constant 0 : i32
      %dma_wait3A_287 = tpu.memref_slice %arg11[%dma_wait3A_285, %dma_wait3A_286] : memref<10240x32xf32, #tpu.memory_space<vmem_shared>> -> memref<10240x32xf32, #tpu.memory_space<vmem_shared>>
      tpu.wait_indirect_dma semaphore(%arg21 : memref<!tpu.dma_semaphore, #tpu.memory_space<semaphore_mem>>) src(%dma_wait3A_287 : memref<10240x32xf32, #tpu.memory_space<vmem_shared>>) dst(%dma_wait3A_281 : memref<128x32xf32, #tpu.memory_space<vmem>>)
      %add3A_288 = arith.constant 7 : i32
      %add3A_289 = arith.addi %mul3A_94, %add3A_288 : i32
      %dma_wait3A_290 = arith.constant 7 : i32
      %dma_wait3A_291 = arith.constant 0 : i32
      %dma_wait3A_292 = arith.constant 0 : i32
      %dma_wait3A_293 = tpu.memref_slice %arg14[%dma_wait3A_290, %dma_wait3A_291, %dma_wait3A_292] : memref<8x128x32xf32, #tpu.memory_space<vmem>> -> memref<1x128x32xf32, #tpu.memory_space<vmem>>
      %dma_wait3A_294 = tpu.memref_squeeze %dma_wait3A_293 : memref<1x128x32xf32, #tpu.memory_space<vmem>> -> memref<128x32xf32, #tpu.memory_space<vmem>>
      %dma_wait3A_295 = arith.constant 0 : i32
      %dma_wait3A_296 = tpu.memref_slice %arg12[%add3A_289, %dma_wait3A_295] : memref<80x128xi32, #tpu.memory_space<vmem>> -> memref<1x128xi32, #tpu.memory_space<vmem>>
      %dma_wait3A_297 = tpu.memref_squeeze %dma_wait3A_296 : memref<1x128xi32, #tpu.memory_space<vmem>> -> memref<128xi32, #tpu.memory_space<vmem>>
      %dma_wait3A_298 = arith.constant 0 : i32
      %dma_wait3A_299 = arith.constant 0 : i32
      %dma_wait3A_300 = tpu.memref_slice %arg11[%dma_wait3A_298, %dma_wait3A_299] : memref<10240x32xf32, #tpu.memory_space<vmem_shared>> -> memref<10240x32xf32, #tpu.memory_space<vmem_shared>>
      tpu.wait_indirect_dma semaphore(%arg21 : memref<!tpu.dma_semaphore, #tpu.memory_space<semaphore_mem>>) src(%dma_wait3A_300 : memref<10240x32xf32, #tpu.memory_space<vmem_shared>>) dst(%dma_wait3A_294 : memref<128x32xf32, #tpu.memory_space<vmem>>)
      %add3A_301 = arith.constant 0 : i32
      %add3A_302 = arith.addi %mul3A_94, %add3A_301 : i32
      %dma_start3A_303 = arith.constant 0 : i32
      %dma_start3A_304 = arith.constant 0 : i32
      %dma_start3A_305 = arith.constant 0 : i32
      %dma_start3A_306 = tpu.memref_slice %arg14[%dma_start3A_303, %dma_start3A_304, %dma_start3A_305] : memref<8x128x32xf32, #tpu.memory_space<vmem>> -> memref<1x128x32xf32, #tpu.memory_space<vmem>>
      %dma_start3A_307 = tpu.memref_squeeze %dma_start3A_306 : memref<1x128x32xf32, #tpu.memory_space<vmem>> -> memref<128x32xf32, #tpu.memory_space<vmem>>
      %dma_start3A_308 = arith.constant 0 : i32
      %dma_start3A_309 = tpu.memref_slice %arg13[%add3A_302, %dma_start3A_308] : memref<80x128xi32, #tpu.memory_space<vmem>> -> memref<1x128xi32, #tpu.memory_space<vmem>>
      %dma_start3A_310 = tpu.memref_squeeze %dma_start3A_309 : memref<1x128xi32, #tpu.memory_space<vmem>> -> memref<128xi32, #tpu.memory_space<vmem>>
      %dma_start3A_311 = arith.constant 0 : i32
      %dma_start3A_312 = arith.constant 0 : i32
      %dma_start3A_313 = tpu.memref_slice %arg10[%dma_start3A_311, %dma_start3A_312] : memref<10240x32xf32, #tpu.memory_space<vmem_shared>> -> memref<10240x32xf32, #tpu.memory_space<vmem_shared>>
      tpu.enqueue_indirect_dma source(%dma_start3A_307 : memref<128x32xf32, #tpu.memory_space<vmem>>) target(%dma_start3A_313 : memref<10240x32xf32, #tpu.memory_space<vmem_shared>>) offsets(%dma_start3A_310 : memref<128xi32, #tpu.memory_space<vmem>>) semaphore(%arg22 : memref<!tpu.dma_semaphore, #tpu.memory_space<semaphore_mem>>) {add = true}
      %add3A_314 = arith.constant 1 : i32
      %add3A_315 = arith.addi %mul3A_94, %add3A_314 : i32
      %dma_start3A_316 = arith.constant 1 : i32
      %dma_start3A_317 = arith.constant 0 : i32
      %dma_start3A_318 = arith.constant 0 : i32
      %dma_start3A_319 = tpu.memref_slice %arg14[%dma_start3A_316, %dma_start3A_317, %dma_start3A_318] : memref<8x128x32xf32, #tpu.memory_space<vmem>> -> memref<1x128x32xf32, #tpu.memory_space<vmem>>
      %dma_start3A_320 = tpu.memref_squeeze %dma_start3A_319 : memref<1x128x32xf32, #tpu.memory_space<vmem>> -> memref<128x32xf32, #tpu.memory_space<vmem>>
      %dma_start3A_321 = arith.constant 0 : i32
      %dma_start3A_322 = tpu.memref_slice %arg13[%add3A_315, %dma_start3A_321] : memref<80x128xi32, #tpu.memory_space<vmem>> -> memref<1x128xi32, #tpu.memory_space<vmem>>
      %dma_start3A_323 = tpu.memref_squeeze %dma_start3A_322 : memref<1x128xi32, #tpu.memory_space<vmem>> -> memref<128xi32, #tpu.memory_space<vmem>>
      %dma_start3A_324 = arith.constant 0 : i32
      %dma_start3A_325 = arith.constant 0 : i32
      %dma_start3A_326 = tpu.memref_slice %arg10[%dma_start3A_324, %dma_start3A_325] : memref<10240x32xf32, #tpu.memory_space<vmem_shared>> -> memref<10240x32xf32, #tpu.memory_space<vmem_shared>>
      tpu.enqueue_indirect_dma source(%dma_start3A_320 : memref<128x32xf32, #tpu.memory_space<vmem>>) target(%dma_start3A_326 : memref<10240x32xf32, #tpu.memory_space<vmem_shared>>) offsets(%dma_start3A_323 : memref<128xi32, #tpu.memory_space<vmem>>) semaphore(%arg22 : memref<!tpu.dma_semaphore, #tpu.memory_space<semaphore_mem>>) {add = true}
      %add3A_327 = arith.constant 2 : i32
      %add3A_328 = arith.addi %mul3A_94, %add3A_327 : i32
      %dma_start3A_329 = arith.constant 2 : i32
      %dma_start3A_330 = arith.constant 0 : i32
      %dma_start3A_331 = arith.constant 0 : i32
      %dma_start3A_332 = tpu.memref_slice %arg14[%dma_start3A_329, %dma_start3A_330, %dma_start3A_331] : memref<8x128x32xf32, #tpu.memory_space<vmem>> -> memref<1x128x32xf32, #tpu.memory_space<vmem>>
      %dma_start3A_333 = tpu.memref_squeeze %dma_start3A_332 : memref<1x128x32xf32, #tpu.memory_space<vmem>> -> memref<128x32xf32, #tpu.memory_space<vmem>>
      %dma_start3A_334 = arith.constant 0 : i32
      %dma_start3A_335 = tpu.memref_slice %arg13[%add3A_328, %dma_start3A_334] : memref<80x128xi32, #tpu.memory_space<vmem>> -> memref<1x128xi32, #tpu.memory_space<vmem>>
      %dma_start3A_336 = tpu.memref_squeeze %dma_start3A_335 : memref<1x128xi32, #tpu.memory_space<vmem>> -> memref<128xi32, #tpu.memory_space<vmem>>
      %dma_start3A_337 = arith.constant 0 : i32
      %dma_start3A_338 = arith.constant 0 : i32
      %dma_start3A_339 = tpu.memref_slice %arg10[%dma_start3A_337, %dma_start3A_338] : memref<10240x32xf32, #tpu.memory_space<vmem_shared>> -> memref<10240x32xf32, #tpu.memory_space<vmem_shared>>
      tpu.enqueue_indirect_dma source(%dma_start3A_333 : memref<128x32xf32, #tpu.memory_space<vmem>>) target(%dma_start3A_339 : memref<10240x32xf32, #tpu.memory_space<vmem_shared>>) offsets(%dma_start3A_336 : memref<128xi32, #tpu.memory_space<vmem>>) semaphore(%arg22 : memref<!tpu.dma_semaphore, #tpu.memory_space<semaphore_mem>>) {add = true}
      %add3A_340 = arith.constant 3 : i32
      %add3A_341 = arith.addi %mul3A_94, %add3A_340 : i32
      %dma_start3A_342 = arith.constant 3 : i32
      %dma_start3A_343 = arith.constant 0 : i32
      %dma_start3A_344 = arith.constant 0 : i32
      %dma_start3A_345 = tpu.memref_slice %arg14[%dma_start3A_342, %dma_start3A_343, %dma_start3A_344] : memref<8x128x32xf32, #tpu.memory_space<vmem>> -> memref<1x128x32xf32, #tpu.memory_space<vmem>>
      %dma_start3A_346 = tpu.memref_squeeze %dma_start3A_345 : memref<1x128x32xf32, #tpu.memory_space<vmem>> -> memref<128x32xf32, #tpu.memory_space<vmem>>
      %dma_start3A_347 = arith.constant 0 : i32
      %dma_start3A_348 = tpu.memref_slice %arg13[%add3A_341, %dma_start3A_347] : memref<80x128xi32, #tpu.memory_space<vmem>> -> memref<1x128xi32, #tpu.memory_space<vmem>>
      %dma_start3A_349 = tpu.memref_squeeze %dma_start3A_348 : memref<1x128xi32, #tpu.memory_space<vmem>> -> memref<128xi32, #tpu.memory_space<vmem>>
      %dma_start3A_350 = arith.constant 0 : i32
      %dma_start3A_351 = arith.constant 0 : i32
      %dma_start3A_352 = tpu.memref_slice %arg10[%dma_start3A_350, %dma_start3A_351] : memref<10240x32xf32, #tpu.memory_space<vmem_shared>> -> memref<10240x32xf32, #tpu.memory_space<vmem_shared>>
      tpu.enqueue_indirect_dma source(%dma_start3A_346 : memref<128x32xf32, #tpu.memory_space<vmem>>) target(%dma_start3A_352 : memref<10240x32xf32, #tpu.memory_space<vmem_shared>>) offsets(%dma_start3A_349 : memref<128xi32, #tpu.memory_space<vmem>>) semaphore(%arg22 : memref<!tpu.dma_semaphore, #tpu.memory_space<semaphore_mem>>) {add = true}
      %add3A_353 = arith.constant 4 : i32
      %add3A_354 = arith.addi %mul3A_94, %add3A_353 : i32
      %dma_start3A_355 = arith.constant 4 : i32
      %dma_start3A_356 = arith.constant 0 : i32
      %dma_start3A_357 = arith.constant 0 : i32
      %dma_start3A_358 = tpu.memref_slice %arg14[%dma_start3A_355, %dma_start3A_356, %dma_start3A_357] : memref<8x128x32xf32, #tpu.memory_space<vmem>> -> memref<1x128x32xf32, #tpu.memory_space<vmem>>
      %dma_start3A_359 = tpu.memref_squeeze %dma_start3A_358 : memref<1x128x32xf32, #tpu.memory_space<vmem>> -> memref<128x32xf32, #tpu.memory_space<vmem>>
      %dma_start3A_360 = arith.constant 0 : i32
      %dma_start3A_361 = tpu.memref_slice %arg13[%add3A_354, %dma_start3A_360] : memref<80x128xi32, #tpu.memory_space<vmem>> -> memref<1x128xi32, #tpu.memory_space<vmem>>
      %dma_start3A_362 = tpu.memref_squeeze %dma_start3A_361 : memref<1x128xi32, #tpu.memory_space<vmem>> -> memref<128xi32, #tpu.memory_space<vmem>>
      %dma_start3A_363 = arith.constant 0 : i32
      %dma_start3A_364 = arith.constant 0 : i32
      %dma_start3A_365 = tpu.memref_slice %arg10[%dma_start3A_363, %dma_start3A_364] : memref<10240x32xf32, #tpu.memory_space<vmem_shared>> -> memref<10240x32xf32, #tpu.memory_space<vmem_shared>>
      tpu.enqueue_indirect_dma source(%dma_start3A_359 : memref<128x32xf32, #tpu.memory_space<vmem>>) target(%dma_start3A_365 : memref<10240x32xf32, #tpu.memory_space<vmem_shared>>) offsets(%dma_start3A_362 : memref<128xi32, #tpu.memory_space<vmem>>) semaphore(%arg22 : memref<!tpu.dma_semaphore, #tpu.memory_space<semaphore_mem>>) {add = true}
      %add3A_366 = arith.constant 5 : i32
      %add3A_367 = arith.addi %mul3A_94, %add3A_366 : i32
      %dma_start3A_368 = arith.constant 5 : i32
      %dma_start3A_369 = arith.constant 0 : i32
      %dma_start3A_370 = arith.constant 0 : i32
      %dma_start3A_371 = tpu.memref_slice %arg14[%dma_start3A_368, %dma_start3A_369, %dma_start3A_370] : memref<8x128x32xf32, #tpu.memory_space<vmem>> -> memref<1x128x32xf32, #tpu.memory_space<vmem>>
      %dma_start3A_372 = tpu.memref_squeeze %dma_start3A_371 : memref<1x128x32xf32, #tpu.memory_space<vmem>> -> memref<128x32xf32, #tpu.memory_space<vmem>>
      %dma_start3A_373 = arith.constant 0 : i32
      %dma_start3A_374 = tpu.memref_slice %arg13[%add3A_367, %dma_start3A_373] : memref<80x128xi32, #tpu.memory_space<vmem>> -> memref<1x128xi32, #tpu.memory_space<vmem>>
      %dma_start3A_375 = tpu.memref_squeeze %dma_start3A_374 : memref<1x128xi32, #tpu.memory_space<vmem>> -> memref<128xi32, #tpu.memory_space<vmem>>
      %dma_start3A_376 = arith.constant 0 : i32
      %dma_start3A_377 = arith.constant 0 : i32
      %dma_start3A_378 = tpu.memref_slice %arg10[%dma_start3A_376, %dma_start3A_377] : memref<10240x32xf32, #tpu.memory_space<vmem_shared>> -> memref<10240x32xf32, #tpu.memory_space<vmem_shared>>
      tpu.enqueue_indirect_dma source(%dma_start3A_372 : memref<128x32xf32, #tpu.memory_space<vmem>>) target(%dma_start3A_378 : memref<10240x32xf32, #tpu.memory_space<vmem_shared>>) offsets(%dma_start3A_375 : memref<128xi32, #tpu.memory_space<vmem>>) semaphore(%arg22 : memref<!tpu.dma_semaphore, #tpu.memory_space<semaphore_mem>>) {add = true}
      %add3A_379 = arith.constant 6 : i32
      %add3A_380 = arith.addi %mul3A_94, %add3A_379 : i32
      %dma_start3A_381 = arith.constant 6 : i32
      %dma_start3A_382 = arith.constant 0 : i32
      %dma_start3A_383 = arith.constant 0 : i32
      %dma_start3A_384 = tpu.memref_slice %arg14[%dma_start3A_381, %dma_start3A_382, %dma_start3A_383] : memref<8x128x32xf32, #tpu.memory_space<vmem>> -> memref<1x128x32xf32, #tpu.memory_space<vmem>>
      %dma_start3A_385 = tpu.memref_squeeze %dma_start3A_384 : memref<1x128x32xf32, #tpu.memory_space<vmem>> -> memref<128x32xf32, #tpu.memory_space<vmem>>
      %dma_start3A_386 = arith.constant 0 : i32
      %dma_start3A_387 = tpu.memref_slice %arg13[%add3A_380, %dma_start3A_386] : memref<80x128xi32, #tpu.memory_space<vmem>> -> memref<1x128xi32, #tpu.memory_space<vmem>>
      %dma_start3A_388 = tpu.memref_squeeze %dma_start3A_387 : memref<1x128xi32, #tpu.memory_space<vmem>> -> memref<128xi32, #tpu.memory_space<vmem>>
      %dma_start3A_389 = arith.constant 0 : i32
      %dma_start3A_390 = arith.constant 0 : i32
      %dma_start3A_391 = tpu.memref_slice %arg10[%dma_start3A_389, %dma_start3A_390] : memref<10240x32xf32, #tpu.memory_space<vmem_shared>> -> memref<10240x32xf32, #tpu.memory_space<vmem_shared>>
      tpu.enqueue_indirect_dma source(%dma_start3A_385 : memref<128x32xf32, #tpu.memory_space<vmem>>) target(%dma_start3A_391 : memref<10240x32xf32, #tpu.memory_space<vmem_shared>>) offsets(%dma_start3A_388 : memref<128xi32, #tpu.memory_space<vmem>>) semaphore(%arg22 : memref<!tpu.dma_semaphore, #tpu.memory_space<semaphore_mem>>) {add = true}
      %add3A_392 = arith.constant 7 : i32
      %add3A_393 = arith.addi %mul3A_94, %add3A_392 : i32
      %dma_start3A_394 = arith.constant 7 : i32
      %dma_start3A_395 = arith.constant 0 : i32
      %dma_start3A_396 = arith.constant 0 : i32
      %dma_start3A_397 = tpu.memref_slice %arg14[%dma_start3A_394, %dma_start3A_395, %dma_start3A_396] : memref<8x128x32xf32, #tpu.memory_space<vmem>> -> memref<1x128x32xf32, #tpu.memory_space<vmem>>
      %dma_start3A_398 = tpu.memref_squeeze %dma_start3A_397 : memref<1x128x32xf32, #tpu.memory_space<vmem>> -> memref<128x32xf32, #tpu.memory_space<vmem>>
      %dma_start3A_399 = arith.constant 0 : i32
      %dma_start3A_400 = tpu.memref_slice %arg13[%add3A_393, %dma_start3A_399] : memref<80x128xi32, #tpu.memory_space<vmem>> -> memref<1x128xi32, #tpu.memory_space<vmem>>
      %dma_start3A_401 = tpu.memref_squeeze %dma_start3A_400 : memref<1x128xi32, #tpu.memory_space<vmem>> -> memref<128xi32, #tpu.memory_space<vmem>>
      %dma_start3A_402 = arith.constant 0 : i32
      %dma_start3A_403 = arith.constant 0 : i32
      %dma_start3A_404 = tpu.memref_slice %arg10[%dma_start3A_402, %dma_start3A_403] : memref<10240x32xf32, #tpu.memory_space<vmem_shared>> -> memref<10240x32xf32, #tpu.memory_space<vmem_shared>>
      tpu.enqueue_indirect_dma source(%dma_start3A_398 : memref<128x32xf32, #tpu.memory_space<vmem>>) target(%dma_start3A_404 : memref<10240x32xf32, #tpu.memory_space<vmem_shared>>) offsets(%dma_start3A_401 : memref<128xi32, #tpu.memory_space<vmem>>) semaphore(%arg22 : memref<!tpu.dma_semaphore, #tpu.memory_space<semaphore_mem>>) {add = true}
      %add3A_405 = arith.constant 0 : i32
      %add3A_406 = arith.addi %mul3A_94, %add3A_405 : i32
      %dma_wait3A_407 = arith.constant 0 : i32
      %dma_wait3A_408 = arith.constant 0 : i32
      %dma_wait3A_409 = arith.constant 0 : i32
      %dma_wait3A_410 = tpu.memref_slice %arg14[%dma_wait3A_407, %dma_wait3A_408, %dma_wait3A_409] : memref<8x128x32xf32, #tpu.memory_space<vmem>> -> memref<1x128x32xf32, #tpu.memory_space<vmem>>
      %dma_wait3A_411 = tpu.memref_squeeze %dma_wait3A_410 : memref<1x128x32xf32, #tpu.memory_space<vmem>> -> memref<128x32xf32, #tpu.memory_space<vmem>>
      %dma_wait3A_412 = arith.constant 0 : i32
      %dma_wait3A_413 = tpu.memref_slice %arg13[%add3A_406, %dma_wait3A_412] : memref<80x128xi32, #tpu.memory_space<vmem>> -> memref<1x128xi32, #tpu.memory_space<vmem>>
      %dma_wait3A_414 = tpu.memref_squeeze %dma_wait3A_413 : memref<1x128xi32, #tpu.memory_space<vmem>> -> memref<128xi32, #tpu.memory_space<vmem>>
      %dma_wait3A_415 = arith.constant 0 : i32
      %dma_wait3A_416 = arith.constant 0 : i32
      %dma_wait3A_417 = tpu.memref_slice %arg10[%dma_wait3A_415, %dma_wait3A_416] : memref<10240x32xf32, #tpu.memory_space<vmem_shared>> -> memref<10240x32xf32, #tpu.memory_space<vmem_shared>>
      tpu.wait_indirect_dma semaphore(%arg22 : memref<!tpu.dma_semaphore, #tpu.memory_space<semaphore_mem>>) src(%dma_wait3A_411 : memref<128x32xf32, #tpu.memory_space<vmem>>) dst(%dma_wait3A_417 : memref<10240x32xf32, #tpu.memory_space<vmem_shared>>)
      %add3A_418 = arith.constant 1 : i32
      %add3A_419 = arith.addi %mul3A_94, %add3A_418 : i32
      %dma_wait3A_420 = arith.constant 1 : i32
      %dma_wait3A_421 = arith.constant 0 : i32
      %dma_wait3A_422 = arith.constant 0 : i32
      %dma_wait3A_423 = tpu.memref_slice %arg14[%dma_wait3A_420, %dma_wait3A_421, %dma_wait3A_422] : memref<8x128x32xf32, #tpu.memory_space<vmem>> -> memref<1x128x32xf32, #tpu.memory_space<vmem>>
      %dma_wait3A_424 = tpu.memref_squeeze %dma_wait3A_423 : memref<1x128x32xf32, #tpu.memory_space<vmem>> -> memref<128x32xf32, #tpu.memory_space<vmem>>
      %dma_wait3A_425 = arith.constant 0 : i32
      %dma_wait3A_426 = tpu.memref_slice %arg13[%add3A_419, %dma_wait3A_425] : memref<80x128xi32, #tpu.memory_space<vmem>> -> memref<1x128xi32, #tpu.memory_space<vmem>>
      %dma_wait3A_427 = tpu.memref_squeeze %dma_wait3A_426 : memref<1x128xi32, #tpu.memory_space<vmem>> -> memref<128xi32, #tpu.memory_space<vmem>>
      %dma_wait3A_428 = arith.constant 0 : i32
      %dma_wait3A_429 = arith.constant 0 : i32
      %dma_wait3A_430 = tpu.memref_slice %arg10[%dma_wait3A_428, %dma_wait3A_429] : memref<10240x32xf32, #tpu.memory_space<vmem_shared>> -> memref<10240x32xf32, #tpu.memory_space<vmem_shared>>
      tpu.wait_indirect_dma semaphore(%arg22 : memref<!tpu.dma_semaphore, #tpu.memory_space<semaphore_mem>>) src(%dma_wait3A_424 : memref<128x32xf32, #tpu.memory_space<vmem>>) dst(%dma_wait3A_430 : memref<10240x32xf32, #tpu.memory_space<vmem_shared>>)
      %add3A_431 = arith.constant 2 : i32
      %add3A_432 = arith.addi %mul3A_94, %add3A_431 : i32
      %dma_wait3A_433 = arith.constant 2 : i32
      %dma_wait3A_434 = arith.constant 0 : i32
      %dma_wait3A_435 = arith.constant 0 : i32
      %dma_wait3A_436 = tpu.memref_slice %arg14[%dma_wait3A_433, %dma_wait3A_434, %dma_wait3A_435] : memref<8x128x32xf32, #tpu.memory_space<vmem>> -> memref<1x128x32xf32, #tpu.memory_space<vmem>>
      %dma_wait3A_437 = tpu.memref_squeeze %dma_wait3A_436 : memref<1x128x32xf32, #tpu.memory_space<vmem>> -> memref<128x32xf32, #tpu.memory_space<vmem>>
      %dma_wait3A_438 = arith.constant 0 : i32
      %dma_wait3A_439 = tpu.memref_slice %arg13[%add3A_432, %dma_wait3A_438] : memref<80x128xi32, #tpu.memory_space<vmem>> -> memref<1x128xi32, #tpu.memory_space<vmem>>
      %dma_wait3A_440 = tpu.memref_squeeze %dma_wait3A_439 : memref<1x128xi32, #tpu.memory_space<vmem>> -> memref<128xi32, #tpu.memory_space<vmem>>
      %dma_wait3A_441 = arith.constant 0 : i32
      %dma_wait3A_442 = arith.constant 0 : i32
      %dma_wait3A_443 = tpu.memref_slice %arg10[%dma_wait3A_441, %dma_wait3A_442] : memref<10240x32xf32, #tpu.memory_space<vmem_shared>> -> memref<10240x32xf32, #tpu.memory_space<vmem_shared>>
      tpu.wait_indirect_dma semaphore(%arg22 : memref<!tpu.dma_semaphore, #tpu.memory_space<semaphore_mem>>) src(%dma_wait3A_437 : memref<128x32xf32, #tpu.memory_space<vmem>>) dst(%dma_wait3A_443 : memref<10240x32xf32, #tpu.memory_space<vmem_shared>>)
      %add3A_444 = arith.constant 3 : i32
      %add3A_445 = arith.addi %mul3A_94, %add3A_444 : i32
      %dma_wait3A_446 = arith.constant 3 : i32
      %dma_wait3A_447 = arith.constant 0 : i32
      %dma_wait3A_448 = arith.constant 0 : i32
      %dma_wait3A_449 = tpu.memref_slice %arg14[%dma_wait3A_446, %dma_wait3A_447, %dma_wait3A_448] : memref<8x128x32xf32, #tpu.memory_space<vmem>> -> memref<1x128x32xf32, #tpu.memory_space<vmem>>
      %dma_wait3A_450 = tpu.memref_squeeze %dma_wait3A_449 : memref<1x128x32xf32, #tpu.memory_space<vmem>> -> memref<128x32xf32, #tpu.memory_space<vmem>>
      %dma_wait3A_451 = arith.constant 0 : i32
      %dma_wait3A_452 = tpu.memref_slice %arg13[%add3A_445, %dma_wait3A_451] : memref<80x128xi32, #tpu.memory_space<vmem>> -> memref<1x128xi32, #tpu.memory_space<vmem>>
      %dma_wait3A_453 = tpu.memref_squeeze %dma_wait3A_452 : memref<1x128xi32, #tpu.memory_space<vmem>> -> memref<128xi32, #tpu.memory_space<vmem>>
      %dma_wait3A_454 = arith.constant 0 : i32
      %dma_wait3A_455 = arith.constant 0 : i32
      %dma_wait3A_456 = tpu.memref_slice %arg10[%dma_wait3A_454, %dma_wait3A_455] : memref<10240x32xf32, #tpu.memory_space<vmem_shared>> -> memref<10240x32xf32, #tpu.memory_space<vmem_shared>>
      tpu.wait_indirect_dma semaphore(%arg22 : memref<!tpu.dma_semaphore, #tpu.memory_space<semaphore_mem>>) src(%dma_wait3A_450 : memref<128x32xf32, #tpu.memory_space<vmem>>) dst(%dma_wait3A_456 : memref<10240x32xf32, #tpu.memory_space<vmem_shared>>)
      %add3A_457 = arith.constant 4 : i32
      %add3A_458 = arith.addi %mul3A_94, %add3A_457 : i32
      %dma_wait3A_459 = arith.constant 4 : i32
      %dma_wait3A_460 = arith.constant 0 : i32
      %dma_wait3A_461 = arith.constant 0 : i32
      %dma_wait3A_462 = tpu.memref_slice %arg14[%dma_wait3A_459, %dma_wait3A_460, %dma_wait3A_461] : memref<8x128x32xf32, #tpu.memory_space<vmem>> -> memref<1x128x32xf32, #tpu.memory_space<vmem>>
      %dma_wait3A_463 = tpu.memref_squeeze %dma_wait3A_462 : memref<1x128x32xf32, #tpu.memory_space<vmem>> -> memref<128x32xf32, #tpu.memory_space<vmem>>
      %dma_wait3A_464 = arith.constant 0 : i32
      %dma_wait3A_465 = tpu.memref_slice %arg13[%add3A_458, %dma_wait3A_464] : memref<80x128xi32, #tpu.memory_space<vmem>> -> memref<1x128xi32, #tpu.memory_space<vmem>>
      %dma_wait3A_466 = tpu.memref_squeeze %dma_wait3A_465 : memref<1x128xi32, #tpu.memory_space<vmem>> -> memref<128xi32, #tpu.memory_space<vmem>>
      %dma_wait3A_467 = arith.constant 0 : i32
      %dma_wait3A_468 = arith.constant 0 : i32
      %dma_wait3A_469 = tpu.memref_slice %arg10[%dma_wait3A_467, %dma_wait3A_468] : memref<10240x32xf32, #tpu.memory_space<vmem_shared>> -> memref<10240x32xf32, #tpu.memory_space<vmem_shared>>
      tpu.wait_indirect_dma semaphore(%arg22 : memref<!tpu.dma_semaphore, #tpu.memory_space<semaphore_mem>>) src(%dma_wait3A_463 : memref<128x32xf32, #tpu.memory_space<vmem>>) dst(%dma_wait3A_469 : memref<10240x32xf32, #tpu.memory_space<vmem_shared>>)
      %add3A_470 = arith.constant 5 : i32
      %add3A_471 = arith.addi %mul3A_94, %add3A_470 : i32
      %dma_wait3A_472 = arith.constant 5 : i32
      %dma_wait3A_473 = arith.constant 0 : i32
      %dma_wait3A_474 = arith.constant 0 : i32
      %dma_wait3A_475 = tpu.memref_slice %arg14[%dma_wait3A_472, %dma_wait3A_473, %dma_wait3A_474] : memref<8x128x32xf32, #tpu.memory_space<vmem>> -> memref<1x128x32xf32, #tpu.memory_space<vmem>>
      %dma_wait3A_476 = tpu.memref_squeeze %dma_wait3A_475 : memref<1x128x32xf32, #tpu.memory_space<vmem>> -> memref<128x32xf32, #tpu.memory_space<vmem>>
      %dma_wait3A_477 = arith.constant 0 : i32
      %dma_wait3A_478 = tpu.memref_slice %arg13[%add3A_471, %dma_wait3A_477] : memref<80x128xi32, #tpu.memory_space<vmem>> -> memref<1x128xi32, #tpu.memory_space<vmem>>
      %dma_wait3A_479 = tpu.memref_squeeze %dma_wait3A_478 : memref<1x128xi32, #tpu.memory_space<vmem>> -> memref<128xi32, #tpu.memory_space<vmem>>
      %dma_wait3A_480 = arith.constant 0 : i32
      %dma_wait3A_481 = arith.constant 0 : i32
      %dma_wait3A_482 = tpu.memref_slice %arg10[%dma_wait3A_480, %dma_wait3A_481] : memref<10240x32xf32, #tpu.memory_space<vmem_shared>> -> memref<10240x32xf32, #tpu.memory_space<vmem_shared>>
      tpu.wait_indirect_dma semaphore(%arg22 : memref<!tpu.dma_semaphore, #tpu.memory_space<semaphore_mem>>) src(%dma_wait3A_476 : memref<128x32xf32, #tpu.memory_space<vmem>>) dst(%dma_wait3A_482 : memref<10240x32xf32, #tpu.memory_space<vmem_shared>>)
      %add3A_483 = arith.constant 6 : i32
      %add3A_484 = arith.addi %mul3A_94, %add3A_483 : i32
      %dma_wait3A_485 = arith.constant 6 : i32
      %dma_wait3A_486 = arith.constant 0 : i32
      %dma_wait3A_487 = arith.constant 0 : i32
      %dma_wait3A_488 = tpu.memref_slice %arg14[%dma_wait3A_485, %dma_wait3A_486, %dma_wait3A_487] : memref<8x128x32xf32, #tpu.memory_space<vmem>> -> memref<1x128x32xf32, #tpu.memory_space<vmem>>
      %dma_wait3A_489 = tpu.memref_squeeze %dma_wait3A_488 : memref<1x128x32xf32, #tpu.memory_space<vmem>> -> memref<128x32xf32, #tpu.memory_space<vmem>>
      %dma_wait3A_490 = arith.constant 0 : i32
      %dma_wait3A_491 = tpu.memref_slice %arg13[%add3A_484, %dma_wait3A_490] : memref<80x128xi32, #tpu.memory_space<vmem>> -> memref<1x128xi32, #tpu.memory_space<vmem>>
      %dma_wait3A_492 = tpu.memref_squeeze %dma_wait3A_491 : memref<1x128xi32, #tpu.memory_space<vmem>> -> memref<128xi32, #tpu.memory_space<vmem>>
      %dma_wait3A_493 = arith.constant 0 : i32
      %dma_wait3A_494 = arith.constant 0 : i32
      %dma_wait3A_495 = tpu.memref_slice %arg10[%dma_wait3A_493, %dma_wait3A_494] : memref<10240x32xf32, #tpu.memory_space<vmem_shared>> -> memref<10240x32xf32, #tpu.memory_space<vmem_shared>>
      tpu.wait_indirect_dma semaphore(%arg22 : memref<!tpu.dma_semaphore, #tpu.memory_space<semaphore_mem>>) src(%dma_wait3A_489 : memref<128x32xf32, #tpu.memory_space<vmem>>) dst(%dma_wait3A_495 : memref<10240x32xf32, #tpu.memory_space<vmem_shared>>)
      %add3A_496 = arith.constant 7 : i32
      %add3A_497 = arith.addi %mul3A_94, %add3A_496 : i32
      %dma_wait3A_498 = arith.constant 7 : i32
      %dma_wait3A_499 = arith.constant 0 : i32
      %dma_wait3A_500 = arith.constant 0 : i32
      %dma_wait3A_501 = tpu.memref_slice %arg14[%dma_wait3A_498, %dma_wait3A_499, %dma_wait3A_500] : memref<8x128x32xf32, #tpu.memory_space<vmem>> -> memref<1x128x32xf32, #tpu.memory_space<vmem>>
      %dma_wait3A_502 = tpu.memref_squeeze %dma_wait3A_501 : memref<1x128x32xf32, #tpu.memory_space<vmem>> -> memref<128x32xf32, #tpu.memory_space<vmem>>
      %dma_wait3A_503 = arith.constant 0 : i32
      %dma_wait3A_504 = tpu.memref_slice %arg13[%add3A_497, %dma_wait3A_503] : memref<80x128xi32, #tpu.memory_space<vmem>> -> memref<1x128xi32, #tpu.memory_space<vmem>>
      %dma_wait3A_505 = tpu.memref_squeeze %dma_wait3A_504 : memref<1x128xi32, #tpu.memory_space<vmem>> -> memref<128xi32, #tpu.memory_space<vmem>>
      %dma_wait3A_506 = arith.constant 0 : i32
      %dma_wait3A_507 = arith.constant 0 : i32
      %dma_wait3A_508 = tpu.memref_slice %arg10[%dma_wait3A_506, %dma_wait3A_507] : memref<10240x32xf32, #tpu.memory_space<vmem_shared>> -> memref<10240x32xf32, #tpu.memory_space<vmem_shared>>
      tpu.wait_indirect_dma semaphore(%arg22 : memref<!tpu.dma_semaphore, #tpu.memory_space<semaphore_mem>>) src(%dma_wait3A_502 : memref<128x32xf32, #tpu.memory_space<vmem>>) dst(%dma_wait3A_508 : memref<10240x32xf32, #tpu.memory_space<vmem_shared>>)
    }
    %scan3A_90 = arith.constant 10 : i32
    %barrier3A_91 = arith.constant 0 : index
    tpu.barrier barrier_id(%barrier3A_91)
    "tpu.region"() ({
      %run_scoped3A_92 = tpu.sem_alloc : memref<!tpu.dma_semaphore, #tpu.memory_space<semaphore_mem>>
      %dma_start3A = arith.constant 0 : i32
      %dma_start3A_93 = arith.constant 0 : i32
      %dma_start3A_94 = tpu.memref_slice %arg8[%arg0, %dma_start3A, %dma_start3A_93] : memref<2x10240x32xf32, #tpu.memory_space<hbm>> -> memref<1x10240x32xf32, #tpu.memory_space<hbm>>
      %dma_start3A_95 = tpu.memref_squeeze %dma_start3A_94 : memref<1x10240x32xf32, #tpu.memory_space<hbm>> -> memref<10240x32xf32, #tpu.memory_space<hbm>>
      %dma_start3A_96 = arith.constant 0 : i32
      %dma_start3A_97 = tpu.memref_slice %dma_start3A_95[%mul3A_0, %dma_start3A_96] : memref<10240x32xf32, #tpu.memory_space<hbm>> -> memref<640x32xf32, #tpu.memory_space<hbm>>
      %dma_start3A_98 = arith.constant 0 : i32
      %dma_start3A_99 = tpu.memref_slice %arg10[%mul3A_0, %dma_start3A_98] : memref<10240x32xf32, #tpu.memory_space<vmem_shared>> -> memref<640x32xf32, #tpu.memory_space<vmem_shared>>
      tpu.enqueue_dma source(%dma_start3A_99 : memref<640x32xf32, #tpu.memory_space<vmem_shared>>) target(%dma_start3A_97 : memref<640x32xf32, #tpu.memory_space<hbm>>) target_semaphore(%run_scoped3A_92 : memref<!tpu.dma_semaphore, #tpu.memory_space<semaphore_mem>>)
      %dma_wait3A = arith.constant 0 : i32
      %dma_wait3A_100 = arith.constant 0 : i32
      %dma_wait3A_101 = tpu.memref_slice %arg8[%arg0, %dma_wait3A, %dma_wait3A_100] : memref<2x10240x32xf32, #tpu.memory_space<hbm>> -> memref<1x10240x32xf32, #tpu.memory_space<hbm>>
      %dma_wait3A_102 = tpu.memref_squeeze %dma_wait3A_101 : memref<1x10240x32xf32, #tpu.memory_space<hbm>> -> memref<10240x32xf32, #tpu.memory_space<hbm>>
      %dma_wait3A_103 = arith.constant 0 : i32
      %dma_wait3A_104 = tpu.memref_slice %dma_wait3A_102[%mul3A_0, %dma_wait3A_103] : memref<10240x32xf32, #tpu.memory_space<hbm>> -> memref<640x32xf32, #tpu.memory_space<hbm>>
      %dma_wait3A_105 = arith.constant 0 : i32
      %dma_wait3A_106 = tpu.memref_slice %arg10[%mul3A_0, %dma_wait3A_105] : memref<10240x32xf32, #tpu.memory_space<vmem_shared>> -> memref<640x32xf32, #tpu.memory_space<vmem_shared>>
      tpu.wait_dma2 semaphore(%run_scoped3A_92 : memref<!tpu.dma_semaphore, #tpu.memory_space<semaphore_mem>>) src(%dma_wait3A_106 : memref<640x32xf32, #tpu.memory_space<vmem_shared>>) dst(%dma_wait3A_104 : memref<640x32xf32, #tpu.memory_space<hbm>>)
      tpu.yield
    }) : () -> ()
    return
  }
}

module attributes {stable_mosaic.version = 14 : i64} {
  func.func @body(%arg0: i32, %arg1: memref<1024x128xf32, #tpu.memory_space<vmem>>, %arg2: memref<128x32xf32, #tpu.memory_space<vmem>>, %arg3: memref<1024x32xf32, #tpu.memory_space<vmem>>) attributes {dimension_semantics = [#tpu.dimension_semantics<arbitrary>], iteration_bounds = array<i64: 10>, scalar_prefetch = 0 : i64, scratch_operands = 0 : i64, tpu.core_type = #tpu.core_type<tc>, window_params = [{transform_indices = @transform_0, window_bounds = array<i64: 1024, 128>}, {pipeline_mode = #tpu.pipeline_mode<synchronous>, transform_indices = @transform_1, window_bounds = array<i64: 128, 32>}, {transform_indices = @transform_2, window_bounds = array<i64: 1024, 32>}]} {
    %get3A = arith.constant 0 : index
    %get3A_0 = arith.constant 0 : index
    %get3A_1 = vector.load %arg1[%get3A, %get3A_0] : memref<1024x128xf32, #tpu.memory_space<vmem>>, vector<1024x128xf32>
    %get3A_2 = arith.constant 0 : index
    %get3A_3 = arith.constant 0 : index
    %get3A_4 = vector.load %arg2[%get3A_2, %get3A_3] : memref<128x32xf32, #tpu.memory_space<vmem>>, vector<128x32xf32>
    %dot_general3A = arith.constant dense<0.000000e+00> : vector<1024x32xf32>
    %dot_general3A_5 = tpu.matmul %get3A_1, %get3A_4, %dot_general3A {dimension_numbers = #tpu.dot_dimension_numbers<[1], [0], [0], [1], [0, 0, 1, 1], [], []>, transpose_lhs_hint = false} : vector<1024x128xf32>, vector<128x32xf32>, vector<1024x32xf32> -> vector<1024x32xf32>
    %swap3A = arith.constant 0 : index
    %swap3A_6 = arith.constant 0 : index
    %swap3A_7 = vector.load %arg3[%swap3A, %swap3A_6] : memref<1024x32xf32, #tpu.memory_space<vmem>>, vector<1024x32xf32>
    tpu.vector_store %arg3[%swap3A, %swap3A_6], %dot_general3A_5 {strides = array<i32>} : memref<1024x32xf32, #tpu.memory_space<vmem>>, vector<1024x32xf32>,
    return
  }
  func.func @transform_0(%arg0: i32) -> (i32, i32) {
    %c0_i32 = arith.constant 0 : i32
    %c0_i32_0 = arith.constant 0 : i32
    return %arg0, %c0_i32 : i32, i32
  }
  func.func @transform_1(%arg0: i32) -> (i32, i32) {
    %c0_i32 = arith.constant 0 : i32
    %c0_i32_0 = arith.constant 0 : i32
    %c0_i32_1 = arith.constant 0 : i32
    return %c0_i32, %c0_i32_0 : i32, i32
  }
  func.func @transform_2(%arg0: i32) -> (i32, i32) {
    %c0_i32 = arith.constant 0 : i32
    %c0_i32_0 = arith.constant 0 : i32
    return %arg0, %c0_i32 : i32, i32
  }
}

module attributes {stable_mosaic.version = 14 : i64} {
  func.func @body(%arg0: i32, %arg1: memref<1024x32xf32, #tpu.memory_space<vmem>>, %arg2: memref<1024x32xf32, #tpu.memory_space<vmem>>, %arg3: memref<1024x32xf32, #tpu.memory_space<vmem>>, %arg4: memref<1024x16xf32, #tpu.memory_space<vmem>>, %arg5: memref<1024x16xf32, #tpu.memory_space<vmem>>, %arg6: memref<32x16xf32, #tpu.memory_space<vmem>>, %arg7: memref<8x16xf32, #tpu.memory_space<vmem>>, %arg8: memref<32x16xf32, #tpu.memory_space<vmem>>, %arg9: memref<8x16xf32, #tpu.memory_space<vmem>>, %arg10: memref<1024x16xf32, #tpu.memory_space<vmem>>, %arg11: memref<1024x16xf32, #tpu.memory_space<vmem>>) attributes {dimension_semantics = [#tpu.dimension_semantics<arbitrary>], iteration_bounds = array<i64: 10>, scalar_prefetch = 0 : i64, scratch_operands = 0 : i64, tpu.core_type = #tpu.core_type<tc>, window_params = [{transform_indices = @transform_0, window_bounds = array<i64: 1024, 32>}, {transform_indices = @transform_1, window_bounds = array<i64: 1024, 32>}, {transform_indices = @transform_2, window_bounds = array<i64: 1024, 32>}, {transform_indices = @transform_3, window_bounds = array<i64: 1024, 16>}, {transform_indices = @transform_4, window_bounds = array<i64: 1024, 16>}, {pipeline_mode = #tpu.pipeline_mode<synchronous>, transform_indices = @transform_5, window_bounds = array<i64: 32, 16>}, {pipeline_mode = #tpu.pipeline_mode<synchronous>, transform_indices = @transform_6, window_bounds = array<i64: 8, 16>}, {pipeline_mode = #tpu.pipeline_mode<synchronous>, transform_indices = @transform_7, window_bounds = array<i64: 32, 16>}, {pipeline_mode = #tpu.pipeline_mode<synchronous>, transform_indices = @transform_8, window_bounds = array<i64: 8, 16>}, {transform_indices = @transform_9, window_bounds = array<i64: 1024, 16>}, {transform_indices = @transform_10, window_bounds = array<i64: 1024, 16>}]} {
    %get3A = arith.constant 0 : index
    %get3A_0 = arith.constant 0 : index
    %get3A_1 = vector.load %arg4[%get3A, %get3A_0] : memref<1024x16xf32, #tpu.memory_space<vmem>>, vector<1024x1xf32>
    %get3A_2 = arith.constant 0 : index
    %get3A_3 = arith.constant 0 : index
    %get3A_4 = vector.load %arg5[%get3A_2, %get3A_3] : memref<1024x16xf32, #tpu.memory_space<vmem>>, vector<1024x1xf32>
    %add3A = arith.addf %get3A_1, %get3A_4 : vector<1024x1xf32>
    %add3A_5 = arith.constant 1.000000e+00 : f32
    %add3A_6 = vector.broadcast %add3A_5 : f32 to vector<1024x1xf32>
    %add3A_7 = arith.addf %add3A, %add3A_6 : vector<1024x1xf32>
    %div3A = arith.constant 1.000000e+00 : f32
    %div3A_8 = vector.broadcast %div3A : f32 to vector<1024x1xf32>
    %div3A_9 = arith.divf %div3A_8, %add3A_7 : vector<1024x1xf32>
    %get3A_10 = arith.constant 0 : index
    %get3A_11 = arith.constant 0 : index
    %get3A_12 = vector.load %arg1[%get3A_10, %get3A_11] : memref<1024x32xf32, #tpu.memory_space<vmem>>, vector<1024x32xf32>
    %get3A_13 = arith.constant 0 : index
    %get3A_14 = arith.constant 0 : index
    %get3A_15 = vector.load %arg2[%get3A_13, %get3A_14] : memref<1024x32xf32, #tpu.memory_space<vmem>>, vector<1024x32xf32>
    %add3A_16 = arith.addf %get3A_12, %get3A_15 : vector<1024x32xf32>
    %get3A_17 = arith.constant 0 : index
    %get3A_18 = arith.constant 0 : index
    %get3A_19 = vector.load %arg3[%get3A_17, %get3A_18] : memref<1024x32xf32, #tpu.memory_space<vmem>>, vector<1024x32xf32>
    %sub3A = arith.subf %add3A_16, %get3A_19 : vector<1024x32xf32>
    %mul3A = vector.broadcast %div3A_9 : vector<1024x1xf32> to vector<1024x32xf32>
    %mul3A_20 = arith.mulf %sub3A, %mul3A : vector<1024x32xf32>
    %get3A_21 = arith.constant 0 : index
    %get3A_22 = arith.constant 0 : index
    %get3A_23 = vector.load %arg6[%get3A_21, %get3A_22] : memref<32x16xf32, #tpu.memory_space<vmem>>, vector<32x16xf32>
    %dot_general3A = arith.constant dense<0.000000e+00> : vector<1024x16xf32>
    %dot_general3A_24 = tpu.matmul %mul3A_20, %get3A_23, %dot_general3A {dimension_numbers = #tpu.dot_dimension_numbers<[1], [0], [0], [1], [0, 0, 1, 1], [], []>, transpose_lhs_hint = false} : vector<1024x32xf32>, vector<32x16xf32>, vector<1024x16xf32> -> vector<1024x16xf32>
    %get3A_25 = arith.constant 0 : index
    %get3A_26 = arith.constant 0 : index
    %get3A_27 = vector.load %arg7[%get3A_25, %get3A_26] : memref<8x16xf32, #tpu.memory_space<vmem>>, vector<1x16xf32>
    %add3A_28 = vector.broadcast %get3A_27 : vector<1x16xf32> to vector<1024x16xf32>
    %add3A_29 = arith.addf %dot_general3A_24, %add3A_28 : vector<1024x16xf32>
    %swap3A = arith.constant 0 : index
    %swap3A_30 = arith.constant 0 : index
    %swap3A_31 = vector.load %arg10[%swap3A, %swap3A_30] : memref<1024x16xf32, #tpu.memory_space<vmem>>, vector<1024x16xf32>
    tpu.vector_store %arg10[%swap3A, %swap3A_30], %add3A_29 {strides = array<i32>} : memref<1024x16xf32, #tpu.memory_space<vmem>>, vector<1024x16xf32>,
    %get3A_32 = arith.constant 0 : index
    %get3A_33 = arith.constant 0 : index
    %get3A_34 = vector.load %arg8[%get3A_32, %get3A_33] : memref<32x16xf32, #tpu.memory_space<vmem>>, vector<32x16xf32>
    %dot_general3A_35 = arith.constant dense<0.000000e+00> : vector<1024x16xf32>
    %dot_general3A_36 = tpu.matmul %mul3A_20, %get3A_34, %dot_general3A_35 {dimension_numbers = #tpu.dot_dimension_numbers<[1], [0], [0], [1], [0, 0, 1, 1], [], []>, transpose_lhs_hint = false} : vector<1024x32xf32>, vector<32x16xf32>, vector<1024x16xf32> -> vector<1024x16xf32>
    %get3A_37 = arith.constant 0 : index
    %get3A_38 = arith.constant 0 : index
    %get3A_39 = vector.load %arg9[%get3A_37, %get3A_38] : memref<8x16xf32, #tpu.memory_space<vmem>>, vector<1x16xf32>
    %add3A_40 = vector.broadcast %get3A_39 : vector<1x16xf32> to vector<1024x16xf32>
    %add3A_41 = arith.addf %dot_general3A_36, %add3A_40 : vector<1024x16xf32>
    %swap3A_42 = arith.constant 0 : index
    %swap3A_43 = arith.constant 0 : index
    %swap3A_44 = vector.load %arg11[%swap3A_42, %swap3A_43] : memref<1024x16xf32, #tpu.memory_space<vmem>>, vector<1024x16xf32>
    tpu.vector_store %arg11[%swap3A_42, %swap3A_43], %add3A_41 {strides = array<i32>} : memref<1024x16xf32, #tpu.memory_space<vmem>>, vector<1024x16xf32>,
    return
  }
  func.func @transform_0(%arg0: i32) -> (i32, i32) {
    %c0_i32 = arith.constant 0 : i32
    %c0_i32_0 = arith.constant 0 : i32
    return %arg0, %c0_i32 : i32, i32
  }
  func.func @transform_1(%arg0: i32) -> (i32, i32) {
    %c0_i32 = arith.constant 0 : i32
    %c0_i32_0 = arith.constant 0 : i32
    return %arg0, %c0_i32 : i32, i32
  }
  func.func @transform_2(%arg0: i32) -> (i32, i32) {
    %c0_i32 = arith.constant 0 : i32
    %c0_i32_0 = arith.constant 0 : i32
    return %arg0, %c0_i32 : i32, i32
  }
  func.func @transform_3(%arg0: i32) -> (i32, i32) {
    %c0_i32 = arith.constant 0 : i32
    %c0_i32_0 = arith.constant 0 : i32
    return %arg0, %c0_i32 : i32, i32
  }
  func.func @transform_4(%arg0: i32) -> (i32, i32) {
    %c0_i32 = arith.constant 0 : i32
    %c0_i32_0 = arith.constant 0 : i32
    return %arg0, %c0_i32 : i32, i32
  }
  func.func @transform_5(%arg0: i32) -> (i32, i32) {
    %c0_i32 = arith.constant 0 : i32
    %c0_i32_0 = arith.constant 0 : i32
    %c0_i32_1 = arith.constant 0 : i32
    return %c0_i32, %c0_i32_0 : i32, i32
  }
  func.func @transform_6(%arg0: i32) -> (i32, i32) {
    %c0_i32 = arith.constant 0 : i32
    %c0_i32_0 = arith.constant 0 : i32
    %c0_i32_1 = arith.constant 0 : i32
    return %c0_i32, %c0_i32_0 : i32, i32
  }
  func.func @transform_7(%arg0: i32) -> (i32, i32) {
    %c0_i32 = arith.constant 0 : i32
    %c0_i32_0 = arith.constant 0 : i32
    %c0_i32_1 = arith.constant 0 : i32
    return %c0_i32, %c0_i32_0 : i32, i32
  }
  func.func @transform_8(%arg0: i32) -> (i32, i32) {
    %c0_i32 = arith.constant 0 : i32
    %c0_i32_0 = arith.constant 0 : i32
    %c0_i32_1 = arith.constant 0 : i32
    return %c0_i32, %c0_i32_0 : i32, i32
  }
  func.func @transform_9(%arg0: i32) -> (i32, i32) {
    %c0_i32 = arith.constant 0 : i32
    %c0_i32_0 = arith.constant 0 : i32
    return %arg0, %c0_i32 : i32, i32
  }
  func.func @transform_10(%arg0: i32) -> (i32, i32) {
    %c0_i32 = arith.constant 0 : i32
    %c0_i32_0 = arith.constant 0 : i32
    return %arg0, %c0_i32 : i32, i32
  }
}

module attributes {stable_mosaic.version = 14 : i64} {
  func.func @body(%arg0: memref<1024x16xf32, #tpu.memory_space<vmem>>, %arg1: memref<1024x1024xf32, #tpu.memory_space<vmem>>) attributes {dimension_semantics = [], scalar_prefetch = 0 : i64, scratch_operands = 0 : i64, tpu.core_type = #tpu.core_type<tc>} {
    %get3A = arith.constant 0 : index
    %get3A_0 = arith.constant 0 : index
    %get3A_1 = vector.load %arg0[%get3A, %get3A_0] : memref<1024x16xf32, #tpu.memory_space<vmem>>, vector<1024x16xf32>
    %dot_general3A = arith.constant dense<0.000000e+00> : vector<1024x1024xf32>
    %dot_general3A_2 = tpu.matmul %get3A_1, %get3A_1, %dot_general3A {dimension_numbers = #tpu.dot_dimension_numbers<[1], [1], [0], [0], [0, 0, 1, 0], [], []>, transpose_lhs_hint = false} : vector<1024x16xf32>, vector<1024x16xf32>, vector<1024x1024xf32> -> vector<1024x1024xf32>
    %swap3A = arith.constant 0 : index
    %swap3A_3 = arith.constant 0 : index
    %swap3A_4 = vector.load %arg1[%swap3A, %swap3A_3] : memref<1024x1024xf32, #tpu.memory_space<vmem>>, vector<1024x1024xf32>
    tpu.vector_store %arg1[%swap3A, %swap3A_3], %dot_general3A_2 {strides = array<i32>} : memref<1024x1024xf32, #tpu.memory_space<vmem>>, vector<1024x1024xf32>,
    return
  }
}

</mosaic_0001>

<sc_bundles>
// kernel: kernel.11.cloned.1.call-start
scs
__scs_entry_jumppad:
0x0: {  	(pc) =	sbr.rel $0x88, $3  }
0x1: {  	(tag) =	ssettag $0x0;
	lr =	simm.s32 $0x1  }
0x2: {  	[smem:$0x3F98] =	sst lr;
	_ =	strace $0xD0000000  }
0x3: {  	_ = 	snop  }
0x4: {  	_ = 	snop  }
0x5: {  	_ = 	snop  }
0x6: {  	_ = 	snop  }
0x7: {  	_ = 	snop  }
__scs_overlays_trampoline_lowered:
0x8: {  	[smem:$0x3FA7] =	sst s0  }
0x9: {  	[smem:$0x3FA8] =	sst s1  }
0xa: {  	[smem:$0x3FA9] =	sst s2  }
0xb: {  	[smem:$0x3FAA] =	sst s3  }
0xc: {  	[smem:$0x3FAB] =	sst s4  }
0xd: {  	[smem:$0x3FAC] =	sst s5  }
0xe: {  	[smem:$0x3FAD] =	sst s6  }
0xf: {  	[smem:$0x3FAE] =	sst s7  }
0x10: {  	[smem:$0x3FAF] =	sst s8  }
0x11: {  	[smem:$0x3FB0] =	sst s9;
	s0 =	simm.s32 @!p0 $0x0  }
0x12: {  	s1 =	sld [smem:$0x3F96];
	s0 =	simm.s32 @p0 $0x1  }
0x13: {  	[smem:$0x3FB1] =	sst s0;
	s0 =	simm.s32 @!p1 $0x0  }
0x14: {  	s2 =	sld [smem:$0x3F95];
	s0 =	simm.s32 @p1 $0x1  }
0x15: {  	[smem:$0x3FB2] =	sst s0;
	s0 =	simm.s32 @!p2 $0x0  }
0x16: {  	s3 =	sld [smem:$0x3FDB];
	s0 =	simm.s32 @p2 $0x1  }
0x17: {  	s4 =	simm.s32 $0x1BF5;
	[smem:$0x3FB4] =	sst s0  }
0x18: {  	s0 =	sld [smem:$0x3F97];
	_ =	swait.ge [sflag:s4], $0x0  }
0x19: {  	s7 =	sld [smem:$0x3F98]  }
0x1a: {  	s8 =	sadd.s32 $0xFFFFE003, lr  }
0x1b: {  	s9 =	sadd.s32 $0xFFFFFEF7, lr;
	s5 =	simm.s32 $0xFFFFFFFF;
	p2 =	slt.u32 s8, $0xFFFFF086  }
0x1c: {  	p1 =	slt.u32 s9, $0xF7A;
	s5 =	simm.s32 @!p2 $0x0  }
0x1d: {  	s5 =	simm.s32 @p1 $0x1;
	p0 =	seq.s32 s7, s2  }
0x1e: {  	s7 =	smul.u32 @!p0 $0xF7A, s2;
	p2 =	seq.s32 @!p0 s5, $0x0  }
0x1f: {  	s9 =	smul.u32 $0xF7A, s1;
	s8 =	simm.s32 @!p0 $0x1BF5;
	p2 =	por !p2, p0  }
0x20: {  	[sflag:s8] =	ssyncset.s32 @!p0 $0xFFFFF086;
	s6 =	sadd.s32 @!p0 s3, s7;
	s7 =	simm.s32 @!p0 $0x108  }
0x21: {  	s3 =	sadd.s32 s3, s9;
	s6 =	sadd.s32 @!p0 $0x88, s6;
	s7 =	simm.s32 @p2 $0x1082  }
0x22: {  	[simem:s7], [sflag:s8] =	dma.local @!p0 [hbm:s6], $0xF7A  }
0x23: {  	s9 =	sor.u32 $0xD0000000, s2;
	s6 =	simm.s32 $0x108;
	_ =	swait.ge @!p0 [sflag:s8], $0x0  }
0x24: {  	s3 =	sadd.s32 $0x88, s3;
	s6 =	simm.s32 @!p1 $0x1082;
	[sflag:s4] =	ssyncset.s32 $0xFFFFF086  }
0x25: {  	[simem:s6], [sflag:s4] =	dma.local [hbm:s3], $0xF7A  }
0x26: {  	[smem:$0x3F98] =	sst s1;
	(tag) =	ssettag s2;
	_ =	strace s9  }
0x27: {  	s1 =	sld [smem:$0x3FA8]  }
0x28: {  	s2 =	sld [smem:$0x3FA9]  }
0x29: {  	s4 =	sld [smem:$0x3FAB]  }
0x2a: {  	p0 =	seq.s32 s5, $0x0;
	s5 =	sld [smem:$0x3FAC]  }
0x2b: {  	s6 =	sld [smem:$0x3FAD]  }
0x2c: {  	s7 =	sld [smem:$0x3FAE]  }
0x2d: {  	s3 =	simm.s32 $0x108;
	s8 =	sld [smem:$0x3FAF]  }
0x2e: {  	s3 =	simm.s32 @!p0 $0x1082;
	s9 =	sld [smem:$0x3FB0]  }
0x2f: {  	lr =	sadd.s32 s0, s3;
	s0 =	sld [smem:$0x3FA7]  }
0x30: {  	s3 =	sld [smem:$0x3FAA]  }
0x31: {  	[smem:$0x3FB3] =	sst s10  }
0x32: {  	s10 =	sld [smem:$0x3FB1];
	_ =	sdelay $0x3  }
0x33: {  	p0 =	seq.s32 s10, $0x1;
	s10 =	sld [smem:$0x3FB3];
	_ =	sdelay $0x3  }
0x34: {  	[smem:$0x3FB3] =	sst s10  }
0x35: {  	s10 =	sld [smem:$0x3FB2];
	_ =	sdelay $0x3  }
0x36: {  	p1 =	seq.s32 s10, $0x1;
	s10 =	sld [smem:$0x3FB3];
	_ =	sdelay $0x3  }
0x37: {  	[smem:$0x3FB3] =	sst s10  }
0x38: {  	s10 =	sld [smem:$0x3FB4]  }
0x39: {  	_ = 	snop;
	(pc) =	sbr.ind lr, $3  }
0x3a: {  	_ = 	snop  }
0x3b: {  	_ = 	snop  }
0x3c: {  	p2 =	seq.s32 s10, $0x1;
	s10 =	sld [smem:$0x3FB3]  }
0x3d: {  	_ =	shalt  }
0x3e: {  	_ =	shalt  }
0x3f: {  	_ =	shalt  }
0x40: {  	_ =	shalt  }
0x41: {  	_ =	shalt  }
0x42: {  	_ =	shalt  }
0x43: {  	_ =	shalt  }
0x44: {  	_ =	shalt  }
0x45: {  	_ =	shalt  }
0x46: {  	_ =	shalt  }
0x47: {  	_ =	shalt  }
0x48: {  	_ =	shalt  }
0x49: {  	_ =	shalt  }
0x4a: {  	_ =	shalt  }
0x4b: {  	_ =	shalt  }
0x4c: {  	_ =	shalt  }
0x4d: {  	_ =	shalt  }
0x4e: {  	_ =	shalt  }
0x4f: {  	_ =	shalt  }
0x50: {  	_ =	shalt  }
0x51: {  	_ =	shalt  }
0x52: {  	_ =	shalt  }
0x53: {  	_ =	shalt  }
0x54: {  	_ =	shalt  }
0x55: {  	_ =	shalt  }
0x56: {  	_ =	shalt  }
0x57: {  	_ =	shalt  }
0x58: {  	_ =	shalt  }
0x59: {  	_ =	shalt  }
0x5a: {  	_ =	shalt  }
0x5b: {  	_ =	shalt  }
0x5c: {  	_ =	shalt  }
0x5d: {  	_ =	shalt  }
0x5e: {  	_ =	shalt  }
0x5f: {  	_ =	shalt  }
0x60: {  	_ =	shalt  }
0x61: {  	_ =	shalt  }
0x62: {  	_ =	shalt  }
0x63: {  	_ =	shalt  }
0x64: {  	_ =	shalt  }
0x65: {  	_ =	shalt  }
0x66: {  	_ =	shalt  }
0x67: {  	_ =	shalt  }
0x68: {  	_ =	shalt  }
0x69: {  	_ =	shalt  }
0x6a: {  	_ =	shalt  }
0x6b: {  	_ =	shalt  }
0x6c: {  	_ =	shalt  }
0x6d: {  	_ =	shalt  }
0x6e: {  	_ =	shalt  }
0x6f: {  	_ =	shalt  }
0x70: {  	_ =	shalt  }
0x71: {  	_ =	shalt  }
0x72: {  	_ =	shalt  }
0x73: {  	_ =	shalt  }
0x74: {  	_ =	shalt  }
0x75: {  	_ =	shalt  }
0x76: {  	_ =	shalt  }
0x77: {  	_ =	shalt  }
0x78: {  	_ =	shalt  }
0x79: {  	_ =	shalt  }
0x7a: {  	_ =	shalt  }
0x7b: {  	_ =	shalt  }
0x7c: {  	_ =	shalt  }
0x7d: {  	_ =	shalt  }
0x7e: {  	_ =	shalt  }
0x7f: {  	_ =	shalt  }
0x80: {  	_ =	shalt  }
0x81: {  	_ =	shalt  }
0x82: {  	_ =	shalt  }
0x83: {  	_ =	shalt  }
0x84: {  	_ =	shalt  }
0x85: {  	_ =	shalt  }
0x86: {  	_ =	shalt  }
0x87: {  	_ =	shalt  }
.Lfunc_end0:
.L_simem_size_0:
called_computation.1_lowered:
.L_overlay_start_0:
0x88: {  	s2 =	sld [smem:$0x3FD9]  }
0x89: {  	s3 =	sld [smem:$0x3FFE];
	_ =	sdelay $0x1  }
0x8a: {  	s1 =	srdreg.scid  }
0x8b: {  	s0 =	sand.u32 $0x1, s1  }
0x8c: {  	s14 =	sshll.u32 s0, $0xA;
	s2 =	sadd.s32 s3, s2  }
0x8d: {  	s2 =	sadd.s32 s2, s14  }
0x8e: {  	[smem:$0x3FBF] =	sst s2  }
0x8f: {  	_ = 	snop  }
0x90: {  	s2 =	sld [smem:$0x3FD0];
	_ =	sdelay $0x2  }
0x91: {  	s4 =	simm.s32 $0xA;
	s5 =	simm.s32 $0x10;
	s15 =	sld [smem:$0x3FC5]  }
0x92: {  	[smem:s5], [sflag:s4] =	dma.local [hbm:s2], $0x1  }
0x93: {  	_ =	swait.eq [sflag:s4], $0x1  }
0x94: {  	[sflag:s4] =	ssyncset.done $0x0  }
0x95: {  	[sflag:s4] =	ssyncadd.s32 $0xFFFFFFFF  }
0x96: {  	s16 =	sld [smem:$0x10];
	(tm) =	ssettm $0x1  }
0x97: {  	s17 =	sld [smem:$0x3FFB];
	_ =	sdelay $0x3  }
0x98: {  	_ =	strace s17  }
0x99: {  	s4 =	sld [smem:$0x3FFC];
	_ =	sdelay $0x3  }
0x9a: {  	_ =	strace s4  }
0x9b: {  	s4 =	sld [smem:$0x3FFD];
	_ =	sdelay $0x3  }
0x9c: {  	_ =	strace s4  }
0x9d: {  	_ =	strace $0x8FFFFFFF  }
0x9e: {  	s18 =	sld [smem:$0x3FDB];
	_ =	sdelay $0x1  }
0x9f: {  	s19 =	simm.s32 $_scs_section_size  }
0xa0: {  	s6 =	simm.s32 $_size__tile_overlayer_lowered;
	s7 =	simm.s32 $_tile_overlayer_lowered  }
0xa1: {  	s22 =	simm.s32 $0x1BFF;
	s21 =	sshll.u32 s7, $0x1;
	s4 =	sadd.s32 s19, s18  }
0xa2: {  	s8 =	simm.s32 $0x0;
	s20 =	sshll.u32 s6, $0x1;
	s6 =	sadd.s32 s21, s4  }
0xa3: {  	[timem:s8], [sflag:s22] =	dma.local [hbm:s6], s20  }
0xa4: {  	_ =	swait.ge [sflag:s22], s20  }
0xa5: {  	s5 =	ssub.s32 $0x0, s20;
	[sflag:s22] =	ssyncset.done $0x0  }
0xa6: {  	[sflag:s22] =	ssyncadd.s32 s5;
	_ =	sdelay $0x1  }
0xa7: {  	s23 =	simm.s32 $0x1B8B  }
0xa8: {  	_ =	swait.ge [sflag:s23], $0x1  }
0xa9: {  	[sflag:s23] =	ssyncset.done $0x0  }
0xaa: {  	s25 =	simm.s32 $0x1B8E;
	s24 =	sld [smem:$0x3FFE];
	[sflag:s23] =	ssyncadd.s32 $0xFFFFFFFF  }
0xab: {  	s26 =	simm.s32 $execute0_lowered;
	[smem:$0x3FD2] =	sst s25  }
0xac: {  	s6 =	sshll.u32 s26, $0x1;
	_ =	strace $0x80000049;
	[dreg:$0x1] =	wrdreg $0xFFFFFFFF  }
0xad: {  	s28 =	simm.s32 $_size_execute0_lowered;
	s4 =	sadd.s32 s4, s6;
	[dreg:$0x0] =	wrdreg $0x0  }
0xae: {  	s6 =	sshll.u32 s28, $0x1;
	[dreg:$0x2] =	wrdreg s4  }
0xaf: {  	[dreg:$0x3] =	wrdreg s6  }
0xb0: {  	[dreg:$0x4] =	wrdreg $0xC0  }
0xb1: {  	_ =	task [dreg:s8], $0x5FFFF  }
0xb2: {  	[dreg:$0x1] =	wrdreg $0xFFFFFFFF  }
0xb3: {  	[dreg:$0x0] =	wrdreg $0x60  }
0xb4: {  	[dreg:$0x2] =	wrdreg s24  }
0xb5: {  	[dreg:$0x3] =	wrdreg s15  }
0xb6: {  	[dreg:$0x4] =	wrdreg s16  }
0xb7: {  	[dreg:$0x5] =	wrdreg $0x50000  }
0xb8: {  	[dreg:$0x6] =	wrdreg $0x0  }
0xb9: {  	[dreg:$0x7] =	wrdreg $0x9  }
0xba: {  	_ =	task.clear_ibuf [dreg:s8], $0x8FFFF;
	_ =	strace $0x90000049  }
0xbb: {  	s29 =	simm.s32 $0x9;
	_ =	strace $0x8000004B  }
0xbc: {  	_ =	swait.ge [sflag:s29], $0x1  }
0xbd: {  	[sflag:s29] =	ssyncadd.s32 $0xFFFFFFFF  }
0xbe: {  	_ =	strace $0x9000004B  }
0xbf: {  	_ =	sfence  }
0xc0: {  	s30 =	sld [smem:$0x0];
	_ =	sdelay $0x2  }
0xc1: {  	s31 =	sshll.u32 s1, $0xD;
	s1 =	sshrl.u32 s1, $0x2  }
0xc2: {  	s3 =	sand.u32 $0x4000, s31;
	s1 =	sadd.s32 s1, s30  }
0xc3: {  	s0 =	sor.u32 s3, s0;
	s1 =	sshll.u32 s1, $0x11  }
0xc4: {  	s0 =	sor.u32 s1, s0  }
0xc5: {  	s0 =	sadd.s32 $0x8F2B, s0  }
0xc6: {  	[sflag:s0] =	ssyncadd.remote.s32 $0x1  }
0xc7: {  	_ =	sfence.sel $0xFFFF  }
0xc8: {  	[dreg:$0x0] =	wrdreg $0xFFFFFFFF;
	(pc) =	sbr.abs _section_cstart, $3  }
0xc9: {  	[dreg:$0x1] =	wrdreg $0xFFFFFFFF  }
0xca: {  	_ =	task.clear_ibuf [dreg:s8], $0x2FFFF;
	_ =	strace $0x9FFFFFFF  }
0xcb: {  	(tm) =	ssettm $0x7FFFFFFF  }
tec
execute0_lowered:
.L_overlay_start_1:
0x0: {  	(tag) =	ssettag $0x1  }
0x1: {  	s0 =	rddreg [dreg:$0x0]  }
0x2: {  	s1 =	rddreg [dreg:$0x2]  }
0x3: {  	s2 =	srdreg.scid;
	s3 =	rddreg [dreg:$0x3]  }
0x4: {  	s4 =	rddreg [dreg:$0x4];
	s13 =	stileid.u32;
	s5 =	simm.s32 $0x0  }
0x5: {  	s2 =	sand.u32 $0x1, s2;
	[smem:$0x7FF] =	sst s5;
	s7 =	sadd.s32 $0x20000, s0  }
0x6: {  	s11 =	sadd.s32 $0x34000, s0;
	s14 =	sadd.s32 $0x2000, s0;
	s12 =	smul.u32 $0x5000, s13  }
0x7: {  	s15 =	sadd.s32 $0x3E000, s0;
	s18 =	smul.u32 $0x280, s13;
	s10 =	sadd.s32 $0x39000, s0  }
0x8: {  	s6 =	sshll.u32 s2, $0x4;
	_ =	strace $0x8000004A;
	s8 =	ssub.s32 $0x2, s2  }
0x9: {  	s17 =	smul.u32 $0xA000, s2;
	s6 =	sor.u32 s13, s6;
	s9 =	sshrl.u32 s8, $0x1  }
0xa: {  	s23 =	sadd.s32 s12, s3;
	s24 =	sadd.s32 $0x80, s18;
	s6 =	smul.u32 $0x500, s6  }
0xb: {  	s16 =	ssub.s32 s8, s9;
	[dreg:$0x8] =	wrdreg s23;
	s20 =	sshll.u32 s24, $0x1  }
0xc: {  	s25 =	sshll.u32 s24, $0x5;
	s19 =	sshll.u32 s24, $0x2;
	[dreg:$0xa] =	wrdreg s20  }
0xd: {  	s8 =	sshrl.u32 s12, $0x3;
	s26 =	sadd.s32 s25, s3;
	[dreg:$0x9] =	wrdreg s19  }
0xe: {  	s9 =	sadd.s32 $0x2A000, s0;
	s21 =	sadd.s32 s25, s4;
	[dreg:$0xb] =	wrdreg s26  }
0xf: {  	s25 =	sadd.s32 $0x180, s18;
	s6 =	sadd.s32 s6, s0;
	[dreg:$0xc] =	wrdreg s21  }
0x10: {  	s0 =	sadd.s32 s1, s17;
	s26 =	sshll.u32 s25, $0x5;
	s22 =	sadd.s32 $0x16000, s6  }
0x11: {  	s21 =	sshll.u32 s25, $0x2;
	s6 =	sadd.s32 $0xC000, s6;
	[dreg:$0x6] =	wrdreg s22  }
0x12: {  	s0 =	sadd.s32 s8, s0;
	[dreg:$0x7] =	wrdreg s6;
	s22 =	sadd.s32 $0x100, s18  }
0x13: {  	[smem:$0x7FD] =	sst s0;
	s23 =	sshll.u32 s22, $0x5;
	s17 =	sshll.u32 s22, $0x2  }
0x14: {  	s6 =	sshll.u32 s22, $0x1;
	s22 =	sshll.u32 s25, $0x1;
	s25 =	sadd.s32 s7, s8  }
0x15: {  	[dreg:$0x13] =	wrdreg s25  }
0x16: {  	[dreg:$0xd] =	wrdreg s6  }
0x17: {  	s24 =	sadd.s32 s23, s3;
	[dreg:$0x10] =	wrdreg s22  }
0x18: {  	p0 =	sne.s32 s2, $0x0;
	s2 =	sadd.s32 s23, s4;
	[dreg:$0xe] =	wrdreg s24  }
0x19: {  	s23 =	sadd.s32 s26, s3;
	[dreg:$0xf] =	wrdreg s2  }
0x1a: {  	s1 =	sadd.s32 $0x200, s18;
	s18 =	sadd.s32 s7, s17;
	[dreg:$0x11] =	wrdreg s23  }
0x1b: {  	s25 =	sadd.s32 s14, s8;
	[dreg:$0x15] =	wrdreg s18  }
0x1c: {  	s6 =	sadd.s32 s11, s6;
	[dreg:$0x18] =	wrdreg s25  }
0x1d: {  	s24 =	sadd.s32 s26, s4;
	[smem:$0x7F2] =	sst s6  }
0x1e: {  	s26 =	sadd.s32 s7, s19;
	[dreg:$0x12] =	wrdreg s24  }
0x1f: {  	s23 =	sadd.s32 s7, s21;
	[dreg:$0x14] =	wrdreg s26  }
0x20: {  	s30 =	sshll.u32 s1, $0x2;
	s18 =	sadd.s32 s14, s17;
	[dreg:$0x16] =	wrdreg s23  }
0x21: {  	s25 =	sshll.u32 s1, $0x5;
	s1 =	sshll.u32 s1, $0x1;
	[dreg:$0x1b] =	wrdreg s18  }
0x22: {  	s24 =	sadd.s32 s7, s30;
	[dreg:$0x1e] =	wrdreg s1  }
0x23: {  	s26 =	smul.u32 $0x500, s13;
	s13 =	sadd.s32 s14, s19;
	[dreg:$0x17] =	wrdreg s24  }
0x24: {  	s23 =	sadd.s32 s14, s21;
	[dreg:$0x1a] =	wrdreg s13  }
0x25: {  	s1 =	sadd.s32 s11, s1;
	[dreg:$0x1c] =	wrdreg s23  }
0x26: {  	s18 =	sadd.s32 s25, s4;
	[smem:$0x7F4] =	sst s1  }
0x27: {  	s24 =	sadd.s32 s14, s30;
	[smem:$0x7F6] =	sst s18  }
0x28: {  	s28 =	simm.s32 $0x13000;
	s29 =	simm.s32 $0x14000;
	[dreg:$0x1d] =	wrdreg s24  }
0x29: {  	s31 =	simm.s32 $0x15000;
	s13 =	sadd.s32 s11, s22;
	[dreg:$0x19] =	wrdreg s26  }
0x2a: {  	s12 =	sadd.s32 s12, s4;
	s14 =	sadd.s32 s25, s3;
	[smem:$0x7F3] =	sst s13  }
0x2b: {  	s2 =	simm.s32 $0x2;
	s22 =	sadd.s32 s15, s19;
	[smem:$0x7F5] =	sst s14  }
0x2c: {  	s6 =	simm.s32 $0x0;
	s23 =	sadd.s32 s15, s17;
	[smem:$0x7F8] =	sst s22  }
0x2d: {  	s25 =	sadd.s32 s15, s30;
	s19 =	simm.s32 $0x18000;
	[smem:$0x7F9] =	sst s23  }
0x2e: {  	s18 =	simm.s32 $0x16000;
	s7 =	sadd.s32 s11, s26;
	[smem:$0x7FB] =	sst s25  }
0x2f: {  	s1 =	simm.s32 $0x1;
	s26 =	sadd.s32 s11, s20;
	[dreg:$0x1f] =	wrdreg s7  }
0x30: {  	s20 =	sadd.s32 s15, s8;
	s24 =	sadd.s32 s15, s21;
	[smem:$0x7F1] =	sst s26  }
0x31: {  	s11 =	simm.s32 $0x3;
	s14 =	simm.s32 $0x19000;
	[smem:$0x7F7] =	sst s20  }
0x32: {  	s23 =	simm.s32 $0xF000;
	s25 =	simm.s32 $0x11000;
	[smem:$0x7FA] =	sst s24  }
0x33: {  	s26 =	smax.u32 s16, $0x1;
	s16 =	simm.s32 $0x17000;
	s20 =	simm.s32 $0x80  }
0x34: {  	s24 =	simm.s32 $0x10000;
	[smem:$0x7FC] =	sst s26;
	s26 =	simm.s32 $0x12000  }
.LBB2_1:
0x35: {  	s0 =	rddreg [dreg:$0x6];
	s7 =	simm.s32 $0xA000  }
0x36: {  	[tilespmem:s7], [sflag:$0x3] =	stream.linear.gather [hbm4b:s0+s5], $0x2800, $0x38;
	[tilespmem:$0x1B020] =	vst v63  }
0x37: {  	_ =	swait.ge [sflag:s11], $0x2800  }
0x38: {  	[sflag:s11] =	ssyncset.done $0x0  }
0x39: {  	s22 =	simm.s32 $0xC800;
	s15 =	rddreg [dreg:$0x7];
	[sflag:s11] =	ssyncadd.s32 $0xFFFFD800  }
0x3a: {  	[tilespmem:s22], [sflag:$0x3] =	stream.linear.gather [hbm4b:s15+s5], $0x2800, $0x38;
	[tilespmem:$0x1B020] =	vst v63  }
0x3b: {  	_ =	swait.ge [sflag:s11], $0x2800  }
0x3c: {  	[sflag:s11] =	ssyncset.done $0x0  }
0x3d: {  	[sflag:s11] =	ssyncadd.s32 $0xFFFFD800  }
0x3e: {  	s15 =	simm.s32 $0x1B000;
	s13 =	rddreg [dreg:$0x1]  }
0x3f: {  	[tilespmem:s15], [sflag:$0x3] =	stream.linear.gather [hbm4b:s13+s5], $0x20, $0x38;
	[tilespmem:$0x1B020] =	vst v63  }
0x40: {  	_ =	swait.ge [sflag:s11], $0x20  }
0x41: {  	[sflag:s11] =	ssyncset.done $0x0  }
0x42: {  	s22 =	rddreg [dreg:$0x13];
	[sflag:s11] =	ssyncadd.s32 $0xFFFFFFE0  }
0x43: {  	[tilespmem:s16], [sflag:$0x3] =	stream.linear.gather [hbm4b:s22+s5], $0x1000, $0x38;
	[tilespmem:$0x1B020] =	vst v63  }
0x44: {  	_ =	swait.ge [sflag:s11], $0x1000  }
0x45: {  	[sflag:s11] =	ssyncset.done $0x0  }
0x46: {  	s7 =	sadd.s32 s8, s9;
	[sflag:s11] =	ssyncadd.s32 $0xFFFFF000  }
0x47: {  	[tilespmem:s19], [sflag:$0x3] =	stream.linear.gather [hbm4b:s7+s5], $0x1000, $0x38;
	[tilespmem:$0x1B020] =	vst v63  }
0x48: {  	_ =	swait.ge [sflag:s11], $0x1000  }
0x49: {  	[sflag:s11] =	ssyncset.done $0x0  }
0x4a: {  	s13 =	rddreg [dreg:$0x18];
	[sflag:s11] =	ssyncadd.s32 $0xFFFFF000  }
0x4b: {  	[tilespmem:s14], [sflag:$0x3] =	stream.linear.gather [hbm4b:s13+s5], $0x1000, $0x38;
	[tilespmem:$0x1B020] =	vst v63  }
0x4c: {  	_ =	swait.ge [sflag:s11], $0x1000  }
0x4d: {  	[sflag:s11] =	ssyncset.done $0x0  }
0x4e: {  	s0 =	simm.s32 $0x1A000;
	s15 =	rddreg [dreg:$0x1f];
	[sflag:s11] =	ssyncadd.s32 $0xFFFFF000  }
0x4f: {  	[tilespmem:s0], [sflag:$0x3] =	stream.linear.gather [hbm4b:s15+s5], $0x800, $0x38;
	[tilespmem:$0x1B020] =	vst v63  }
0x50: {  	_ =	swait.ge [sflag:s11], $0x800  }
0x51: {  	[sflag:s11] =	ssyncset.done $0x0;
	s22 =	rddreg [dreg:$0x19]  }
0x52: {  	s7 =	simm.s32 $0x1A800;
	[sflag:s11] =	ssyncadd.s32 $0xFFFFF800;
	s15 =	sadd.s32 s22, s10  }
0x53: {  	[tilespmem:s7], [sflag:$0x3] =	stream.linear.gather [hbm4b:s15+s5], $0x800, $0x38;
	[tilespmem:$0x1B020] =	vst v63  }
0x54: {  	_ =	swait.ge [sflag:s11], $0x800  }
0x55: {  	[sflag:s11] =	ssyncset.done $0x0  }
0x56: {  	[sflag:s11] =	ssyncadd.s32 $0xFFFFF800  }
0x57: {  	v0 =	vld [tilespmem:s7+$0x0]  }
0x58: {  	v1 =	vld [tilespmem:s0+$0x0];
	_ =	sdelay $0x4  }
0x59: {  	v0 =	vadd.f32 v0, v1;
	_ =	sdelay $0x1  }
0x5a: {  	v0 =	vadd.f32 $1.000000000e+00, v0  }
0x5b: {  	s22 =	simm.s32 $0x0  }
0x5c: {  	v1 =	vld [tilespmem:s22+$0x17000];
	(erf) = vrcp.f32 v0  }
0x5d: {  	v0 =	vld [tilespmem:s22+$0x18000];
	_ =	sdelay $0x1  }
0x5e: {  	v2 =	vld [tilespmem:s22+$0x19000];
	_ =	sdelay $0x2  }
0x5f: {  	v0 =	vadd.f32 v0, v1  }
0x60: {  	v1 =	vld [tilespmem:$0x1B000]  }
0x61: {  	v0 =	vsub.f32 v0, v2  }
0x62: {  	v4 =	vld [tilespmem:s22+$0x17010];
	v3 =	vpop (erf)  }
0x63: {  	v2 =	vld [tilespmem:s22+$0x18010];
	v0 =	vmul.f32 v0, v3;
	_ =	sdelay $0x1  }
0x64: {  	v5 =	vld [tilespmem:s22+$0x19010];
	v0 =	vadd.f32 v0, v1;
	_ =	sdelay $0x1  }
0x65: {  	v0 =	vmax.f32 v0, $0.0e+00  }
0x66: {  	v1 =	vadd.f32 v2, v4;
	[tilespmem:s22+$0x17000] =	vst v0  }
0x67: {  	v0 =	vld [tilespmem:$0x1B010]  }
0x68: {  	v1 =	vsub.f32 v1, v5;
	_ =	sdelay $0x1  }
0x69: {  	v1 =	vmul.f32 v1, v3;
	_ =	sdelay $0x1  }
0x6a: {  	s15 =	simm.s32 $0x80;
	v0 =	vadd.f32 v1, v0  }
.LBB2_2:
0x6b: {  	_ = 	snop  }
0x6c: {  	p1 =	sne.s32 s15, $0x3F80;
	s7 =	sadd.s32 $0x10, s7;
	s0 =	sadd.s32 $0x10, s0;
	v0 =	vmax.f32 v0, $0.0e+00  }
0x6d: {  	[tilespmem:s22+$0x17010] =	vst v0;
	s22 =	smov.u32 s15;
	s15 =	sadd.s32 $0x80, s15  }
0x6e: {  	v0 =	vld [tilespmem:s7+$0x0]  }
0x6f: {  	v1 =	vld [tilespmem:s0+$0x0];
	_ =	sdelay $0x4  }
0x70: {  	v0 =	vadd.f32 v0, v1;
	_ =	sdelay $0x1  }
0x71: {  	v0 =	vadd.f32 $1.000000000e+00, v0  }
0x72: {  	s22 =	sshra.s32 s22, $0x2  }
0x73: {  	v1 =	vld [tilespmem:s22+$0x17000];
	(erf) = vrcp.f32 v0  }
0x74: {  	v0 =	vld [tilespmem:s22+$0x18000]  }
0x75: {  	v2 =	vld [tilespmem:s22+$0x19000]  }
0x76: {  	v3 =	vld [tilespmem:s22+$0x18010];
	_ =	sdelay $0x2  }
0x77: {  	v0 =	vadd.f32 v0, v1;
	v1 =	vld [tilespmem:$0x1B000];
	_ =	sdelay $0x1  }
0x78: {  	v0 =	vsub.f32 v0, v2  }
0x79: {  	v2 =	vld [tilespmem:s22+$0x17010];
	v4 =	vpop (erf)  }
0x7a: {  	v0 =	vmul.f32 v0, v4  }
0x7b: {  	v5 =	vld [tilespmem:s22+$0x19010]  }
0x7c: {  	v0 =	vadd.f32 v0, v1;
	_ =	sdelay $0x1  }
0x7d: {  	v0 =	vmax.f32 v0, $0.0e+00;
	v1 =	vadd.f32 v3, v2  }
0x7e: {  	[tilespmem:s22+$0x17000] =	vst v0  }
0x7f: {  	v0 =	vsub.f32 v1, v5;
	v1 =	vld [tilespmem:$0x1B010]  }
.Ltmp0:
0x80: {  	(pc) =	sbr.rel @p1 .LBB2_2-.Ltmp0, $2  }
0x81: {  	v0 =	vmul.f32 v0, v4;
	_ =	sdelay $0x2  }
0x82: {  	v0 =	vadd.f32 v0, v1  }
0x83: {  	_ = 	snop  }
0x84: {  	v0 =	vmax.f32 v0, $0.0e+00  }
0x85: {  	s0 =	rddreg [dreg:$0x8];
	[tilespmem:s22+$0x17010] =	vst v0  }
0x86: {  	[spmem:s0] =	stream.linear.scatter [tilespmem:s16], [sflag:$0x3], $0x1000, $0x38;
	[tilespmem:$0x1B020] =	vst v63  }
0x87: {  	_ =	swait.ge [sflag:s11], $0x1000  }
0x88: {  	[sflag:s11] =	ssyncset.done $0x0  }
0x89: {  	[sflag:s11] =	ssyncadd.s32 $0xFFFFF000  }
0x8a: {  	[spmem:s12] =	stream.linear.scatter [tilespmem:s16], [sflag:$0x3], $0x1000, $0x38;
	[tilespmem:$0x1B020] =	vst v63  }
0x8b: {  	_ =	swait.ge [sflag:s11], $0x1000  }
0x8c: {  	s13 =	sld [smem:$0x7F7]  }
0x8d: {  	[sflag:s11] =	ssyncset.done $0x0  }
0x8e: {  	s7 =	simm.s32 @!p0 $0x17000;
	s0 =	simm.s32 @!p0 $0x0;
	[sflag:s11] =	ssyncadd.s32 $0xFFFFF000  }
0x8f: {  	[hbm4b:s13+s0] =	stream.linear.scatter @!p0 [tilespmem:s7], [sflag:$0x3], $0x1000, $0x38;
	[tilespmem:$0x1B020] =	vst v63  }
0x90: {  	s0 =	simm.s32 @!p0 $0x3  }
0x91: {  	_ =	swait.ge @!p0 [sflag:s0], $0x1000  }
0x92: {  	[sflag:s0] =	ssyncset.done @!p0 $0x0  }
0x93: {  	s15 =	simm.s32 $0x0;
	s13 =	rddreg [dreg:$0x14];
	[sflag:s0] =	ssyncadd.s32 @!p0 $0xFFFFF000  }
0x94: {  	[tilespmem:s16], [sflag:$0x3] =	stream.linear.gather [hbm4b:s13+s15], $0x1000, $0x38;
	[tilespmem:$0x1B020] =	vst v63  }
0x95: {  	_ =	swait.ge [sflag:s11], $0x1000  }
0x96: {  	[sflag:s11] =	ssyncset.done $0x0;
	s22 =	rddreg [dreg:$0x9]  }
0x97: {  	[sflag:s11] =	ssyncadd.s32 $0xFFFFF000;
	s0 =	sadd.s32 s22, s9  }
0x98: {  	[tilespmem:s19], [sflag:$0x3] =	stream.linear.gather [hbm4b:s0+s15], $0x1000, $0x38;
	[tilespmem:$0x1B020] =	vst v63  }
0x99: {  	_ =	swait.ge [sflag:s11], $0x1000  }
0x9a: {  	[sflag:s11] =	ssyncset.done $0x0  }
0x9b: {  	s7 =	rddreg [dreg:$0x1a];
	[sflag:s11] =	ssyncadd.s32 $0xFFFFF000  }
0x9c: {  	[tilespmem:s14], [sflag:$0x3] =	stream.linear.gather [hbm4b:s7+s15], $0x1000, $0x38;
	[tilespmem:$0x1B020] =	vst v63  }
0x9d: {  	_ =	swait.ge [sflag:s11], $0x1000  }
0x9e: {  	s13 =	sld [smem:$0x7F1]  }
0x9f: {  	[sflag:s11] =	ssyncset.done $0x0  }
0xa0: {  	s0 =	simm.s32 $0x1A000;
	[sflag:s11] =	ssyncadd.s32 $0xFFFFF000  }
0xa1: {  	[tilespmem:s0], [sflag:$0x3] =	stream.linear.gather [hbm4b:s13+s15], $0x800, $0x38;
	[tilespmem:$0x1B020] =	vst v63  }
0xa2: {  	_ =	swait.ge [sflag:s11], $0x800  }
0xa3: {  	[sflag:s11] =	ssyncset.done $0x0;
	s22 =	rddreg [dreg:$0xa]  }
0xa4: {  	s7 =	simm.s32 $0x1A800;
	[sflag:s11] =	ssyncadd.s32 $0xFFFFF800;
	s13 =	sadd.s32 s22, s10  }
0xa5: {  	[tilespmem:s7], [sflag:$0x3] =	stream.linear.gather [hbm4b:s13+s15], $0x800, $0x38;
	[tilespmem:$0x1B020] =	vst v63  }
0xa6: {  	_ =	swait.ge [sflag:s11], $0x800  }
0xa7: {  	[sflag:s11] =	ssyncset.done $0x0  }
0xa8: {  	[sflag:s11] =	ssyncadd.s32 $0xFFFFF800  }
0xa9: {  	v0 =	vld [tilespmem:s7+$0x0]  }
0xaa: {  	v1 =	vld [tilespmem:s0+$0x0];
	_ =	sdelay $0x4  }
0xab: {  	v0 =	vadd.f32 v0, v1;
	_ =	sdelay $0x1  }
0xac: {  	v0 =	vadd.f32 $1.000000000e+00, v0  }
0xad: {  	s22 =	simm.s32 $0x0  }
0xae: {  	v1 =	vld [tilespmem:s22+$0x17000];
	(erf) = vrcp.f32 v0  }
0xaf: {  	v0 =	vld [tilespmem:s22+$0x18000];
	_ =	sdelay $0x1  }
0xb0: {  	v2 =	vld [tilespmem:s22+$0x19000];
	_ =	sdelay $0x2  }
0xb1: {  	v0 =	vadd.f32 v0, v1  }
0xb2: {  	v1 =	vld [tilespmem:$0x1B000]  }
0xb3: {  	v0 =	vsub.f32 v0, v2  }
0xb4: {  	v4 =	vld [tilespmem:s22+$0x17010];
	v3 =	vpop (erf)  }
0xb5: {  	v2 =	vld [tilespmem:s22+$0x18010];
	v0 =	vmul.f32 v0, v3;
	_ =	sdelay $0x1  }
0xb6: {  	v5 =	vld [tilespmem:s22+$0x19010];
	v0 =	vadd.f32 v0, v1;
	_ =	sdelay $0x1  }
0xb7: {  	v0 =	vmax.f32 v0, $0.0e+00  }
0xb8: {  	v1 =	vadd.f32 v2, v4;
	[tilespmem:s22+$0x17000] =	vst v0  }
0xb9: {  	v0 =	vld [tilespmem:$0x1B010]  }
0xba: {  	v1 =	vsub.f32 v1, v5;
	_ =	sdelay $0x1  }
0xbb: {  	v1 =	vmul.f32 v1, v3;
	_ =	sdelay $0x1  }
0xbc: {  	s15 =	simm.s32 $0x80;
	v0 =	vadd.f32 v1, v0  }
.LBB2_4:
0xbd: {  	_ = 	snop  }
0xbe: {  	p1 =	sne.s32 s15, $0x3F80;
	s7 =	sadd.s32 $0x10, s7;
	s0 =	sadd.s32 $0x10, s0;
	v0 =	vmax.f32 v0, $0.0e+00  }
0xbf: {  	[tilespmem:s22+$0x17010] =	vst v0;
	s22 =	smov.u32 s15;
	s15 =	sadd.s32 $0x80, s15  }
0xc0: {  	v0 =	vld [tilespmem:s7+$0x0]  }
0xc1: {  	v1 =	vld [tilespmem:s0+$0x0];
	_ =	sdelay $0x4  }
0xc2: {  	v0 =	vadd.f32 v0, v1;
	_ =	sdelay $0x1  }
0xc3: {  	v0 =	vadd.f32 $1.000000000e+00, v0  }
0xc4: {  	s22 =	sshra.s32 s22, $0x2  }
0xc5: {  	v1 =	vld [tilespmem:s22+$0x17000];
	(erf) = vrcp.f32 v0  }
0xc6: {  	v0 =	vld [tilespmem:s22+$0x18000]  }
0xc7: {  	v2 =	vld [tilespmem:s22+$0x19000]  }
0xc8: {  	v3 =	vld [tilespmem:s22+$0x18010];
	_ =	sdelay $0x2  }
0xc9: {  	v0 =	vadd.f32 v0, v1;
	v1 =	vld [tilespmem:$0x1B000];
	_ =	sdelay $0x1  }
0xca: {  	v0 =	vsub.f32 v0, v2  }
0xcb: {  	v2 =	vld [tilespmem:s22+$0x17010];
	v4 =	vpop (erf)  }
0xcc: {  	v0 =	vmul.f32 v0, v4  }
0xcd: {  	v5 =	vld [tilespmem:s22+$0x19010]  }
0xce: {  	v0 =	vadd.f32 v0, v1;
	_ =	sdelay $0x1  }
0xcf: {  	v0 =	vmax.f32 v0, $0.0e+00;
	v1 =	vadd.f32 v3, v2  }
0xd0: {  	[tilespmem:s22+$0x17000] =	vst v0  }
0xd1: {  	v0 =	vsub.f32 v1, v5;
	v1 =	vld [tilespmem:$0x1B010]  }
.Ltmp1:
0xd2: {  	(pc) =	sbr.rel @p1 .LBB2_4-.Ltmp1, $2  }
0xd3: {  	v0 =	vmul.f32 v0, v4;
	_ =	sdelay $0x2  }
0xd4: {  	v0 =	vadd.f32 v0, v1  }
0xd5: {  	_ = 	snop  }
0xd6: {  	v0 =	vmax.f32 v0, $0.0e+00  }
0xd7: {  	s0 =	rddreg [dreg:$0xb];
	[tilespmem:s22+$0x17010] =	vst v0  }
0xd8: {  	[spmem:s0] =	stream.linear.scatter [tilespmem:s16], [sflag:$0x3], $0x1000, $0x38;
	[tilespmem:$0x1B020] =	vst v63  }
0xd9: {  	_ =	swait.ge [sflag:s11], $0x1000  }
0xda: {  	[sflag:s11] =	ssyncset.done $0x0  }
0xdb: {  	s7 =	rddreg [dreg:$0xc];
	[sflag:s11] =	ssyncadd.s32 $0xFFFFF000  }
0xdc: {  	[spmem:s7] =	stream.linear.scatter [tilespmem:s16], [sflag:$0x3], $0x1000, $0x38;
	[tilespmem:$0x1B020] =	vst v63  }
0xdd: {  	_ =	swait.ge [sflag:s11], $0x1000  }
0xde: {  	s13 =	sld [smem:$0x7F8]  }
0xdf: {  	[sflag:s11] =	ssyncset.done $0x0  }
0xe0: {  	s0 =	simm.s32 @!p0 $0x0;
	s7 =	simm.s32 @!p0 $0x17000;
	[sflag:s11] =	ssyncadd.s32 $0xFFFFF000  }
0xe1: {  	[hbm4b:s13+s0] =	stream.linear.scatter @!p0 [tilespmem:s7], [sflag:$0x3], $0x1000, $0x38;
	[tilespmem:$0x1B020] =	vst v63  }
0xe2: {  	s0 =	simm.s32 @!p0 $0x3  }
0xe3: {  	_ =	swait.ge @!p0 [sflag:s0], $0x1000  }
0xe4: {  	[sflag:s0] =	ssyncset.done @!p0 $0x0  }
0xe5: {  	s15 =	simm.s32 $0x0;
	s13 =	rddreg [dreg:$0x15];
	[sflag:s0] =	ssyncadd.s32 @!p0 $0xFFFFF000  }
0xe6: {  	[tilespmem:s16], [sflag:$0x3] =	stream.linear.gather [hbm4b:s13+s15], $0x1000, $0x38;
	[tilespmem:$0x1B020] =	vst v63  }
0xe7: {  	_ =	swait.ge [sflag:s11], $0x1000  }
0xe8: {  	[sflag:s11] =	ssyncset.done $0x0  }
0xe9: {  	s22 =	sadd.s32 s17, s9;
	[sflag:s11] =	ssyncadd.s32 $0xFFFFF000  }
0xea: {  	[tilespmem:s19], [sflag:$0x3] =	stream.linear.gather [hbm4b:s22+s15], $0x1000, $0x38;
	[tilespmem:$0x1B020] =	vst v63  }
0xeb: {  	_ =	swait.ge [sflag:s11], $0x1000  }
0xec: {  	[sflag:s11] =	ssyncset.done $0x0  }
0xed: {  	s7 =	rddreg [dreg:$0x1b];
	[sflag:s11] =	ssyncadd.s32 $0xFFFFF000  }
0xee: {  	[tilespmem:s14], [sflag:$0x3] =	stream.linear.gather [hbm4b:s7+s15], $0x1000, $0x38;
	[tilespmem:$0x1B020] =	vst v63  }
0xef: {  	_ =	swait.ge [sflag:s11], $0x1000  }
0xf0: {  	s13 =	sld [smem:$0x7F2]  }
0xf1: {  	[sflag:s11] =	ssyncset.done $0x0  }
0xf2: {  	s0 =	simm.s32 $0x1A000;
	[sflag:s11] =	ssyncadd.s32 $0xFFFFF000  }
0xf3: {  	[tilespmem:s0], [sflag:$0x3] =	stream.linear.gather [hbm4b:s13+s15], $0x800, $0x38;
	[tilespmem:$0x1B020] =	vst v63  }
0xf4: {  	_ =	swait.ge [sflag:s11], $0x800  }
0xf5: {  	[sflag:s11] =	ssyncset.done $0x0;
	s22 =	rddreg [dreg:$0xd]  }
0xf6: {  	s7 =	simm.s32 $0x1A800;
	[sflag:s11] =	ssyncadd.s32 $0xFFFFF800;
	s13 =	sadd.s32 s22, s10  }
0xf7: {  	[tilespmem:s7], [sflag:$0x3] =	stream.linear.gather [hbm4b:s13+s15], $0x800, $0x38;
	[tilespmem:$0x1B020] =	vst v63  }
0xf8: {  	_ =	swait.ge [sflag:s11], $0x800  }
0xf9: {  	[sflag:s11] =	ssyncset.done $0x0  }
0xfa: {  	[sflag:s11] =	ssyncadd.s32 $0xFFFFF800  }
0xfb: {  	v0 =	vld [tilespmem:s7+$0x0]  }
0xfc: {  	v1 =	vld [tilespmem:s0+$0x0];
	_ =	sdelay $0x4  }
0xfd: {  	v0 =	vadd.f32 v0, v1;
	_ =	sdelay $0x1  }
0xfe: {  	v0 =	vadd.f32 $1.000000000e+00, v0  }
0xff: {  	s22 =	simm.s32 $0x0  }
0x100: {  	v1 =	vld [tilespmem:s22+$0x17000];
	(erf) = vrcp.f32 v0  }
0x101: {  	v0 =	vld [tilespmem:s22+$0x18000];
	_ =	sdelay $0x1  }
0x102: {  	v2 =	vld [tilespmem:s22+$0x19000];
	_ =	sdelay $0x2  }
0x103: {  	v0 =	vadd.f32 v0, v1  }
0x104: {  	v1 =	vld [tilespmem:$0x1B000]  }
0x105: {  	v0 =	vsub.f32 v0, v2  }
0x106: {  	v4 =	vld [tilespmem:s22+$0x17010];
	v3 =	vpop (erf)  }
0x107: {  	v2 =	vld [tilespmem:s22+$0x18010];
	v0 =	vmul.f32 v0, v3;
	_ =	sdelay $0x1  }
0x108: {  	v5 =	vld [tilespmem:s22+$0x19010];
	v0 =	vadd.f32 v0, v1;
	_ =	sdelay $0x1  }
0x109: {  	v0 =	vmax.f32 v0, $0.0e+00  }
0x10a: {  	v1 =	vadd.f32 v2, v4;
	[tilespmem:s22+$0x17000] =	vst v0  }
0x10b: {  	v0 =	vld [tilespmem:$0x1B010]  }
0x10c: {  	v1 =	vsub.f32 v1, v5;
	_ =	sdelay $0x1  }
0x10d: {  	v1 =	vmul.f32 v1, v3;
	_ =	sdelay $0x1  }
0x10e: {  	s15 =	simm.s32 $0x80;
	v0 =	vadd.f32 v1, v0  }
.LBB2_6:
0x10f: {  	_ = 	snop  }
0x110: {  	p1 =	sne.s32 s15, $0x3F80;
	s7 =	sadd.s32 $0x10, s7;
	s0 =	sadd.s32 $0x10, s0;
	v0 =	vmax.f32 v0, $0.0e+00  }
0x111: {  	[tilespmem:s22+$0x17010] =	vst v0;
	s22 =	smov.u32 s15;
	s15 =	sadd.s32 $0x80, s15  }
0x112: {  	v0 =	vld [tilespmem:s7+$0x0]  }
0x113: {  	v1 =	vld [tilespmem:s0+$0x0];
	_ =	sdelay $0x4  }
0x114: {  	v0 =	vadd.f32 v0, v1;
	_ =	sdelay $0x1  }
0x115: {  	v0 =	vadd.f32 $1.000000000e+00, v0  }
0x116: {  	s22 =	sshra.s32 s22, $0x2  }
0x117: {  	v1 =	vld [tilespmem:s22+$0x17000];
	(erf) = vrcp.f32 v0  }
0x118: {  	v0 =	vld [tilespmem:s22+$0x18000]  }
0x119: {  	v2 =	vld [tilespmem:s22+$0x19000]  }
0x11a: {  	v3 =	vld [tilespmem:s22+$0x18010];
	_ =	sdelay $0x2  }
0x11b: {  	v0 =	vadd.f32 v0, v1;
	v1 =	vld [tilespmem:$0x1B000];
	_ =	sdelay $0x1  }
0x11c: {  	v0 =	vsub.f32 v0, v2  }
0x11d: {  	v2 =	vld [tilespmem:s22+$0x17010];
	v4 =	vpop (erf)  }
0x11e: {  	v0 =	vmul.f32 v0, v4  }
0x11f: {  	v5 =	vld [tilespmem:s22+$0x19010]  }
0x120: {  	v0 =	vadd.f32 v0, v1;
	_ =	sdelay $0x1  }
0x121: {  	v0 =	vmax.f32 v0, $0.0e+00;
	v1 =	vadd.f32 v3, v2  }
0x122: {  	[tilespmem:s22+$0x17000] =	vst v0  }
0x123: {  	v0 =	vsub.f32 v1, v5;
	v1 =	vld [tilespmem:$0x1B010]  }
.Ltmp2:
0x124: {  	(pc) =	sbr.rel @p1 .LBB2_6-.Ltmp2, $2  }
0x125: {  	v0 =	vmul.f32 v0, v4;
	_ =	sdelay $0x2  }
0x126: {  	v0 =	vadd.f32 v0, v1  }
0x127: {  	_ = 	snop  }
0x128: {  	v0 =	vmax.f32 v0, $0.0e+00  }
0x129: {  	s0 =	rddreg [dreg:$0xe];
	[tilespmem:s22+$0x17010] =	vst v0  }
0x12a: {  	[spmem:s0] =	stream.linear.scatter [tilespmem:s16], [sflag:$0x3], $0x1000, $0x38;
	[tilespmem:$0x1B020] =	vst v63  }
0x12b: {  	_ =	swait.ge [sflag:s11], $0x1000  }
0x12c: {  	[sflag:s11] =	ssyncset.done $0x0  }
0x12d: {  	s7 =	rddreg [dreg:$0xf];
	[sflag:s11] =	ssyncadd.s32 $0xFFFFF000  }
0x12e: {  	[spmem:s7] =	stream.linear.scatter [tilespmem:s16], [sflag:$0x3], $0x1000, $0x38;
	[tilespmem:$0x1B020] =	vst v63  }
0x12f: {  	_ =	swait.ge [sflag:s11], $0x1000  }
0x130: {  	s13 =	sld [smem:$0x7F9]  }
0x131: {  	[sflag:s11] =	ssyncset.done $0x0  }
0x132: {  	s0 =	simm.s32 @!p0 $0x0;
	s7 =	simm.s32 @!p0 $0x17000;
	[sflag:s11] =	ssyncadd.s32 $0xFFFFF000  }
0x133: {  	[hbm4b:s13+s0] =	stream.linear.scatter @!p0 [tilespmem:s7], [sflag:$0x3], $0x1000, $0x38;
	[tilespmem:$0x1B020] =	vst v63  }
0x134: {  	s0 =	simm.s32 @!p0 $0x3  }
0x135: {  	_ =	swait.ge @!p0 [sflag:s0], $0x1000  }
0x136: {  	[sflag:s0] =	ssyncset.done @!p0 $0x0  }
0x137: {  	s15 =	simm.s32 $0x0;
	s13 =	rddreg [dreg:$0x16];
	[sflag:s0] =	ssyncadd.s32 @!p0 $0xFFFFF000  }
0x138: {  	[tilespmem:s16], [sflag:$0x3] =	stream.linear.gather [hbm4b:s13+s15], $0x1000, $0x38;
	[tilespmem:$0x1B020] =	vst v63  }
0x139: {  	_ =	swait.ge [sflag:s11], $0x1000  }
0x13a: {  	[sflag:s11] =	ssyncset.done $0x0  }
0x13b: {  	s22 =	sadd.s32 s21, s9;
	[sflag:s11] =	ssyncadd.s32 $0xFFFFF000  }
0x13c: {  	[tilespmem:s19], [sflag:$0x3] =	stream.linear.gather [hbm4b:s22+s15], $0x1000, $0x38;
	[tilespmem:$0x1B020] =	vst v63  }
0x13d: {  	_ =	swait.ge [sflag:s11], $0x1000  }
0x13e: {  	[sflag:s11] =	ssyncset.done $0x0  }
0x13f: {  	s7 =	rddreg [dreg:$0x1c];
	[sflag:s11] =	ssyncadd.s32 $0xFFFFF000  }
0x140: {  	[tilespmem:s14], [sflag:$0x3] =	stream.linear.gather [hbm4b:s7+s15], $0x1000, $0x38;
	[tilespmem:$0x1B020] =	vst v63  }
0x141: {  	_ =	swait.ge [sflag:s11], $0x1000  }
0x142: {  	s13 =	sld [smem:$0x7F3]  }
0x143: {  	[sflag:s11] =	ssyncset.done $0x0  }
0x144: {  	s0 =	simm.s32 $0x1A000;
	[sflag:s11] =	ssyncadd.s32 $0xFFFFF000  }
0x145: {  	[tilespmem:s0], [sflag:$0x3] =	stream.linear.gather [hbm4b:s13+s15], $0x800, $0x38;
	[tilespmem:$0x1B020] =	vst v63  }
0x146: {  	_ =	swait.ge [sflag:s11], $0x800  }
0x147: {  	[sflag:s11] =	ssyncset.done $0x0;
	s22 =	rddreg [dreg:$0x10]  }
0x148: {  	s7 =	simm.s32 $0x1A800;
	[sflag:s11] =	ssyncadd.s32 $0xFFFFF800;
	s13 =	sadd.s32 s22, s10  }
0x149: {  	[tilespmem:s7], [sflag:$0x3] =	stream.linear.gather [hbm4b:s13+s15], $0x800, $0x38;
	[tilespmem:$0x1B020] =	vst v63  }
0x14a: {  	_ =	swait.ge [sflag:s11], $0x800  }
0x14b: {  	[sflag:s11] =	ssyncset.done $0x0  }
0x14c: {  	[sflag:s11] =	ssyncadd.s32 $0xFFFFF800  }
0x14d: {  	v0 =	vld [tilespmem:s7+$0x0]  }
0x14e: {  	v1 =	vld [tilespmem:s0+$0x0];
	_ =	sdelay $0x4  }
0x14f: {  	v0 =	vadd.f32 v0, v1;
	_ =	sdelay $0x1  }
0x150: {  	v0 =	vadd.f32 $1.000000000e+00, v0  }
0x151: {  	s22 =	simm.s32 $0x0  }
0x152: {  	v1 =	vld [tilespmem:s22+$0x17000];
	(erf) = vrcp.f32 v0  }
0x153: {  	v0 =	vld [tilespmem:s22+$0x18000];
	_ =	sdelay $0x1  }
0x154: {  	v2 =	vld [tilespmem:s22+$0x19000];
	_ =	sdelay $0x2  }
0x155: {  	v0 =	vadd.f32 v0, v1  }
0x156: {  	v1 =	vld [tilespmem:$0x1B000]  }
0x157: {  	v0 =	vsub.f32 v0, v2  }
0x158: {  	v4 =	vld [tilespmem:s22+$0x17010];
	v3 =	vpop (erf)  }
0x159: {  	v2 =	vld [tilespmem:s22+$0x18010];
	v0 =	vmul.f32 v0, v3;
	_ =	sdelay $0x1  }
0x15a: {  	v5 =	vld [tilespmem:s22+$0x19010];
	v0 =	vadd.f32 v0, v1;
	_ =	sdelay $0x1  }
0x15b: {  	v0 =	vmax.f32 v0, $0.0e+00  }
0x15c: {  	v1 =	vadd.f32 v2, v4;
	[tilespmem:s22+$0x17000] =	vst v0  }
0x15d: {  	v0 =	vld [tilespmem:$0x1B010]  }
0x15e: {  	v1 =	vsub.f32 v1, v5;
	_ =	sdelay $0x1  }
0x15f: {  	v1 =	vmul.f32 v1, v3;
	_ =	sdelay $0x1  }
0x160: {  	s15 =	simm.s32 $0x80;
	v0 =	vadd.f32 v1, v0  }
.LBB2_8:
0x161: {  	_ = 	snop  }
0x162: {  	p1 =	sne.s32 s15, $0x3F80;
	s7 =	sadd.s32 $0x10, s7;
	s0 =	sadd.s32 $0x10, s0;
	v0 =	vmax.f32 v0, $0.0e+00  }
0x163: {  	[tilespmem:s22+$0x17010] =	vst v0;
	s22 =	smov.u32 s15;
	s15 =	sadd.s32 $0x80, s15  }
0x164: {  	v0 =	vld [tilespmem:s7+$0x0]  }
0x165: {  	v1 =	vld [tilespmem:s0+$0x0];
	_ =	sdelay $0x4  }
0x166: {  	v0 =	vadd.f32 v0, v1;
	_ =	sdelay $0x1  }
0x167: {  	v0 =	vadd.f32 $1.000000000e+00, v0  }
0x168: {  	s22 =	sshra.s32 s22, $0x2  }
0x169: {  	v1 =	vld [tilespmem:s22+$0x17000];
	(erf) = vrcp.f32 v0  }
0x16a: {  	v0 =	vld [tilespmem:s22+$0x18000]  }
0x16b: {  	v2 =	vld [tilespmem:s22+$0x19000]  }
0x16c: {  	v3 =	vld [tilespmem:s22+$0x18010];
	_ =	sdelay $0x2  }
0x16d: {  	v0 =	vadd.f32 v0, v1;
	v1 =	vld [tilespmem:$0x1B000];
	_ =	sdelay $0x1  }
0x16e: {  	v0 =	vsub.f32 v0, v2  }
0x16f: {  	v2 =	vld [tilespmem:s22+$0x17010];
	v4 =	vpop (erf)  }
0x170: {  	v0 =	vmul.f32 v0, v4  }
0x171: {  	v5 =	vld [tilespmem:s22+$0x19010]  }
0x172: {  	v0 =	vadd.f32 v0, v1;
	_ =	sdelay $0x1  }
0x173: {  	v0 =	vmax.f32 v0, $0.0e+00;
	v1 =	vadd.f32 v3, v2  }
0x174: {  	[tilespmem:s22+$0x17000] =	vst v0  }
0x175: {  	v0 =	vsub.f32 v1, v5;
	v1 =	vld [tilespmem:$0x1B010]  }
.Ltmp3:
0x176: {  	(pc) =	sbr.rel @p1 .LBB2_8-.Ltmp3, $2  }
0x177: {  	v0 =	vmul.f32 v0, v4;
	_ =	sdelay $0x2  }
0x178: {  	v0 =	vadd.f32 v0, v1  }
0x179: {  	_ = 	snop  }
0x17a: {  	v0 =	vmax.f32 v0, $0.0e+00  }
0x17b: {  	s0 =	rddreg [dreg:$0x11];
	[tilespmem:s22+$0x17010] =	vst v0  }
0x17c: {  	[spmem:s0] =	stream.linear.scatter [tilespmem:s16], [sflag:$0x3], $0x1000, $0x38;
	[tilespmem:$0x1B020] =	vst v63  }
0x17d: {  	_ =	swait.ge [sflag:s11], $0x1000  }
0x17e: {  	[sflag:s11] =	ssyncset.done $0x0  }
0x17f: {  	s7 =	rddreg [dreg:$0x12];
	[sflag:s11] =	ssyncadd.s32 $0xFFFFF000  }
0x180: {  	[spmem:s7] =	stream.linear.scatter [tilespmem:s16], [sflag:$0x3], $0x1000, $0x38;
	[tilespmem:$0x1B020] =	vst v63  }
0x181: {  	_ =	swait.ge [sflag:s11], $0x1000  }
0x182: {  	s13 =	sld [smem:$0x7FA]  }
0x183: {  	[sflag:s11] =	ssyncset.done $0x0  }
0x184: {  	s0 =	simm.s32 @!p0 $0x0;
	s7 =	simm.s32 @!p0 $0x17000;
	[sflag:s11] =	ssyncadd.s32 $0xFFFFF000  }
0x185: {  	[hbm4b:s13+s0] =	stream.linear.scatter @!p0 [tilespmem:s7], [sflag:$0x3], $0x1000, $0x38;
	[tilespmem:$0x1B020] =	vst v63  }
0x186: {  	s0 =	simm.s32 @!p0 $0x3  }
0x187: {  	_ =	swait.ge @!p0 [sflag:s0], $0x1000  }
0x188: {  	[sflag:s0] =	ssyncset.done @!p0 $0x0  }
0x189: {  	s15 =	simm.s32 $0x0;
	s13 =	rddreg [dreg:$0x17];
	[sflag:s0] =	ssyncadd.s32 @!p0 $0xFFFFF000  }
0x18a: {  	[tilespmem:s16], [sflag:$0x3] =	stream.linear.gather [hbm4b:s13+s15], $0x1000, $0x38;
	[tilespmem:$0x1B020] =	vst v63  }
0x18b: {  	_ =	swait.ge [sflag:s11], $0x1000  }
0x18c: {  	[sflag:s11] =	ssyncset.done $0x0  }
0x18d: {  	s22 =	sadd.s32 s30, s9;
	[sflag:s11] =	ssyncadd.s32 $0xFFFFF000  }
0x18e: {  	[tilespmem:s19], [sflag:$0x3] =	stream.linear.gather [hbm4b:s22+s15], $0x1000, $0x38;
	[tilespmem:$0x1B020] =	vst v63  }
0x18f: {  	_ =	swait.ge [sflag:s11], $0x1000  }
0x190: {  	[sflag:s11] =	ssyncset.done $0x0  }
0x191: {  	s7 =	rddreg [dreg:$0x1d];
	[sflag:s11] =	ssyncadd.s32 $0xFFFFF000  }
0x192: {  	[tilespmem:s14], [sflag:$0x3] =	stream.linear.gather [hbm4b:s7+s15], $0x1000, $0x38;
	[tilespmem:$0x1B020] =	vst v63  }
0x193: {  	_ =	swait.ge [sflag:s11], $0x1000  }
0x194: {  	s13 =	sld [smem:$0x7F4]  }
0x195: {  	[sflag:s11] =	ssyncset.done $0x0  }
0x196: {  	s0 =	simm.s32 $0x1A000;
	[sflag:s11] =	ssyncadd.s32 $0xFFFFF000  }
0x197: {  	[tilespmem:s0], [sflag:$0x3] =	stream.linear.gather [hbm4b:s13+s15], $0x800, $0x38;
	[tilespmem:$0x1B020] =	vst v63  }
0x198: {  	_ =	swait.ge [sflag:s11], $0x800  }
0x199: {  	[sflag:s11] =	ssyncset.done $0x0;
	s22 =	rddreg [dreg:$0x1e]  }
0x19a: {  	s7 =	simm.s32 $0x1A800;
	[sflag:s11] =	ssyncadd.s32 $0xFFFFF800;
	s13 =	sadd.s32 s22, s10  }
0x19b: {  	[tilespmem:s7], [sflag:$0x3] =	stream.linear.gather [hbm4b:s13+s15], $0x800, $0x38;
	[tilespmem:$0x1B020] =	vst v63  }
0x19c: {  	_ =	swait.ge [sflag:s11], $0x800  }
0x19d: {  	[sflag:s11] =	ssyncset.done $0x0  }
0x19e: {  	[sflag:s11] =	ssyncadd.s32 $0xFFFFF800  }
0x19f: {  	v0 =	vld [tilespmem:s7+$0x0]  }
0x1a0: {  	v1 =	vld [tilespmem:s0+$0x0];
	_ =	sdelay $0x4  }
0x1a1: {  	v0 =	vadd.f32 v0, v1;
	_ =	sdelay $0x1  }
0x1a2: {  	v0 =	vadd.f32 $1.000000000e+00, v0  }
0x1a3: {  	s22 =	simm.s32 $0x0  }
0x1a4: {  	v1 =	vld [tilespmem:s22+$0x17000];
	(erf) = vrcp.f32 v0  }
0x1a5: {  	v0 =	vld [tilespmem:s22+$0x18000];
	_ =	sdelay $0x1  }
0x1a6: {  	v2 =	vld [tilespmem:s22+$0x19000];
	_ =	sdelay $0x2  }
0x1a7: {  	v0 =	vadd.f32 v0, v1  }
0x1a8: {  	v1 =	vld [tilespmem:$0x1B000]  }
0x1a9: {  	v0 =	vsub.f32 v0, v2  }
0x1aa: {  	v4 =	vld [tilespmem:s22+$0x17010];
	v3 =	vpop (erf)  }
0x1ab: {  	v2 =	vld [tilespmem:s22+$0x18010];
	v0 =	vmul.f32 v0, v3;
	_ =	sdelay $0x1  }
0x1ac: {  	v5 =	vld [tilespmem:s22+$0x19010];
	v0 =	vadd.f32 v0, v1;
	_ =	sdelay $0x1  }
0x1ad: {  	v0 =	vmax.f32 v0, $0.0e+00  }
0x1ae: {  	v1 =	vadd.f32 v2, v4;
	[tilespmem:s22+$0x17000] =	vst v0  }
0x1af: {  	v0 =	vld [tilespmem:$0x1B010]  }
0x1b0: {  	v1 =	vsub.f32 v1, v5;
	_ =	sdelay $0x1  }
0x1b1: {  	v1 =	vmul.f32 v1, v3;
	_ =	sdelay $0x1  }
0x1b2: {  	s15 =	simm.s32 $0x80;
	v0 =	vadd.f32 v1, v0  }
.LBB2_10:
0x1b3: {  	_ = 	snop  }
0x1b4: {  	p1 =	sne.s32 s15, $0x3F80;
	s7 =	sadd.s32 $0x10, s7;
	s0 =	sadd.s32 $0x10, s0;
	v0 =	vmax.f32 v0, $0.0e+00  }
0x1b5: {  	[tilespmem:s22+$0x17010] =	vst v0;
	s22 =	smov.u32 s15;
	s15 =	sadd.s32 $0x80, s15  }
0x1b6: {  	v0 =	vld [tilespmem:s7+$0x0]  }
0x1b7: {  	v1 =	vld [tilespmem:s0+$0x0];
	_ =	sdelay $0x4  }
0x1b8: {  	v0 =	vadd.f32 v0, v1;
	_ =	sdelay $0x1  }
0x1b9: {  	v0 =	vadd.f32 $1.000000000e+00, v0  }
0x1ba: {  	s22 =	sshra.s32 s22, $0x2  }
0x1bb: {  	v1 =	vld [tilespmem:s22+$0x17000];
	(erf) = vrcp.f32 v0  }
0x1bc: {  	v0 =	vld [tilespmem:s22+$0x18000]  }
0x1bd: {  	v2 =	vld [tilespmem:s22+$0x19000]  }
0x1be: {  	v3 =	vld [tilespmem:s22+$0x18010];
	_ =	sdelay $0x2  }
0x1bf: {  	v0 =	vadd.f32 v0, v1;
	v1 =	vld [tilespmem:$0x1B000];
	_ =	sdelay $0x1  }
0x1c0: {  	v0 =	vsub.f32 v0, v2  }
0x1c1: {  	v2 =	vld [tilespmem:s22+$0x17010];
	v4 =	vpop (erf)  }
0x1c2: {  	v0 =	vmul.f32 v0, v4  }
0x1c3: {  	v5 =	vld [tilespmem:s22+$0x19010]  }
0x1c4: {  	v0 =	vadd.f32 v0, v1;
	_ =	sdelay $0x1  }
0x1c5: {  	v0 =	vmax.f32 v0, $0.0e+00;
	v1 =	vadd.f32 v3, v2  }
0x1c6: {  	[tilespmem:s22+$0x17000] =	vst v0  }
0x1c7: {  	v0 =	vsub.f32 v1, v5;
	v1 =	vld [tilespmem:$0x1B010]  }
.Ltmp4:
0x1c8: {  	(pc) =	sbr.rel @p1 .LBB2_10-.Ltmp4, $2  }
0x1c9: {  	v0 =	vmul.f32 v0, v4;
	_ =	sdelay $0x2  }
0x1ca: {  	v0 =	vadd.f32 v0, v1  }
0x1cb: {  	s0 =	sld [smem:$0x7F5]  }
0x1cc: {  	v0 =	vmax.f32 v0, $0.0e+00  }
0x1cd: {  	[tilespmem:s22+$0x17010] =	vst v0  }
0x1ce: {  	[spmem:s0] =	stream.linear.scatter [tilespmem:s16], [sflag:$0x3], $0x1000, $0x38;
	[tilespmem:$0x1B020] =	vst v63  }
0x1cf: {  	_ =	swait.ge [sflag:s11], $0x1000  }
0x1d0: {  	s22 =	sld [smem:$0x7F6]  }
0x1d1: {  	[sflag:s11] =	ssyncset.done $0x0  }
0x1d2: {  	[sflag:s11] =	ssyncadd.s32 $0xFFFFF000  }
0x1d3: {  	[spmem:s22] =	stream.linear.scatter [tilespmem:s16], [sflag:$0x3], $0x1000, $0x38;
	[tilespmem:$0x1B020] =	vst v63  }
0x1d4: {  	_ =	swait.ge [sflag:s11], $0x1000  }
0x1d5: {  	s13 =	sld [smem:$0x7FB]  }
0x1d6: {  	[sflag:s11] =	ssyncset.done $0x0  }
0x1d7: {  	s7 =	simm.s32 @!p0 $0x17000;
	s0 =	simm.s32 @!p0 $0x0;
	[sflag:s11] =	ssyncadd.s32 $0xFFFFF000  }
0x1d8: {  	[hbm4b:s13+s0] =	stream.linear.scatter @!p0 [tilespmem:s7], [sflag:$0x3], $0x1000, $0x38;
	[tilespmem:$0x1B020] =	vst v63  }
0x1d9: {  	s0 =	simm.s32 @!p0 $0x3  }
0x1da: {  	_ =	swait.ge @!p0 [sflag:s0], $0x1000  }
0x1db: {  	[sflag:s0] =	ssyncset.done @!p0 $0x0  }
0x1dc: {  	[sflag:s0] =	ssyncadd.s32 @!p0 $0xFFFFF000  }
0x1dd: {  	s7 =	simm.s32 $0xA000;
	[bflag:$0x0] =	sbarrier.arrive $0xFFFF  }
0x1de: {  	[tilespmem:s23], [sflag:$0x1] =	stream.indirect.gather [spmem:s3], $0x20, s7, s20, $0xb8;
	[tilespmem:$0x1B020] =	vst v63  }
0x1df: {  	s13 =	simm.s32 $0xA080  }
0x1e0: {  	[tilespmem:s24], [sflag:$0x1] =	stream.indirect.gather [spmem:s3], $0x20, s13, s20, $0xb8;
	[tilespmem:$0x1B020] =	vst v63  }
0x1e1: {  	s15 =	simm.s32 $0xA100  }
0x1e2: {  	[tilespmem:s25], [sflag:$0x1] =	stream.indirect.gather [spmem:s3], $0x20, s15, s20, $0xb8;
	[tilespmem:$0x1B020] =	vst v63  }
0x1e3: {  	s22 =	simm.s32 $0xA180  }
0x1e4: {  	[tilespmem:s26], [sflag:$0x1] =	stream.indirect.gather [spmem:s3], $0x20, s22, s20, $0xb8;
	[tilespmem:$0x1B020] =	vst v63  }
0x1e5: {  	s7 =	simm.s32 $0xA200  }
0x1e6: {  	[tilespmem:s28], [sflag:$0x1] =	stream.indirect.gather [spmem:s3], $0x20, s7, s20, $0xb8;
	[tilespmem:$0x1B020] =	vst v63  }
0x1e7: {  	s13 =	simm.s32 $0xA280  }
0x1e8: {  	[tilespmem:s29], [sflag:$0x1] =	stream.indirect.gather [spmem:s3], $0x20, s13, s20, $0xb8;
	[tilespmem:$0x1B020] =	vst v63  }
0x1e9: {  	s15 =	simm.s32 $0xA300  }
0x1ea: {  	[tilespmem:s31], [sflag:$0x1] =	stream.indirect.gather [spmem:s3], $0x20, s15, s20, $0xb8;
	[tilespmem:$0x1B020] =	vst v63  }
0x1eb: {  	s22 =	simm.s32 $0xA380  }
0x1ec: {  	[tilespmem:s18], [sflag:$0x1] =	stream.indirect.gather [spmem:s3], $0x20, s22, s20, $0xb8;
	[tilespmem:$0x1B020] =	vst v63  }
0x1ed: {  	_ =	swait.ge [sflag:s1], $0x1000  }
0x1ee: {  	[sflag:s1] =	ssyncset.done $0x0  }
0x1ef: {  	[sflag:s1] =	ssyncadd.s32 $0xFFFFF000  }
0x1f0: {  	_ =	swait.ge [sflag:s1], $0x1000  }
0x1f1: {  	[sflag:s1] =	ssyncset.done $0x0  }
0x1f2: {  	[sflag:s1] =	ssyncadd.s32 $0xFFFFF000  }
0x1f3: {  	_ =	swait.ge [sflag:s1], $0x1000  }
0x1f4: {  	[sflag:s1] =	ssyncset.done $0x0  }
0x1f5: {  	[sflag:s1] =	ssyncadd.s32 $0xFFFFF000  }
0x1f6: {  	_ =	swait.ge [sflag:s1], $0x1000  }
0x1f7: {  	[sflag:s1] =	ssyncset.done $0x0  }
0x1f8: {  	[sflag:s1] =	ssyncadd.s32 $0xFFFFF000  }
0x1f9: {  	_ =	swait.ge [sflag:s1], $0x1000  }
0x1fa: {  	[sflag:s1] =	ssyncset.done $0x0  }
0x1fb: {  	[sflag:s1] =	ssyncadd.s32 $0xFFFFF000  }
0x1fc: {  	_ =	swait.ge [sflag:s1], $0x1000  }
0x1fd: {  	[sflag:s1] =	ssyncset.done $0x0  }
0x1fe: {  	[sflag:s1] =	ssyncadd.s32 $0xFFFFF000  }
0x1ff: {  	_ =	swait.ge [sflag:s1], $0x1000  }
0x200: {  	[sflag:s1] =	ssyncset.done $0x0  }
0x201: {  	[sflag:s1] =	ssyncadd.s32 $0xFFFFF000  }
0x202: {  	_ =	swait.ge [sflag:s1], $0x1000  }
0x203: {  	[sflag:s1] =	ssyncset.done $0x0  }
0x204: {  	s7 =	simm.s32 $0xC800;
	[sflag:s1] =	ssyncadd.s32 $0xFFFFF000  }
0x205: {  	[spmem:s4] =	stream.indirect.scatter.add.f32 [tilespmem:s23], [sflag:$0x2], $0x20, s7, s20, $0xb8;
	[tilespmem:$0x1B020] =	vst v63  }
0x206: {  	s13 =	simm.s32 $0xC880  }
0x207: {  	[spmem:s4] =	stream.indirect.scatter.add.f32 [tilespmem:s24], [sflag:$0x2], $0x20, s13, s20, $0xb8;
	[tilespmem:$0x1B020] =	vst v63  }
0x208: {  	s15 =	simm.s32 $0xC900  }
0x209: {  	[spmem:s4] =	stream.indirect.scatter.add.f32 [tilespmem:s25], [sflag:$0x2], $0x20, s15, s20, $0xb8;
	[tilespmem:$0x1B020] =	vst v63  }
0x20a: {  	s22 =	simm.s32 $0xC980  }
0x20b: {  	[spmem:s4] =	stream.indirect.scatter.add.f32 [tilespmem:s26], [sflag:$0x2], $0x20, s22, s20, $0xb8;
	[tilespmem:$0x1B020] =	vst v63  }
0x20c: {  	s7 =	simm.s32 $0xCA00  }
0x20d: {  	[spmem:s4] =	stream.indirect.scatter.add.f32 [tilespmem:s28], [sflag:$0x2], $0x20, s7, s20, $0xb8;
	[tilespmem:$0x1B020] =	vst v63  }
0x20e: {  	s13 =	simm.s32 $0xCA80  }
0x20f: {  	[spmem:s4] =	stream.indirect.scatter.add.f32 [tilespmem:s29], [sflag:$0x2], $0x20, s13, s20, $0xb8;
	[tilespmem:$0x1B020] =	vst v63  }
0x210: {  	s15 =	simm.s32 $0xCB00  }
0x211: {  	[spmem:s4] =	stream.indirect.scatter.add.f32 [tilespmem:s31], [sflag:$0x2], $0x20, s15, s20, $0xb8;
	[tilespmem:$0x1B020] =	vst v63  }
0x212: {  	s22 =	simm.s32 $0xCB80  }
0x213: {  	[spmem:s4] =	stream.indirect.scatter.add.f32 [tilespmem:s18], [sflag:$0x2], $0x20, s22, s20, $0xb8;
	[tilespmem:$0x1B020] =	vst v63  }
0x214: {  	_ =	swait.ge [sflag:s2], $0x1000  }
0x215: {  	[sflag:s2] =	ssyncset.done $0x0  }
0x216: {  	[sflag:s2] =	ssyncadd.s32 $0xFFFFF000  }
0x217: {  	_ =	swait.ge [sflag:s2], $0x1000  }
0x218: {  	[sflag:s2] =	ssyncset.done $0x0  }
0x219: {  	[sflag:s2] =	ssyncadd.s32 $0xFFFFF000  }
0x21a: {  	_ =	swait.ge [sflag:s2], $0x1000  }
0x21b: {  	[sflag:s2] =	ssyncset.done $0x0  }
0x21c: {  	[sflag:s2] =	ssyncadd.s32 $0xFFFFF000  }
0x21d: {  	_ =	swait.ge [sflag:s2], $0x1000  }
0x21e: {  	[sflag:s2] =	ssyncset.done $0x0  }
0x21f: {  	[sflag:s2] =	ssyncadd.s32 $0xFFFFF000  }
0x220: {  	_ =	swait.ge [sflag:s2], $0x1000  }
0x221: {  	[sflag:s2] =	ssyncset.done $0x0  }
0x222: {  	[sflag:s2] =	ssyncadd.s32 $0xFFFFF000  }
0x223: {  	_ =	swait.ge [sflag:s2], $0x1000  }
0x224: {  	[sflag:s2] =	ssyncset.done $0x0  }
0x225: {  	[sflag:s2] =	ssyncadd.s32 $0xFFFFF000  }
0x226: {  	_ =	swait.ge [sflag:s2], $0x1000  }
0x227: {  	[sflag:s2] =	ssyncset.done $0x0  }
0x228: {  	[sflag:s2] =	ssyncadd.s32 $0xFFFFF000  }
0x229: {  	_ =	swait.ge [sflag:s2], $0x1000  }
0x22a: {  	s7 =	simm.s32 $0x400;
	s15 =	simm.s32 $0x2000;
	[sflag:s2] =	ssyncset.done $0x0  }
.LBB2_12:
0x22b: {  	s13 =	sadd.s32 $0xA000, s7  }
0x22c: {  	[sflag:s2] =	ssyncadd.s32 $0xFFFFF000;
	s0 =	smov.u32 s15;
	s22 =	sadd.s32 $0x1000, s15  }
0x22d: {  	[tilespmem:s23], [sflag:$0x1] =	stream.indirect.gather [spmem:s3], $0x20, s13, s20, $0xb8;
	[tilespmem:$0x1B020] =	vst v63  }
0x22e: {  	p1 =	sne.s32 s15, $0x9000;
	s13 =	sadd.s32 $0xA080, s7  }
0x22f: {  	[tilespmem:s24], [sflag:$0x1] =	stream.indirect.gather [spmem:s3], $0x20, s13, s20, $0xb8;
	[tilespmem:$0x1B020] =	vst v63  }
0x230: {  	s13 =	sadd.s32 $0xA100, s7  }
0x231: {  	[tilespmem:s25], [sflag:$0x1] =	stream.indirect.gather [spmem:s3], $0x20, s13, s20, $0xb8;
	[tilespmem:$0x1B020] =	vst v63  }
0x232: {  	s13 =	sadd.s32 $0xA180, s7  }
0x233: {  	[tilespmem:s26], [sflag:$0x1] =	stream.indirect.gather [spmem:s3], $0x20, s13, s20, $0xb8;
	[tilespmem:$0x1B020] =	vst v63  }
0x234: {  	s13 =	sadd.s32 $0xA200, s7  }
0x235: {  	[tilespmem:s28], [sflag:$0x1] =	stream.indirect.gather [spmem:s3], $0x20, s13, s20, $0xb8;
	[tilespmem:$0x1B020] =	vst v63  }
0x236: {  	s13 =	sadd.s32 $0xA280, s7  }
0x237: {  	[tilespmem:s29], [sflag:$0x1] =	stream.indirect.gather [spmem:s3], $0x20, s13, s20, $0xb8;
	[tilespmem:$0x1B020] =	vst v63  }
0x238: {  	s13 =	sadd.s32 $0xA300, s7  }
0x239: {  	[tilespmem:s31], [sflag:$0x1] =	stream.indirect.gather [spmem:s3], $0x20, s13, s20, $0xb8;
	[tilespmem:$0x1B020] =	vst v63  }
0x23a: {  	s13 =	sadd.s32 $0xA380, s7  }
0x23b: {  	[tilespmem:s18], [sflag:$0x1] =	stream.indirect.gather [spmem:s3], $0x20, s13, s20, $0xb8;
	[tilespmem:$0x1B020] =	vst v63  }
0x23c: {  	_ =	swait.ge [sflag:s1], $0x1000  }
0x23d: {  	[sflag:s1] =	ssyncset.done $0x0  }
0x23e: {  	[sflag:s1] =	ssyncadd.s32 $0xFFFFF000  }
0x23f: {  	_ =	swait.ge [sflag:s1], $0x1000  }
0x240: {  	[sflag:s1] =	ssyncset.done $0x0  }
0x241: {  	[sflag:s1] =	ssyncadd.s32 $0xFFFFF000  }
0x242: {  	_ =	swait.ge [sflag:s1], $0x1000  }
0x243: {  	[sflag:s1] =	ssyncset.done $0x0  }
0x244: {  	[sflag:s1] =	ssyncadd.s32 $0xFFFFF000  }
0x245: {  	_ =	swait.ge [sflag:s1], $0x1000  }
0x246: {  	[sflag:s1] =	ssyncset.done $0x0  }
0x247: {  	[sflag:s1] =	ssyncadd.s32 $0xFFFFF000  }
0x248: {  	_ =	swait.ge [sflag:s1], $0x1000  }
0x249: {  	[sflag:s1] =	ssyncset.done $0x0  }
0x24a: {  	[sflag:s1] =	ssyncadd.s32 $0xFFFFF000  }
0x24b: {  	_ =	swait.ge [sflag:s1], $0x1000  }
0x24c: {  	[sflag:s1] =	ssyncset.done $0x0  }
0x24d: {  	[sflag:s1] =	ssyncadd.s32 $0xFFFFF000  }
0x24e: {  	_ =	swait.ge [sflag:s1], $0x1000  }
0x24f: {  	[sflag:s1] =	ssyncset.done $0x0  }
0x250: {  	[sflag:s1] =	ssyncadd.s32 $0xFFFFF000  }
0x251: {  	_ =	swait.ge [sflag:s1], $0x1000  }
0x252: {  	[sflag:s1] =	ssyncset.done $0x0  }
0x253: {  	s13 =	sadd.s32 $0xC800, s7;
	[sflag:s1] =	ssyncadd.s32 $0xFFFFF000  }
0x254: {  	[spmem:s4] =	stream.indirect.scatter.add.f32 [tilespmem:s23], [sflag:$0x2], $0x20, s13, s20, $0xb8;
	[tilespmem:$0x1B020] =	vst v63  }
0x255: {  	s13 =	sadd.s32 $0xC880, s7  }
0x256: {  	[spmem:s4] =	stream.indirect.scatter.add.f32 [tilespmem:s24], [sflag:$0x2], $0x20, s13, s20, $0xb8;
	[tilespmem:$0x1B020] =	vst v63  }
0x257: {  	s13 =	sadd.s32 $0xC900, s7  }
0x258: {  	[spmem:s4] =	stream.indirect.scatter.add.f32 [tilespmem:s25], [sflag:$0x2], $0x20, s13, s20, $0xb8;
	[tilespmem:$0x1B020] =	vst v63  }
0x259: {  	s13 =	sadd.s32 $0xC980, s7  }
0x25a: {  	[spmem:s4] =	stream.indirect.scatter.add.f32 [tilespmem:s26], [sflag:$0x2], $0x20, s13, s20, $0xb8;
	[tilespmem:$0x1B020] =	vst v63  }
0x25b: {  	s13 =	sadd.s32 $0xCA00, s7  }
0x25c: {  	[spmem:s4] =	stream.indirect.scatter.add.f32 [tilespmem:s28], [sflag:$0x2], $0x20, s13, s20, $0xb8;
	[tilespmem:$0x1B020] =	vst v63  }
0x25d: {  	s13 =	sadd.s32 $0xCA80, s7  }
0x25e: {  	[spmem:s4] =	stream.indirect.scatter.add.f32 [tilespmem:s29], [sflag:$0x2], $0x20, s13, s20, $0xb8;
	[tilespmem:$0x1B020] =	vst v63  }
0x25f: {  	s13 =	sadd.s32 $0xCB00, s7  }
0x260: {  	[spmem:s4] =	stream.indirect.scatter.add.f32 [tilespmem:s31], [sflag:$0x2], $0x20, s13, s20, $0xb8;
	[tilespmem:$0x1B020] =	vst v63  }
0x261: {  	s7 =	sadd.s32 $0xCB80, s7  }
0x262: {  	[spmem:s4] =	stream.indirect.scatter.add.f32 [tilespmem:s18], [sflag:$0x2], $0x20, s7, s20, $0xb8;
	[tilespmem:$0x1B020] =	vst v63  }
0x263: {  	_ =	swait.ge [sflag:s2], $0x1000  }
0x264: {  	[sflag:s2] =	ssyncset.done $0x0  }
0x265: {  	[sflag:s2] =	ssyncadd.s32 $0xFFFFF000  }
0x266: {  	_ =	swait.ge [sflag:s2], $0x1000  }
0x267: {  	[sflag:s2] =	ssyncset.done $0x0  }
0x268: {  	[sflag:s2] =	ssyncadd.s32 $0xFFFFF000  }
0x269: {  	_ =	swait.ge [sflag:s2], $0x1000  }
0x26a: {  	[sflag:s2] =	ssyncset.done $0x0  }
0x26b: {  	[sflag:s2] =	ssyncadd.s32 $0xFFFFF000  }
0x26c: {  	_ =	swait.ge [sflag:s2], $0x1000  }
0x26d: {  	[sflag:s2] =	ssyncset.done $0x0  }
0x26e: {  	[sflag:s2] =	ssyncadd.s32 $0xFFFFF000  }
0x26f: {  	_ =	swait.ge [sflag:s2], $0x1000  }
0x270: {  	[sflag:s2] =	ssyncset.done $0x0  }
0x271: {  	[sflag:s2] =	ssyncadd.s32 $0xFFFFF000  }
0x272: {  	_ =	swait.ge [sflag:s2], $0x1000  }
0x273: {  	[sflag:s2] =	ssyncset.done $0x0  }
0x274: {  	[sflag:s2] =	ssyncadd.s32 $0xFFFFF000  }
.Ltmp5:
0x275: {  	_ =	swait.ge [sflag:s2], $0x1000;
	(pc) =	sbr.rel @p1 .LBB2_12-.Ltmp5, $4  }
0x276: {  	[sflag:s2] =	ssyncset.done $0x0  }
0x277: {  	[sflag:s2] =	ssyncadd.s32 $0xFFFFF000  }
0x278: {  	_ =	swait.ge [sflag:s2], $0x1000  }
0x279: {  	s15 =	smov.u32 s22;
	s7 =	sshra.s32 s0, $0x2;
	[sflag:s2] =	ssyncset.done $0x0  }
0x27a: {  	s0 =	sadd.s32 $0xA000, s7;
	[sflag:s2] =	ssyncadd.s32 $0xFFFFF000  }
0x27b: {  	[tilespmem:s23], [sflag:$0x1] =	stream.indirect.gather [spmem:s3], $0x20, s0, s20, $0xb8;
	[tilespmem:$0x1B020] =	vst v63  }
0x27c: {  	s15 =	sadd.s32 $0xA080, s7  }
0x27d: {  	[tilespmem:s24], [sflag:$0x1] =	stream.indirect.gather [spmem:s3], $0x20, s15, s20, $0xb8;
	[tilespmem:$0x1B020] =	vst v63  }
0x27e: {  	s22 =	sadd.s32 $0xA100, s7  }
0x27f: {  	[tilespmem:s25], [sflag:$0x1] =	stream.indirect.gather [spmem:s3], $0x20, s22, s20, $0xb8;
	[tilespmem:$0x1B020] =	vst v63  }
0x280: {  	s13 =	sadd.s32 $0xA180, s7  }
0x281: {  	[tilespmem:s26], [sflag:$0x1] =	stream.indirect.gather [spmem:s3], $0x20, s13, s20, $0xb8;
	[tilespmem:$0x1B020] =	vst v63  }
0x282: {  	s15 =	sadd.s32 $0xA200, s7  }
0x283: {  	[tilespmem:s28], [sflag:$0x1] =	stream.indirect.gather [spmem:s3], $0x20, s15, s20, $0xb8;
	[tilespmem:$0x1B020] =	vst v63  }
0x284: {  	s22 =	sadd.s32 $0xA280, s7  }
0x285: {  	[tilespmem:s29], [sflag:$0x1] =	stream.indirect.gather [spmem:s3], $0x20, s22, s20, $0xb8;
	[tilespmem:$0x1B020] =	vst v63  }
0x286: {  	s13 =	sadd.s32 $0xA300, s7  }
0x287: {  	[tilespmem:s31], [sflag:$0x1] =	stream.indirect.gather [spmem:s3], $0x20, s13, s20, $0xb8;
	[tilespmem:$0x1B020] =	vst v63  }
0x288: {  	s15 =	sadd.s32 $0xA380, s7  }
0x289: {  	[tilespmem:s18], [sflag:$0x1] =	stream.indirect.gather [spmem:s3], $0x20, s15, s20, $0xb8;
	[tilespmem:$0x1B020] =	vst v63  }
0x28a: {  	_ =	swait.ge [sflag:s1], $0x1000  }
0x28b: {  	[sflag:s1] =	ssyncset.done $0x0  }
0x28c: {  	[sflag:s1] =	ssyncadd.s32 $0xFFFFF000  }
0x28d: {  	_ =	swait.ge [sflag:s1], $0x1000  }
0x28e: {  	[sflag:s1] =	ssyncset.done $0x0  }
0x28f: {  	[sflag:s1] =	ssyncadd.s32 $0xFFFFF000  }
0x290: {  	_ =	swait.ge [sflag:s1], $0x1000  }
0x291: {  	[sflag:s1] =	ssyncset.done $0x0  }
0x292: {  	[sflag:s1] =	ssyncadd.s32 $0xFFFFF000  }
0x293: {  	_ =	swait.ge [sflag:s1], $0x1000  }
0x294: {  	[sflag:s1] =	ssyncset.done $0x0  }
0x295: {  	[sflag:s1] =	ssyncadd.s32 $0xFFFFF000  }
0x296: {  	_ =	swait.ge [sflag:s1], $0x1000  }
0x297: {  	[sflag:s1] =	ssyncset.done $0x0  }
0x298: {  	[sflag:s1] =	ssyncadd.s32 $0xFFFFF000  }
0x299: {  	_ =	swait.ge [sflag:s1], $0x1000  }
0x29a: {  	[sflag:s1] =	ssyncset.done $0x0  }
0x29b: {  	[sflag:s1] =	ssyncadd.s32 $0xFFFFF000  }
0x29c: {  	_ =	swait.ge [sflag:s1], $0x1000  }
0x29d: {  	[sflag:s1] =	ssyncset.done $0x0  }
0x29e: {  	[sflag:s1] =	ssyncadd.s32 $0xFFFFF000  }
0x29f: {  	_ =	swait.ge [sflag:s1], $0x1000  }
0x2a0: {  	[sflag:s1] =	ssyncset.done $0x0  }
0x2a1: {  	s22 =	sadd.s32 $0xC800, s7;
	[sflag:s1] =	ssyncadd.s32 $0xFFFFF000  }
0x2a2: {  	[spmem:s4] =	stream.indirect.scatter.add.f32 [tilespmem:s23], [sflag:$0x2], $0x20, s22, s20, $0xb8;
	[tilespmem:$0x1B020] =	vst v63  }
0x2a3: {  	s13 =	sadd.s32 $0xC880, s7  }
0x2a4: {  	[spmem:s4] =	stream.indirect.scatter.add.f32 [tilespmem:s24], [sflag:$0x2], $0x20, s13, s20, $0xb8;
	[tilespmem:$0x1B020] =	vst v63  }
0x2a5: {  	s15 =	sadd.s32 $0xC900, s7  }
0x2a6: {  	[spmem:s4] =	stream.indirect.scatter.add.f32 [tilespmem:s25], [sflag:$0x2], $0x20, s15, s20, $0xb8;
	[tilespmem:$0x1B020] =	vst v63  }
0x2a7: {  	s22 =	sadd.s32 $0xC980, s7  }
0x2a8: {  	[spmem:s4] =	stream.indirect.scatter.add.f32 [tilespmem:s26], [sflag:$0x2], $0x20, s22, s20, $0xb8;
	[tilespmem:$0x1B020] =	vst v63  }
0x2a9: {  	s13 =	sadd.s32 $0xCA00, s7  }
0x2aa: {  	[spmem:s4] =	stream.indirect.scatter.add.f32 [tilespmem:s28], [sflag:$0x2], $0x20, s13, s20, $0xb8;
	[tilespmem:$0x1B020] =	vst v63  }
0x2ab: {  	s15 =	sadd.s32 $0xCA80, s7  }
0x2ac: {  	[spmem:s4] =	stream.indirect.scatter.add.f32 [tilespmem:s29], [sflag:$0x2], $0x20, s15, s20, $0xb8;
	[tilespmem:$0x1B020] =	vst v63  }
0x2ad: {  	s22 =	sadd.s32 $0xCB00, s7  }
0x2ae: {  	[spmem:s4] =	stream.indirect.scatter.add.f32 [tilespmem:s31], [sflag:$0x2], $0x20, s22, s20, $0xb8;
	[tilespmem:$0x1B020] =	vst v63  }
0x2af: {  	s7 =	sadd.s32 $0xCB80, s7  }
0x2b0: {  	[spmem:s4] =	stream.indirect.scatter.add.f32 [tilespmem:s18], [sflag:$0x2], $0x20, s7, s20, $0xb8;
	[tilespmem:$0x1B020] =	vst v63  }
0x2b1: {  	_ =	swait.ge [sflag:s2], $0x1000  }
0x2b2: {  	[sflag:s2] =	ssyncset.done $0x0  }
0x2b3: {  	[sflag:s2] =	ssyncadd.s32 $0xFFFFF000  }
0x2b4: {  	_ =	swait.ge [sflag:s2], $0x1000  }
0x2b5: {  	[sflag:s2] =	ssyncset.done $0x0  }
0x2b6: {  	[sflag:s2] =	ssyncadd.s32 $0xFFFFF000  }
0x2b7: {  	_ =	swait.ge [sflag:s2], $0x1000  }
0x2b8: {  	[sflag:s2] =	ssyncset.done $0x0  }
0x2b9: {  	[sflag:s2] =	ssyncadd.s32 $0xFFFFF000  }
0x2ba: {  	_ =	swait.ge [sflag:s2], $0x1000  }
0x2bb: {  	[sflag:s2] =	ssyncset.done $0x0  }
0x2bc: {  	[sflag:s2] =	ssyncadd.s32 $0xFFFFF000  }
0x2bd: {  	_ =	swait.ge [sflag:s2], $0x1000  }
0x2be: {  	[sflag:s2] =	ssyncset.done $0x0  }
0x2bf: {  	[sflag:s2] =	ssyncadd.s32 $0xFFFFF000  }
0x2c0: {  	_ =	swait.ge [sflag:s2], $0x1000  }
0x2c1: {  	[sflag:s2] =	ssyncset.done $0x0  }
0x2c2: {  	[sflag:s2] =	ssyncadd.s32 $0xFFFFF000  }
0x2c3: {  	_ =	swait.ge [sflag:s2], $0x1000  }
0x2c4: {  	[sflag:s2] =	ssyncset.done $0x0  }
0x2c5: {  	[sflag:s2] =	ssyncadd.s32 $0xFFFFF000  }
0x2c6: {  	_ =	swait.ge [sflag:s2], $0x1000  }
0x2c7: {  	[sflag:s2] =	ssyncset.done $0x0  }
0x2c8: {  	[sflag:s2] =	ssyncadd.s32 $0xFFFFF000  }
0x2c9: {  	s13 =	stileid.u32;
	[bflag:$0x0] =	sbarrier.arrive $0xFFFF  }
0x2ca: {  	s0 =	sshll.u32 s13, $0x6;
	s13 =	sld [smem:$0x7FD];
	_ =	sdelay $0x1  }
0x2cb: {  	s0 =	sor.u32 $0x1C03, s0;
	s15 =	sshrl.u32 s12, $0x3  }
0x2cc: {  	[hbm:s13], [sflag:s0] =	dma.local [spmem:s15], $0xA00  }
0x2cd: {  	_ =	swait.ge [sflag:s11], $0xA00  }
0x2ce: {  	s22 =	sld [smem:$0x7FC];
	_ =	sdelay $0x1  }
0x2cf: {  	s6 =	sadd.s32 $0x1, s6  }
0x2d0: {  	p1 =	sne.s32 s6, s22  }
.Ltmp6:
0x2d1: {  	_ = 	snop;
	(pc) =	sbr.rel @p1 .LBB2_1-.Ltmp6, $3  }
0x2d2: {  	_ =	sdelay $0x1  }
0x2d3: {  	[sflag:s11] =	ssyncset.done $0x0  }
0x2d4: {  	[sflag:s11] =	ssyncadd.s32 $0xFFFFF600  }
0x2d5: {  	_ =	sfence.sel $0x180000  }
0x2d6: {  	[bflag:$0x0] =	sbarrier.arrive $0xFFFF  }
0x2d7: {  	_ =	strace $0x9000004A  }
0x2d8: {  	s0 =	stileid.u32;
	[bflag:$0x2] =	sbarrier.arrive $0xFFFF  }
0x2d9: {  	p0 =	sne.s32 s0, $0x0;
	s0 =	rddreg [dreg:$0x5]  }
0x2da: {  	s0 =	sadd.s32 @!p0 $0x100000, s0  }
0x2db: {  	[sflag:s0] =	ssyncadd.tile.s32 @!p0 $0x1;
	_ =	shalt  }
.Lfunc_end2:
_tile_overlayer_lowered:
.L_overlay_start_2:
0x2dc: {  	(tag) =	ssettag $0x2  }
0x2dd: {  	s0 =	rddreg [dreg:$0x0];
	s2 =	stileid.u32  }
0x2de: {  	s1 =	rddreg [dreg:$0x1];
	p0 =	sne.s32 s2, $0x0  }
0x2df: {  	s3 =	rddreg [dreg:$0x2];
	[bflag:$0x3] =	sbarrier.arrive $0xFFFF;
	s2 =	simm.s32 @!p0 $0x1C03  }
0x2e0: {  	[timem:s3], [sflag:s2] =	dma.local @!p0 [hbm:s0], s1  }
0x2e1: {  	s0 =	simm.s32 @!p0 $0x3  }
0x2e2: {  	_ =	swait.ge @!p0 [sflag:s0], s1  }
0x2e3: {  	s1 =	ssub.s32 @!p0 $0x0, s1;
	[sflag:s0] =	ssyncset.done @!p0 $0x0  }
0x2e4: {  	[sflag:s0] =	ssyncadd.s32 @!p0 s1  }
0x2e5: {  	[bflag:$0x3] =	sbarrier.arrive $0xFFFF  }
0x2e6: {  	_ =	shalt  }

// kernel: kernel.14.cloned.1.call-start
scs
__scs_entry_jumppad:
0x0: {  	(pc) =	sbr.rel $0x88, $3  }
0x1: {  	(tag) =	ssettag $0x0;
	lr =	simm.s32 $0x1  }
0x2: {  	[smem:$0x3F98] =	sst lr;
	_ =	strace $0xD0000000  }
0x3: {  	_ = 	snop  }
0x4: {  	_ = 	snop  }
0x5: {  	_ = 	snop  }
0x6: {  	_ = 	snop  }
0x7: {  	_ = 	snop  }
__scs_overlays_trampoline_lowered:
0x8: {  	[smem:$0x3FA7] =	sst s0  }
0x9: {  	[smem:$0x3FA8] =	sst s1  }
0xa: {  	[smem:$0x3FA9] =	sst s2  }
0xb: {  	[smem:$0x3FAA] =	sst s3  }
0xc: {  	[smem:$0x3FAB] =	sst s4  }
0xd: {  	[smem:$0x3FAC] =	sst s5  }
0xe: {  	[smem:$0x3FAD] =	sst s6  }
0xf: {  	[smem:$0x3FAE] =	sst s7  }
0x10: {  	[smem:$0x3FAF] =	sst s8  }
0x11: {  	[smem:$0x3FB0] =	sst s9;
	s0 =	simm.s32 @!p0 $0x0  }
0x12: {  	s1 =	sld [smem:$0x3F96];
	s0 =	simm.s32 @p0 $0x1  }
0x13: {  	[smem:$0x3FB1] =	sst s0;
	s0 =	simm.s32 @!p1 $0x0  }
0x14: {  	s2 =	sld [smem:$0x3F95];
	s0 =	simm.s32 @p1 $0x1  }
0x15: {  	[smem:$0x3FB2] =	sst s0;
	s0 =	simm.s32 @!p2 $0x0  }
0x16: {  	s3 =	sld [smem:$0x3FDB];
	s0 =	simm.s32 @p2 $0x1  }
0x17: {  	s4 =	simm.s32 $0x1BF5;
	[smem:$0x3FB4] =	sst s0  }
0x18: {  	s0 =	sld [smem:$0x3F97];
	_ =	swait.ge [sflag:s4], $0x0  }
0x19: {  	s7 =	sld [smem:$0x3F98]  }
0x1a: {  	s8 =	sadd.s32 $0xFFFFE003, lr  }
0x1b: {  	s9 =	sadd.s32 $0xFFFFFEF7, lr;
	s5 =	simm.s32 $0xFFFFFFFF;
	p2 =	slt.u32 s8, $0xFFFFF086  }
0x1c: {  	p1 =	slt.u32 s9, $0xF7A;
	s5 =	simm.s32 @!p2 $0x0  }
0x1d: {  	s5 =	simm.s32 @p1 $0x1;
	p0 =	seq.s32 s7, s2  }
0x1e: {  	s7 =	smul.u32 @!p0 $0xF7A, s2;
	p2 =	seq.s32 @!p0 s5, $0x0  }
0x1f: {  	s9 =	smul.u32 $0xF7A, s1;
	s8 =	simm.s32 @!p0 $0x1BF5;
	p2 =	por !p2, p0  }
0x20: {  	[sflag:s8] =	ssyncset.s32 @!p0 $0xFFFFF086;
	s6 =	sadd.s32 @!p0 s3, s7;
	s7 =	simm.s32 @!p0 $0x108  }
0x21: {  	s3 =	sadd.s32 s3, s9;
	s6 =	sadd.s32 @!p0 $0x88, s6;
	s7 =	simm.s32 @p2 $0x1082  }
0x22: {  	[simem:s7], [sflag:s8] =	dma.local @!p0 [hbm:s6], $0xF7A  }
0x23: {  	s9 =	sor.u32 $0xD0000000, s2;
	s6 =	simm.s32 $0x108;
	_ =	swait.ge @!p0 [sflag:s8], $0x0  }
0x24: {  	s3 =	sadd.s32 $0x88, s3;
	s6 =	simm.s32 @!p1 $0x1082;
	[sflag:s4] =	ssyncset.s32 $0xFFFFF086  }
0x25: {  	[simem:s6], [sflag:s4] =	dma.local [hbm:s3], $0xF7A  }
0x26: {  	[smem:$0x3F98] =	sst s1;
	(tag) =	ssettag s2;
	_ =	strace s9  }
0x27: {  	s1 =	sld [smem:$0x3FA8]  }
0x28: {  	s2 =	sld [smem:$0x3FA9]  }
0x29: {  	s4 =	sld [smem:$0x3FAB]  }
0x2a: {  	p0 =	seq.s32 s5, $0x0;
	s5 =	sld [smem:$0x3FAC]  }
0x2b: {  	s6 =	sld [smem:$0x3FAD]  }
0x2c: {  	s7 =	sld [smem:$0x3FAE]  }
0x2d: {  	s3 =	simm.s32 $0x108;
	s8 =	sld [smem:$0x3FAF]  }
0x2e: {  	s3 =	simm.s32 @!p0 $0x1082;
	s9 =	sld [smem:$0x3FB0]  }
0x2f: {  	lr =	sadd.s32 s0, s3;
	s0 =	sld [smem:$0x3FA7]  }
0x30: {  	s3 =	sld [smem:$0x3FAA]  }
0x31: {  	[smem:$0x3FB3] =	sst s10  }
0x32: {  	s10 =	sld [smem:$0x3FB1];
	_ =	sdelay $0x3  }
0x33: {  	p0 =	seq.s32 s10, $0x1;
	s10 =	sld [smem:$0x3FB3];
	_ =	sdelay $0x3  }
0x34: {  	[smem:$0x3FB3] =	sst s10  }
0x35: {  	s10 =	sld [smem:$0x3FB2];
	_ =	sdelay $0x3  }
0x36: {  	p1 =	seq.s32 s10, $0x1;
	s10 =	sld [smem:$0x3FB3];
	_ =	sdelay $0x3  }
0x37: {  	[smem:$0x3FB3] =	sst s10  }
0x38: {  	s10 =	sld [smem:$0x3FB4]  }
0x39: {  	_ = 	snop;
	(pc) =	sbr.ind lr, $3  }
0x3a: {  	_ = 	snop  }
0x3b: {  	_ = 	snop  }
0x3c: {  	p2 =	seq.s32 s10, $0x1;
	s10 =	sld [smem:$0x3FB3]  }
0x3d: {  	_ =	shalt  }
0x3e: {  	_ =	shalt  }
0x3f: {  	_ =	shalt  }
0x40: {  	_ =	shalt  }
0x41: {  	_ =	shalt  }
0x42: {  	_ =	shalt  }
0x43: {  	_ =	shalt  }
0x44: {  	_ =	shalt  }
0x45: {  	_ =	shalt  }
0x46: {  	_ =	shalt  }
0x47: {  	_ =	shalt  }
0x48: {  	_ =	shalt  }
0x49: {  	_ =	shalt  }
0x4a: {  	_ =	shalt  }
0x4b: {  	_ =	shalt  }
0x4c: {  	_ =	shalt  }
0x4d: {  	_ =	shalt  }
0x4e: {  	_ =	shalt  }
0x4f: {  	_ =	shalt  }
0x50: {  	_ =	shalt  }
0x51: {  	_ =	shalt  }
0x52: {  	_ =	shalt  }
0x53: {  	_ =	shalt  }
0x54: {  	_ =	shalt  }
0x55: {  	_ =	shalt  }
0x56: {  	_ =	shalt  }
0x57: {  	_ =	shalt  }
0x58: {  	_ =	shalt  }
0x59: {  	_ =	shalt  }
0x5a: {  	_ =	shalt  }
0x5b: {  	_ =	shalt  }
0x5c: {  	_ =	shalt  }
0x5d: {  	_ =	shalt  }
0x5e: {  	_ =	shalt  }
0x5f: {  	_ =	shalt  }
0x60: {  	_ =	shalt  }
0x61: {  	_ =	shalt  }
0x62: {  	_ =	shalt  }
0x63: {  	_ =	shalt  }
0x64: {  	_ =	shalt  }
0x65: {  	_ =	shalt  }
0x66: {  	_ =	shalt  }
0x67: {  	_ =	shalt  }
0x68: {  	_ =	shalt  }
0x69: {  	_ =	shalt  }
0x6a: {  	_ =	shalt  }
0x6b: {  	_ =	shalt  }
0x6c: {  	_ =	shalt  }
0x6d: {  	_ =	shalt  }
0x6e: {  	_ =	shalt  }
0x6f: {  	_ =	shalt  }
0x70: {  	_ =	shalt  }
0x71: {  	_ =	shalt  }
0x72: {  	_ =	shalt  }
0x73: {  	_ =	shalt  }
0x74: {  	_ =	shalt  }
0x75: {  	_ =	shalt  }
0x76: {  	_ =	shalt  }
0x77: {  	_ =	shalt  }
0x78: {  	_ =	shalt  }
0x79: {  	_ =	shalt  }
0x7a: {  	_ =	shalt  }
0x7b: {  	_ =	shalt  }
0x7c: {  	_ =	shalt  }
0x7d: {  	_ =	shalt  }
0x7e: {  	_ =	shalt  }
0x7f: {  	_ =	shalt  }
0x80: {  	_ =	shalt  }
0x81: {  	_ =	shalt  }
0x82: {  	_ =	shalt  }
0x83: {  	_ =	shalt  }
0x84: {  	_ =	shalt  }
0x85: {  	_ =	shalt  }
0x86: {  	_ =	shalt  }
0x87: {  	_ =	shalt  }
.Lfunc_end0:
.L_simem_size_0:
called_computation.2_lowered:
.L_overlay_start_0:
0x88: {  	s2 =	sld [smem:$0x3FD9]  }
0x89: {  	s3 =	sld [smem:$0x3FFE];
	_ =	sdelay $0x1  }
0x8a: {  	s1 =	srdreg.scid  }
0x8b: {  	s0 =	sand.u32 $0x1, s1  }
0x8c: {  	s14 =	sshll.u32 s0, $0xA;
	s2 =	sadd.s32 s3, s2  }
0x8d: {  	s2 =	sadd.s32 s2, s14  }
0x8e: {  	[smem:$0x3FBF] =	sst s2  }
0x8f: {  	_ = 	snop  }
0x90: {  	s2 =	sld [smem:$0x3FD0];
	_ =	sdelay $0x2  }
0x91: {  	s4 =	simm.s32 $0xA;
	s5 =	simm.s32 $0x10;
	s15 =	sld [smem:$0x3FC7]  }
0x92: {  	[smem:s5], [sflag:s4] =	dma.local [hbm:s2], $0x1  }
0x93: {  	_ =	swait.eq [sflag:s4], $0x1  }
0x94: {  	[sflag:s4] =	ssyncset.done $0x0  }
0x95: {  	[sflag:s4] =	ssyncadd.s32 $0xFFFFFFFF  }
0x96: {  	s16 =	sld [smem:$0x10];
	(tm) =	ssettm $0x1  }
0x97: {  	s17 =	sld [smem:$0x3FFB];
	_ =	sdelay $0x3  }
0x98: {  	_ =	strace s17  }
0x99: {  	s4 =	sld [smem:$0x3FFC];
	_ =	sdelay $0x3  }
0x9a: {  	_ =	strace s4  }
0x9b: {  	s4 =	sld [smem:$0x3FFD];
	_ =	sdelay $0x3  }
0x9c: {  	_ =	strace s4  }
0x9d: {  	_ =	strace $0x8FFFFFFF  }
0x9e: {  	s18 =	sld [smem:$0x3FDB];
	_ =	sdelay $0x1  }
0x9f: {  	s19 =	simm.s32 $_scs_section_size  }
0xa0: {  	s6 =	simm.s32 $_size__tile_overlayer_lowered;
	s7 =	simm.s32 $_tile_overlayer_lowered  }
0xa1: {  	s22 =	simm.s32 $0x1BFF;
	s21 =	sshll.u32 s7, $0x1;
	s4 =	sadd.s32 s19, s18  }
0xa2: {  	s8 =	simm.s32 $0x0;
	s20 =	sshll.u32 s6, $0x1;
	s6 =	sadd.s32 s21, s4  }
0xa3: {  	[timem:s8], [sflag:s22] =	dma.local [hbm:s6], s20  }
0xa4: {  	_ =	swait.ge [sflag:s22], s20  }
0xa5: {  	s5 =	ssub.s32 $0x0, s20;
	[sflag:s22] =	ssyncset.done $0x0  }
0xa6: {  	[sflag:s22] =	ssyncadd.s32 s5;
	_ =	sdelay $0x1  }
0xa7: {  	s23 =	simm.s32 $0x1B8B  }
0xa8: {  	_ =	swait.ge [sflag:s23], $0x1  }
0xa9: {  	[sflag:s23] =	ssyncset.done $0x0  }
0xaa: {  	s25 =	simm.s32 $0x1B8E;
	s24 =	sld [smem:$0x3FFE];
	[sflag:s23] =	ssyncadd.s32 $0xFFFFFFFF  }
0xab: {  	s26 =	simm.s32 $execute0_lowered;
	[smem:$0x3FD2] =	sst s25  }
0xac: {  	s6 =	sshll.u32 s26, $0x1;
	_ =	strace $0x8000004C;
	[dreg:$0x1] =	wrdreg $0xFFFFFFFF  }
0xad: {  	s28 =	simm.s32 $_size_execute0_lowered;
	s4 =	sadd.s32 s4, s6;
	[dreg:$0x0] =	wrdreg $0x0  }
0xae: {  	s6 =	sshll.u32 s28, $0x1;
	[dreg:$0x2] =	wrdreg s4  }
0xaf: {  	[dreg:$0x3] =	wrdreg s6  }
0xb0: {  	[dreg:$0x4] =	wrdreg $0xC0  }
0xb1: {  	_ =	task [dreg:s8], $0x5FFFF  }
0xb2: {  	[dreg:$0x1] =	wrdreg $0xFFFFFFFF  }
0xb3: {  	[dreg:$0x0] =	wrdreg $0x60  }
0xb4: {  	[dreg:$0x2] =	wrdreg s16  }
0xb5: {  	[dreg:$0x3] =	wrdreg s15  }
0xb6: {  	[dreg:$0x4] =	wrdreg s24  }
0xb7: {  	[dreg:$0x5] =	wrdreg $0x9  }
0xb8: {  	_ =	task.clear_ibuf [dreg:s8], $0x6FFFF;
	_ =	strace $0x9000004C  }
0xb9: {  	s29 =	simm.s32 $0x9;
	_ =	strace $0x8000004E  }
0xba: {  	_ =	swait.ge [sflag:s29], $0x1  }
0xbb: {  	[sflag:s29] =	ssyncadd.s32 $0xFFFFFFFF  }
0xbc: {  	_ =	strace $0x9000004E  }
0xbd: {  	_ =	sfence  }
0xbe: {  	s30 =	sld [smem:$0x0];
	_ =	sdelay $0x2  }
0xbf: {  	s31 =	sshll.u32 s1, $0xD;
	s1 =	sshrl.u32 s1, $0x2  }
0xc0: {  	s3 =	sand.u32 $0x4000, s31;
	s1 =	sadd.s32 s1, s30  }
0xc1: {  	s0 =	sor.u32 s3, s0;
	s1 =	sshll.u32 s1, $0x11  }
0xc2: {  	s0 =	sor.u32 s1, s0  }
0xc3: {  	s0 =	sadd.s32 $0x8F2B, s0  }
0xc4: {  	[sflag:s0] =	ssyncadd.remote.s32 $0x1  }
0xc5: {  	_ =	sfence.sel $0xFFFF  }
0xc6: {  	[dreg:$0x0] =	wrdreg $0xFFFFFFFF;
	(pc) =	sbr.abs _section_cstart, $3  }
0xc7: {  	[dreg:$0x1] =	wrdreg $0xFFFFFFFF  }
0xc8: {  	_ =	task.clear_ibuf [dreg:s8], $0x2FFFF;
	_ =	strace $0x9FFFFFFF  }
0xc9: {  	(tm) =	ssettm $0x7FFFFFFF  }
tec
execute0_lowered:
.L_overlay_start_1:
0x0: {  	(tag) =	ssettag $0x1  }
0x1: {  	s1 =	rddreg [dreg:$0x0];
	s2 =	srdreg.scid  }
0x2: {  	s4 =	rddreg [dreg:$0x1];
	s0 =	stileid.u32  }
0x3: {  	s8 =	rddreg [dreg:$0x2];
	s3 =	simm.s32 $0x0;
	s6 =	sand.u32 $0x1, s2  }
0x4: {  	s7 =	sshll.u32 s0, $0x5;
	s2 =	rddreg [dreg:$0x3];
	s5 =	sshll.u32 s6, $0x9  }
0x5: {  	[smem:$0x7FF] =	sst s3;
	s9 =	sor.u32 s7, s5  }
0x6: {  	_ =	strace $0x8000004D;
	s10 =	ssub.s32 $0x2, s6;
	s5 =	sshrl.u32 s9, $0x3  }
0x7: {  	s6 =	simm.s32 $0x20;
	s5 =	sadd.s32 s4, s5;
	s4 =	simm.s32 $0x2  }
0x8: {  	[tilespmem:s3], [sflag:$0x2] =	stream.linear.gather [hbm4b:s5+s3], $0x20, $0x38;
	[tilespmem:$0x220] =	vst v63  }
0x9: {  	s7 =	simm.s32 $0x1;
	s11 =	sshrl.u32 s10, $0x1;
	_ =	swait.ge [sflag:s4], $0x20  }
0xa: {  	s9 =	sshll.u32 s9, $0x1;
	s31 =	ssub.s32 s10, s11;
	[sflag:s4] =	ssyncset.done $0x0  }
0xb: {  	s8 =	sadd.s32 s9, s8;
	s9 =	smax.u32 s31, $0x1;
	[sflag:s4] =	ssyncadd.s32 $0xFFFFFFE0  }
0xc: {  	[tilespmem:s6], [sflag:$0x1] =	stream.indirect.gather [hbm4b:s1+s6], $0x10, s3, s6, $0xb8;
	[tilespmem:$0x220] =	vst v63  }
0xd: {  	p0 =	sne.s32 s9, $0x1;
	_ =	swait.ge [sflag:s7], $0x200  }
.Ltmp0:
0xe: {  	[sflag:s7] =	ssyncset.done $0x0;
	(pc) =	sbr.rel @!p0 .LBB2_2-.Ltmp0, $4  }
0xf: {  	s8 =	sadd.s32 $0x2000, s8;
	[sflag:s7] =	ssyncadd.s32 $0xFFFFFE00  }
0x10: {  	[hbm4b:s8+s3] =	stream.linear.scatter [tilespmem:s6], [sflag:$0x2], $0x200, $0x38;
	[tilespmem:$0x220] =	vst v63  }
0x11: {  	_ =	swait.ge [sflag:s4], $0x200  }
0x12: {  	s9 =	sadd.s32 $0xFFFFFFFF, s9;
	[sflag:s4] =	ssyncset.done $0x0  }
.LBB2_1:
0x13: {  	p0 =	sne.s32 s9, $0x1;
	s9 =	sadd.s32 $0xFFFFFFFF, s9;
	[sflag:s4] =	ssyncadd.s32 $0xFFFFFE00  }
0x14: {  	[tilespmem:s3], [sflag:$0x2] =	stream.linear.gather [hbm4b:s5+s3], $0x20, $0x38;
	[tilespmem:$0x220] =	vst v63  }
0x15: {  	_ =	swait.ge [sflag:s4], $0x20  }
0x16: {  	[sflag:s4] =	ssyncset.done $0x0  }
0x17: {  	[sflag:s4] =	ssyncadd.s32 $0xFFFFFFE0  }
0x18: {  	[tilespmem:s6], [sflag:$0x1] =	stream.indirect.gather [hbm4b:s1+s6], $0x10, s3, s6, $0xb8;
	[tilespmem:$0x220] =	vst v63  }
0x19: {  	_ =	swait.ge [sflag:s7], $0x200  }
.Ltmp1:
0x1a: {  	[sflag:s7] =	ssyncset.done $0x0;
	(pc) =	sbr.rel @p0 .LBB2_1-.Ltmp1, $4  }
0x1b: {  	[sflag:s7] =	ssyncadd.s32 $0xFFFFFE00  }
0x1c: {  	[hbm4b:s8+s3] =	stream.linear.scatter [tilespmem:s6], [sflag:$0x2], $0x200, $0x38;
	[tilespmem:$0x220] =	vst v63  }
0x1d: {  	_ =	swait.ge [sflag:s4], $0x200  }
0x1e: {  	[sflag:s4] =	ssyncset.done $0x0  }
.LBB2_2:
0x1f: {  	[sflag:s4] =	ssyncadd.s32 $0xFFFFFE00  }
0x20: {  	_ =	sfence.sel $0x180000  }
0x21: {  	[bflag:$0x0] =	sbarrier.arrive $0xFFFF  }
0x22: {  	p0 =	sne.s32 s0, $0x0;
	_ =	strace $0x9000004D  }
0x23: {  	s0 =	sadd.s32 @!p0 $0x100000, s2;
	[bflag:$0x2] =	sbarrier.arrive $0xFFFF  }
0x24: {  	[sflag:s0] =	ssyncadd.tile.s32 @!p0 $0x1;
	_ =	shalt  }
.Lfunc_end2:
_tile_overlayer_lowered:
.L_overlay_start_2:
0x25: {  	(tag) =	ssettag $0x2  }
0x26: {  	s0 =	rddreg [dreg:$0x0];
	s2 =	stileid.u32  }
0x27: {  	s1 =	rddreg [dreg:$0x1];
	p0 =	sne.s32 s2, $0x0  }
0x28: {  	s3 =	rddreg [dreg:$0x2];
	[bflag:$0x3] =	sbarrier.arrive $0xFFFF;
	s2 =	simm.s32 @!p0 $0x1C02  }
0x29: {  	[timem:s3], [sflag:s2] =	dma.local @!p0 [hbm:s0], s1  }
0x2a: {  	s0 =	simm.s32 @!p0 $0x2  }
0x2b: {  	_ =	swait.ge @!p0 [sflag:s0], s1  }
0x2c: {  	s1 =	ssub.s32 @!p0 $0x0, s1;
	[sflag:s0] =	ssyncset.done @!p0 $0x0  }
0x2d: {  	[sflag:s0] =	ssyncadd.s32 @!p0 s1  }
0x2e: {  	[bflag:$0x3] =	sbarrier.arrive $0xFFFF  }
0x2f: {  	_ =	shalt  }

// kernel: kernel.8.cloned.1.call-start
scs
__scs_entry_jumppad:
0x0: {  	(pc) =	sbr.rel $0x88, $3  }
0x1: {  	(tag) =	ssettag $0x0;
	lr =	simm.s32 $0x1  }
0x2: {  	[smem:$0x3F98] =	sst lr;
	_ =	strace $0xD0000000  }
0x3: {  	_ = 	snop  }
0x4: {  	_ = 	snop  }
0x5: {  	_ = 	snop  }
0x6: {  	_ = 	snop  }
0x7: {  	_ = 	snop  }
__scs_overlays_trampoline_lowered:
0x8: {  	[smem:$0x3FA7] =	sst s0  }
0x9: {  	[smem:$0x3FA8] =	sst s1  }
0xa: {  	[smem:$0x3FA9] =	sst s2  }
0xb: {  	[smem:$0x3FAA] =	sst s3  }
0xc: {  	[smem:$0x3FAB] =	sst s4  }
0xd: {  	[smem:$0x3FAC] =	sst s5  }
0xe: {  	[smem:$0x3FAD] =	sst s6  }
0xf: {  	[smem:$0x3FAE] =	sst s7  }
0x10: {  	[smem:$0x3FAF] =	sst s8  }
0x11: {  	[smem:$0x3FB0] =	sst s9;
	s0 =	simm.s32 @!p0 $0x0  }
0x12: {  	s1 =	sld [smem:$0x3F96];
	s0 =	simm.s32 @p0 $0x1  }
0x13: {  	[smem:$0x3FB1] =	sst s0;
	s0 =	simm.s32 @!p1 $0x0  }
0x14: {  	s2 =	sld [smem:$0x3F95];
	s0 =	simm.s32 @p1 $0x1  }
0x15: {  	[smem:$0x3FB2] =	sst s0;
	s0 =	simm.s32 @!p2 $0x0  }
0x16: {  	s3 =	sld [smem:$0x3FDB];
	s0 =	simm.s32 @p2 $0x1  }
0x17: {  	s4 =	simm.s32 $0x1BF5;
	[smem:$0x3FB4] =	sst s0  }
0x18: {  	s0 =	sld [smem:$0x3F97];
	_ =	swait.ge [sflag:s4], $0x0  }
0x19: {  	s7 =	sld [smem:$0x3F98]  }
0x1a: {  	s8 =	sadd.s32 $0xFFFFE003, lr  }
0x1b: {  	s9 =	sadd.s32 $0xFFFFFEF7, lr;
	s5 =	simm.s32 $0xFFFFFFFF;
	p2 =	slt.u32 s8, $0xFFFFF086  }
0x1c: {  	p1 =	slt.u32 s9, $0xF7A;
	s5 =	simm.s32 @!p2 $0x0  }
0x1d: {  	s5 =	simm.s32 @p1 $0x1;
	p0 =	seq.s32 s7, s2  }
0x1e: {  	s7 =	smul.u32 @!p0 $0xF7A, s2;
	p2 =	seq.s32 @!p0 s5, $0x0  }
0x1f: {  	s9 =	smul.u32 $0xF7A, s1;
	s8 =	simm.s32 @!p0 $0x1BF5;
	p2 =	por !p2, p0  }
0x20: {  	[sflag:s8] =	ssyncset.s32 @!p0 $0xFFFFF086;
	s6 =	sadd.s32 @!p0 s3, s7;
	s7 =	simm.s32 @!p0 $0x108  }
0x21: {  	s3 =	sadd.s32 s3, s9;
	s6 =	sadd.s32 @!p0 $0x88, s6;
	s7 =	simm.s32 @p2 $0x1082  }
0x22: {  	[simem:s7], [sflag:s8] =	dma.local @!p0 [hbm:s6], $0xF7A  }
0x23: {  	s9 =	sor.u32 $0xD0000000, s2;
	s6 =	simm.s32 $0x108;
	_ =	swait.ge @!p0 [sflag:s8], $0x0  }
0x24: {  	s3 =	sadd.s32 $0x88, s3;
	s6 =	simm.s32 @!p1 $0x1082;
	[sflag:s4] =	ssyncset.s32 $0xFFFFF086  }
0x25: {  	[simem:s6], [sflag:s4] =	dma.local [hbm:s3], $0xF7A  }
0x26: {  	[smem:$0x3F98] =	sst s1;
	(tag) =	ssettag s2;
	_ =	strace s9  }
0x27: {  	s1 =	sld [smem:$0x3FA8]  }
0x28: {  	s2 =	sld [smem:$0x3FA9]  }
0x29: {  	s4 =	sld [smem:$0x3FAB]  }
0x2a: {  	p0 =	seq.s32 s5, $0x0;
	s5 =	sld [smem:$0x3FAC]  }
0x2b: {  	s6 =	sld [smem:$0x3FAD]  }
0x2c: {  	s7 =	sld [smem:$0x3FAE]  }
0x2d: {  	s3 =	simm.s32 $0x108;
	s8 =	sld [smem:$0x3FAF]  }
0x2e: {  	s3 =	simm.s32 @!p0 $0x1082;
	s9 =	sld [smem:$0x3FB0]  }
0x2f: {  	lr =	sadd.s32 s0, s3;
	s0 =	sld [smem:$0x3FA7]  }
0x30: {  	s3 =	sld [smem:$0x3FAA]  }
0x31: {  	[smem:$0x3FB3] =	sst s10  }
0x32: {  	s10 =	sld [smem:$0x3FB1];
	_ =	sdelay $0x3  }
0x33: {  	p0 =	seq.s32 s10, $0x1;
	s10 =	sld [smem:$0x3FB3];
	_ =	sdelay $0x3  }
0x34: {  	[smem:$0x3FB3] =	sst s10  }
0x35: {  	s10 =	sld [smem:$0x3FB2];
	_ =	sdelay $0x3  }
0x36: {  	p1 =	seq.s32 s10, $0x1;
	s10 =	sld [smem:$0x3FB3];
	_ =	sdelay $0x3  }
0x37: {  	[smem:$0x3FB3] =	sst s10  }
0x38: {  	s10 =	sld [smem:$0x3FB4]  }
0x39: {  	_ = 	snop;
	(pc) =	sbr.ind lr, $3  }
0x3a: {  	_ = 	snop  }
0x3b: {  	_ = 	snop  }
0x3c: {  	p2 =	seq.s32 s10, $0x1;
	s10 =	sld [smem:$0x3FB3]  }
0x3d: {  	_ =	shalt  }
0x3e: {  	_ =	shalt  }
0x3f: {  	_ =	shalt  }
0x40: {  	_ =	shalt  }
0x41: {  	_ =	shalt  }
0x42: {  	_ =	shalt  }
0x43: {  	_ =	shalt  }
0x44: {  	_ =	shalt  }
0x45: {  	_ =	shalt  }
0x46: {  	_ =	shalt  }
0x47: {  	_ =	shalt  }
0x48: {  	_ =	shalt  }
0x49: {  	_ =	shalt  }
0x4a: {  	_ =	shalt  }
0x4b: {  	_ =	shalt  }
0x4c: {  	_ =	shalt  }
0x4d: {  	_ =	shalt  }
0x4e: {  	_ =	shalt  }
0x4f: {  	_ =	shalt  }
0x50: {  	_ =	shalt  }
0x51: {  	_ =	shalt  }
0x52: {  	_ =	shalt  }
0x53: {  	_ =	shalt  }
0x54: {  	_ =	shalt  }
0x55: {  	_ =	shalt  }
0x56: {  	_ =	shalt  }
0x57: {  	_ =	shalt  }
0x58: {  	_ =	shalt  }
0x59: {  	_ =	shalt  }
0x5a: {  	_ =	shalt  }
0x5b: {  	_ =	shalt  }
0x5c: {  	_ =	shalt  }
0x5d: {  	_ =	shalt  }
0x5e: {  	_ =	shalt  }
0x5f: {  	_ =	shalt  }
0x60: {  	_ =	shalt  }
0x61: {  	_ =	shalt  }
0x62: {  	_ =	shalt  }
0x63: {  	_ =	shalt  }
0x64: {  	_ =	shalt  }
0x65: {  	_ =	shalt  }
0x66: {  	_ =	shalt  }
0x67: {  	_ =	shalt  }
0x68: {  	_ =	shalt  }
0x69: {  	_ =	shalt  }
0x6a: {  	_ =	shalt  }
0x6b: {  	_ =	shalt  }
0x6c: {  	_ =	shalt  }
0x6d: {  	_ =	shalt  }
0x6e: {  	_ =	shalt  }
0x6f: {  	_ =	shalt  }
0x70: {  	_ =	shalt  }
0x71: {  	_ =	shalt  }
0x72: {  	_ =	shalt  }
0x73: {  	_ =	shalt  }
0x74: {  	_ =	shalt  }
0x75: {  	_ =	shalt  }
0x76: {  	_ =	shalt  }
0x77: {  	_ =	shalt  }
0x78: {  	_ =	shalt  }
0x79: {  	_ =	shalt  }
0x7a: {  	_ =	shalt  }
0x7b: {  	_ =	shalt  }
0x7c: {  	_ =	shalt  }
0x7d: {  	_ =	shalt  }
0x7e: {  	_ =	shalt  }
0x7f: {  	_ =	shalt  }
0x80: {  	_ =	shalt  }
0x81: {  	_ =	shalt  }
0x82: {  	_ =	shalt  }
0x83: {  	_ =	shalt  }
0x84: {  	_ =	shalt  }
0x85: {  	_ =	shalt  }
0x86: {  	_ =	shalt  }
0x87: {  	_ =	shalt  }
.Lfunc_end0:
.L_simem_size_0:
called_computation_lowered:
.L_overlay_start_0:
0x88: {  	s2 =	sld [smem:$0x3FD9]  }
0x89: {  	s3 =	sld [smem:$0x3FFE];
	_ =	sdelay $0x1  }
0x8a: {  	s1 =	srdreg.scid  }
0x8b: {  	s0 =	sand.u32 $0x1, s1  }
0x8c: {  	s16 =	sshll.u32 s0, $0xA;
	s2 =	sadd.s32 s3, s2  }
0x8d: {  	s2 =	sadd.s32 s2, s16  }
0x8e: {  	[smem:$0x3FBF] =	sst s2  }
0x8f: {  	_ = 	snop  }
0x90: {  	(tm) =	ssettm $0x1  }
0x91: {  	s17 =	sld [smem:$0x3FFB];
	_ =	sdelay $0x3  }
0x92: {  	_ =	strace s17  }
0x93: {  	s2 =	sld [smem:$0x3FFC];
	_ =	sdelay $0x3  }
0x94: {  	_ =	strace s2  }
0x95: {  	s2 =	sld [smem:$0x3FFD];
	_ =	sdelay $0x3  }
0x96: {  	_ =	strace s2  }
0x97: {  	_ =	strace $0x8FFFFFFF  }
0x98: {  	s18 =	sld [smem:$0x3FDB];
	_ =	sdelay $0x1  }
0x99: {  	s19 =	simm.s32 $_scs_section_size  }
0x9a: {  	s4 =	simm.s32 $_size__tile_overlayer_lowered;
	s5 =	simm.s32 $_tile_overlayer_lowered  }
0x9b: {  	s22 =	simm.s32 $0x1BFF;
	s21 =	sshll.u32 s5, $0x1;
	s2 =	sadd.s32 s19, s18  }
0x9c: {  	s6 =	simm.s32 $0x0;
	s20 =	sshll.u32 s4, $0x1;
	s4 =	sadd.s32 s21, s2  }
0x9d: {  	[timem:s6], [sflag:s22] =	dma.local [hbm:s4], s20  }
0x9e: {  	_ =	swait.ge [sflag:s22], s20  }
0x9f: {  	s3 =	ssub.s32 $0x0, s20;
	[sflag:s22] =	ssyncset.done $0x0  }
0xa0: {  	[sflag:s22] =	ssyncadd.s32 s3;
	_ =	sdelay $0x1  }
0xa1: {  	s23 =	simm.s32 $0x1B8B  }
0xa2: {  	_ =	swait.ge [sflag:s23], $0x1  }
0xa3: {  	[sflag:s23] =	ssyncset.done $0x0  }
0xa4: {  	s25 =	simm.s32 $0x1B8E;
	s24 =	sld [smem:$0x3FFE];
	[sflag:s23] =	ssyncadd.s32 $0xFFFFFFFF  }
0xa5: {  	s26 =	simm.s32 $execute0_lowered;
	[smem:$0x3FD2] =	sst s25  }
0xa6: {  	s4 =	sshll.u32 s26, $0x1;
	_ =	strace $0x80000046;
	[dreg:$0x1] =	wrdreg $0xFFFFFFFF  }
0xa7: {  	s28 =	simm.s32 $_size_execute0_lowered;
	s2 =	sadd.s32 s2, s4;
	[dreg:$0x0] =	wrdreg $0x0  }
0xa8: {  	s4 =	sshll.u32 s28, $0x1;
	[dreg:$0x2] =	wrdreg s2  }
0xa9: {  	[dreg:$0x3] =	wrdreg s4  }
0xaa: {  	[dreg:$0x4] =	wrdreg $0xC0  }
0xab: {  	_ =	task [dreg:s6], $0x5FFFF  }
0xac: {  	[dreg:$0x1] =	wrdreg $0xFFFFFFFF  }
0xad: {  	[dreg:$0x0] =	wrdreg $0x60  }
0xae: {  	[dreg:$0x2] =	wrdreg s24  }
0xaf: {  	[dreg:$0x3] =	wrdreg $0x0  }
0xb0: {  	[dreg:$0x4] =	wrdreg $0x50000  }
0xb1: {  	[dreg:$0x5] =	wrdreg $0xA0000  }
0xb2: {  	[dreg:$0x6] =	wrdreg $0x9  }
0xb3: {  	_ =	task.clear_ibuf [dreg:s6], $0x7FFFF;
	_ =	strace $0x90000046  }
0xb4: {  	s29 =	simm.s32 $0x9;
	_ =	strace $0x80000048  }
0xb5: {  	_ =	swait.ge [sflag:s29], $0x1  }
0xb6: {  	[sflag:s29] =	ssyncadd.s32 $0xFFFFFFFF  }
0xb7: {  	_ =	strace $0x90000048  }
0xb8: {  	_ =	sfence  }
0xb9: {  	s30 =	sld [smem:$0x0];
	_ =	sdelay $0x2  }
0xba: {  	s31 =	sshll.u32 s1, $0xD;
	s1 =	sshrl.u32 s1, $0x2  }
0xbb: {  	s3 =	sand.u32 $0x4000, s31;
	s1 =	sadd.s32 s1, s30  }
0xbc: {  	s0 =	sor.u32 s3, s0;
	s1 =	sshll.u32 s1, $0x11  }
0xbd: {  	s0 =	sor.u32 s1, s0  }
0xbe: {  	s0 =	sadd.s32 $0x8F2B, s0  }
0xbf: {  	[sflag:s0] =	ssyncadd.remote.s32 $0x1  }
0xc0: {  	_ =	sfence.sel $0xFFFF  }
0xc1: {  	[dreg:$0x0] =	wrdreg $0xFFFFFFFF;
	(pc) =	sbr.abs _section_cstart, $3  }
0xc2: {  	[dreg:$0x1] =	wrdreg $0xFFFFFFFF  }
0xc3: {  	_ =	task.clear_ibuf [dreg:s6], $0x2FFFF;
	_ =	strace $0x9FFFFFFF  }
0xc4: {  	(tm) =	ssettm $0x7FFFFFFF  }
0xc5: {  	_ =	shalt  }
tec
execute0_lowered:
.L_overlay_start_1:
0x0: {  	(tag) =	ssettag $0x1  }
0x1: {  	s0 =	rddreg [dreg:$0x0]  }
0x2: {  	s1 =	rddreg [dreg:$0x1]  }
0x3: {  	s2 =	rddreg [dreg:$0x2]  }
0x4: {  	s3 =	srdreg.scid;
	s4 =	rddreg [dreg:$0x3]  }
0x5: {  	s12 =	stileid.u32;
	s7 =	simm.s32 $0x0;
	s17 =	simm.s32 $0x3  }
0x6: {  	s28 =	simm.s32 $0x14800;
	s29 =	simm.s32 $0x15800;
	s6 =	smul.u32 $0x5000, s12  }
0x7: {  	s30 =	simm.s32 $0x16800;
	s31 =	simm.s32 $0x17800;
	s19 =	smul.u32 $0xA000, s12  }
0x8: {  	s16 =	simm.s32 $0x1;
	s3 =	sand.u32 $0x1, s3;
	s21 =	smul.u32 $0x2800, s12  }
0x9: {  	[smem:$0x7FF] =	sst s7;
	s5 =	sshll.u32 s3, $0x4;
	s8 =	smul.u32 $0xA000, s3  }
0xa: {  	_ =	strace $0x80000047;
	s10 =	smul.u32 $0x5000, s3;
	s3 =	ssub.s32 $0x2, s3  }
0xb: {  	s5 =	sor.u32 s12, s5;
	s18 =	sshrl.u32 s6, $0x3;
	s11 =	sshrl.u32 s3, $0x1  }
0xc: {  	s22 =	sadd.s32 s6, s1;
	s23 =	sshrl.u32 s19, $0x2;
	s6 =	sadd.s32 s6, s2  }
0xd: {  	s5 =	smul.u32 $0x500, s5;
	s9 =	sadd.s32 s18, s0;
	s8 =	sadd.s32 s8, s0  }
0xe: {  	s3 =	ssub.s32 s3, s11;
	[dreg:$0x7] =	wrdreg s22;
	s11 =	sadd.s32 s23, s4  }
0xf: {  	s19 =	sshrl.u32 s6, $0x3;
	s23 =	simm.s32 $0x11800;
	s9 =	sadd.s32 $0x2000, s9  }
0x10: {  	s24 =	sadd.s32 $0x800, s11;
	s25 =	sadd.s32 $0x1000, s11;
	s26 =	sadd.s32 $0x1800, s11  }
0x11: {  	s14 =	sadd.s32 $0x2000, s11;
	s8 =	sadd.s32 $0x20000, s8;
	s15 =	smax.u32 s3, $0x1  }
0x12: {  	s3 =	simm.s32 $0x0;
	s5 =	sadd.s32 s5, s0;
	[dreg:$0x8] =	wrdreg s24  }
0x13: {  	s0 =	sadd.s32 s10, s0;
	s10 =	sadd.s32 s21, s4;
	[dreg:$0x9] =	wrdreg s25  }
0x14: {  	[dreg:$0xa] =	wrdreg s26;
	s22 =	sadd.s32 s18, s8;
	s25 =	simm.s32 $0x12800  }
0x15: {  	s26 =	simm.s32 $0x13800;
	s18 =	simm.s32 $0x2;
	s20 =	sadd.s32 $0x16000, s5  }
0x16: {  	s5 =	sadd.s32 $0xC000, s5;
	s0 =	sadd.s32 $0x34000, s0;
	[dreg:$0x5] =	wrdreg s20  }
0x17: {  	[dreg:$0x6] =	wrdreg s5;
	s5 =	sshrl.u32 s21, $0x3;
	s20 =	simm.s32 $0x19800  }
0x18: {  	v0 =	vimm.f32 $0.0e+00;
	v1 =	vimm.f32 $1.000000000e+00;
	s21 =	simm.s32 $0x80;
	s24 =	sadd.s32 s5, s0;
	s0 =	simm.s32 $0x18800  }
.LBB2_1:
0x19: {  	s5 =	simm.s32 $0x0;
	s6 =	rddreg [dreg:$0x5];
	s7 =	simm.s32 $0xC800  }
0x1a: {  	[tilespmem:s7], [sflag:$0x3] =	stream.linear.gather [hbm4b:s6+s5], $0x2800, $0x38;
	[tilespmem:$0x1A000] =	vst v63  }
0x1b: {  	_ =	swait.ge [sflag:s17], $0x2800  }
0x1c: {  	[sflag:s17] =	ssyncset.done $0x0  }
0x1d: {  	s11 =	simm.s32 $0xF000;
	s8 =	rddreg [dreg:$0x6];
	[sflag:s17] =	ssyncadd.s32 $0xFFFFD800  }
0x1e: {  	[tilespmem:s11], [sflag:$0x3] =	stream.linear.gather [hbm4b:s8+s5], $0x2800, $0x38;
	[tilespmem:$0x1A000] =	vst v63  }
0x1f: {  	s12 =	stileid.u32;
	_ =	swait.ge [sflag:s17], $0x2800  }
0x20: {  	s5 =	sshll.u32 s12, $0x6;
	[sflag:s17] =	ssyncset.done $0x0;
	s13 =	rddreg [dreg:$0x7]  }
0x21: {  	s5 =	sor.u32 $0x1C03, s5;
	[sflag:s17] =	ssyncadd.s32 $0xFFFFD800;
	s6 =	sshrl.u32 s13, $0x3  }
0x22: {  	[spmem:s6], [sflag:s5] =	dma.local [hbm:s9], $0xA00  }
0x23: {  	_ =	swait.ge [sflag:s17], $0xA00  }
0x24: {  	[sflag:s17] =	ssyncset.done $0x0  }
0x25: {  	[sflag:s17] =	ssyncadd.s32 $0xFFFFF600  }
0x26: {  	[spmem:s19], [sflag:s5] =	dma.local [hbm:s9], $0xA00  }
0x27: {  	_ =	swait.ge [sflag:s17], $0xA00  }
0x28: {  	[sflag:s17] =	ssyncset.done $0x0  }
0x29: {  	s7 =	simm.s32 $0x40;
	s8 =	simm.s32 $0x0;
	[sflag:s17] =	ssyncadd.s32 $0xFFFFF600  }
.LBB2_2:
0x2a: {  	p0 =	sne.s32 s7, $0x1FC0;
	[tilespmem:s8+$0x19800] =	vst v0;
	s8 =	smov.u32 s7;
	s7 =	sadd.s32 $0x40, s7  }
.Ltmp0:
0x2b: {  	(pc) =	sbr.rel @p0 .LBB2_2-.Ltmp0, $2  }
0x2c: {  	_ =	sdelay $0x2  }
0x2d: {  	s8 =	sshra.s32 s8, $0x2  }
0x2e: {  	[tilespmem:s8+$0x19800] =	vst v0  }
0x2f: {  	[spmem:s10] =	stream.linear.scatter [tilespmem:s20], [sflag:$0x3], $0x800, $0x38;
	[tilespmem:$0x1A000] =	vst v63  }
0x30: {  	_ =	swait.ge [sflag:s17], $0x800  }
0x31: {  	[sflag:s17] =	ssyncset.done $0x0  }
0x32: {  	s7 =	rddreg [dreg:$0x8];
	[sflag:s17] =	ssyncadd.s32 $0xFFFFF800  }
0x33: {  	[spmem:s7] =	stream.linear.scatter [tilespmem:s20], [sflag:$0x3], $0x800, $0x38;
	[tilespmem:$0x1A000] =	vst v63  }
0x34: {  	_ =	swait.ge [sflag:s17], $0x800  }
0x35: {  	[sflag:s17] =	ssyncset.done $0x0  }
0x36: {  	s12 =	rddreg [dreg:$0x9];
	[sflag:s17] =	ssyncadd.s32 $0xFFFFF800  }
0x37: {  	[spmem:s12] =	stream.linear.scatter [tilespmem:s20], [sflag:$0x3], $0x800, $0x38;
	[tilespmem:$0x1A000] =	vst v63  }
0x38: {  	_ =	swait.ge [sflag:s17], $0x800  }
0x39: {  	[sflag:s17] =	ssyncset.done $0x0  }
0x3a: {  	s13 =	rddreg [dreg:$0xa];
	[sflag:s17] =	ssyncadd.s32 $0xFFFFF800  }
0x3b: {  	[spmem:s13] =	stream.linear.scatter [tilespmem:s20], [sflag:$0x3], $0x800, $0x38;
	[tilespmem:$0x1A000] =	vst v63  }
0x3c: {  	_ =	swait.ge [sflag:s17], $0x800  }
0x3d: {  	[sflag:s17] =	ssyncset.done $0x0  }
0x3e: {  	[sflag:s17] =	ssyncadd.s32 $0xFFFFF800  }
0x3f: {  	[spmem:s14] =	stream.linear.scatter [tilespmem:s20], [sflag:$0x3], $0x800, $0x38;
	[tilespmem:$0x1A000] =	vst v63  }
0x40: {  	_ =	swait.ge [sflag:s17], $0x800  }
0x41: {  	[sflag:s17] =	ssyncset.done $0x0  }
0x42: {  	s8 =	simm.s32 $0x0;
	s7 =	simm.s32 $0x40;
	[sflag:s17] =	ssyncadd.s32 $0xFFFFF800  }
.LBB2_4:
0x43: {  	p0 =	sne.s32 s7, $0x1FC0;
	[tilespmem:s8+$0x19800] =	vst v1;
	s8 =	smov.u32 s7;
	s7 =	sadd.s32 $0x40, s7  }
.Ltmp1:
0x44: {  	(pc) =	sbr.rel @p0 .LBB2_4-.Ltmp1, $2  }
0x45: {  	_ =	sdelay $0x2  }
0x46: {  	s8 =	sshra.s32 s8, $0x2  }
0x47: {  	[tilespmem:s8+$0x19800] =	vst v1  }
0x48: {  	s7 =	simm.s32 $0xC800;
	[bflag:$0x0] =	sbarrier.arrive $0xFFFF  }
0x49: {  	[tilespmem:s23], [sflag:$0x1] =	stream.indirect.gather [spmem:s2], $0x20, s7, s21, $0xb8;
	[tilespmem:$0x1A000] =	vst v63  }
0x4a: {  	s11 =	simm.s32 $0xC880  }
0x4b: {  	[tilespmem:s25], [sflag:$0x1] =	stream.indirect.gather [spmem:s2], $0x20, s11, s21, $0xb8;
	[tilespmem:$0x1A000] =	vst v63  }
0x4c: {  	s12 =	simm.s32 $0xC900  }
0x4d: {  	[tilespmem:s26], [sflag:$0x1] =	stream.indirect.gather [spmem:s2], $0x20, s12, s21, $0xb8;
	[tilespmem:$0x1A000] =	vst v63  }
0x4e: {  	s13 =	simm.s32 $0xC980  }
0x4f: {  	[tilespmem:s28], [sflag:$0x1] =	stream.indirect.gather [spmem:s2], $0x20, s13, s21, $0xb8;
	[tilespmem:$0x1A000] =	vst v63  }
0x50: {  	s8 =	simm.s32 $0xCA00  }
0x51: {  	[tilespmem:s29], [sflag:$0x1] =	stream.indirect.gather [spmem:s2], $0x20, s8, s21, $0xb8;
	[tilespmem:$0x1A000] =	vst v63  }
0x52: {  	s11 =	simm.s32 $0xCA80  }
0x53: {  	[tilespmem:s30], [sflag:$0x1] =	stream.indirect.gather [spmem:s2], $0x20, s11, s21, $0xb8;
	[tilespmem:$0x1A000] =	vst v63  }
0x54: {  	s12 =	simm.s32 $0xCB00  }
0x55: {  	[tilespmem:s31], [sflag:$0x1] =	stream.indirect.gather [spmem:s2], $0x20, s12, s21, $0xb8;
	[tilespmem:$0x1A000] =	vst v63  }
0x56: {  	s13 =	simm.s32 $0xCB80  }
0x57: {  	[tilespmem:s0], [sflag:$0x1] =	stream.indirect.gather [spmem:s2], $0x20, s13, s21, $0xb8;
	[tilespmem:$0x1A000] =	vst v63  }
0x58: {  	_ =	swait.ge [sflag:s16], $0x1000  }
0x59: {  	[sflag:s16] =	ssyncset.done $0x0  }
0x5a: {  	[sflag:s16] =	ssyncadd.s32 $0xFFFFF000  }
0x5b: {  	_ =	swait.ge [sflag:s16], $0x1000  }
0x5c: {  	[sflag:s16] =	ssyncset.done $0x0  }
0x5d: {  	[sflag:s16] =	ssyncadd.s32 $0xFFFFF000  }
0x5e: {  	_ =	swait.ge [sflag:s16], $0x1000  }
0x5f: {  	[sflag:s16] =	ssyncset.done $0x0  }
0x60: {  	[sflag:s16] =	ssyncadd.s32 $0xFFFFF000  }
0x61: {  	_ =	swait.ge [sflag:s16], $0x1000  }
0x62: {  	[sflag:s16] =	ssyncset.done $0x0  }
0x63: {  	[sflag:s16] =	ssyncadd.s32 $0xFFFFF000  }
0x64: {  	_ =	swait.ge [sflag:s16], $0x1000  }
0x65: {  	[sflag:s16] =	ssyncset.done $0x0  }
0x66: {  	[sflag:s16] =	ssyncadd.s32 $0xFFFFF000  }
0x67: {  	_ =	swait.ge [sflag:s16], $0x1000  }
0x68: {  	[sflag:s16] =	ssyncset.done $0x0  }
0x69: {  	[sflag:s16] =	ssyncadd.s32 $0xFFFFF000  }
0x6a: {  	_ =	swait.ge [sflag:s16], $0x1000  }
0x6b: {  	[sflag:s16] =	ssyncset.done $0x0  }
0x6c: {  	[sflag:s16] =	ssyncadd.s32 $0xFFFFF000  }
0x6d: {  	_ =	swait.ge [sflag:s16], $0x1000  }
0x6e: {  	[sflag:s16] =	ssyncset.done $0x0  }
0x6f: {  	s8 =	simm.s32 $0xF000;
	[sflag:s16] =	ssyncadd.s32 $0xFFFFF000  }
0x70: {  	[spmem:s1] =	stream.indirect.scatter.add.f32 [tilespmem:s23], [sflag:$0x2], $0x20, s8, s21, $0xb8;
	[tilespmem:$0x1A000] =	vst v63  }
0x71: {  	_ = 	snop  }
0x72: {  	[spmem:s4] =	stream.indirect.scatter.add.f32 [tilespmem:s20], [sflag:$0x2], $0x10, s8, s21, $0xb8;
	[tilespmem:$0x1A000] =	vst v63  }
0x73: {  	s11 =	simm.s32 $0xF080  }
0x74: {  	[spmem:s1] =	stream.indirect.scatter.add.f32 [tilespmem:s25], [sflag:$0x2], $0x20, s11, s21, $0xb8;
	[tilespmem:$0x1A000] =	vst v63  }
0x75: {  	_ = 	snop  }
0x76: {  	[spmem:s4] =	stream.indirect.scatter.add.f32 [tilespmem:s20], [sflag:$0x2], $0x10, s11, s21, $0xb8;
	[tilespmem:$0x1A000] =	vst v63  }
0x77: {  	s12 =	simm.s32 $0xF100  }
0x78: {  	[spmem:s1] =	stream.indirect.scatter.add.f32 [tilespmem:s26], [sflag:$0x2], $0x20, s12, s21, $0xb8;
	[tilespmem:$0x1A000] =	vst v63  }
0x79: {  	_ = 	snop  }
0x7a: {  	[spmem:s4] =	stream.indirect.scatter.add.f32 [tilespmem:s20], [sflag:$0x2], $0x10, s12, s21, $0xb8;
	[tilespmem:$0x1A000] =	vst v63  }
0x7b: {  	s13 =	simm.s32 $0xF180  }
0x7c: {  	[spmem:s1] =	stream.indirect.scatter.add.f32 [tilespmem:s28], [sflag:$0x2], $0x20, s13, s21, $0xb8;
	[tilespmem:$0x1A000] =	vst v63  }
0x7d: {  	_ = 	snop  }
0x7e: {  	[spmem:s4] =	stream.indirect.scatter.add.f32 [tilespmem:s20], [sflag:$0x2], $0x10, s13, s21, $0xb8;
	[tilespmem:$0x1A000] =	vst v63  }
0x7f: {  	s8 =	simm.s32 $0xF200  }
0x80: {  	[spmem:s1] =	stream.indirect.scatter.add.f32 [tilespmem:s29], [sflag:$0x2], $0x20, s8, s21, $0xb8;
	[tilespmem:$0x1A000] =	vst v63  }
0x81: {  	_ = 	snop  }
0x82: {  	[spmem:s4] =	stream.indirect.scatter.add.f32 [tilespmem:s20], [sflag:$0x2], $0x10, s8, s21, $0xb8;
	[tilespmem:$0x1A000] =	vst v63  }
0x83: {  	s11 =	simm.s32 $0xF280  }
0x84: {  	[spmem:s1] =	stream.indirect.scatter.add.f32 [tilespmem:s30], [sflag:$0x2], $0x20, s11, s21, $0xb8;
	[tilespmem:$0x1A000] =	vst v63  }
0x85: {  	_ = 	snop  }
0x86: {  	[spmem:s4] =	stream.indirect.scatter.add.f32 [tilespmem:s20], [sflag:$0x2], $0x10, s11, s21, $0xb8;
	[tilespmem:$0x1A000] =	vst v63  }
0x87: {  	s12 =	simm.s32 $0xF300  }
0x88: {  	[spmem:s1] =	stream.indirect.scatter.add.f32 [tilespmem:s31], [sflag:$0x2], $0x20, s12, s21, $0xb8;
	[tilespmem:$0x1A000] =	vst v63  }
0x89: {  	_ = 	snop  }
0x8a: {  	[spmem:s4] =	stream.indirect.scatter.add.f32 [tilespmem:s20], [sflag:$0x2], $0x10, s12, s21, $0xb8;
	[tilespmem:$0x1A000] =	vst v63  }
0x8b: {  	s13 =	simm.s32 $0xF380  }
0x8c: {  	[spmem:s1] =	stream.indirect.scatter.add.f32 [tilespmem:s0], [sflag:$0x2], $0x20, s13, s21, $0xb8;
	[tilespmem:$0x1A000] =	vst v63  }
0x8d: {  	_ = 	snop  }
0x8e: {  	[spmem:s4] =	stream.indirect.scatter.add.f32 [tilespmem:s20], [sflag:$0x2], $0x10, s13, s21, $0xb8;
	[tilespmem:$0x1A000] =	vst v63  }
0x8f: {  	_ =	swait.ge [sflag:s18], $0x1000  }
0x90: {  	[sflag:s18] =	ssyncset.done $0x0  }
0x91: {  	[sflag:s18] =	ssyncadd.s32 $0xFFFFF000  }
0x92: {  	_ =	swait.ge [sflag:s18], $0x800  }
0x93: {  	[sflag:s18] =	ssyncset.done $0x0  }
0x94: {  	[sflag:s18] =	ssyncadd.s32 $0xFFFFF800  }
0x95: {  	_ =	swait.ge [sflag:s18], $0x1000  }
0x96: {  	[sflag:s18] =	ssyncset.done $0x0  }
0x97: {  	[sflag:s18] =	ssyncadd.s32 $0xFFFFF000  }
0x98: {  	_ =	swait.ge [sflag:s18], $0x800  }
0x99: {  	[sflag:s18] =	ssyncset.done $0x0  }
0x9a: {  	[sflag:s18] =	ssyncadd.s32 $0xFFFFF800  }
0x9b: {  	_ =	swait.ge [sflag:s18], $0x1000  }
0x9c: {  	[sflag:s18] =	ssyncset.done $0x0  }
0x9d: {  	[sflag:s18] =	ssyncadd.s32 $0xFFFFF000  }
0x9e: {  	_ =	swait.ge [sflag:s18], $0x800  }
0x9f: {  	[sflag:s18] =	ssyncset.done $0x0  }
0xa0: {  	[sflag:s18] =	ssyncadd.s32 $0xFFFFF800  }
0xa1: {  	_ =	swait.ge [sflag:s18], $0x1000  }
0xa2: {  	[sflag:s18] =	ssyncset.done $0x0  }
0xa3: {  	[sflag:s18] =	ssyncadd.s32 $0xFFFFF000  }
0xa4: {  	_ =	swait.ge [sflag:s18], $0x800  }
0xa5: {  	[sflag:s18] =	ssyncset.done $0x0  }
0xa6: {  	[sflag:s18] =	ssyncadd.s32 $0xFFFFF800  }
0xa7: {  	_ =	swait.ge [sflag:s18], $0x1000  }
0xa8: {  	[sflag:s18] =	ssyncset.done $0x0  }
0xa9: {  	[sflag:s18] =	ssyncadd.s32 $0xFFFFF000  }
0xaa: {  	_ =	swait.ge [sflag:s18], $0x800  }
0xab: {  	[sflag:s18] =	ssyncset.done $0x0  }
0xac: {  	[sflag:s18] =	ssyncadd.s32 $0xFFFFF800  }
0xad: {  	_ =	swait.ge [sflag:s18], $0x1000  }
0xae: {  	[sflag:s18] =	ssyncset.done $0x0  }
0xaf: {  	[sflag:s18] =	ssyncadd.s32 $0xFFFFF000  }
0xb0: {  	_ =	swait.ge [sflag:s18], $0x800  }
0xb1: {  	[sflag:s18] =	ssyncset.done $0x0  }
0xb2: {  	[sflag:s18] =	ssyncadd.s32 $0xFFFFF800  }
0xb3: {  	_ =	swait.ge [sflag:s18], $0x1000  }
0xb4: {  	[sflag:s18] =	ssyncset.done $0x0  }
0xb5: {  	[sflag:s18] =	ssyncadd.s32 $0xFFFFF000  }
0xb6: {  	_ =	swait.ge [sflag:s18], $0x800  }
0xb7: {  	[sflag:s18] =	ssyncset.done $0x0  }
0xb8: {  	[sflag:s18] =	ssyncadd.s32 $0xFFFFF800  }
0xb9: {  	_ =	swait.ge [sflag:s18], $0x1000  }
0xba: {  	[sflag:s18] =	ssyncset.done $0x0  }
0xbb: {  	[sflag:s18] =	ssyncadd.s32 $0xFFFFF000  }
0xbc: {  	_ =	swait.ge [sflag:s18], $0x800  }
0xbd: {  	s7 =	simm.s32 $0x2000;
	s11 =	simm.s32 $0x400;
	[sflag:s18] =	ssyncset.done $0x0  }
.LBB2_6:
0xbe: {  	s13 =	sadd.s32 $0xC800, s11  }
0xbf: {  	[sflag:s18] =	ssyncadd.s32 $0xFFFFF800;
	s8 =	smov.u32 s7;
	s12 =	sadd.s32 $0x1000, s7  }
0xc0: {  	[tilespmem:s23], [sflag:$0x1] =	stream.indirect.gather [spmem:s2], $0x20, s13, s21, $0xb8;
	[tilespmem:$0x1A000] =	vst v63  }
0xc1: {  	p0 =	sne.s32 s7, $0x9000;
	s7 =	sadd.s32 $0xC880, s11  }
0xc2: {  	[tilespmem:s25], [sflag:$0x1] =	stream.indirect.gather [spmem:s2], $0x20, s7, s21, $0xb8;
	[tilespmem:$0x1A000] =	vst v63  }
0xc3: {  	s7 =	sadd.s32 $0xC900, s11  }
0xc4: {  	[tilespmem:s26], [sflag:$0x1] =	stream.indirect.gather [spmem:s2], $0x20, s7, s21, $0xb8;
	[tilespmem:$0x1A000] =	vst v63  }
0xc5: {  	s7 =	sadd.s32 $0xC980, s11  }
0xc6: {  	[tilespmem:s28], [sflag:$0x1] =	stream.indirect.gather [spmem:s2], $0x20, s7, s21, $0xb8;
	[tilespmem:$0x1A000] =	vst v63  }
0xc7: {  	s7 =	sadd.s32 $0xCA00, s11  }
0xc8: {  	[tilespmem:s29], [sflag:$0x1] =	stream.indirect.gather [spmem:s2], $0x20, s7, s21, $0xb8;
	[tilespmem:$0x1A000] =	vst v63  }
0xc9: {  	s7 =	sadd.s32 $0xCA80, s11  }
0xca: {  	[tilespmem:s30], [sflag:$0x1] =	stream.indirect.gather [spmem:s2], $0x20, s7, s21, $0xb8;
	[tilespmem:$0x1A000] =	vst v63  }
0xcb: {  	s7 =	sadd.s32 $0xCB00, s11  }
0xcc: {  	[tilespmem:s31], [sflag:$0x1] =	stream.indirect.gather [spmem:s2], $0x20, s7, s21, $0xb8;
	[tilespmem:$0x1A000] =	vst v63  }
0xcd: {  	s7 =	sadd.s32 $0xCB80, s11  }
0xce: {  	[tilespmem:s0], [sflag:$0x1] =	stream.indirect.gather [spmem:s2], $0x20, s7, s21, $0xb8;
	[tilespmem:$0x1A000] =	vst v63  }
0xcf: {  	_ =	swait.ge [sflag:s16], $0x1000  }
0xd0: {  	[sflag:s16] =	ssyncset.done $0x0  }
0xd1: {  	[sflag:s16] =	ssyncadd.s32 $0xFFFFF000  }
0xd2: {  	_ =	swait.ge [sflag:s16], $0x1000  }
0xd3: {  	[sflag:s16] =	ssyncset.done $0x0  }
0xd4: {  	[sflag:s16] =	ssyncadd.s32 $0xFFFFF000  }
0xd5: {  	_ =	swait.ge [sflag:s16], $0x1000  }
0xd6: {  	[sflag:s16] =	ssyncset.done $0x0  }
0xd7: {  	[sflag:s16] =	ssyncadd.s32 $0xFFFFF000  }
0xd8: {  	_ =	swait.ge [sflag:s16], $0x1000  }
0xd9: {  	[sflag:s16] =	ssyncset.done $0x0  }
0xda: {  	[sflag:s16] =	ssyncadd.s32 $0xFFFFF000  }
0xdb: {  	_ =	swait.ge [sflag:s16], $0x1000  }
0xdc: {  	[sflag:s16] =	ssyncset.done $0x0  }
0xdd: {  	[sflag:s16] =	ssyncadd.s32 $0xFFFFF000  }
0xde: {  	_ =	swait.ge [sflag:s16], $0x1000  }
0xdf: {  	[sflag:s16] =	ssyncset.done $0x0  }
0xe0: {  	[sflag:s16] =	ssyncadd.s32 $0xFFFFF000  }
0xe1: {  	_ =	swait.ge [sflag:s16], $0x1000  }
0xe2: {  	[sflag:s16] =	ssyncset.done $0x0  }
0xe3: {  	[sflag:s16] =	ssyncadd.s32 $0xFFFFF000  }
0xe4: {  	_ =	swait.ge [sflag:s16], $0x1000  }
0xe5: {  	[sflag:s16] =	ssyncset.done $0x0  }
0xe6: {  	s7 =	sadd.s32 $0xF000, s11;
	[sflag:s16] =	ssyncadd.s32 $0xFFFFF000  }
0xe7: {  	[spmem:s1] =	stream.indirect.scatter.add.f32 [tilespmem:s23], [sflag:$0x2], $0x20, s7, s21, $0xb8;
	[tilespmem:$0x1A000] =	vst v63  }
0xe8: {  	_ = 	snop  }
0xe9: {  	[spmem:s4] =	stream.indirect.scatter.add.f32 [tilespmem:s20], [sflag:$0x2], $0x10, s7, s21, $0xb8;
	[tilespmem:$0x1A000] =	vst v63  }
0xea: {  	s7 =	sadd.s32 $0xF080, s11  }
0xeb: {  	[spmem:s1] =	stream.indirect.scatter.add.f32 [tilespmem:s25], [sflag:$0x2], $0x20, s7, s21, $0xb8;
	[tilespmem:$0x1A000] =	vst v63  }
0xec: {  	_ = 	snop  }
0xed: {  	[spmem:s4] =	stream.indirect.scatter.add.f32 [tilespmem:s20], [sflag:$0x2], $0x10, s7, s21, $0xb8;
	[tilespmem:$0x1A000] =	vst v63  }
0xee: {  	s7 =	sadd.s32 $0xF100, s11  }
0xef: {  	[spmem:s1] =	stream.indirect.scatter.add.f32 [tilespmem:s26], [sflag:$0x2], $0x20, s7, s21, $0xb8;
	[tilespmem:$0x1A000] =	vst v63  }
0xf0: {  	_ = 	snop  }
0xf1: {  	[spmem:s4] =	stream.indirect.scatter.add.f32 [tilespmem:s20], [sflag:$0x2], $0x10, s7, s21, $0xb8;
	[tilespmem:$0x1A000] =	vst v63  }
0xf2: {  	s7 =	sadd.s32 $0xF180, s11  }
0xf3: {  	[spmem:s1] =	stream.indirect.scatter.add.f32 [tilespmem:s28], [sflag:$0x2], $0x20, s7, s21, $0xb8;
	[tilespmem:$0x1A000] =	vst v63  }
0xf4: {  	_ = 	snop  }
0xf5: {  	[spmem:s4] =	stream.indirect.scatter.add.f32 [tilespmem:s20], [sflag:$0x2], $0x10, s7, s21, $0xb8;
	[tilespmem:$0x1A000] =	vst v63  }
0xf6: {  	s7 =	sadd.s32 $0xF200, s11  }
0xf7: {  	[spmem:s1] =	stream.indirect.scatter.add.f32 [tilespmem:s29], [sflag:$0x2], $0x20, s7, s21, $0xb8;
	[tilespmem:$0x1A000] =	vst v63  }
0xf8: {  	_ = 	snop  }
0xf9: {  	[spmem:s4] =	stream.indirect.scatter.add.f32 [tilespmem:s20], [sflag:$0x2], $0x10, s7, s21, $0xb8;
	[tilespmem:$0x1A000] =	vst v63  }
0xfa: {  	s7 =	sadd.s32 $0xF280, s11  }
0xfb: {  	[spmem:s1] =	stream.indirect.scatter.add.f32 [tilespmem:s30], [sflag:$0x2], $0x20, s7, s21, $0xb8;
	[tilespmem:$0x1A000] =	vst v63  }
0xfc: {  	_ = 	snop  }
0xfd: {  	[spmem:s4] =	stream.indirect.scatter.add.f32 [tilespmem:s20], [sflag:$0x2], $0x10, s7, s21, $0xb8;
	[tilespmem:$0x1A000] =	vst v63  }
0xfe: {  	s7 =	sadd.s32 $0xF300, s11  }
0xff: {  	[spmem:s1] =	stream.indirect.scatter.add.f32 [tilespmem:s31], [sflag:$0x2], $0x20, s7, s21, $0xb8;
	[tilespmem:$0x1A000] =	vst v63  }
0x100: {  	_ = 	snop  }
0x101: {  	[spmem:s4] =	stream.indirect.scatter.add.f32 [tilespmem:s20], [sflag:$0x2], $0x10, s7, s21, $0xb8;
	[tilespmem:$0x1A000] =	vst v63  }
0x102: {  	s7 =	sadd.s32 $0xF380, s11  }
0x103: {  	[spmem:s1] =	stream.indirect.scatter.add.f32 [tilespmem:s0], [sflag:$0x2], $0x20, s7, s21, $0xb8;
	[tilespmem:$0x1A000] =	vst v63  }
0x104: {  	_ = 	snop  }
0x105: {  	[spmem:s4] =	stream.indirect.scatter.add.f32 [tilespmem:s20], [sflag:$0x2], $0x10, s7, s21, $0xb8;
	[tilespmem:$0x1A000] =	vst v63  }
0x106: {  	_ =	swait.ge [sflag:s18], $0x1000  }
0x107: {  	[sflag:s18] =	ssyncset.done $0x0  }
0x108: {  	[sflag:s18] =	ssyncadd.s32 $0xFFFFF000  }
0x109: {  	_ =	swait.ge [sflag:s18], $0x800  }
0x10a: {  	[sflag:s18] =	ssyncset.done $0x0  }
0x10b: {  	[sflag:s18] =	ssyncadd.s32 $0xFFFFF800  }
0x10c: {  	_ =	swait.ge [sflag:s18], $0x1000  }
0x10d: {  	[sflag:s18] =	ssyncset.done $0x0  }
0x10e: {  	[sflag:s18] =	ssyncadd.s32 $0xFFFFF000  }
0x10f: {  	_ =	swait.ge [sflag:s18], $0x800  }
0x110: {  	[sflag:s18] =	ssyncset.done $0x0  }
0x111: {  	[sflag:s18] =	ssyncadd.s32 $0xFFFFF800  }
0x112: {  	_ =	swait.ge [sflag:s18], $0x1000  }
0x113: {  	[sflag:s18] =	ssyncset.done $0x0  }
0x114: {  	[sflag:s18] =	ssyncadd.s32 $0xFFFFF000  }
0x115: {  	_ =	swait.ge [sflag:s18], $0x800  }
0x116: {  	[sflag:s18] =	ssyncset.done $0x0  }
0x117: {  	[sflag:s18] =	ssyncadd.s32 $0xFFFFF800  }
0x118: {  	_ =	swait.ge [sflag:s18], $0x1000  }
0x119: {  	[sflag:s18] =	ssyncset.done $0x0  }
0x11a: {  	[sflag:s18] =	ssyncadd.s32 $0xFFFFF000  }
0x11b: {  	_ =	swait.ge [sflag:s18], $0x800  }
0x11c: {  	[sflag:s18] =	ssyncset.done $0x0  }
0x11d: {  	[sflag:s18] =	ssyncadd.s32 $0xFFFFF800  }
0x11e: {  	_ =	swait.ge [sflag:s18], $0x1000  }
0x11f: {  	[sflag:s18] =	ssyncset.done $0x0  }
0x120: {  	[sflag:s18] =	ssyncadd.s32 $0xFFFFF000  }
0x121: {  	_ =	swait.ge [sflag:s18], $0x800  }
0x122: {  	[sflag:s18] =	ssyncset.done $0x0  }
0x123: {  	[sflag:s18] =	ssyncadd.s32 $0xFFFFF800  }
0x124: {  	_ =	swait.ge [sflag:s18], $0x1000  }
0x125: {  	[sflag:s18] =	ssyncset.done $0x0  }
0x126: {  	[sflag:s18] =	ssyncadd.s32 $0xFFFFF000  }
0x127: {  	_ =	swait.ge [sflag:s18], $0x800  }
0x128: {  	[sflag:s18] =	ssyncset.done $0x0  }
0x129: {  	[sflag:s18] =	ssyncadd.s32 $0xFFFFF800  }
0x12a: {  	_ =	swait.ge [sflag:s18], $0x1000  }
0x12b: {  	[sflag:s18] =	ssyncset.done $0x0  }
0x12c: {  	[sflag:s18] =	ssyncadd.s32 $0xFFFFF000  }
0x12d: {  	_ =	swait.ge [sflag:s18], $0x800  }
0x12e: {  	[sflag:s18] =	ssyncset.done $0x0  }
0x12f: {  	[sflag:s18] =	ssyncadd.s32 $0xFFFFF800  }
.Ltmp2:
0x130: {  	_ =	swait.ge [sflag:s18], $0x1000;
	(pc) =	sbr.rel @p0 .LBB2_6-.Ltmp2, $4  }
0x131: {  	[sflag:s18] =	ssyncset.done $0x0  }
0x132: {  	[sflag:s18] =	ssyncadd.s32 $0xFFFFF000  }
0x133: {  	_ =	swait.ge [sflag:s18], $0x800  }
0x134: {  	s11 =	sshra.s32 s8, $0x2;
	s7 =	smov.u32 s12;
	[sflag:s18] =	ssyncset.done $0x0  }
0x135: {  	s7 =	sadd.s32 $0xC800, s11;
	[sflag:s18] =	ssyncadd.s32 $0xFFFFF800  }
0x136: {  	[tilespmem:s23], [sflag:$0x1] =	stream.indirect.gather [spmem:s2], $0x20, s7, s21, $0xb8;
	[tilespmem:$0x1A000] =	vst v63  }
0x137: {  	s13 =	sadd.s32 $0xC880, s11  }
0x138: {  	[tilespmem:s25], [sflag:$0x1] =	stream.indirect.gather [spmem:s2], $0x20, s13, s21, $0xb8;
	[tilespmem:$0x1A000] =	vst v63  }
0x139: {  	s8 =	sadd.s32 $0xC900, s11  }
0x13a: {  	[tilespmem:s26], [sflag:$0x1] =	stream.indirect.gather [spmem:s2], $0x20, s8, s21, $0xb8;
	[tilespmem:$0x1A000] =	vst v63  }
0x13b: {  	s12 =	sadd.s32 $0xC980, s11  }
0x13c: {  	[tilespmem:s28], [sflag:$0x1] =	stream.indirect.gather [spmem:s2], $0x20, s12, s21, $0xb8;
	[tilespmem:$0x1A000] =	vst v63  }
0x13d: {  	s13 =	sadd.s32 $0xCA00, s11  }
0x13e: {  	[tilespmem:s29], [sflag:$0x1] =	stream.indirect.gather [spmem:s2], $0x20, s13, s21, $0xb8;
	[tilespmem:$0x1A000] =	vst v63  }
0x13f: {  	s8 =	sadd.s32 $0xCA80, s11  }
0x140: {  	[tilespmem:s30], [sflag:$0x1] =	stream.indirect.gather [spmem:s2], $0x20, s8, s21, $0xb8;
	[tilespmem:$0x1A000] =	vst v63  }
0x141: {  	s12 =	sadd.s32 $0xCB00, s11  }
0x142: {  	[tilespmem:s31], [sflag:$0x1] =	stream.indirect.gather [spmem:s2], $0x20, s12, s21, $0xb8;
	[tilespmem:$0x1A000] =	vst v63  }
0x143: {  	s13 =	sadd.s32 $0xCB80, s11  }
0x144: {  	[tilespmem:s0], [sflag:$0x1] =	stream.indirect.gather [spmem:s2], $0x20, s13, s21, $0xb8;
	[tilespmem:$0x1A000] =	vst v63  }
0x145: {  	_ =	swait.ge [sflag:s16], $0x1000  }
0x146: {  	[sflag:s16] =	ssyncset.done $0x0  }
0x147: {  	[sflag:s16] =	ssyncadd.s32 $0xFFFFF000  }
0x148: {  	_ =	swait.ge [sflag:s16], $0x1000  }
0x149: {  	[sflag:s16] =	ssyncset.done $0x0  }
0x14a: {  	[sflag:s16] =	ssyncadd.s32 $0xFFFFF000  }
0x14b: {  	_ =	swait.ge [sflag:s16], $0x1000  }
0x14c: {  	[sflag:s16] =	ssyncset.done $0x0  }
0x14d: {  	[sflag:s16] =	ssyncadd.s32 $0xFFFFF000  }
0x14e: {  	_ =	swait.ge [sflag:s16], $0x1000  }
0x14f: {  	[sflag:s16] =	ssyncset.done $0x0  }
0x150: {  	[sflag:s16] =	ssyncadd.s32 $0xFFFFF000  }
0x151: {  	_ =	swait.ge [sflag:s16], $0x1000  }
0x152: {  	[sflag:s16] =	ssyncset.done $0x0  }
0x153: {  	[sflag:s16] =	ssyncadd.s32 $0xFFFFF000  }
0x154: {  	_ =	swait.ge [sflag:s16], $0x1000  }
0x155: {  	[sflag:s16] =	ssyncset.done $0x0  }
0x156: {  	[sflag:s16] =	ssyncadd.s32 $0xFFFFF000  }
0x157: {  	_ =	swait.ge [sflag:s16], $0x1000  }
0x158: {  	[sflag:s16] =	ssyncset.done $0x0  }
0x159: {  	[sflag:s16] =	ssyncadd.s32 $0xFFFFF000  }
0x15a: {  	_ =	swait.ge [sflag:s16], $0x1000  }
0x15b: {  	[sflag:s16] =	ssyncset.done $0x0  }
0x15c: {  	s8 =	sadd.s32 $0xF000, s11;
	[sflag:s16] =	ssyncadd.s32 $0xFFFFF000  }
0x15d: {  	[spmem:s1] =	stream.indirect.scatter.add.f32 [tilespmem:s23], [sflag:$0x2], $0x20, s8, s21, $0xb8;
	[tilespmem:$0x1A000] =	vst v63  }
0x15e: {  	_ = 	snop  }
0x15f: {  	[spmem:s4] =	stream.indirect.scatter.add.f32 [tilespmem:s20], [sflag:$0x2], $0x10, s8, s21, $0xb8;
	[tilespmem:$0x1A000] =	vst v63  }
0x160: {  	s12 =	sadd.s32 $0xF080, s11  }
0x161: {  	[spmem:s1] =	stream.indirect.scatter.add.f32 [tilespmem:s25], [sflag:$0x2], $0x20, s12, s21, $0xb8;
	[tilespmem:$0x1A000] =	vst v63  }
0x162: {  	_ = 	snop  }
0x163: {  	[spmem:s4] =	stream.indirect.scatter.add.f32 [tilespmem:s20], [sflag:$0x2], $0x10, s12, s21, $0xb8;
	[tilespmem:$0x1A000] =	vst v63  }
0x164: {  	s13 =	sadd.s32 $0xF100, s11  }
0x165: {  	[spmem:s1] =	stream.indirect.scatter.add.f32 [tilespmem:s26], [sflag:$0x2], $0x20, s13, s21, $0xb8;
	[tilespmem:$0x1A000] =	vst v63  }
0x166: {  	_ = 	snop  }
0x167: {  	[spmem:s4] =	stream.indirect.scatter.add.f32 [tilespmem:s20], [sflag:$0x2], $0x10, s13, s21, $0xb8;
	[tilespmem:$0x1A000] =	vst v63  }
0x168: {  	s8 =	sadd.s32 $0xF180, s11  }
0x169: {  	[spmem:s1] =	stream.indirect.scatter.add.f32 [tilespmem:s28], [sflag:$0x2], $0x20, s8, s21, $0xb8;
	[tilespmem:$0x1A000] =	vst v63  }
0x16a: {  	_ = 	snop  }
0x16b: {  	[spmem:s4] =	stream.indirect.scatter.add.f32 [tilespmem:s20], [sflag:$0x2], $0x10, s8, s21, $0xb8;
	[tilespmem:$0x1A000] =	vst v63  }
0x16c: {  	s12 =	sadd.s32 $0xF200, s11  }
0x16d: {  	[spmem:s1] =	stream.indirect.scatter.add.f32 [tilespmem:s29], [sflag:$0x2], $0x20, s12, s21, $0xb8;
	[tilespmem:$0x1A000] =	vst v63  }
0x16e: {  	_ = 	snop  }
0x16f: {  	[spmem:s4] =	stream.indirect.scatter.add.f32 [tilespmem:s20], [sflag:$0x2], $0x10, s12, s21, $0xb8;
	[tilespmem:$0x1A000] =	vst v63  }
0x170: {  	s13 =	sadd.s32 $0xF280, s11  }
0x171: {  	[spmem:s1] =	stream.indirect.scatter.add.f32 [tilespmem:s30], [sflag:$0x2], $0x20, s13, s21, $0xb8;
	[tilespmem:$0x1A000] =	vst v63  }
0x172: {  	_ = 	snop  }
0x173: {  	[spmem:s4] =	stream.indirect.scatter.add.f32 [tilespmem:s20], [sflag:$0x2], $0x10, s13, s21, $0xb8;
	[tilespmem:$0x1A000] =	vst v63  }
0x174: {  	s8 =	sadd.s32 $0xF300, s11  }
0x175: {  	[spmem:s1] =	stream.indirect.scatter.add.f32 [tilespmem:s31], [sflag:$0x2], $0x20, s8, s21, $0xb8;
	[tilespmem:$0x1A000] =	vst v63  }
0x176: {  	_ = 	snop  }
0x177: {  	[spmem:s4] =	stream.indirect.scatter.add.f32 [tilespmem:s20], [sflag:$0x2], $0x10, s8, s21, $0xb8;
	[tilespmem:$0x1A000] =	vst v63  }
0x178: {  	s12 =	sadd.s32 $0xF380, s11  }
0x179: {  	[spmem:s1] =	stream.indirect.scatter.add.f32 [tilespmem:s0], [sflag:$0x2], $0x20, s12, s21, $0xb8;
	[tilespmem:$0x1A000] =	vst v63  }
0x17a: {  	_ = 	snop  }
0x17b: {  	[spmem:s4] =	stream.indirect.scatter.add.f32 [tilespmem:s20], [sflag:$0x2], $0x10, s12, s21, $0xb8;
	[tilespmem:$0x1A000] =	vst v63  }
0x17c: {  	_ =	swait.ge [sflag:s18], $0x1000  }
0x17d: {  	[sflag:s18] =	ssyncset.done $0x0  }
0x17e: {  	[sflag:s18] =	ssyncadd.s32 $0xFFFFF000  }
0x17f: {  	_ =	swait.ge [sflag:s18], $0x800  }
0x180: {  	[sflag:s18] =	ssyncset.done $0x0  }
0x181: {  	[sflag:s18] =	ssyncadd.s32 $0xFFFFF800  }
0x182: {  	_ =	swait.ge [sflag:s18], $0x1000  }
0x183: {  	[sflag:s18] =	ssyncset.done $0x0  }
0x184: {  	[sflag:s18] =	ssyncadd.s32 $0xFFFFF000  }
0x185: {  	_ =	swait.ge [sflag:s18], $0x800  }
0x186: {  	[sflag:s18] =	ssyncset.done $0x0  }
0x187: {  	[sflag:s18] =	ssyncadd.s32 $0xFFFFF800  }
0x188: {  	_ =	swait.ge [sflag:s18], $0x1000  }
0x189: {  	[sflag:s18] =	ssyncset.done $0x0  }
0x18a: {  	[sflag:s18] =	ssyncadd.s32 $0xFFFFF000  }
0x18b: {  	_ =	swait.ge [sflag:s18], $0x800  }
0x18c: {  	[sflag:s18] =	ssyncset.done $0x0  }
0x18d: {  	[sflag:s18] =	ssyncadd.s32 $0xFFFFF800  }
0x18e: {  	_ =	swait.ge [sflag:s18], $0x1000  }
0x18f: {  	[sflag:s18] =	ssyncset.done $0x0  }
0x190: {  	[sflag:s18] =	ssyncadd.s32 $0xFFFFF000  }
0x191: {  	_ =	swait.ge [sflag:s18], $0x800  }
0x192: {  	[sflag:s18] =	ssyncset.done $0x0  }
0x193: {  	[sflag:s18] =	ssyncadd.s32 $0xFFFFF800  }
0x194: {  	_ =	swait.ge [sflag:s18], $0x1000  }
0x195: {  	[sflag:s18] =	ssyncset.done $0x0  }
0x196: {  	[sflag:s18] =	ssyncadd.s32 $0xFFFFF000  }
0x197: {  	_ =	swait.ge [sflag:s18], $0x800  }
0x198: {  	[sflag:s18] =	ssyncset.done $0x0  }
0x199: {  	[sflag:s18] =	ssyncadd.s32 $0xFFFFF800  }
0x19a: {  	_ =	swait.ge [sflag:s18], $0x1000  }
0x19b: {  	[sflag:s18] =	ssyncset.done $0x0  }
0x19c: {  	[sflag:s18] =	ssyncadd.s32 $0xFFFFF000  }
0x19d: {  	_ =	swait.ge [sflag:s18], $0x800  }
0x19e: {  	[sflag:s18] =	ssyncset.done $0x0  }
0x19f: {  	[sflag:s18] =	ssyncadd.s32 $0xFFFFF800  }
0x1a0: {  	_ =	swait.ge [sflag:s18], $0x1000  }
0x1a1: {  	[sflag:s18] =	ssyncset.done $0x0  }
0x1a2: {  	[sflag:s18] =	ssyncadd.s32 $0xFFFFF000  }
0x1a3: {  	_ =	swait.ge [sflag:s18], $0x800  }
0x1a4: {  	[sflag:s18] =	ssyncset.done $0x0  }
0x1a5: {  	[sflag:s18] =	ssyncadd.s32 $0xFFFFF800  }
0x1a6: {  	_ =	swait.ge [sflag:s18], $0x1000  }
0x1a7: {  	[sflag:s18] =	ssyncset.done $0x0  }
0x1a8: {  	[sflag:s18] =	ssyncadd.s32 $0xFFFFF000  }
0x1a9: {  	_ =	swait.ge [sflag:s18], $0x800  }
0x1aa: {  	[sflag:s18] =	ssyncset.done $0x0  }
0x1ab: {  	[sflag:s18] =	ssyncadd.s32 $0xFFFFF800  }
0x1ac: {  	[bflag:$0x0] =	sbarrier.arrive $0xFFFF  }
0x1ad: {  	[hbm:s22], [sflag:s5] =	dma.local [spmem:s6], $0xA00  }
0x1ae: {  	s3 =	sadd.s32 $0x1, s3;
	_ =	swait.ge [sflag:s17], $0xA00  }
0x1af: {  	p0 =	sne.s32 s3, s15;
	[sflag:s17] =	ssyncset.done $0x0  }
.Ltmp3:
0x1b0: {  	s13 =	sshrl.u32 s10, $0x3;
	[sflag:s17] =	ssyncadd.s32 $0xFFFFF600;
	(pc) =	sbr.rel @p0 .LBB2_1-.Ltmp3, $4  }
0x1b1: {  	[hbm:s24], [sflag:s5] =	dma.local [spmem:s13], $0x500  }
0x1b2: {  	_ =	swait.ge [sflag:s17], $0x500  }
0x1b3: {  	[sflag:s17] =	ssyncset.done $0x0  }
0x1b4: {  	[sflag:s17] =	ssyncadd.s32 $0xFFFFFB00  }
0x1b5: {  	_ =	sfence.sel $0x180000  }
0x1b6: {  	[bflag:$0x0] =	sbarrier.arrive $0xFFFF  }
0x1b7: {  	_ =	strace $0x90000047  }
0x1b8: {  	s0 =	stileid.u32;
	[bflag:$0x2] =	sbarrier.arrive $0xFFFF  }
0x1b9: {  	p0 =	sne.s32 s0, $0x0;
	s0 =	rddreg [dreg:$0x4]  }
0x1ba: {  	s0 =	sadd.s32 @!p0 $0x100000, s0  }
0x1bb: {  	[sflag:s0] =	ssyncadd.tile.s32 @!p0 $0x1;
	_ =	shalt  }
.Lfunc_end2:
_tile_overlayer_lowered:
.L_overlay_start_2:
0x1bc: {  	(tag) =	ssettag $0x2  }
0x1bd: {  	s0 =	rddreg [dreg:$0x0];
	s2 =	stileid.u32  }
0x1be: {  	s1 =	rddreg [dreg:$0x1];
	p0 =	sne.s32 s2, $0x0  }
0x1bf: {  	s3 =	rddreg [dreg:$0x2];
	[bflag:$0x3] =	sbarrier.arrive $0xFFFF;
	s2 =	simm.s32 @!p0 $0x1C03  }
0x1c0: {  	[timem:s3], [sflag:s2] =	dma.local @!p0 [hbm:s0], s1  }
0x1c1: {  	s0 =	simm.s32 @!p0 $0x3  }
0x1c2: {  	_ =	swait.ge @!p0 [sflag:s0], s1  }
0x1c3: {  	s1 =	ssub.s32 @!p0 $0x0, s1;
	[sflag:s0] =	ssyncset.done @!p0 $0x0  }
0x1c4: {  	[sflag:s0] =	ssyncadd.s32 @!p0 s1  }
0x1c5: {  	[bflag:$0x3] =	sbarrier.arrive $0xFFFF  }
0x1c6: {  	_ =	shalt  }

</sc_bundles>
